<compile_context>
chip_gen: v7x
topology: tpu7x:2x2x1
jax: 0.10.2.dev20260603
libtpu: 0.0.44.dev20260713+nightly
codegen_flags: <defaults>
</compile_context>

<pallas_src>
import functools

import jax
import jax.numpy as jnp
from jax import lax
from jax.experimental import pallas as pl
from jax.experimental.pallas import tpu as pltpu
from jax.experimental.pallas import tpu_sc as plsc

N = 10000
E = 160000
D = 128
NC = 64

NTILES = 16
EPT = E // NTILES
CH = 128
KCH = 80
EPAD = KCH * CH - EPT
NA = N + 8
RPT = 624
RTAIL = N - RPT * NTILES


def _tile_ranges(s):
    r0 = pl.multiple_of(s * RPT, 8)
    tail0 = RPT * NTILES
    last = s == NTILES - 1
    return r0, tail0, last


NPH = 10
PH = KCH // NPH


def _agg_body(h_hbm, srcs_hbm, dsts_hbm, agg_out,
              srcA, dstA, srcB, dstB, rows0, rows1, agg_sh,
              sem0, sem1, rsem):
    c = lax.axis_index("c")
    s = lax.axis_index("s")
    r0, tail0, last = _tile_ranges(s)
    src_hbm_t = srcs_hbm.at[c].at[s]
    dst_hbm_t = dsts_hbm.at[c].at[s]
    pltpu.sync_copy(src_hbm_t.at[pl.ds(0, PH)], srcA)
    pltpu.sync_copy(dst_hbm_t.at[pl.ds(0, PH)], dstA)
    pltpu.async_copy(h_hbm.at[srcA.at[0]], rows0, sem0)
    pltpu.async_copy(h_hbm.at[srcA.at[1]], rows1, sem1)
    pltpu.sync_copy(src_hbm_t.at[pl.ds(PH, PH)], srcB)
    pltpu.sync_copy(dst_hbm_t.at[pl.ds(PH, PH)], dstB)

    pltpu.sync_copy(h_hbm.at[pl.ds(r0, RPT)], agg_sh.at[pl.ds(r0, RPT)])

    @pl.when(last)
    def _init_tail():
        pltpu.sync_copy(h_hbm.at[pl.ds(tail0, RTAIL)],
                        agg_sh.at[pl.ds(tail0, RTAIL)])

    plsc.subcore_barrier()

    bufs = (rows0, rows1)
    sems = (sem0, sem1)

    def phase(p, src_mine, dst_mine, src_oth, dst_oth):
        for l in range(PH):
            buf = bufs[l % 2]
            sem = sems[l % 2]
            if l == PH - 2:
                @pl.when((p >= 1) & (p < NPH - 1))
                def _await_restage():
                    pltpu.make_async_copy(
                        src_hbm_t.at[pl.ds(0, PH)], src_oth, rsem).wait()
                    pltpu.make_async_copy(
                        dst_hbm_t.at[pl.ds(0, PH)], dst_oth, rsem).wait()
            pltpu.make_async_copy(h_hbm.at[src_mine.at[l]], buf, sem).wait()
            pltpu.sync_copy(buf, agg_sh.at[dst_mine.at[l]], add=True)
            if l + 2 < PH:
                pltpu.async_copy(h_hbm.at[src_mine.at[l + 2]], buf, sem)
            else:
                @pl.when(p < NPH - 1)
                def _prefetch_next_phase(l=l, buf=buf, sem=sem):
                    pltpu.async_copy(h_hbm.at[src_oth.at[l + 2 - PH]],
                                     buf, sem)
        @pl.when(p + 2 < NPH)
        def _restage():
            off = pl.multiple_of((p + 2) * PH, PH)
            pltpu.async_copy(src_hbm_t.at[pl.ds(off, PH)], src_mine, rsem)
            pltpu.async_copy(dst_hbm_t.at[pl.ds(off, PH)], dst_mine, rsem)

    def qstep(q, carry):
        phase(2 * q, srcA, dstA, srcB, dstB)
        phase(2 * q + 1, srcB, dstB, srcA, dstA)
        return carry

    lax.fori_loop(0, NPH // 2, qstep, 0)
    plsc.subcore_barrier()
    pltpu.sync_copy(agg_sh.at[pl.ds(r0, RPT)],
                    agg_out.at[c].at[pl.ds(r0, RPT)])

    @pl.when(last)
    def _out_tail():
        pltpu.sync_copy(agg_sh.at[pl.ds(tail0, RTAIL)],
                        agg_out.at[c].at[pl.ds(tail0, RTAIL)])


_agg = pl.kernel(
    _agg_body,
    out_type=jax.ShapeDtypeStruct((2, N, D), jnp.float32),
    mesh=plsc.VectorSubcoreMesh(core_axis_name="c", subcore_axis_name="s"),
    scratch_types=[
        pltpu.VMEM((PH, CH), jnp.int32),
        pltpu.VMEM((PH, CH), jnp.int32),
        pltpu.VMEM((PH, CH), jnp.int32),
        pltpu.VMEM((PH, CH), jnp.int32),
        pltpu.VMEM((CH, D), jnp.float32),
        pltpu.VMEM((CH, D), jnp.float32),
        pltpu.VMEM_SHARED((NA, D), jnp.float32),
        pltpu.SemaphoreType.DMA,
        pltpu.SemaphoreType.DMA,
        pltpu.SemaphoreType.DMA,
    ],
)


def _deg_body(ones_hbm, dsts_hbm, deg_out, dst_v, ones_v, deg_sh):
    c = lax.axis_index("c")
    s = lax.axis_index("s")
    r0, tail0, last = _tile_ranges(s)
    pltpu.sync_copy(ones_hbm.at[pl.ds(r0, RPT)], deg_sh.at[pl.ds(r0, RPT)])
    pltpu.sync_copy(ones_hbm.at[pl.ds(0, CH)], ones_v)

    @pl.when(last)
    def _init_tail():
        pltpu.sync_copy(ones_hbm.at[pl.ds(tail0, RTAIL)],
                        deg_sh.at[pl.ds(tail0, RTAIL)])

    pltpu.sync_copy(dsts_hbm.at[c].at[s], dst_v)
    plsc.subcore_barrier()

    def step(j, carry):
        pltpu.sync_copy(ones_v, deg_sh.at[dst_v.at[j]], add=True)
        return carry

    lax.fori_loop(0, KCH, step, 0)
    plsc.subcore_barrier()
    pltpu.sync_copy(deg_sh.at[pl.ds(r0, RPT)],
                    deg_out.at[c].at[pl.ds(r0, RPT)])

    @pl.when(last)
    def _out_tail():
        pltpu.sync_copy(deg_sh.at[pl.ds(tail0, RTAIL)],
                        deg_out.at[c].at[pl.ds(tail0, RTAIL)])


_deg = pl.kernel(
    _deg_body,
    out_type=jax.ShapeDtypeStruct((2, N, D), jnp.float32),
    mesh=plsc.VectorSubcoreMesh(core_axis_name="c", subcore_axis_name="s"),
    scratch_types=[
        pltpu.VMEM((KCH, CH), jnp.int32),
        pltpu.VMEM((CH, D), jnp.float32),
        pltpu.VMEM_SHARED((NA, D), jnp.float32),
    ],
)

_RB = 2000


def _combine1_body(a0_ref, a1_ref, d0_ref, d1_ref,
                   w0_ref, w1_ref, b0_ref, b1_ref, out_ref):
    inv0 = 1.0 / d0_ref[:, 0:1]
    inv1 = 1.0 / d1_ref[:, 0:1]
    hn0 = a0_ref[...] * inv0
    hn1 = a1_ref[...] * inv1
    acc = (jnp.dot(hn0, w0_ref[...], preferred_element_type=jnp.float32)
           + jnp.dot(hn1, w1_ref[...], preferred_element_type=jnp.float32)
           + b0_ref[...] + b1_ref[...])
    out_ref[...] = jnp.maximum(acc * 0.5, 0.0)


def _combine2_body(a0_ref, a1_ref, d0_ref, d1_ref,
                   w0_ref, w1_ref, b0_ref, b1_ref, wc_ref, bc_ref, out_ref):
    inv0 = 1.0 / d0_ref[:, 0:1]
    inv1 = 1.0 / d1_ref[:, 0:1]
    hn0 = a0_ref[...] * inv0
    hn1 = a1_ref[...] * inv1
    acc = (jnp.dot(hn0, w0_ref[...], preferred_element_type=jnp.float32)
           + jnp.dot(hn1, w1_ref[...], preferred_element_type=jnp.float32)
           + b0_ref[...] + b1_ref[...]) * 0.5
    out_ref[...] = (jnp.dot(acc, wc_ref[...], preferred_element_type=jnp.float32)
                    + bc_ref[...])


def _row_specs():
    row = pl.BlockSpec((_RB, D), lambda i: (i, 0))
    deg = pl.BlockSpec((_RB, D), lambda i: (i, 0))
    w = pl.BlockSpec((D, D), lambda i: (0, 0))
    b = pl.BlockSpec((1, D), lambda i: (0, 0))
    return row, deg, w, b


def _combine1(a0, a1, d0, d1, w0, w1, b0, b1):
    row, deg, w, b = _row_specs()
    return pl.pallas_call(
        _combine1_body,
        grid=(N // _RB,),
        in_specs=[row, row, deg, deg, w, w, b, b],
        out_specs=row,
        out_shape=jax.ShapeDtypeStruct((N, D), jnp.float32),
    )(a0, a1, d0, d1, w0, w1, b0.reshape(1, D), b1.reshape(1, D))


def _combine2(a0, a1, d0, d1, w0, w1, b0, b1, wc, bc):
    row, deg, w, b = _row_specs()
    wcls = pl.BlockSpec((D, NC), lambda i: (0, 0))
    bcls = pl.BlockSpec((1, NC), lambda i: (0, 0))
    return pl.pallas_call(
        _combine2_body,
        grid=(N // _RB,),
        in_specs=[row, row, deg, deg, w, w, b, b, wcls, bcls],
        out_specs=pl.BlockSpec((_RB, NC), lambda i: (i, 0)),
        out_shape=jax.ShapeDtypeStruct((N, NC), jnp.float32),
    )(a0, a1, d0, d1, w0, w1, b0.reshape(1, D), b1.reshape(1, D),
      wc, bc.reshape(1, NC))


def _pad_edges(ei, fill):
    per_tile = ei.reshape(NTILES, EPT)
    pad = jnp.full((NTILES, EPAD), fill, jnp.int32)
    return jnp.concatenate([per_tile, pad], axis=1).reshape(NTILES, KCH, CH)


def kernel(x, edge_index_e0, edge_index_e1,
           W_0_e0, b_0_e0, W_0_e1, b_0_e1,
           W_1_e0, b_1_e0, W_1_e1, b_1_e1,
           W_cls, b_cls):
    srcs = jnp.stack([_pad_edges(edge_index_e0[0], 0),
                      _pad_edges(edge_index_e1[0], 0)])
    dsts = jnp.stack([_pad_edges(edge_index_e0[1], N),
                      _pad_edges(edge_index_e1[1], N)])
    ones = jnp.ones((N, D), jnp.float32)

    deg = _deg(ones, dsts)
    x_dep = jnp.where(deg[0][:, 0:1] > 0.0, x, 0.0)
    agg_x = _agg(x_dep, srcs, dsts)
    h1 = _combine1(agg_x[0], agg_x[1], deg[0], deg[1],
                   W_0_e0, W_0_e1, b_0_e0, b_0_e1)
    agg_h = _agg(h1, srcs, dsts)
    logits = _combine2(agg_h[0], agg_h[1], deg[0], deg[1],
                       W_1_e0, W_1_e1, b_1_e0, b_1_e1, W_cls, b_cls)
    return logits

# --- scband reference (transcript-rebuilt; emitter-appended) ---
"""Pipeline reference for scband-rsage-20401094656589 (READ-ONLY COPY).

The authoritative reference and input builder live on the scoring server;
editing this copy changes nothing except your own understanding.
"""

import jax, jax.numpy as jnp
import numpy as np

N = 10000
E = 160000
IN_DIM = 128
HID_DIM = 128
NUM_CLASSES = 64


def setup_inputs(seed: int = 0):
    key = jax.random.key(seed)
    ks = jax.random.split(key, 14)

    def lin(k, fi, fo):
        return (jax.random.normal(k, (fi, fo), dtype=jnp.float32) / np.sqrt(fi)).astype(jnp.float32)

    inp = {}
    inp["x"] = jax.random.normal(ks[0], (N, IN_DIM), dtype=jnp.float32)
    inp["edge_index_e0"] = jax.random.randint(ks[1], (2, E), 0, N, dtype=jnp.int32)
    inp["edge_index_e1"] = jax.random.randint(ks[2], (2, E), 0, N, dtype=jnp.int32)
    inp["W_0_e0"] = lin(ks[3], IN_DIM, HID_DIM)
    inp["b_0_e0"] = jnp.zeros((HID_DIM,), jnp.float32)
    inp["W_0_e1"] = lin(ks[4], IN_DIM, HID_DIM)
    inp["b_0_e1"] = jnp.zeros((HID_DIM,), jnp.float32)
    inp["W_1_e0"] = lin(ks[5], HID_DIM, HID_DIM)
    inp["b_1_e0"] = jnp.zeros((HID_DIM,), jnp.float32)
    inp["W_1_e1"] = lin(ks[6], HID_DIM, HID_DIM)
    inp["b_1_e1"] = jnp.zeros((HID_DIM,), jnp.float32)
    inp["W_cls"] = lin(ks[7], HID_DIM, NUM_CLASSES)
    inp["b_cls"] = jnp.zeros((NUM_CLASSES,), jnp.float32)
    return inp


def _sage_conv_gcn(h, edge_index, W, b):
    # DGL SAGEConv with 'gcn' aggregator:
    # h_neigh = (sum_{j in N(i)} h_j + h_i) / (deg_i + 1); out = fc_neigh(h_neigh) + bias
    src = edge_index[0]
    dst = edge_index[1]
    agg = jnp.zeros((N, h.shape[1]), h.dtype).at[dst].add(h[src])
    deg = jnp.zeros((N,), h.dtype).at[dst].add(1.0)
    h_neigh = (agg + h) / (deg[:, None] + 1.0)
    return h_neigh @ W + b


def reference(x, edge_index_e0, edge_index_e1,
              W_0_e0, b_0_e0, W_0_e1, b_0_e1,
              W_1_e0, b_1_e0, W_1_e1, b_1_e1,
              W_cls, b_cls):
    h = x
    # layer 0: HeteroGraphConv(aggregate='mean') over 2 etypes
    h0 = _sage_conv_gcn(h, edge_index_e0, W_0_e0, b_0_e0)
    h1 = _sage_conv_gcn(h, edge_index_e1, W_0_e1, b_0_e1)
    h = (h0 + h1) / 2.0
    h = jax.nn.relu(h)
    # dropout is identity in eval mode
    # layer 1
    h0 = _sage_conv_gcn(h, edge_index_e0, W_1_e0, b_1_e0)
    h1 = _sage_conv_gcn(h, edge_index_e1, W_1_e1, b_1_e1)
    h = (h0 + h1) / 2.0
    logits = h @ W_cls + b_cls
    return logits

if __name__ == "__main__":
    import jax
    _d = setup_inputs()
    print(jax.jit(kernel)(*tuple(_d.values())))

</pallas_src>

<mosaic_0001>
#map = affine_map<(d0, d1) -> (0, 0)>
#map1 = affine_map<(d0, d1) -> (0, 0, 0, 0)>
#map2 = affine_map<(d0, d1) -> (0, 0, 0)>
module attributes {stable_mosaic.version = 14 : i64} {
  func.func @_agg_body(%arg0: i32, %arg1: i32, %arg2: memref<10000x128xf32, #tpu.memory_space<hbm>>, %arg3: memref<2x16x80x128xi32, #tpu.memory_space<hbm>>, %arg4: memref<2x16x80x128xi32, #tpu.memory_space<hbm>>, %arg5: memref<2x10000x128xf32, #tpu.memory_space<hbm>>, %arg6: memref<8x128xi32, #tpu.memory_space<vmem>>, %arg7: memref<8x128xi32, #tpu.memory_space<vmem>>, %arg8: memref<8x128xi32, #tpu.memory_space<vmem>>, %arg9: memref<8x128xi32, #tpu.memory_space<vmem>>, %arg10: memref<128x128xf32, #tpu.memory_space<vmem>>, %arg11: memref<128x128xf32, #tpu.memory_space<vmem>>, %arg12: memref<10008x128xf32, #tpu.memory_space<vmem_shared>>, %arg13: memref<!tpu.dma_semaphore, #tpu.memory_space<semaphore_mem>>, %arg14: memref<!tpu.dma_semaphore, #tpu.memory_space<semaphore_mem>>, %arg15: memref<!tpu.dma_semaphore, #tpu.memory_space<semaphore_mem>>) attributes {dimension_semantics = [#tpu.dimension_semantics<core_parallel>, #tpu.dimension_semantics<subcore_parallel>], iteration_bounds = array<i64: 2, 16>, scalar_prefetch = 0 : i64, scratch_operands = 10 : i64, tpu.core_type = #tpu.core_type<sc_vector_subcore>, window_params = [{transform_indices = #map}, {transform_indices = #map1}, {transform_indices = #map1}, {transform_indices = #map2}]} {
    %mul3A = arith.constant 624 : i32
    %mul3A_0 = arith.muli %arg1, %mul3A : i32
    %multiple_of3A = tpu.assume_multiple %mul3A_0, 8 : i32
    %eq3A = arith.constant 15 : i32
    %eq3A_1 = arith.cmpi eq, %arg1, %eq3A : i32
    "tpu.region"() ({
      %run_scoped3A = tpu.sem_alloc : memref<!tpu.dma_semaphore, #tpu.memory_space<semaphore_mem>>
      %dma_start3A_25 = arith.constant 0 : i32
      %dma_start3A_26 = arith.constant 0 : i32
      %dma_start3A_27 = arith.constant 0 : i32
      %dma_start3A_28 = tpu.memref_slice %arg3[%arg0, %dma_start3A_25, %dma_start3A_26, %dma_start3A_27] : memref<2x16x80x128xi32, #tpu.memory_space<hbm>> -> memref<1x16x80x128xi32, #tpu.memory_space<hbm>>
      %dma_start3A_29 = tpu.memref_squeeze %dma_start3A_28 : memref<1x16x80x128xi32, #tpu.memory_space<hbm>> -> memref<16x80x128xi32, #tpu.memory_space<hbm>>
      %dma_start3A_30 = arith.constant 0 : i32
      %dma_start3A_31 = arith.constant 0 : i32
      %dma_start3A_32 = tpu.memref_slice %dma_start3A_29[%arg1, %dma_start3A_30, %dma_start3A_31] : memref<16x80x128xi32, #tpu.memory_space<hbm>> -> memref<1x80x128xi32, #tpu.memory_space<hbm>>
      %dma_start3A_33 = tpu.memref_squeeze %dma_start3A_32 : memref<1x80x128xi32, #tpu.memory_space<hbm>> -> memref<80x128xi32, #tpu.memory_space<hbm>>
      %dma_start3A_34 = arith.constant 0 : i32
      %dma_start3A_35 = arith.constant 0 : i32
      %dma_start3A_36 = tpu.memref_slice %dma_start3A_33[%dma_start3A_34, %dma_start3A_35] : memref<80x128xi32, #tpu.memory_space<hbm>> -> memref<8x128xi32, #tpu.memory_space<hbm>>
      %dma_start3A_37 = arith.constant 0 : i32
      %dma_start3A_38 = arith.constant 0 : i32
      %dma_start3A_39 = arith.constant 0 : i32
      %dma_start3A_40 = tpu.memref_slice %arg3[%arg0, %dma_start3A_37, %dma_start3A_38, %dma_start3A_39] : memref<2x16x80x128xi32, #tpu.memory_space<hbm>> -> memref<1x16x80x128xi32, #tpu.memory_space<hbm>>
      %dma_start3A_41 = tpu.memref_squeeze %dma_start3A_40 : memref<1x16x80x128xi32, #tpu.memory_space<hbm>> -> memref<16x80x128xi32, #tpu.memory_space<hbm>>
      %dma_start3A_42 = arith.constant 0 : i32
      %dma_start3A_43 = arith.constant 0 : i32
      %dma_start3A_44 = tpu.memref_slice %dma_start3A_41[%arg1, %dma_start3A_42, %dma_start3A_43] : memref<16x80x128xi32, #tpu.memory_space<hbm>> -> memref<1x80x128xi32, #tpu.memory_space<hbm>>
      %dma_start3A_45 = tpu.memref_squeeze %dma_start3A_44 : memref<1x80x128xi32, #tpu.memory_space<hbm>> -> memref<80x128xi32, #tpu.memory_space<hbm>>
      %dma_start3A_46 = arith.constant 0 : i32
      %dma_start3A_47 = arith.constant 0 : i32
      %dma_start3A_48 = tpu.memref_slice %dma_start3A_45[%dma_start3A_46, %dma_start3A_47] : memref<80x128xi32, #tpu.memory_space<hbm>> -> memref<8x128xi32, #tpu.memory_space<hbm>>
      tpu.enqueue_dma source(%dma_start3A_48 : memref<8x128xi32, #tpu.memory_space<hbm>>) target(%arg6 : memref<8x128xi32, #tpu.memory_space<vmem>>) target_semaphore(%run_scoped3A : memref<!tpu.dma_semaphore, #tpu.memory_space<semaphore_mem>>)
      %dma_wait3A = arith.constant 0 : i32
      %dma_wait3A_49 = arith.constant 0 : i32
      %dma_wait3A_50 = arith.constant 0 : i32
      %dma_wait3A_51 = tpu.memref_slice %arg3[%arg0, %dma_wait3A, %dma_wait3A_49, %dma_wait3A_50] : memref<2x16x80x128xi32, #tpu.memory_space<hbm>> -> memref<1x16x80x128xi32, #tpu.memory_space<hbm>>
      %dma_wait3A_52 = tpu.memref_squeeze %dma_wait3A_51 : memref<1x16x80x128xi32, #tpu.memory_space<hbm>> -> memref<16x80x128xi32, #tpu.memory_space<hbm>>
      %dma_wait3A_53 = arith.constant 0 : i32
      %dma_wait3A_54 = arith.constant 0 : i32
      %dma_wait3A_55 = tpu.memref_slice %dma_wait3A_52[%arg1, %dma_wait3A_53, %dma_wait3A_54] : memref<16x80x128xi32, #tpu.memory_space<hbm>> -> memref<1x80x128xi32, #tpu.memory_space<hbm>>
      %dma_wait3A_56 = tpu.memref_squeeze %dma_wait3A_55 : memref<1x80x128xi32, #tpu.memory_space<hbm>> -> memref<80x128xi32, #tpu.memory_space<hbm>>
      %dma_wait3A_57 = arith.constant 0 : i32
      %dma_wait3A_58 = arith.constant 0 : i32
      %dma_wait3A_59 = tpu.memref_slice %dma_wait3A_56[%dma_wait3A_57, %dma_wait3A_58] : memref<80x128xi32, #tpu.memory_space<hbm>> -> memref<8x128xi32, #tpu.memory_space<hbm>>
      %dma_wait3A_60 = arith.constant 0 : i32
      %dma_wait3A_61 = arith.constant 0 : i32
      %dma_wait3A_62 = arith.constant 0 : i32
      %dma_wait3A_63 = tpu.memref_slice %arg3[%arg0, %dma_wait3A_60, %dma_wait3A_61, %dma_wait3A_62] : memref<2x16x80x128xi32, #tpu.memory_space<hbm>> -> memref<1x16x80x128xi32, #tpu.memory_space<hbm>>
      %dma_wait3A_64 = tpu.memref_squeeze %dma_wait3A_63 : memref<1x16x80x128xi32, #tpu.memory_space<hbm>> -> memref<16x80x128xi32, #tpu.memory_space<hbm>>
      %dma_wait3A_65 = arith.constant 0 : i32
      %dma_wait3A_66 = arith.constant 0 : i32
      %dma_wait3A_67 = tpu.memref_slice %dma_wait3A_64[%arg1, %dma_wait3A_65, %dma_wait3A_66] : memref<16x80x128xi32, #tpu.memory_space<hbm>> -> memref<1x80x128xi32, #tpu.memory_space<hbm>>
      %dma_wait3A_68 = tpu.memref_squeeze %dma_wait3A_67 : memref<1x80x128xi32, #tpu.memory_space<hbm>> -> memref<80x128xi32, #tpu.memory_space<hbm>>
      %dma_wait3A_69 = arith.constant 0 : i32
      %dma_wait3A_70 = arith.constant 0 : i32
      %dma_wait3A_71 = tpu.memref_slice %dma_wait3A_68[%dma_wait3A_69, %dma_wait3A_70] : memref<80x128xi32, #tpu.memory_space<hbm>> -> memref<8x128xi32, #tpu.memory_space<hbm>>
      tpu.wait_dma2 semaphore(%run_scoped3A : memref<!tpu.dma_semaphore, #tpu.memory_space<semaphore_mem>>) src(%dma_wait3A_71 : memref<8x128xi32, #tpu.memory_space<hbm>>) dst(%arg6 : memref<8x128xi32, #tpu.memory_space<vmem>>)
      tpu.yield
    }) : () -> ()
    "tpu.region"() ({
      %run_scoped3A = tpu.sem_alloc : memref<!tpu.dma_semaphore, #tpu.memory_space<semaphore_mem>>
      %dma_start3A_25 = arith.constant 0 : i32
      %dma_start3A_26 = arith.constant 0 : i32
      %dma_start3A_27 = arith.constant 0 : i32
      %dma_start3A_28 = tpu.memref_slice %arg4[%arg0, %dma_start3A_25, %dma_start3A_26, %dma_start3A_27] : memref<2x16x80x128xi32, #tpu.memory_space<hbm>> -> memref<1x16x80x128xi32, #tpu.memory_space<hbm>>
      %dma_start3A_29 = tpu.memref_squeeze %dma_start3A_28 : memref<1x16x80x128xi32, #tpu.memory_space<hbm>> -> memref<16x80x128xi32, #tpu.memory_space<hbm>>
      %dma_start3A_30 = arith.constant 0 : i32
      %dma_start3A_31 = arith.constant 0 : i32
      %dma_start3A_32 = tpu.memref_slice %dma_start3A_29[%arg1, %dma_start3A_30, %dma_start3A_31] : memref<16x80x128xi32, #tpu.memory_space<hbm>> -> memref<1x80x128xi32, #tpu.memory_space<hbm>>
      %dma_start3A_33 = tpu.memref_squeeze %dma_start3A_32 : memref<1x80x128xi32, #tpu.memory_space<hbm>> -> memref<80x128xi32, #tpu.memory_space<hbm>>
      %dma_start3A_34 = arith.constant 0 : i32
      %dma_start3A_35 = arith.constant 0 : i32
      %dma_start3A_36 = tpu.memref_slice %dma_start3A_33[%dma_start3A_34, %dma_start3A_35] : memref<80x128xi32, #tpu.memory_space<hbm>> -> memref<8x128xi32, #tpu.memory_space<hbm>>
      %dma_start3A_37 = arith.constant 0 : i32
      %dma_start3A_38 = arith.constant 0 : i32
      %dma_start3A_39 = arith.constant 0 : i32
      %dma_start3A_40 = tpu.memref_slice %arg4[%arg0, %dma_start3A_37, %dma_start3A_38, %dma_start3A_39] : memref<2x16x80x128xi32, #tpu.memory_space<hbm>> -> memref<1x16x80x128xi32, #tpu.memory_space<hbm>>
      %dma_start3A_41 = tpu.memref_squeeze %dma_start3A_40 : memref<1x16x80x128xi32, #tpu.memory_space<hbm>> -> memref<16x80x128xi32, #tpu.memory_space<hbm>>
      %dma_start3A_42 = arith.constant 0 : i32
      %dma_start3A_43 = arith.constant 0 : i32
      %dma_start3A_44 = tpu.memref_slice %dma_start3A_41[%arg1, %dma_start3A_42, %dma_start3A_43] : memref<16x80x128xi32, #tpu.memory_space<hbm>> -> memref<1x80x128xi32, #tpu.memory_space<hbm>>
      %dma_start3A_45 = tpu.memref_squeeze %dma_start3A_44 : memref<1x80x128xi32, #tpu.memory_space<hbm>> -> memref<80x128xi32, #tpu.memory_space<hbm>>
      %dma_start3A_46 = arith.constant 0 : i32
      %dma_start3A_47 = arith.constant 0 : i32
      %dma_start3A_48 = tpu.memref_slice %dma_start3A_45[%dma_start3A_46, %dma_start3A_47] : memref<80x128xi32, #tpu.memory_space<hbm>> -> memref<8x128xi32, #tpu.memory_space<hbm>>
      tpu.enqueue_dma source(%dma_start3A_48 : memref<8x128xi32, #tpu.memory_space<hbm>>) target(%arg7 : memref<8x128xi32, #tpu.memory_space<vmem>>) target_semaphore(%run_scoped3A : memref<!tpu.dma_semaphore, #tpu.memory_space<semaphore_mem>>)
      %dma_wait3A = arith.constant 0 : i32
      %dma_wait3A_49 = arith.constant 0 : i32
      %dma_wait3A_50 = arith.constant 0 : i32
      %dma_wait3A_51 = tpu.memref_slice %arg4[%arg0, %dma_wait3A, %dma_wait3A_49, %dma_wait3A_50] : memref<2x16x80x128xi32, #tpu.memory_space<hbm>> -> memref<1x16x80x128xi32, #tpu.memory_space<hbm>>
      %dma_wait3A_52 = tpu.memref_squeeze %dma_wait3A_51 : memref<1x16x80x128xi32, #tpu.memory_space<hbm>> -> memref<16x80x128xi32, #tpu.memory_space<hbm>>
      %dma_wait3A_53 = arith.constant 0 : i32
      %dma_wait3A_54 = arith.constant 0 : i32
      %dma_wait3A_55 = tpu.memref_slice %dma_wait3A_52[%arg1, %dma_wait3A_53, %dma_wait3A_54] : memref<16x80x128xi32, #tpu.memory_space<hbm>> -> memref<1x80x128xi32, #tpu.memory_space<hbm>>
      %dma_wait3A_56 = tpu.memref_squeeze %dma_wait3A_55 : memref<1x80x128xi32, #tpu.memory_space<hbm>> -> memref<80x128xi32, #tpu.memory_space<hbm>>
      %dma_wait3A_57 = arith.constant 0 : i32
      %dma_wait3A_58 = arith.constant 0 : i32
      %dma_wait3A_59 = tpu.memref_slice %dma_wait3A_56[%dma_wait3A_57, %dma_wait3A_58] : memref<80x128xi32, #tpu.memory_space<hbm>> -> memref<8x128xi32, #tpu.memory_space<hbm>>
      %dma_wait3A_60 = arith.constant 0 : i32
      %dma_wait3A_61 = arith.constant 0 : i32
      %dma_wait3A_62 = arith.constant 0 : i32
      %dma_wait3A_63 = tpu.memref_slice %arg4[%arg0, %dma_wait3A_60, %dma_wait3A_61, %dma_wait3A_62] : memref<2x16x80x128xi32, #tpu.memory_space<hbm>> -> memref<1x16x80x128xi32, #tpu.memory_space<hbm>>
      %dma_wait3A_64 = tpu.memref_squeeze %dma_wait3A_63 : memref<1x16x80x128xi32, #tpu.memory_space<hbm>> -> memref<16x80x128xi32, #tpu.memory_space<hbm>>
      %dma_wait3A_65 = arith.constant 0 : i32
      %dma_wait3A_66 = arith.constant 0 : i32
      %dma_wait3A_67 = tpu.memref_slice %dma_wait3A_64[%arg1, %dma_wait3A_65, %dma_wait3A_66] : memref<16x80x128xi32, #tpu.memory_space<hbm>> -> memref<1x80x128xi32, #tpu.memory_space<hbm>>
      %dma_wait3A_68 = tpu.memref_squeeze %dma_wait3A_67 : memref<1x80x128xi32, #tpu.memory_space<hbm>> -> memref<80x128xi32, #tpu.memory_space<hbm>>
      %dma_wait3A_69 = arith.constant 0 : i32
      %dma_wait3A_70 = arith.constant 0 : i32
      %dma_wait3A_71 = tpu.memref_slice %dma_wait3A_68[%dma_wait3A_69, %dma_wait3A_70] : memref<80x128xi32, #tpu.memory_space<hbm>> -> memref<8x128xi32, #tpu.memory_space<hbm>>
      tpu.wait_dma2 semaphore(%run_scoped3A : memref<!tpu.dma_semaphore, #tpu.memory_space<semaphore_mem>>) src(%dma_wait3A_71 : memref<8x128xi32, #tpu.memory_space<hbm>>) dst(%arg7 : memref<8x128xi32, #tpu.memory_space<vmem>>)
      tpu.yield
    }) : () -> ()
    %dma_start3A = arith.constant 0 : i32
    %dma_start3A_2 = arith.constant 0 : i32
    %dma_start3A_3 = tpu.memref_slice %arg6[%dma_start3A, %dma_start3A_2] : memref<8x128xi32, #tpu.memory_space<vmem>> -> memref<1x128xi32, #tpu.memory_space<vmem>>
    %dma_start3A_4 = tpu.memref_squeeze %dma_start3A_3 : memref<1x128xi32, #tpu.memory_space<vmem>> -> memref<128xi32, #tpu.memory_space<vmem>>
    %dma_start3A_5 = arith.constant 0 : i32
    %dma_start3A_6 = arith.constant 0 : i32
    %dma_start3A_7 = tpu.memref_slice %arg2[%dma_start3A_5, %dma_start3A_6] : memref<10000x128xf32, #tpu.memory_space<hbm>> -> memref<10000x128xf32, #tpu.memory_space<hbm>>
    tpu.enqueue_indirect_dma source(%dma_start3A_7 : memref<10000x128xf32, #tpu.memory_space<hbm>>) target(%arg10 : memref<128x128xf32, #tpu.memory_space<vmem>>) offsets(%dma_start3A_4 : memref<128xi32, #tpu.memory_space<vmem>>) semaphore(%arg13 : memref<!tpu.dma_semaphore, #tpu.memory_space<semaphore_mem>>)
    %dma_start3A_8 = arith.constant 1 : i32
    %dma_start3A_9 = arith.constant 0 : i32
    %dma_start3A_10 = tpu.memref_slice %arg6[%dma_start3A_8, %dma_start3A_9] : memref<8x128xi32, #tpu.memory_space<vmem>> -> memref<1x128xi32, #tpu.memory_space<vmem>>
    %dma_start3A_11 = tpu.memref_squeeze %dma_start3A_10 : memref<1x128xi32, #tpu.memory_space<vmem>> -> memref<128xi32, #tpu.memory_space<vmem>>
    %dma_start3A_12 = arith.constant 0 : i32
    %dma_start3A_13 = arith.constant 0 : i32
    %dma_start3A_14 = tpu.memref_slice %arg2[%dma_start3A_12, %dma_start3A_13] : memref<10000x128xf32, #tpu.memory_space<hbm>> -> memref<10000x128xf32, #tpu.memory_space<hbm>>
    tpu.enqueue_indirect_dma source(%dma_start3A_14 : memref<10000x128xf32, #tpu.memory_space<hbm>>) target(%arg11 : memref<128x128xf32, #tpu.memory_space<vmem>>) offsets(%dma_start3A_11 : memref<128xi32, #tpu.memory_space<vmem>>) semaphore(%arg14 : memref<!tpu.dma_semaphore, #tpu.memory_space<semaphore_mem>>)
    "tpu.region"() ({
      %run_scoped3A = tpu.sem_alloc : memref<!tpu.dma_semaphore, #tpu.memory_space<semaphore_mem>>
      %dma_start3A_25 = arith.constant 0 : i32
      %dma_start3A_26 = arith.constant 0 : i32
      %dma_start3A_27 = arith.constant 0 : i32
      %dma_start3A_28 = tpu.memref_slice %arg3[%arg0, %dma_start3A_25, %dma_start3A_26, %dma_start3A_27] : memref<2x16x80x128xi32, #tpu.memory_space<hbm>> -> memref<1x16x80x128xi32, #tpu.memory_space<hbm>>
      %dma_start3A_29 = tpu.memref_squeeze %dma_start3A_28 : memref<1x16x80x128xi32, #tpu.memory_space<hbm>> -> memref<16x80x128xi32, #tpu.memory_space<hbm>>
      %dma_start3A_30 = arith.constant 0 : i32
      %dma_start3A_31 = arith.constant 0 : i32
      %dma_start3A_32 = tpu.memref_slice %dma_start3A_29[%arg1, %dma_start3A_30, %dma_start3A_31] : memref<16x80x128xi32, #tpu.memory_space<hbm>> -> memref<1x80x128xi32, #tpu.memory_space<hbm>>
      %dma_start3A_33 = tpu.memref_squeeze %dma_start3A_32 : memref<1x80x128xi32, #tpu.memory_space<hbm>> -> memref<80x128xi32, #tpu.memory_space<hbm>>
      %dma_start3A_34 = arith.constant 8 : i32
      %dma_start3A_35 = arith.constant 0 : i32
      %dma_start3A_36 = tpu.memref_slice %dma_start3A_33[%dma_start3A_34, %dma_start3A_35] : memref<80x128xi32, #tpu.memory_space<hbm>> -> memref<8x128xi32, #tpu.memory_space<hbm>>
      %dma_start3A_37 = arith.constant 0 : i32
      %dma_start3A_38 = arith.constant 0 : i32
      %dma_start3A_39 = arith.constant 0 : i32
      %dma_start3A_40 = tpu.memref_slice %arg3[%arg0, %dma_start3A_37, %dma_start3A_38, %dma_start3A_39] : memref<2x16x80x128xi32, #tpu.memory_space<hbm>> -> memref<1x16x80x128xi32, #tpu.memory_space<hbm>>
      %dma_start3A_41 = tpu.memref_squeeze %dma_start3A_40 : memref<1x16x80x128xi32, #tpu.memory_space<hbm>> -> memref<16x80x128xi32, #tpu.memory_space<hbm>>
      %dma_start3A_42 = arith.constant 0 : i32
      %dma_start3A_43 = arith.constant 0 : i32
      %dma_start3A_44 = tpu.memref_slice %dma_start3A_41[%arg1, %dma_start3A_42, %dma_start3A_43] : memref<16x80x128xi32, #tpu.memory_space<hbm>> -> memref<1x80x128xi32, #tpu.memory_space<hbm>>
      %dma_start3A_45 = tpu.memref_squeeze %dma_start3A_44 : memref<1x80x128xi32, #tpu.memory_space<hbm>> -> memref<80x128xi32, #tpu.memory_space<hbm>>
      %dma_start3A_46 = arith.constant 8 : i32
      %dma_start3A_47 = arith.constant 0 : i32
      %dma_start3A_48 = tpu.memref_slice %dma_start3A_45[%dma_start3A_46, %dma_start3A_47] : memref<80x128xi32, #tpu.memory_space<hbm>> -> memref<8x128xi32, #tpu.memory_space<hbm>>
      tpu.enqueue_dma source(%dma_start3A_48 : memref<8x128xi32, #tpu.memory_space<hbm>>) target(%arg8 : memref<8x128xi32, #tpu.memory_space<vmem>>) target_semaphore(%run_scoped3A : memref<!tpu.dma_semaphore, #tpu.memory_space<semaphore_mem>>)
      %dma_wait3A = arith.constant 0 : i32
      %dma_wait3A_49 = arith.constant 0 : i32
      %dma_wait3A_50 = arith.constant 0 : i32
      %dma_wait3A_51 = tpu.memref_slice %arg3[%arg0, %dma_wait3A, %dma_wait3A_49, %dma_wait3A_50] : memref<2x16x80x128xi32, #tpu.memory_space<hbm>> -> memref<1x16x80x128xi32, #tpu.memory_space<hbm>>
      %dma_wait3A_52 = tpu.memref_squeeze %dma_wait3A_51 : memref<1x16x80x128xi32, #tpu.memory_space<hbm>> -> memref<16x80x128xi32, #tpu.memory_space<hbm>>
      %dma_wait3A_53 = arith.constant 0 : i32
      %dma_wait3A_54 = arith.constant 0 : i32
      %dma_wait3A_55 = tpu.memref_slice %dma_wait3A_52[%arg1, %dma_wait3A_53, %dma_wait3A_54] : memref<16x80x128xi32, #tpu.memory_space<hbm>> -> memref<1x80x128xi32, #tpu.memory_space<hbm>>
      %dma_wait3A_56 = tpu.memref_squeeze %dma_wait3A_55 : memref<1x80x128xi32, #tpu.memory_space<hbm>> -> memref<80x128xi32, #tpu.memory_space<hbm>>
      %dma_wait3A_57 = arith.constant 8 : i32
      %dma_wait3A_58 = arith.constant 0 : i32
      %dma_wait3A_59 = tpu.memref_slice %dma_wait3A_56[%dma_wait3A_57, %dma_wait3A_58] : memref<80x128xi32, #tpu.memory_space<hbm>> -> memref<8x128xi32, #tpu.memory_space<hbm>>
      %dma_wait3A_60 = arith.constant 0 : i32
      %dma_wait3A_61 = arith.constant 0 : i32
      %dma_wait3A_62 = arith.constant 0 : i32
      %dma_wait3A_63 = tpu.memref_slice %arg3[%arg0, %dma_wait3A_60, %dma_wait3A_61, %dma_wait3A_62] : memref<2x16x80x128xi32, #tpu.memory_space<hbm>> -> memref<1x16x80x128xi32, #tpu.memory_space<hbm>>
      %dma_wait3A_64 = tpu.memref_squeeze %dma_wait3A_63 : memref<1x16x80x128xi32, #tpu.memory_space<hbm>> -> memref<16x80x128xi32, #tpu.memory_space<hbm>>
      %dma_wait3A_65 = arith.constant 0 : i32
      %dma_wait3A_66 = arith.constant 0 : i32
      %dma_wait3A_67 = tpu.memref_slice %dma_wait3A_64[%arg1, %dma_wait3A_65, %dma_wait3A_66] : memref<16x80x128xi32, #tpu.memory_space<hbm>> -> memref<1x80x128xi32, #tpu.memory_space<hbm>>
      %dma_wait3A_68 = tpu.memref_squeeze %dma_wait3A_67 : memref<1x80x128xi32, #tpu.memory_space<hbm>> -> memref<80x128xi32, #tpu.memory_space<hbm>>
      %dma_wait3A_69 = arith.constant 8 : i32
      %dma_wait3A_70 = arith.constant 0 : i32
      %dma_wait3A_71 = tpu.memref_slice %dma_wait3A_68[%dma_wait3A_69, %dma_wait3A_70] : memref<80x128xi32, #tpu.memory_space<hbm>> -> memref<8x128xi32, #tpu.memory_space<hbm>>
      tpu.wait_dma2 semaphore(%run_scoped3A : memref<!tpu.dma_semaphore, #tpu.memory_space<semaphore_mem>>) src(%dma_wait3A_71 : memref<8x128xi32, #tpu.memory_space<hbm>>) dst(%arg8 : memref<8x128xi32, #tpu.memory_space<vmem>>)
      tpu.yield
    }) : () -> ()
    "tpu.region"() ({
      %run_scoped3A = tpu.sem_alloc : memref<!tpu.dma_semaphore, #tpu.memory_space<semaphore_mem>>
      %dma_start3A_25 = arith.constant 0 : i32
      %dma_start3A_26 = arith.constant 0 : i32
      %dma_start3A_27 = arith.constant 0 : i32
      %dma_start3A_28 = tpu.memref_slice %arg4[%arg0, %dma_start3A_25, %dma_start3A_26, %dma_start3A_27] : memref<2x16x80x128xi32, #tpu.memory_space<hbm>> -> memref<1x16x80x128xi32, #tpu.memory_space<hbm>>
      %dma_start3A_29 = tpu.memref_squeeze %dma_start3A_28 : memref<1x16x80x128xi32, #tpu.memory_space<hbm>> -> memref<16x80x128xi32, #tpu.memory_space<hbm>>
      %dma_start3A_30 = arith.constant 0 : i32
      %dma_start3A_31 = arith.constant 0 : i32
      %dma_start3A_32 = tpu.memref_slice %dma_start3A_29[%arg1, %dma_start3A_30, %dma_start3A_31] : memref<16x80x128xi32, #tpu.memory_space<hbm>> -> memref<1x80x128xi32, #tpu.memory_space<hbm>>
      %dma_start3A_33 = tpu.memref_squeeze %dma_start3A_32 : memref<1x80x128xi32, #tpu.memory_space<hbm>> -> memref<80x128xi32, #tpu.memory_space<hbm>>
      %dma_start3A_34 = arith.constant 8 : i32
      %dma_start3A_35 = arith.constant 0 : i32
      %dma_start3A_36 = tpu.memref_slice %dma_start3A_33[%dma_start3A_34, %dma_start3A_35] : memref<80x128xi32, #tpu.memory_space<hbm>> -> memref<8x128xi32, #tpu.memory_space<hbm>>
      %dma_start3A_37 = arith.constant 0 : i32
      %dma_start3A_38 = arith.constant 0 : i32
      %dma_start3A_39 = arith.constant 0 : i32
      %dma_start3A_40 = tpu.memref_slice %arg4[%arg0, %dma_start3A_37, %dma_start3A_38, %dma_start3A_39] : memref<2x16x80x128xi32, #tpu.memory_space<hbm>> -> memref<1x16x80x128xi32, #tpu.memory_space<hbm>>
      %dma_start3A_41 = tpu.memref_squeeze %dma_start3A_40 : memref<1x16x80x128xi32, #tpu.memory_space<hbm>> -> memref<16x80x128xi32, #tpu.memory_space<hbm>>
      %dma_start3A_42 = arith.constant 0 : i32
      %dma_start3A_43 = arith.constant 0 : i32
      %dma_start3A_44 = tpu.memref_slice %dma_start3A_41[%arg1, %dma_start3A_42, %dma_start3A_43] : memref<16x80x128xi32, #tpu.memory_space<hbm>> -> memref<1x80x128xi32, #tpu.memory_space<hbm>>
      %dma_start3A_45 = tpu.memref_squeeze %dma_start3A_44 : memref<1x80x128xi32, #tpu.memory_space<hbm>> -> memref<80x128xi32, #tpu.memory_space<hbm>>
      %dma_start3A_46 = arith.constant 8 : i32
      %dma_start3A_47 = arith.constant 0 : i32
      %dma_start3A_48 = tpu.memref_slice %dma_start3A_45[%dma_start3A_46, %dma_start3A_47] : memref<80x128xi32, #tpu.memory_space<hbm>> -> memref<8x128xi32, #tpu.memory_space<hbm>>
      tpu.enqueue_dma source(%dma_start3A_48 : memref<8x128xi32, #tpu.memory_space<hbm>>) target(%arg9 : memref<8x128xi32, #tpu.memory_space<vmem>>) target_semaphore(%run_scoped3A : memref<!tpu.dma_semaphore, #tpu.memory_space<semaphore_mem>>)
      %dma_wait3A = arith.constant 0 : i32
      %dma_wait3A_49 = arith.constant 0 : i32
      %dma_wait3A_50 = arith.constant 0 : i32
      %dma_wait3A_51 = tpu.memref_slice %arg4[%arg0, %dma_wait3A, %dma_wait3A_49, %dma_wait3A_50] : memref<2x16x80x128xi32, #tpu.memory_space<hbm>> -> memref<1x16x80x128xi32, #tpu.memory_space<hbm>>
      %dma_wait3A_52 = tpu.memref_squeeze %dma_wait3A_51 : memref<1x16x80x128xi32, #tpu.memory_space<hbm>> -> memref<16x80x128xi32, #tpu.memory_space<hbm>>
      %dma_wait3A_53 = arith.constant 0 : i32
      %dma_wait3A_54 = arith.constant 0 : i32
      %dma_wait3A_55 = tpu.memref_slice %dma_wait3A_52[%arg1, %dma_wait3A_53, %dma_wait3A_54] : memref<16x80x128xi32, #tpu.memory_space<hbm>> -> memref<1x80x128xi32, #tpu.memory_space<hbm>>
      %dma_wait3A_56 = tpu.memref_squeeze %dma_wait3A_55 : memref<1x80x128xi32, #tpu.memory_space<hbm>> -> memref<80x128xi32, #tpu.memory_space<hbm>>
      %dma_wait3A_57 = arith.constant 8 : i32
      %dma_wait3A_58 = arith.constant 0 : i32
      %dma_wait3A_59 = tpu.memref_slice %dma_wait3A_56[%dma_wait3A_57, %dma_wait3A_58] : memref<80x128xi32, #tpu.memory_space<hbm>> -> memref<8x128xi32, #tpu.memory_space<hbm>>
      %dma_wait3A_60 = arith.constant 0 : i32
      %dma_wait3A_61 = arith.constant 0 : i32
      %dma_wait3A_62 = arith.constant 0 : i32
      %dma_wait3A_63 = tpu.memref_slice %arg4[%arg0, %dma_wait3A_60, %dma_wait3A_61, %dma_wait3A_62] : memref<2x16x80x128xi32, #tpu.memory_space<hbm>> -> memref<1x16x80x128xi32, #tpu.memory_space<hbm>>
      %dma_wait3A_64 = tpu.memref_squeeze %dma_wait3A_63 : memref<1x16x80x128xi32, #tpu.memory_space<hbm>> -> memref<16x80x128xi32, #tpu.memory_space<hbm>>
      %dma_wait3A_65 = arith.constant 0 : i32
      %dma_wait3A_66 = arith.constant 0 : i32
      %dma_wait3A_67 = tpu.memref_slice %dma_wait3A_64[%arg1, %dma_wait3A_65, %dma_wait3A_66] : memref<16x80x128xi32, #tpu.memory_space<hbm>> -> memref<1x80x128xi32, #tpu.memory_space<hbm>>
      %dma_wait3A_68 = tpu.memref_squeeze %dma_wait3A_67 : memref<1x80x128xi32, #tpu.memory_space<hbm>> -> memref<80x128xi32, #tpu.memory_space<hbm>>
      %dma_wait3A_69 = arith.constant 8 : i32
      %dma_wait3A_70 = arith.constant 0 : i32
      %dma_wait3A_71 = tpu.memref_slice %dma_wait3A_68[%dma_wait3A_69, %dma_wait3A_70] : memref<80x128xi32, #tpu.memory_space<hbm>> -> memref<8x128xi32, #tpu.memory_space<hbm>>
      tpu.wait_dma2 semaphore(%run_scoped3A : memref<!tpu.dma_semaphore, #tpu.memory_space<semaphore_mem>>) src(%dma_wait3A_71 : memref<8x128xi32, #tpu.memory_space<hbm>>) dst(%arg9 : memref<8x128xi32, #tpu.memory_space<vmem>>)
      tpu.yield
    }) : () -> ()
    "tpu.region"() ({
      %run_scoped3A = tpu.sem_alloc : memref<!tpu.dma_semaphore, #tpu.memory_space<semaphore_mem>>
      %dma_start3A_25 = arith.constant 0 : i32
      %dma_start3A_26 = tpu.memref_slice %arg12[%multiple_of3A, %dma_start3A_25] : memref<10008x128xf32, #tpu.memory_space<vmem_shared>> -> memref<624x128xf32, #tpu.memory_space<vmem_shared>>
      %dma_start3A_27 = arith.constant 0 : i32
      %dma_start3A_28 = tpu.memref_slice %arg2[%multiple_of3A, %dma_start3A_27] : memref<10000x128xf32, #tpu.memory_space<hbm>> -> memref<624x128xf32, #tpu.memory_space<hbm>>
      tpu.enqueue_dma source(%dma_start3A_28 : memref<624x128xf32, #tpu.memory_space<hbm>>) target(%dma_start3A_26 : memref<624x128xf32, #tpu.memory_space<vmem_shared>>) target_semaphore(%run_scoped3A : memref<!tpu.dma_semaphore, #tpu.memory_space<semaphore_mem>>)
      %dma_wait3A = arith.constant 0 : i32
      %dma_wait3A_29 = tpu.memref_slice %arg12[%multiple_of3A, %dma_wait3A] : memref<10008x128xf32, #tpu.memory_space<vmem_shared>> -> memref<624x128xf32, #tpu.memory_space<vmem_shared>>
      %dma_wait3A_30 = arith.constant 0 : i32
      %dma_wait3A_31 = tpu.memref_slice %arg2[%multiple_of3A, %dma_wait3A_30] : memref<10000x128xf32, #tpu.memory_space<hbm>> -> memref<624x128xf32, #tpu.memory_space<hbm>>
      tpu.wait_dma2 semaphore(%run_scoped3A : memref<!tpu.dma_semaphore, #tpu.memory_space<semaphore_mem>>) src(%dma_wait3A_31 : memref<624x128xf32, #tpu.memory_space<hbm>>) dst(%dma_wait3A_29 : memref<624x128xf32, #tpu.memory_space<vmem_shared>>)
      tpu.yield
    }) : () -> ()
    %convert_element_type3A = arith.extui %eq3A_1 : i1 to i32
    %cond3A = arith.constant 0 : i32
    %cond3A_15 = arith.cmpi ne, %convert_element_type3A, %cond3A : i32
    scf.if %cond3A_15 {
      "tpu.region"() ({
        %run_scoped3A = tpu.sem_alloc : memref<!tpu.dma_semaphore, #tpu.memory_space<semaphore_mem>>
        %dma_start3A_25 = arith.constant 9984 : i32
        %dma_start3A_26 = arith.constant 0 : i32
        %dma_start3A_27 = tpu.memref_slice %arg12[%dma_start3A_25, %dma_start3A_26] : memref<10008x128xf32, #tpu.memory_space<vmem_shared>> -> memref<16x128xf32, #tpu.memory_space<vmem_shared>>
        %dma_start3A_28 = arith.constant 9984 : i32
        %dma_start3A_29 = arith.constant 0 : i32
        %dma_start3A_30 = tpu.memref_slice %arg2[%dma_start3A_28, %dma_start3A_29] : memref<10000x128xf32, #tpu.memory_space<hbm>> -> memref<16x128xf32, #tpu.memory_space<hbm>>
        tpu.enqueue_dma source(%dma_start3A_30 : memref<16x128xf32, #tpu.memory_space<hbm>>) target(%dma_start3A_27 : memref<16x128xf32, #tpu.memory_space<vmem_shared>>) target_semaphore(%run_scoped3A : memref<!tpu.dma_semaphore, #tpu.memory_space<semaphore_mem>>)
        %dma_wait3A = arith.constant 9984 : i32
        %dma_wait3A_31 = arith.constant 0 : i32
        %dma_wait3A_32 = tpu.memref_slice %arg12[%dma_wait3A, %dma_wait3A_31] : memref<10008x128xf32, #tpu.memory_space<vmem_shared>> -> memref<16x128xf32, #tpu.memory_space<vmem_shared>>
        %dma_wait3A_33 = arith.constant 9984 : i32
        %dma_wait3A_34 = arith.constant 0 : i32
        %dma_wait3A_35 = tpu.memref_slice %arg2[%dma_wait3A_33, %dma_wait3A_34] : memref<10000x128xf32, #tpu.memory_space<hbm>> -> memref<16x128xf32, #tpu.memory_space<hbm>>
        tpu.wait_dma2 semaphore(%run_scoped3A : memref<!tpu.dma_semaphore, #tpu.memory_space<semaphore_mem>>) src(%dma_wait3A_35 : memref<16x128xf32, #tpu.memory_space<hbm>>) dst(%dma_wait3A_32 : memref<16x128xf32, #tpu.memory_space<vmem_shared>>)
        tpu.yield
      }) : () -> ()
    } else {
    }
    %barrier3A = arith.constant 0 : index
    tpu.barrier barrier_id(%barrier3A)
    %scan3A = arith.constant 0 : i32
    %scan3A_16 = arith.constant 0 : i32
    %scan3A_17 = arith.constant 5 : i32
    %scan3A_18 = arith.addi %scan3A_16, %scan3A_17 : i32
    %scan3A_19 = arith.constant 1 : i32
    scf.for %scan3A_25 = %scan3A_16 to %scan3A_18 step %scan3A_19  : i32 {
      %mul3A_26 = arith.constant 2 : i32
      %mul3A_27 = arith.muli %mul3A_26, %scan3A_25 : i32
      %dma_wait3A = arith.constant 0 : i32
      %dma_wait3A_28 = arith.constant 0 : i32
      %dma_wait3A_29 = tpu.memref_slice %arg6[%dma_wait3A, %dma_wait3A_28] : memref<8x128xi32, #tpu.memory_space<vmem>> -> memref<1x128xi32, #tpu.memory_space<vmem>>
      %dma_wait3A_30 = tpu.memref_squeeze %dma_wait3A_29 : memref<1x128xi32, #tpu.memory_space<vmem>> -> memref<128xi32, #tpu.memory_space<vmem>>
      %dma_wait3A_31 = arith.constant 0 : i32
      %dma_wait3A_32 = arith.constant 0 : i32
      %dma_wait3A_33 = tpu.memref_slice %arg2[%dma_wait3A_31, %dma_wait3A_32] : memref<10000x128xf32, #tpu.memory_space<hbm>> -> memref<10000x128xf32, #tpu.memory_space<hbm>>
      tpu.wait_indirect_dma semaphore(%arg13 : memref<!tpu.dma_semaphore, #tpu.memory_space<semaphore_mem>>) src(%dma_wait3A_33 : memref<10000x128xf32, #tpu.memory_space<hbm>>) dst(%arg10 : memref<128x128xf32, #tpu.memory_space<vmem>>)
      %run_scoped3A = arith.constant 0 : i32
      "tpu.region"() ({
        %run_scoped3A_288 = tpu.sem_alloc : memref<!tpu.dma_semaphore, #tpu.memory_space<semaphore_mem>>
        %dma_start3A_289 = arith.constant 0 : i32
        %dma_start3A_290 = tpu.memref_slice %arg7[%run_scoped3A, %dma_start3A_289] : memref<8x128xi32, #tpu.memory_space<vmem>> -> memref<1x128xi32, #tpu.memory_space<vmem>>
        %dma_start3A_291 = tpu.memref_squeeze %dma_start3A_290 : memref<1x128xi32, #tpu.memory_space<vmem>> -> memref<128xi32, #tpu.memory_space<vmem>>
        %dma_start3A_292 = arith.constant 0 : i32
        %dma_start3A_293 = arith.constant 0 : i32
        %dma_start3A_294 = tpu.memref_slice %arg12[%dma_start3A_292, %dma_start3A_293] : memref<10008x128xf32, #tpu.memory_space<vmem_shared>> -> memref<10008x128xf32, #tpu.memory_space<vmem_shared>>
        tpu.enqueue_indirect_dma source(%arg10 : memref<128x128xf32, #tpu.memory_space<vmem>>) target(%dma_start3A_294 : memref<10008x128xf32, #tpu.memory_space<vmem_shared>>) offsets(%dma_start3A_291 : memref<128xi32, #tpu.memory_space<vmem>>) semaphore(%run_scoped3A_288 : memref<!tpu.dma_semaphore, #tpu.memory_space<semaphore_mem>>) {add = true}
        %dma_wait3A_295 = arith.constant 0 : i32
        %dma_wait3A_296 = tpu.memref_slice %arg7[%run_scoped3A, %dma_wait3A_295] : memref<8x128xi32, #tpu.memory_space<vmem>> -> memref<1x128xi32, #tpu.memory_space<vmem>>
        %dma_wait3A_297 = tpu.memref_squeeze %dma_wait3A_296 : memref<1x128xi32, #tpu.memory_space<vmem>> -> memref<128xi32, #tpu.memory_space<vmem>>
        %dma_wait3A_298 = arith.constant 0 : i32
        %dma_wait3A_299 = arith.constant 0 : i32
        %dma_wait3A_300 = tpu.memref_slice %arg12[%dma_wait3A_298, %dma_wait3A_299] : memref<10008x128xf32, #tpu.memory_space<vmem_shared>> -> memref<10008x128xf32, #tpu.memory_space<vmem_shared>>
        tpu.wait_indirect_dma semaphore(%run_scoped3A_288 : memref<!tpu.dma_semaphore, #tpu.memory_space<semaphore_mem>>) src(%arg10 : memref<128x128xf32, #tpu.memory_space<vmem>>) dst(%dma_wait3A_300 : memref<10008x128xf32, #tpu.memory_space<vmem_shared>>)
        tpu.yield
      }) : () -> ()
      %dma_start3A_34 = arith.constant 2 : i32
      %dma_start3A_35 = arith.constant 0 : i32
      %dma_start3A_36 = tpu.memref_slice %arg6[%dma_start3A_34, %dma_start3A_35] : memref<8x128xi32, #tpu.memory_space<vmem>> -> memref<1x128xi32, #tpu.memory_space<vmem>>
      %dma_start3A_37 = tpu.memref_squeeze %dma_start3A_36 : memref<1x128xi32, #tpu.memory_space<vmem>> -> memref<128xi32, #tpu.memory_space<vmem>>
      %dma_start3A_38 = arith.constant 0 : i32
      %dma_start3A_39 = arith.constant 0 : i32
      %dma_start3A_40 = tpu.memref_slice %arg2[%dma_start3A_38, %dma_start3A_39] : memref<10000x128xf32, #tpu.memory_space<hbm>> -> memref<10000x128xf32, #tpu.memory_space<hbm>>
      tpu.enqueue_indirect_dma source(%dma_start3A_40 : memref<10000x128xf32, #tpu.memory_space<hbm>>) target(%arg10 : memref<128x128xf32, #tpu.memory_space<vmem>>) offsets(%dma_start3A_37 : memref<128xi32, #tpu.memory_space<vmem>>) semaphore(%arg13 : memref<!tpu.dma_semaphore, #tpu.memory_space<semaphore_mem>>)
      %dma_wait3A_41 = arith.constant 1 : i32
      %dma_wait3A_42 = arith.constant 0 : i32
      %dma_wait3A_43 = tpu.memref_slice %arg6[%dma_wait3A_41, %dma_wait3A_42] : memref<8x128xi32, #tpu.memory_space<vmem>> -> memref<1x128xi32, #tpu.memory_space<vmem>>
      %dma_wait3A_44 = tpu.memref_squeeze %dma_wait3A_43 : memref<1x128xi32, #tpu.memory_space<vmem>> -> memref<128xi32, #tpu.memory_space<vmem>>
      %dma_wait3A_45 = arith.constant 0 : i32
      %dma_wait3A_46 = arith.constant 0 : i32
      %dma_wait3A_47 = tpu.memref_slice %arg2[%dma_wait3A_45, %dma_wait3A_46] : memref<10000x128xf32, #tpu.memory_space<hbm>> -> memref<10000x128xf32, #tpu.memory_space<hbm>>
      tpu.wait_indirect_dma semaphore(%arg14 : memref<!tpu.dma_semaphore, #tpu.memory_space<semaphore_mem>>) src(%dma_wait3A_47 : memref<10000x128xf32, #tpu.memory_space<hbm>>) dst(%arg11 : memref<128x128xf32, #tpu.memory_space<vmem>>)
      %run_scoped3A_48 = arith.constant 1 : i32
      "tpu.region"() ({
        %run_scoped3A_288 = tpu.sem_alloc : memref<!tpu.dma_semaphore, #tpu.memory_space<semaphore_mem>>
        %dma_start3A_289 = arith.constant 0 : i32
        %dma_start3A_290 = tpu.memref_slice %arg7[%run_scoped3A_48, %dma_start3A_289] : memref<8x128xi32, #tpu.memory_space<vmem>> -> memref<1x128xi32, #tpu.memory_space<vmem>>
        %dma_start3A_291 = tpu.memref_squeeze %dma_start3A_290 : memref<1x128xi32, #tpu.memory_space<vmem>> -> memref<128xi32, #tpu.memory_space<vmem>>
        %dma_start3A_292 = arith.constant 0 : i32
        %dma_start3A_293 = arith.constant 0 : i32
        %dma_start3A_294 = tpu.memref_slice %arg12[%dma_start3A_292, %dma_start3A_293] : memref<10008x128xf32, #tpu.memory_space<vmem_shared>> -> memref<10008x128xf32, #tpu.memory_space<vmem_shared>>
        tpu.enqueue_indirect_dma source(%arg11 : memref<128x128xf32, #tpu.memory_space<vmem>>) target(%dma_start3A_294 : memref<10008x128xf32, #tpu.memory_space<vmem_shared>>) offsets(%dma_start3A_291 : memref<128xi32, #tpu.memory_space<vmem>>) semaphore(%run_scoped3A_288 : memref<!tpu.dma_semaphore, #tpu.memory_space<semaphore_mem>>) {add = true}
        %dma_wait3A_295 = arith.constant 0 : i32
        %dma_wait3A_296 = tpu.memref_slice %arg7[%run_scoped3A_48, %dma_wait3A_295] : memref<8x128xi32, #tpu.memory_space<vmem>> -> memref<1x128xi32, #tpu.memory_space<vmem>>
        %dma_wait3A_297 = tpu.memref_squeeze %dma_wait3A_296 : memref<1x128xi32, #tpu.memory_space<vmem>> -> memref<128xi32, #tpu.memory_space<vmem>>
        %dma_wait3A_298 = arith.constant 0 : i32
        %dma_wait3A_299 = arith.constant 0 : i32
        %dma_wait3A_300 = tpu.memref_slice %arg12[%dma_wait3A_298, %dma_wait3A_299] : memref<10008x128xf32, #tpu.memory_space<vmem_shared>> -> memref<10008x128xf32, #tpu.memory_space<vmem_shared>>
        tpu.wait_indirect_dma semaphore(%run_scoped3A_288 : memref<!tpu.dma_semaphore, #tpu.memory_space<semaphore_mem>>) src(%arg11 : memref<128x128xf32, #tpu.memory_space<vmem>>) dst(%dma_wait3A_300 : memref<10008x128xf32, #tpu.memory_space<vmem_shared>>)
        tpu.yield
      }) : () -> ()
      %dma_start3A_49 = arith.constant 3 : i32
      %dma_start3A_50 = arith.constant 0 : i32
      %dma_start3A_51 = tpu.memref_slice %arg6[%dma_start3A_49, %dma_start3A_50] : memref<8x128xi32, #tpu.memory_space<vmem>> -> memref<1x128xi32, #tpu.memory_space<vmem>>
      %dma_start3A_52 = tpu.memref_squeeze %dma_start3A_51 : memref<1x128xi32, #tpu.memory_space<vmem>> -> memref<128xi32, #tpu.memory_space<vmem>>
      %dma_start3A_53 = arith.constant 0 : i32
      %dma_start3A_54 = arith.constant 0 : i32
      %dma_start3A_55 = tpu.memref_slice %arg2[%dma_start3A_53, %dma_start3A_54] : memref<10000x128xf32, #tpu.memory_space<hbm>> -> memref<10000x128xf32, #tpu.memory_space<hbm>>
      tpu.enqueue_indirect_dma source(%dma_start3A_55 : memref<10000x128xf32, #tpu.memory_space<hbm>>) target(%arg11 : memref<128x128xf32, #tpu.memory_space<vmem>>) offsets(%dma_start3A_52 : memref<128xi32, #tpu.memory_space<vmem>>) semaphore(%arg14 : memref<!tpu.dma_semaphore, #tpu.memory_space<semaphore_mem>>)
      %dma_wait3A_56 = arith.constant 2 : i32
      %dma_wait3A_57 = arith.constant 0 : i32
      %dma_wait3A_58 = tpu.memref_slice %arg6[%dma_wait3A_56, %dma_wait3A_57] : memref<8x128xi32, #tpu.memory_space<vmem>> -> memref<1x128xi32, #tpu.memory_space<vmem>>
      %dma_wait3A_59 = tpu.memref_squeeze %dma_wait3A_58 : memref<1x128xi32, #tpu.memory_space<vmem>> -> memref<128xi32, #tpu.memory_space<vmem>>
      %dma_wait3A_60 = arith.constant 0 : i32
      %dma_wait3A_61 = arith.constant 0 : i32
      %dma_wait3A_62 = tpu.memref_slice %arg2[%dma_wait3A_60, %dma_wait3A_61] : memref<10000x128xf32, #tpu.memory_space<hbm>> -> memref<10000x128xf32, #tpu.memory_space<hbm>>
      tpu.wait_indirect_dma semaphore(%arg13 : memref<!tpu.dma_semaphore, #tpu.memory_space<semaphore_mem>>) src(%dma_wait3A_62 : memref<10000x128xf32, #tpu.memory_space<hbm>>) dst(%arg10 : memref<128x128xf32, #tpu.memory_space<vmem>>)
      %run_scoped3A_63 = arith.constant 2 : i32
      "tpu.region"() ({
        %run_scoped3A_288 = tpu.sem_alloc : memref<!tpu.dma_semaphore, #tpu.memory_space<semaphore_mem>>
        %dma_start3A_289 = arith.constant 0 : i32
        %dma_start3A_290 = tpu.memref_slice %arg7[%run_scoped3A_63, %dma_start3A_289] : memref<8x128xi32, #tpu.memory_space<vmem>> -> memref<1x128xi32, #tpu.memory_space<vmem>>
        %dma_start3A_291 = tpu.memref_squeeze %dma_start3A_290 : memref<1x128xi32, #tpu.memory_space<vmem>> -> memref<128xi32, #tpu.memory_space<vmem>>
        %dma_start3A_292 = arith.constant 0 : i32
        %dma_start3A_293 = arith.constant 0 : i32
        %dma_start3A_294 = tpu.memref_slice %arg12[%dma_start3A_292, %dma_start3A_293] : memref<10008x128xf32, #tpu.memory_space<vmem_shared>> -> memref<10008x128xf32, #tpu.memory_space<vmem_shared>>
        tpu.enqueue_indirect_dma source(%arg10 : memref<128x128xf32, #tpu.memory_space<vmem>>) target(%dma_start3A_294 : memref<10008x128xf32, #tpu.memory_space<vmem_shared>>) offsets(%dma_start3A_291 : memref<128xi32, #tpu.memory_space<vmem>>) semaphore(%run_scoped3A_288 : memref<!tpu.dma_semaphore, #tpu.memory_space<semaphore_mem>>) {add = true}
        %dma_wait3A_295 = arith.constant 0 : i32
        %dma_wait3A_296 = tpu.memref_slice %arg7[%run_scoped3A_63, %dma_wait3A_295] : memref<8x128xi32, #tpu.memory_space<vmem>> -> memref<1x128xi32, #tpu.memory_space<vmem>>
        %dma_wait3A_297 = tpu.memref_squeeze %dma_wait3A_296 : memref<1x128xi32, #tpu.memory_space<vmem>> -> memref<128xi32, #tpu.memory_space<vmem>>
        %dma_wait3A_298 = arith.constant 0 : i32
        %dma_wait3A_299 = arith.constant 0 : i32
        %dma_wait3A_300 = tpu.memref_slice %arg12[%dma_wait3A_298, %dma_wait3A_299] : memref<10008x128xf32, #tpu.memory_space<vmem_shared>> -> memref<10008x128xf32, #tpu.memory_space<vmem_shared>>
        tpu.wait_indirect_dma semaphore(%run_scoped3A_288 : memref<!tpu.dma_semaphore, #tpu.memory_space<semaphore_mem>>) src(%arg10 : memref<128x128xf32, #tpu.memory_space<vmem>>) dst(%dma_wait3A_300 : memref<10008x128xf32, #tpu.memory_space<vmem_shared>>)
        tpu.yield
      }) : () -> ()
      %dma_start3A_64 = arith.constant 4 : i32
      %dma_start3A_65 = arith.constant 0 : i32
      %dma_start3A_66 = tpu.memref_slice %arg6[%dma_start3A_64, %dma_start3A_65] : memref<8x128xi32, #tpu.memory_space<vmem>> -> memref<1x128xi32, #tpu.memory_space<vmem>>
      %dma_start3A_67 = tpu.memref_squeeze %dma_start3A_66 : memref<1x128xi32, #tpu.memory_space<vmem>> -> memref<128xi32, #tpu.memory_space<vmem>>
      %dma_start3A_68 = arith.constant 0 : i32
      %dma_start3A_69 = arith.constant 0 : i32
      %dma_start3A_70 = tpu.memref_slice %arg2[%dma_start3A_68, %dma_start3A_69] : memref<10000x128xf32, #tpu.memory_space<hbm>> -> memref<10000x128xf32, #tpu.memory_space<hbm>>
      tpu.enqueue_indirect_dma source(%dma_start3A_70 : memref<10000x128xf32, #tpu.memory_space<hbm>>) target(%arg10 : memref<128x128xf32, #tpu.memory_space<vmem>>) offsets(%dma_start3A_67 : memref<128xi32, #tpu.memory_space<vmem>>) semaphore(%arg13 : memref<!tpu.dma_semaphore, #tpu.memory_space<semaphore_mem>>)
      %dma_wait3A_71 = arith.constant 3 : i32
      %dma_wait3A_72 = arith.constant 0 : i32
      %dma_wait3A_73 = tpu.memref_slice %arg6[%dma_wait3A_71, %dma_wait3A_72] : memref<8x128xi32, #tpu.memory_space<vmem>> -> memref<1x128xi32, #tpu.memory_space<vmem>>
      %dma_wait3A_74 = tpu.memref_squeeze %dma_wait3A_73 : memref<1x128xi32, #tpu.memory_space<vmem>> -> memref<128xi32, #tpu.memory_space<vmem>>
      %dma_wait3A_75 = arith.constant 0 : i32
      %dma_wait3A_76 = arith.constant 0 : i32
      %dma_wait3A_77 = tpu.memref_slice %arg2[%dma_wait3A_75, %dma_wait3A_76] : memref<10000x128xf32, #tpu.memory_space<hbm>> -> memref<10000x128xf32, #tpu.memory_space<hbm>>
      tpu.wait_indirect_dma semaphore(%arg14 : memref<!tpu.dma_semaphore, #tpu.memory_space<semaphore_mem>>) src(%dma_wait3A_77 : memref<10000x128xf32, #tpu.memory_space<hbm>>) dst(%arg11 : memref<128x128xf32, #tpu.memory_space<vmem>>)
      %run_scoped3A_78 = arith.constant 3 : i32
      "tpu.region"() ({
        %run_scoped3A_288 = tpu.sem_alloc : memref<!tpu.dma_semaphore, #tpu.memory_space<semaphore_mem>>
        %dma_start3A_289 = arith.constant 0 : i32
        %dma_start3A_290 = tpu.memref_slice %arg7[%run_scoped3A_78, %dma_start3A_289] : memref<8x128xi32, #tpu.memory_space<vmem>> -> memref<1x128xi32, #tpu.memory_space<vmem>>
        %dma_start3A_291 = tpu.memref_squeeze %dma_start3A_290 : memref<1x128xi32, #tpu.memory_space<vmem>> -> memref<128xi32, #tpu.memory_space<vmem>>
        %dma_start3A_292 = arith.constant 0 : i32
        %dma_start3A_293 = arith.constant 0 : i32
        %dma_start3A_294 = tpu.memref_slice %arg12[%dma_start3A_292, %dma_start3A_293] : memref<10008x128xf32, #tpu.memory_space<vmem_shared>> -> memref<10008x128xf32, #tpu.memory_space<vmem_shared>>
        tpu.enqueue_indirect_dma source(%arg11 : memref<128x128xf32, #tpu.memory_space<vmem>>) target(%dma_start3A_294 : memref<10008x128xf32, #tpu.memory_space<vmem_shared>>) offsets(%dma_start3A_291 : memref<128xi32, #tpu.memory_space<vmem>>) semaphore(%run_scoped3A_288 : memref<!tpu.dma_semaphore, #tpu.memory_space<semaphore_mem>>) {add = true}
        %dma_wait3A_295 = arith.constant 0 : i32
        %dma_wait3A_296 = tpu.memref_slice %arg7[%run_scoped3A_78, %dma_wait3A_295] : memref<8x128xi32, #tpu.memory_space<vmem>> -> memref<1x128xi32, #tpu.memory_space<vmem>>
        %dma_wait3A_297 = tpu.memref_squeeze %dma_wait3A_296 : memref<1x128xi32, #tpu.memory_space<vmem>> -> memref<128xi32, #tpu.memory_space<vmem>>
        %dma_wait3A_298 = arith.constant 0 : i32
        %dma_wait3A_299 = arith.constant 0 : i32
        %dma_wait3A_300 = tpu.memref_slice %arg12[%dma_wait3A_298, %dma_wait3A_299] : memref<10008x128xf32, #tpu.memory_space<vmem_shared>> -> memref<10008x128xf32, #tpu.memory_space<vmem_shared>>
        tpu.wait_indirect_dma semaphore(%run_scoped3A_288 : memref<!tpu.dma_semaphore, #tpu.memory_space<semaphore_mem>>) src(%arg11 : memref<128x128xf32, #tpu.memory_space<vmem>>) dst(%dma_wait3A_300 : memref<10008x128xf32, #tpu.memory_space<vmem_shared>>)
        tpu.yield
      }) : () -> ()
      %dma_start3A_79 = arith.constant 5 : i32
      %dma_start3A_80 = arith.constant 0 : i32
      %dma_start3A_81 = tpu.memref_slice %arg6[%dma_start3A_79, %dma_start3A_80] : memref<8x128xi32, #tpu.memory_space<vmem>> -> memref<1x128xi32, #tpu.memory_space<vmem>>
      %dma_start3A_82 = tpu.memref_squeeze %dma_start3A_81 : memref<1x128xi32, #tpu.memory_space<vmem>> -> memref<128xi32, #tpu.memory_space<vmem>>
      %dma_start3A_83 = arith.constant 0 : i32
      %dma_start3A_84 = arith.constant 0 : i32
      %dma_start3A_85 = tpu.memref_slice %arg2[%dma_start3A_83, %dma_start3A_84] : memref<10000x128xf32, #tpu.memory_space<hbm>> -> memref<10000x128xf32, #tpu.memory_space<hbm>>
      tpu.enqueue_indirect_dma source(%dma_start3A_85 : memref<10000x128xf32, #tpu.memory_space<hbm>>) target(%arg11 : memref<128x128xf32, #tpu.memory_space<vmem>>) offsets(%dma_start3A_82 : memref<128xi32, #tpu.memory_space<vmem>>) semaphore(%arg14 : memref<!tpu.dma_semaphore, #tpu.memory_space<semaphore_mem>>)
      %dma_wait3A_86 = arith.constant 4 : i32
      %dma_wait3A_87 = arith.constant 0 : i32
      %dma_wait3A_88 = tpu.memref_slice %arg6[%dma_wait3A_86, %dma_wait3A_87] : memref<8x128xi32, #tpu.memory_space<vmem>> -> memref<1x128xi32, #tpu.memory_space<vmem>>
      %dma_wait3A_89 = tpu.memref_squeeze %dma_wait3A_88 : memref<1x128xi32, #tpu.memory_space<vmem>> -> memref<128xi32, #tpu.memory_space<vmem>>
      %dma_wait3A_90 = arith.constant 0 : i32
      %dma_wait3A_91 = arith.constant 0 : i32
      %dma_wait3A_92 = tpu.memref_slice %arg2[%dma_wait3A_90, %dma_wait3A_91] : memref<10000x128xf32, #tpu.memory_space<hbm>> -> memref<10000x128xf32, #tpu.memory_space<hbm>>
      tpu.wait_indirect_dma semaphore(%arg13 : memref<!tpu.dma_semaphore, #tpu.memory_space<semaphore_mem>>) src(%dma_wait3A_92 : memref<10000x128xf32, #tpu.memory_space<hbm>>) dst(%arg10 : memref<128x128xf32, #tpu.memory_space<vmem>>)
      %run_scoped3A_93 = arith.constant 4 : i32
      "tpu.region"() ({
        %run_scoped3A_288 = tpu.sem_alloc : memref<!tpu.dma_semaphore, #tpu.memory_space<semaphore_mem>>
        %dma_start3A_289 = arith.constant 0 : i32
        %dma_start3A_290 = tpu.memref_slice %arg7[%run_scoped3A_93, %dma_start3A_289] : memref<8x128xi32, #tpu.memory_space<vmem>> -> memref<1x128xi32, #tpu.memory_space<vmem>>
        %dma_start3A_291 = tpu.memref_squeeze %dma_start3A_290 : memref<1x128xi32, #tpu.memory_space<vmem>> -> memref<128xi32, #tpu.memory_space<vmem>>
        %dma_start3A_292 = arith.constant 0 : i32
        %dma_start3A_293 = arith.constant 0 : i32
        %dma_start3A_294 = tpu.memref_slice %arg12[%dma_start3A_292, %dma_start3A_293] : memref<10008x128xf32, #tpu.memory_space<vmem_shared>> -> memref<10008x128xf32, #tpu.memory_space<vmem_shared>>
        tpu.enqueue_indirect_dma source(%arg10 : memref<128x128xf32, #tpu.memory_space<vmem>>) target(%dma_start3A_294 : memref<10008x128xf32, #tpu.memory_space<vmem_shared>>) offsets(%dma_start3A_291 : memref<128xi32, #tpu.memory_space<vmem>>) semaphore(%run_scoped3A_288 : memref<!tpu.dma_semaphore, #tpu.memory_space<semaphore_mem>>) {add = true}
        %dma_wait3A_295 = arith.constant 0 : i32
        %dma_wait3A_296 = tpu.memref_slice %arg7[%run_scoped3A_93, %dma_wait3A_295] : memref<8x128xi32, #tpu.memory_space<vmem>> -> memref<1x128xi32, #tpu.memory_space<vmem>>
        %dma_wait3A_297 = tpu.memref_squeeze %dma_wait3A_296 : memref<1x128xi32, #tpu.memory_space<vmem>> -> memref<128xi32, #tpu.memory_space<vmem>>
        %dma_wait3A_298 = arith.constant 0 : i32
        %dma_wait3A_299 = arith.constant 0 : i32
        %dma_wait3A_300 = tpu.memref_slice %arg12[%dma_wait3A_298, %dma_wait3A_299] : memref<10008x128xf32, #tpu.memory_space<vmem_shared>> -> memref<10008x128xf32, #tpu.memory_space<vmem_shared>>
        tpu.wait_indirect_dma semaphore(%run_scoped3A_288 : memref<!tpu.dma_semaphore, #tpu.memory_space<semaphore_mem>>) src(%arg10 : memref<128x128xf32, #tpu.memory_space<vmem>>) dst(%dma_wait3A_300 : memref<10008x128xf32, #tpu.memory_space<vmem_shared>>)
        tpu.yield
      }) : () -> ()
      %dma_start3A_94 = arith.constant 6 : i32
      %dma_start3A_95 = arith.constant 0 : i32
      %dma_start3A_96 = tpu.memref_slice %arg6[%dma_start3A_94, %dma_start3A_95] : memref<8x128xi32, #tpu.memory_space<vmem>> -> memref<1x128xi32, #tpu.memory_space<vmem>>
      %dma_start3A_97 = tpu.memref_squeeze %dma_start3A_96 : memref<1x128xi32, #tpu.memory_space<vmem>> -> memref<128xi32, #tpu.memory_space<vmem>>
      %dma_start3A_98 = arith.constant 0 : i32
      %dma_start3A_99 = arith.constant 0 : i32
      %dma_start3A_100 = tpu.memref_slice %arg2[%dma_start3A_98, %dma_start3A_99] : memref<10000x128xf32, #tpu.memory_space<hbm>> -> memref<10000x128xf32, #tpu.memory_space<hbm>>
      tpu.enqueue_indirect_dma source(%dma_start3A_100 : memref<10000x128xf32, #tpu.memory_space<hbm>>) target(%arg10 : memref<128x128xf32, #tpu.memory_space<vmem>>) offsets(%dma_start3A_97 : memref<128xi32, #tpu.memory_space<vmem>>) semaphore(%arg13 : memref<!tpu.dma_semaphore, #tpu.memory_space<semaphore_mem>>)
      %dma_wait3A_101 = arith.constant 5 : i32
      %dma_wait3A_102 = arith.constant 0 : i32
      %dma_wait3A_103 = tpu.memref_slice %arg6[%dma_wait3A_101, %dma_wait3A_102] : memref<8x128xi32, #tpu.memory_space<vmem>> -> memref<1x128xi32, #tpu.memory_space<vmem>>
      %dma_wait3A_104 = tpu.memref_squeeze %dma_wait3A_103 : memref<1x128xi32, #tpu.memory_space<vmem>> -> memref<128xi32, #tpu.memory_space<vmem>>
      %dma_wait3A_105 = arith.constant 0 : i32
      %dma_wait3A_106 = arith.constant 0 : i32
      %dma_wait3A_107 = tpu.memref_slice %arg2[%dma_wait3A_105, %dma_wait3A_106] : memref<10000x128xf32, #tpu.memory_space<hbm>> -> memref<10000x128xf32, #tpu.memory_space<hbm>>
      tpu.wait_indirect_dma semaphore(%arg14 : memref<!tpu.dma_semaphore, #tpu.memory_space<semaphore_mem>>) src(%dma_wait3A_107 : memref<10000x128xf32, #tpu.memory_space<hbm>>) dst(%arg11 : memref<128x128xf32, #tpu.memory_space<vmem>>)
      %run_scoped3A_108 = arith.constant 5 : i32
      "tpu.region"() ({
        %run_scoped3A_288 = tpu.sem_alloc : memref<!tpu.dma_semaphore, #tpu.memory_space<semaphore_mem>>
        %dma_start3A_289 = arith.constant 0 : i32
        %dma_start3A_290 = tpu.memref_slice %arg7[%run_scoped3A_108, %dma_start3A_289] : memref<8x128xi32, #tpu.memory_space<vmem>> -> memref<1x128xi32, #tpu.memory_space<vmem>>
        %dma_start3A_291 = tpu.memref_squeeze %dma_start3A_290 : memref<1x128xi32, #tpu.memory_space<vmem>> -> memref<128xi32, #tpu.memory_space<vmem>>
        %dma_start3A_292 = arith.constant 0 : i32
        %dma_start3A_293 = arith.constant 0 : i32
        %dma_start3A_294 = tpu.memref_slice %arg12[%dma_start3A_292, %dma_start3A_293] : memref<10008x128xf32, #tpu.memory_space<vmem_shared>> -> memref<10008x128xf32, #tpu.memory_space<vmem_shared>>
        tpu.enqueue_indirect_dma source(%arg11 : memref<128x128xf32, #tpu.memory_space<vmem>>) target(%dma_start3A_294 : memref<10008x128xf32, #tpu.memory_space<vmem_shared>>) offsets(%dma_start3A_291 : memref<128xi32, #tpu.memory_space<vmem>>) semaphore(%run_scoped3A_288 : memref<!tpu.dma_semaphore, #tpu.memory_space<semaphore_mem>>) {add = true}
        %dma_wait3A_295 = arith.constant 0 : i32
        %dma_wait3A_296 = tpu.memref_slice %arg7[%run_scoped3A_108, %dma_wait3A_295] : memref<8x128xi32, #tpu.memory_space<vmem>> -> memref<1x128xi32, #tpu.memory_space<vmem>>
        %dma_wait3A_297 = tpu.memref_squeeze %dma_wait3A_296 : memref<1x128xi32, #tpu.memory_space<vmem>> -> memref<128xi32, #tpu.memory_space<vmem>>
        %dma_wait3A_298 = arith.constant 0 : i32
        %dma_wait3A_299 = arith.constant 0 : i32
        %dma_wait3A_300 = tpu.memref_slice %arg12[%dma_wait3A_298, %dma_wait3A_299] : memref<10008x128xf32, #tpu.memory_space<vmem_shared>> -> memref<10008x128xf32, #tpu.memory_space<vmem_shared>>
        tpu.wait_indirect_dma semaphore(%run_scoped3A_288 : memref<!tpu.dma_semaphore, #tpu.memory_space<semaphore_mem>>) src(%arg11 : memref<128x128xf32, #tpu.memory_space<vmem>>) dst(%dma_wait3A_300 : memref<10008x128xf32, #tpu.memory_space<vmem_shared>>)
        tpu.yield
      }) : () -> ()
      %dma_start3A_109 = arith.constant 7 : i32
      %dma_start3A_110 = arith.constant 0 : i32
      %dma_start3A_111 = tpu.memref_slice %arg6[%dma_start3A_109, %dma_start3A_110] : memref<8x128xi32, #tpu.memory_space<vmem>> -> memref<1x128xi32, #tpu.memory_space<vmem>>
      %dma_start3A_112 = tpu.memref_squeeze %dma_start3A_111 : memref<1x128xi32, #tpu.memory_space<vmem>> -> memref<128xi32, #tpu.memory_space<vmem>>
      %dma_start3A_113 = arith.constant 0 : i32
      %dma_start3A_114 = arith.constant 0 : i32
      %dma_start3A_115 = tpu.memref_slice %arg2[%dma_start3A_113, %dma_start3A_114] : memref<10000x128xf32, #tpu.memory_space<hbm>> -> memref<10000x128xf32, #tpu.memory_space<hbm>>
      tpu.enqueue_indirect_dma source(%dma_start3A_115 : memref<10000x128xf32, #tpu.memory_space<hbm>>) target(%arg11 : memref<128x128xf32, #tpu.memory_space<vmem>>) offsets(%dma_start3A_112 : memref<128xi32, #tpu.memory_space<vmem>>) semaphore(%arg14 : memref<!tpu.dma_semaphore, #tpu.memory_space<semaphore_mem>>)
      %ge3A = arith.constant 1 : i32
      %ge3A_116 = arith.cmpi sge, %mul3A_27, %ge3A : i32
      %lt3A = arith.constant 9 : i32
      %lt3A_117 = arith.cmpi slt, %mul3A_27, %lt3A : i32
      %and3A = arith.andi %ge3A_116, %lt3A_117 : i1
      %convert_element_type3A_118 = arith.extui %and3A : i1 to i32
      %cond3A_119 = arith.constant 0 : i32
      %cond3A_120 = arith.cmpi ne, %convert_element_type3A_118, %cond3A_119 : i32
      scf.if %cond3A_120 {
        %dma_wait3A_288 = arith.constant 0 : i32
        %dma_wait3A_289 = arith.constant 0 : i32
        %dma_wait3A_290 = arith.constant 0 : i32
        %dma_wait3A_291 = tpu.memref_slice %arg3[%arg0, %dma_wait3A_288, %dma_wait3A_289, %dma_wait3A_290] : memref<2x16x80x128xi32, #tpu.memory_space<hbm>> -> memref<1x16x80x128xi32, #tpu.memory_space<hbm>>
        %dma_wait3A_292 = tpu.memref_squeeze %dma_wait3A_291 : memref<1x16x80x128xi32, #tpu.memory_space<hbm>> -> memref<16x80x128xi32, #tpu.memory_space<hbm>>
        %dma_wait3A_293 = arith.constant 0 : i32
        %dma_wait3A_294 = arith.constant 0 : i32
        %dma_wait3A_295 = tpu.memref_slice %dma_wait3A_292[%arg1, %dma_wait3A_293, %dma_wait3A_294] : memref<16x80x128xi32, #tpu.memory_space<hbm>> -> memref<1x80x128xi32, #tpu.memory_space<hbm>>
        %dma_wait3A_296 = tpu.memref_squeeze %dma_wait3A_295 : memref<1x80x128xi32, #tpu.memory_space<hbm>> -> memref<80x128xi32, #tpu.memory_space<hbm>>
        %dma_wait3A_297 = arith.constant 0 : i32
        %dma_wait3A_298 = arith.constant 0 : i32
        %dma_wait3A_299 = tpu.memref_slice %dma_wait3A_296[%dma_wait3A_297, %dma_wait3A_298] : memref<80x128xi32, #tpu.memory_space<hbm>> -> memref<8x128xi32, #tpu.memory_space<hbm>>
        %dma_wait3A_300 = arith.constant 0 : i32
        %dma_wait3A_301 = arith.constant 0 : i32
        %dma_wait3A_302 = arith.constant 0 : i32
        %dma_wait3A_303 = tpu.memref_slice %arg3[%arg0, %dma_wait3A_300, %dma_wait3A_301, %dma_wait3A_302] : memref<2x16x80x128xi32, #tpu.memory_space<hbm>> -> memref<1x16x80x128xi32, #tpu.memory_space<hbm>>
        %dma_wait3A_304 = tpu.memref_squeeze %dma_wait3A_303 : memref<1x16x80x128xi32, #tpu.memory_space<hbm>> -> memref<16x80x128xi32, #tpu.memory_space<hbm>>
        %dma_wait3A_305 = arith.constant 0 : i32
        %dma_wait3A_306 = arith.constant 0 : i32
        %dma_wait3A_307 = tpu.memref_slice %dma_wait3A_304[%arg1, %dma_wait3A_305, %dma_wait3A_306] : memref<16x80x128xi32, #tpu.memory_space<hbm>> -> memref<1x80x128xi32, #tpu.memory_space<hbm>>
        %dma_wait3A_308 = tpu.memref_squeeze %dma_wait3A_307 : memref<1x80x128xi32, #tpu.memory_space<hbm>> -> memref<80x128xi32, #tpu.memory_space<hbm>>
        %dma_wait3A_309 = arith.constant 0 : i32
        %dma_wait3A_310 = arith.constant 0 : i32
        %dma_wait3A_311 = tpu.memref_slice %dma_wait3A_308[%dma_wait3A_309, %dma_wait3A_310] : memref<80x128xi32, #tpu.memory_space<hbm>> -> memref<8x128xi32, #tpu.memory_space<hbm>>
        tpu.wait_dma2 semaphore(%arg15 : memref<!tpu.dma_semaphore, #tpu.memory_space<semaphore_mem>>) src(%dma_wait3A_311 : memref<8x128xi32, #tpu.memory_space<hbm>>) dst(%arg8 : memref<8x128xi32, #tpu.memory_space<vmem>>)
        %dma_wait3A_312 = arith.constant 0 : i32
        %dma_wait3A_313 = arith.constant 0 : i32
        %dma_wait3A_314 = arith.constant 0 : i32
        %dma_wait3A_315 = tpu.memref_slice %arg4[%arg0, %dma_wait3A_312, %dma_wait3A_313, %dma_wait3A_314] : memref<2x16x80x128xi32, #tpu.memory_space<hbm>> -> memref<1x16x80x128xi32, #tpu.memory_space<hbm>>
        %dma_wait3A_316 = tpu.memref_squeeze %dma_wait3A_315 : memref<1x16x80x128xi32, #tpu.memory_space<hbm>> -> memref<16x80x128xi32, #tpu.memory_space<hbm>>
        %dma_wait3A_317 = arith.constant 0 : i32
        %dma_wait3A_318 = arith.constant 0 : i32
        %dma_wait3A_319 = tpu.memref_slice %dma_wait3A_316[%arg1, %dma_wait3A_317, %dma_wait3A_318] : memref<16x80x128xi32, #tpu.memory_space<hbm>> -> memref<1x80x128xi32, #tpu.memory_space<hbm>>
        %dma_wait3A_320 = tpu.memref_squeeze %dma_wait3A_319 : memref<1x80x128xi32, #tpu.memory_space<hbm>> -> memref<80x128xi32, #tpu.memory_space<hbm>>
        %dma_wait3A_321 = arith.constant 0 : i32
        %dma_wait3A_322 = arith.constant 0 : i32
        %dma_wait3A_323 = tpu.memref_slice %dma_wait3A_320[%dma_wait3A_321, %dma_wait3A_322] : memref<80x128xi32, #tpu.memory_space<hbm>> -> memref<8x128xi32, #tpu.memory_space<hbm>>
        %dma_wait3A_324 = arith.constant 0 : i32
        %dma_wait3A_325 = arith.constant 0 : i32
        %dma_wait3A_326 = arith.constant 0 : i32
        %dma_wait3A_327 = tpu.memref_slice %arg4[%arg0, %dma_wait3A_324, %dma_wait3A_325, %dma_wait3A_326] : memref<2x16x80x128xi32, #tpu.memory_space<hbm>> -> memref<1x16x80x128xi32, #tpu.memory_space<hbm>>
        %dma_wait3A_328 = tpu.memref_squeeze %dma_wait3A_327 : memref<1x16x80x128xi32, #tpu.memory_space<hbm>> -> memref<16x80x128xi32, #tpu.memory_space<hbm>>
        %dma_wait3A_329 = arith.constant 0 : i32
        %dma_wait3A_330 = arith.constant 0 : i32
        %dma_wait3A_331 = tpu.memref_slice %dma_wait3A_328[%arg1, %dma_wait3A_329, %dma_wait3A_330] : memref<16x80x128xi32, #tpu.memory_space<hbm>> -> memref<1x80x128xi32, #tpu.memory_space<hbm>>
        %dma_wait3A_332 = tpu.memref_squeeze %dma_wait3A_331 : memref<1x80x128xi32, #tpu.memory_space<hbm>> -> memref<80x128xi32, #tpu.memory_space<hbm>>
        %dma_wait3A_333 = arith.constant 0 : i32
        %dma_wait3A_334 = arith.constant 0 : i32
        %dma_wait3A_335 = tpu.memref_slice %dma_wait3A_332[%dma_wait3A_333, %dma_wait3A_334] : memref<80x128xi32, #tpu.memory_space<hbm>> -> memref<8x128xi32, #tpu.memory_space<hbm>>
        tpu.wait_dma2 semaphore(%arg15 : memref<!tpu.dma_semaphore, #tpu.memory_space<semaphore_mem>>) src(%dma_wait3A_335 : memref<8x128xi32, #tpu.memory_space<hbm>>) dst(%arg9 : memref<8x128xi32, #tpu.memory_space<vmem>>)
      } else {
      }
      %dma_wait3A_121 = arith.constant 6 : i32
      %dma_wait3A_122 = arith.constant 0 : i32
      %dma_wait3A_123 = tpu.memref_slice %arg6[%dma_wait3A_121, %dma_wait3A_122] : memref<8x128xi32, #tpu.memory_space<vmem>> -> memref<1x128xi32, #tpu.memory_space<vmem>>
      %dma_wait3A_124 = tpu.memref_squeeze %dma_wait3A_123 : memref<1x128xi32, #tpu.memory_space<vmem>> -> memref<128xi32, #tpu.memory_space<vmem>>
      %dma_wait3A_125 = arith.constant 0 : i32
      %dma_wait3A_126 = arith.constant 0 : i32
      %dma_wait3A_127 = tpu.memref_slice %arg2[%dma_wait3A_125, %dma_wait3A_126] : memref<10000x128xf32, #tpu.memory_space<hbm>> -> memref<10000x128xf32, #tpu.memory_space<hbm>>
      tpu.wait_indirect_dma semaphore(%arg13 : memref<!tpu.dma_semaphore, #tpu.memory_space<semaphore_mem>>) src(%dma_wait3A_127 : memref<10000x128xf32, #tpu.memory_space<hbm>>) dst(%arg10 : memref<128x128xf32, #tpu.memory_space<vmem>>)
      %run_scoped3A_128 = arith.constant 6 : i32
      "tpu.region"() ({
        %run_scoped3A_288 = tpu.sem_alloc : memref<!tpu.dma_semaphore, #tpu.memory_space<semaphore_mem>>
        %dma_start3A_289 = arith.constant 0 : i32
        %dma_start3A_290 = tpu.memref_slice %arg7[%run_scoped3A_128, %dma_start3A_289] : memref<8x128xi32, #tpu.memory_space<vmem>> -> memref<1x128xi32, #tpu.memory_space<vmem>>
        %dma_start3A_291 = tpu.memref_squeeze %dma_start3A_290 : memref<1x128xi32, #tpu.memory_space<vmem>> -> memref<128xi32, #tpu.memory_space<vmem>>
        %dma_start3A_292 = arith.constant 0 : i32
        %dma_start3A_293 = arith.constant 0 : i32
        %dma_start3A_294 = tpu.memref_slice %arg12[%dma_start3A_292, %dma_start3A_293] : memref<10008x128xf32, #tpu.memory_space<vmem_shared>> -> memref<10008x128xf32, #tpu.memory_space<vmem_shared>>
        tpu.enqueue_indirect_dma source(%arg10 : memref<128x128xf32, #tpu.memory_space<vmem>>) target(%dma_start3A_294 : memref<10008x128xf32, #tpu.memory_space<vmem_shared>>) offsets(%dma_start3A_291 : memref<128xi32, #tpu.memory_space<vmem>>) semaphore(%run_scoped3A_288 : memref<!tpu.dma_semaphore, #tpu.memory_space<semaphore_mem>>) {add = true}
        %dma_wait3A_295 = arith.constant 0 : i32
        %dma_wait3A_296 = tpu.memref_slice %arg7[%run_scoped3A_128, %dma_wait3A_295] : memref<8x128xi32, #tpu.memory_space<vmem>> -> memref<1x128xi32, #tpu.memory_space<vmem>>
        %dma_wait3A_297 = tpu.memref_squeeze %dma_wait3A_296 : memref<1x128xi32, #tpu.memory_space<vmem>> -> memref<128xi32, #tpu.memory_space<vmem>>
        %dma_wait3A_298 = arith.constant 0 : i32
        %dma_wait3A_299 = arith.constant 0 : i32
        %dma_wait3A_300 = tpu.memref_slice %arg12[%dma_wait3A_298, %dma_wait3A_299] : memref<10008x128xf32, #tpu.memory_space<vmem_shared>> -> memref<10008x128xf32, #tpu.memory_space<vmem_shared>>
        tpu.wait_indirect_dma semaphore(%run_scoped3A_288 : memref<!tpu.dma_semaphore, #tpu.memory_space<semaphore_mem>>) src(%arg10 : memref<128x128xf32, #tpu.memory_space<vmem>>) dst(%dma_wait3A_300 : memref<10008x128xf32, #tpu.memory_space<vmem_shared>>)
        tpu.yield
      }) : () -> ()
      %lt3A_129 = arith.constant 9 : i32
      %lt3A_130 = arith.cmpi slt, %mul3A_27, %lt3A_129 : i32
      %convert_element_type3A_131 = arith.extui %lt3A_130 : i1 to i32
      %cond3A_132 = arith.constant 0 : i32
      %cond3A_133 = arith.cmpi ne, %convert_element_type3A_131, %cond3A_132 : i32
      scf.if %cond3A_133 {
        %dma_start3A_288 = arith.constant 0 : i32
        %dma_start3A_289 = arith.constant 0 : i32
        %dma_start3A_290 = tpu.memref_slice %arg8[%dma_start3A_288, %dma_start3A_289] : memref<8x128xi32, #tpu.memory_space<vmem>> -> memref<1x128xi32, #tpu.memory_space<vmem>>
        %dma_start3A_291 = tpu.memref_squeeze %dma_start3A_290 : memref<1x128xi32, #tpu.memory_space<vmem>> -> memref<128xi32, #tpu.memory_space<vmem>>
        %dma_start3A_292 = arith.constant 0 : i32
        %dma_start3A_293 = arith.constant 0 : i32
        %dma_start3A_294 = tpu.memref_slice %arg2[%dma_start3A_292, %dma_start3A_293] : memref<10000x128xf32, #tpu.memory_space<hbm>> -> memref<10000x128xf32, #tpu.memory_space<hbm>>
        tpu.enqueue_indirect_dma source(%dma_start3A_294 : memref<10000x128xf32, #tpu.memory_space<hbm>>) target(%arg10 : memref<128x128xf32, #tpu.memory_space<vmem>>) offsets(%dma_start3A_291 : memref<128xi32, #tpu.memory_space<vmem>>) semaphore(%arg13 : memref<!tpu.dma_semaphore, #tpu.memory_space<semaphore_mem>>)
      } else {
      }
      %dma_wait3A_134 = arith.constant 7 : i32
      %dma_wait3A_135 = arith.constant 0 : i32
      %dma_wait3A_136 = tpu.memref_slice %arg6[%dma_wait3A_134, %dma_wait3A_135] : memref<8x128xi32, #tpu.memory_space<vmem>> -> memref<1x128xi32, #tpu.memory_space<vmem>>
      %dma_wait3A_137 = tpu.memref_squeeze %dma_wait3A_136 : memref<1x128xi32, #tpu.memory_space<vmem>> -> memref<128xi32, #tpu.memory_space<vmem>>
      %dma_wait3A_138 = arith.constant 0 : i32
      %dma_wait3A_139 = arith.constant 0 : i32
      %dma_wait3A_140 = tpu.memref_slice %arg2[%dma_wait3A_138, %dma_wait3A_139] : memref<10000x128xf32, #tpu.memory_space<hbm>> -> memref<10000x128xf32, #tpu.memory_space<hbm>>
      tpu.wait_indirect_dma semaphore(%arg14 : memref<!tpu.dma_semaphore, #tpu.memory_space<semaphore_mem>>) src(%dma_wait3A_140 : memref<10000x128xf32, #tpu.memory_space<hbm>>) dst(%arg11 : memref<128x128xf32, #tpu.memory_space<vmem>>)
      %run_scoped3A_141 = arith.constant 7 : i32
      "tpu.region"() ({
        %run_scoped3A_288 = tpu.sem_alloc : memref<!tpu.dma_semaphore, #tpu.memory_space<semaphore_mem>>
        %dma_start3A_289 = arith.constant 0 : i32
        %dma_start3A_290 = tpu.memref_slice %arg7[%run_scoped3A_141, %dma_start3A_289] : memref<8x128xi32, #tpu.memory_space<vmem>> -> memref<1x128xi32, #tpu.memory_space<vmem>>
        %dma_start3A_291 = tpu.memref_squeeze %dma_start3A_290 : memref<1x128xi32, #tpu.memory_space<vmem>> -> memref<128xi32, #tpu.memory_space<vmem>>
        %dma_start3A_292 = arith.constant 0 : i32
        %dma_start3A_293 = arith.constant 0 : i32
        %dma_start3A_294 = tpu.memref_slice %arg12[%dma_start3A_292, %dma_start3A_293] : memref<10008x128xf32, #tpu.memory_space<vmem_shared>> -> memref<10008x128xf32, #tpu.memory_space<vmem_shared>>
        tpu.enqueue_indirect_dma source(%arg11 : memref<128x128xf32, #tpu.memory_space<vmem>>) target(%dma_start3A_294 : memref<10008x128xf32, #tpu.memory_space<vmem_shared>>) offsets(%dma_start3A_291 : memref<128xi32, #tpu.memory_space<vmem>>) semaphore(%run_scoped3A_288 : memref<!tpu.dma_semaphore, #tpu.memory_space<semaphore_mem>>) {add = true}
        %dma_wait3A_295 = arith.constant 0 : i32
        %dma_wait3A_296 = tpu.memref_slice %arg7[%run_scoped3A_141, %dma_wait3A_295] : memref<8x128xi32, #tpu.memory_space<vmem>> -> memref<1x128xi32, #tpu.memory_space<vmem>>
        %dma_wait3A_297 = tpu.memref_squeeze %dma_wait3A_296 : memref<1x128xi32, #tpu.memory_space<vmem>> -> memref<128xi32, #tpu.memory_space<vmem>>
        %dma_wait3A_298 = arith.constant 0 : i32
        %dma_wait3A_299 = arith.constant 0 : i32
        %dma_wait3A_300 = tpu.memref_slice %arg12[%dma_wait3A_298, %dma_wait3A_299] : memref<10008x128xf32, #tpu.memory_space<vmem_shared>> -> memref<10008x128xf32, #tpu.memory_space<vmem_shared>>
        tpu.wait_indirect_dma semaphore(%run_scoped3A_288 : memref<!tpu.dma_semaphore, #tpu.memory_space<semaphore_mem>>) src(%arg11 : memref<128x128xf32, #tpu.memory_space<vmem>>) dst(%dma_wait3A_300 : memref<10008x128xf32, #tpu.memory_space<vmem_shared>>)
        tpu.yield
      }) : () -> ()
      %lt3A_142 = arith.constant 9 : i32
      %lt3A_143 = arith.cmpi slt, %mul3A_27, %lt3A_142 : i32
      %convert_element_type3A_144 = arith.extui %lt3A_143 : i1 to i32
      %cond3A_145 = arith.constant 0 : i32
      %cond3A_146 = arith.cmpi ne, %convert_element_type3A_144, %cond3A_145 : i32
      scf.if %cond3A_146 {
        %dma_start3A_288 = arith.constant 1 : i32
        %dma_start3A_289 = arith.constant 0 : i32
        %dma_start3A_290 = tpu.memref_slice %arg8[%dma_start3A_288, %dma_start3A_289] : memref<8x128xi32, #tpu.memory_space<vmem>> -> memref<1x128xi32, #tpu.memory_space<vmem>>
        %dma_start3A_291 = tpu.memref_squeeze %dma_start3A_290 : memref<1x128xi32, #tpu.memory_space<vmem>> -> memref<128xi32, #tpu.memory_space<vmem>>
        %dma_start3A_292 = arith.constant 0 : i32
        %dma_start3A_293 = arith.constant 0 : i32
        %dma_start3A_294 = tpu.memref_slice %arg2[%dma_start3A_292, %dma_start3A_293] : memref<10000x128xf32, #tpu.memory_space<hbm>> -> memref<10000x128xf32, #tpu.memory_space<hbm>>
        tpu.enqueue_indirect_dma source(%dma_start3A_294 : memref<10000x128xf32, #tpu.memory_space<hbm>>) target(%arg11 : memref<128x128xf32, #tpu.memory_space<vmem>>) offsets(%dma_start3A_291 : memref<128xi32, #tpu.memory_space<vmem>>) semaphore(%arg14 : memref<!tpu.dma_semaphore, #tpu.memory_space<semaphore_mem>>)
      } else {
      }
      %add3A = arith.constant 2 : i32
      %add3A_147 = arith.addi %mul3A_27, %add3A : i32
      %lt3A_148 = arith.constant 10 : i32
      %lt3A_149 = arith.cmpi slt, %add3A_147, %lt3A_148 : i32
      %convert_element_type3A_150 = arith.extui %lt3A_149 : i1 to i32
      %cond3A_151 = arith.constant 0 : i32
      %cond3A_152 = arith.cmpi ne, %convert_element_type3A_150, %cond3A_151 : i32
      scf.if %cond3A_152 {
        %add3A_288 = arith.constant 2 : i32
        %add3A_289 = arith.addi %mul3A_27, %add3A_288 : i32
        %mul3A_290 = arith.constant 8 : i32
        %mul3A_291 = arith.muli %add3A_289, %mul3A_290 : i32
        %multiple_of3A_292 = tpu.assume_multiple %mul3A_291, 8 : i32
        %dma_start3A_293 = arith.constant 0 : i32
        %dma_start3A_294 = arith.constant 0 : i32
        %dma_start3A_295 = arith.constant 0 : i32
        %dma_start3A_296 = tpu.memref_slice %arg3[%arg0, %dma_start3A_293, %dma_start3A_294, %dma_start3A_295] : memref<2x16x80x128xi32, #tpu.memory_space<hbm>> -> memref<1x16x80x128xi32, #tpu.memory_space<hbm>>
        %dma_start3A_297 = tpu.memref_squeeze %dma_start3A_296 : memref<1x16x80x128xi32, #tpu.memory_space<hbm>> -> memref<16x80x128xi32, #tpu.memory_space<hbm>>
        %dma_start3A_298 = arith.constant 0 : i32
        %dma_start3A_299 = arith.constant 0 : i32
        %dma_start3A_300 = tpu.memref_slice %dma_start3A_297[%arg1, %dma_start3A_298, %dma_start3A_299] : memref<16x80x128xi32, #tpu.memory_space<hbm>> -> memref<1x80x128xi32, #tpu.memory_space<hbm>>
        %dma_start3A_301 = tpu.memref_squeeze %dma_start3A_300 : memref<1x80x128xi32, #tpu.memory_space<hbm>> -> memref<80x128xi32, #tpu.memory_space<hbm>>
        %dma_start3A_302 = arith.constant 0 : i32
        %dma_start3A_303 = tpu.memref_slice %dma_start3A_301[%multiple_of3A_292, %dma_start3A_302] : memref<80x128xi32, #tpu.memory_space<hbm>> -> memref<8x128xi32, #tpu.memory_space<hbm>>
        %dma_start3A_304 = arith.constant 0 : i32
        %dma_start3A_305 = arith.constant 0 : i32
        %dma_start3A_306 = arith.constant 0 : i32
        %dma_start3A_307 = tpu.memref_slice %arg3[%arg0, %dma_start3A_304, %dma_start3A_305, %dma_start3A_306] : memref<2x16x80x128xi32, #tpu.memory_space<hbm>> -> memref<1x16x80x128xi32, #tpu.memory_space<hbm>>
        %dma_start3A_308 = tpu.memref_squeeze %dma_start3A_307 : memref<1x16x80x128xi32, #tpu.memory_space<hbm>> -> memref<16x80x128xi32, #tpu.memory_space<hbm>>
        %dma_start3A_309 = arith.constant 0 : i32
        %dma_start3A_310 = arith.constant 0 : i32
        %dma_start3A_311 = tpu.memref_slice %dma_start3A_308[%arg1, %dma_start3A_309, %dma_start3A_310] : memref<16x80x128xi32, #tpu.memory_space<hbm>> -> memref<1x80x128xi32, #tpu.memory_space<hbm>>
        %dma_start3A_312 = tpu.memref_squeeze %dma_start3A_311 : memref<1x80x128xi32, #tpu.memory_space<hbm>> -> memref<80x128xi32, #tpu.memory_space<hbm>>
        %dma_start3A_313 = arith.constant 0 : i32
        %dma_start3A_314 = tpu.memref_slice %dma_start3A_312[%multiple_of3A_292, %dma_start3A_313] : memref<80x128xi32, #tpu.memory_space<hbm>> -> memref<8x128xi32, #tpu.memory_space<hbm>>
        tpu.enqueue_dma source(%dma_start3A_314 : memref<8x128xi32, #tpu.memory_space<hbm>>) target(%arg6 : memref<8x128xi32, #tpu.memory_space<vmem>>) target_semaphore(%arg15 : memref<!tpu.dma_semaphore, #tpu.memory_space<semaphore_mem>>)
        %dma_start3A_315 = arith.constant 0 : i32
        %dma_start3A_316 = arith.constant 0 : i32
        %dma_start3A_317 = arith.constant 0 : i32
        %dma_start3A_318 = tpu.memref_slice %arg4[%arg0, %dma_start3A_315, %dma_start3A_316, %dma_start3A_317] : memref<2x16x80x128xi32, #tpu.memory_space<hbm>> -> memref<1x16x80x128xi32, #tpu.memory_space<hbm>>
        %dma_start3A_319 = tpu.memref_squeeze %dma_start3A_318 : memref<1x16x80x128xi32, #tpu.memory_space<hbm>> -> memref<16x80x128xi32, #tpu.memory_space<hbm>>
        %dma_start3A_320 = arith.constant 0 : i32
        %dma_start3A_321 = arith.constant 0 : i32
        %dma_start3A_322 = tpu.memref_slice %dma_start3A_319[%arg1, %dma_start3A_320, %dma_start3A_321] : memref<16x80x128xi32, #tpu.memory_space<hbm>> -> memref<1x80x128xi32, #tpu.memory_space<hbm>>
        %dma_start3A_323 = tpu.memref_squeeze %dma_start3A_322 : memref<1x80x128xi32, #tpu.memory_space<hbm>> -> memref<80x128xi32, #tpu.memory_space<hbm>>
        %dma_start3A_324 = arith.constant 0 : i32
        %dma_start3A_325 = tpu.memref_slice %dma_start3A_323[%multiple_of3A_292, %dma_start3A_324] : memref<80x128xi32, #tpu.memory_space<hbm>> -> memref<8x128xi32, #tpu.memory_space<hbm>>
        %dma_start3A_326 = arith.constant 0 : i32
        %dma_start3A_327 = arith.constant 0 : i32
        %dma_start3A_328 = arith.constant 0 : i32
        %dma_start3A_329 = tpu.memref_slice %arg4[%arg0, %dma_start3A_326, %dma_start3A_327, %dma_start3A_328] : memref<2x16x80x128xi32, #tpu.memory_space<hbm>> -> memref<1x16x80x128xi32, #tpu.memory_space<hbm>>
        %dma_start3A_330 = tpu.memref_squeeze %dma_start3A_329 : memref<1x16x80x128xi32, #tpu.memory_space<hbm>> -> memref<16x80x128xi32, #tpu.memory_space<hbm>>
        %dma_start3A_331 = arith.constant 0 : i32
        %dma_start3A_332 = arith.constant 0 : i32
        %dma_start3A_333 = tpu.memref_slice %dma_start3A_330[%arg1, %dma_start3A_331, %dma_start3A_332] : memref<16x80x128xi32, #tpu.memory_space<hbm>> -> memref<1x80x128xi32, #tpu.memory_space<hbm>>
        %dma_start3A_334 = tpu.memref_squeeze %dma_start3A_333 : memref<1x80x128xi32, #tpu.memory_space<hbm>> -> memref<80x128xi32, #tpu.memory_space<hbm>>
        %dma_start3A_335 = arith.constant 0 : i32
        %dma_start3A_336 = tpu.memref_slice %dma_start3A_334[%multiple_of3A_292, %dma_start3A_335] : memref<80x128xi32, #tpu.memory_space<hbm>> -> memref<8x128xi32, #tpu.memory_space<hbm>>
        tpu.enqueue_dma source(%dma_start3A_336 : memref<8x128xi32, #tpu.memory_space<hbm>>) target(%arg7 : memref<8x128xi32, #tpu.memory_space<vmem>>) target_semaphore(%arg15 : memref<!tpu.dma_semaphore, #tpu.memory_space<semaphore_mem>>)
      } else {
      }
      %mul3A_153 = arith.constant 2 : i32
      %mul3A_154 = arith.muli %mul3A_153, %scan3A_25 : i32
      %add3A_155 = arith.constant 1 : i32
      %add3A_156 = arith.addi %mul3A_154, %add3A_155 : i32
      %dma_wait3A_157 = arith.constant 0 : i32
      %dma_wait3A_158 = arith.constant 0 : i32
      %dma_wait3A_159 = tpu.memref_slice %arg8[%dma_wait3A_157, %dma_wait3A_158] : memref<8x128xi32, #tpu.memory_space<vmem>> -> memref<1x128xi32, #tpu.memory_space<vmem>>
      %dma_wait3A_160 = tpu.memref_squeeze %dma_wait3A_159 : memref<1x128xi32, #tpu.memory_space<vmem>> -> memref<128xi32, #tpu.memory_space<vmem>>
      %dma_wait3A_161 = arith.constant 0 : i32
      %dma_wait3A_162 = arith.constant 0 : i32
      %dma_wait3A_163 = tpu.memref_slice %arg2[%dma_wait3A_161, %dma_wait3A_162] : memref<10000x128xf32, #tpu.memory_space<hbm>> -> memref<10000x128xf32, #tpu.memory_space<hbm>>
      tpu.wait_indirect_dma semaphore(%arg13 : memref<!tpu.dma_semaphore, #tpu.memory_space<semaphore_mem>>) src(%dma_wait3A_163 : memref<10000x128xf32, #tpu.memory_space<hbm>>) dst(%arg10 : memref<128x128xf32, #tpu.memory_space<vmem>>)
      %run_scoped3A_164 = arith.constant 0 : i32
      "tpu.region"() ({
        %run_scoped3A_288 = tpu.sem_alloc : memref<!tpu.dma_semaphore, #tpu.memory_space<semaphore_mem>>
        %dma_start3A_289 = arith.constant 0 : i32
        %dma_start3A_290 = tpu.memref_slice %arg9[%run_scoped3A_164, %dma_start3A_289] : memref<8x128xi32, #tpu.memory_space<vmem>> -> memref<1x128xi32, #tpu.memory_space<vmem>>
        %dma_start3A_291 = tpu.memref_squeeze %dma_start3A_290 : memref<1x128xi32, #tpu.memory_space<vmem>> -> memref<128xi32, #tpu.memory_space<vmem>>
        %dma_start3A_292 = arith.constant 0 : i32
        %dma_start3A_293 = arith.constant 0 : i32
        %dma_start3A_294 = tpu.memref_slice %arg12[%dma_start3A_292, %dma_start3A_293] : memref<10008x128xf32, #tpu.memory_space<vmem_shared>> -> memref<10008x128xf32, #tpu.memory_space<vmem_shared>>
        tpu.enqueue_indirect_dma source(%arg10 : memref<128x128xf32, #tpu.memory_space<vmem>>) target(%dma_start3A_294 : memref<10008x128xf32, #tpu.memory_space<vmem_shared>>) offsets(%dma_start3A_291 : memref<128xi32, #tpu.memory_space<vmem>>) semaphore(%run_scoped3A_288 : memref<!tpu.dma_semaphore, #tpu.memory_space<semaphore_mem>>) {add = true}
        %dma_wait3A_295 = arith.constant 0 : i32
        %dma_wait3A_296 = tpu.memref_slice %arg9[%run_scoped3A_164, %dma_wait3A_295] : memref<8x128xi32, #tpu.memory_space<vmem>> -> memref<1x128xi32, #tpu.memory_space<vmem>>
        %dma_wait3A_297 = tpu.memref_squeeze %dma_wait3A_296 : memref<1x128xi32, #tpu.memory_space<vmem>> -> memref<128xi32, #tpu.memory_space<vmem>>
        %dma_wait3A_298 = arith.constant 0 : i32
        %dma_wait3A_299 = arith.constant 0 : i32
        %dma_wait3A_300 = tpu.memref_slice %arg12[%dma_wait3A_298, %dma_wait3A_299] : memref<10008x128xf32, #tpu.memory_space<vmem_shared>> -> memref<10008x128xf32, #tpu.memory_space<vmem_shared>>
        tpu.wait_indirect_dma semaphore(%run_scoped3A_288 : memref<!tpu.dma_semaphore, #tpu.memory_space<semaphore_mem>>) src(%arg10 : memref<128x128xf32, #tpu.memory_space<vmem>>) dst(%dma_wait3A_300 : memref<10008x128xf32, #tpu.memory_space<vmem_shared>>)
        tpu.yield
      }) : () -> ()
      %dma_start3A_165 = arith.constant 2 : i32
      %dma_start3A_166 = arith.constant 0 : i32
      %dma_start3A_167 = tpu.memref_slice %arg8[%dma_start3A_165, %dma_start3A_166] : memref<8x128xi32, #tpu.memory_space<vmem>> -> memref<1x128xi32, #tpu.memory_space<vmem>>
      %dma_start3A_168 = tpu.memref_squeeze %dma_start3A_167 : memref<1x128xi32, #tpu.memory_space<vmem>> -> memref<128xi32, #tpu.memory_space<vmem>>
      %dma_start3A_169 = arith.constant 0 : i32
      %dma_start3A_170 = arith.constant 0 : i32
      %dma_start3A_171 = tpu.memref_slice %arg2[%dma_start3A_169, %dma_start3A_170] : memref<10000x128xf32, #tpu.memory_space<hbm>> -> memref<10000x128xf32, #tpu.memory_space<hbm>>
      tpu.enqueue_indirect_dma source(%dma_start3A_171 : memref<10000x128xf32, #tpu.memory_space<hbm>>) target(%arg10 : memref<128x128xf32, #tpu.memory_space<vmem>>) offsets(%dma_start3A_168 : memref<128xi32, #tpu.memory_space<vmem>>) semaphore(%arg13 : memref<!tpu.dma_semaphore, #tpu.memory_space<semaphore_mem>>)
      %dma_wait3A_172 = arith.constant 1 : i32
      %dma_wait3A_173 = arith.constant 0 : i32
      %dma_wait3A_174 = tpu.memref_slice %arg8[%dma_wait3A_172, %dma_wait3A_173] : memref<8x128xi32, #tpu.memory_space<vmem>> -> memref<1x128xi32, #tpu.memory_space<vmem>>
      %dma_wait3A_175 = tpu.memref_squeeze %dma_wait3A_174 : memref<1x128xi32, #tpu.memory_space<vmem>> -> memref<128xi32, #tpu.memory_space<vmem>>
      %dma_wait3A_176 = arith.constant 0 : i32
      %dma_wait3A_177 = arith.constant 0 : i32
      %dma_wait3A_178 = tpu.memref_slice %arg2[%dma_wait3A_176, %dma_wait3A_177] : memref<10000x128xf32, #tpu.memory_space<hbm>> -> memref<10000x128xf32, #tpu.memory_space<hbm>>
      tpu.wait_indirect_dma semaphore(%arg14 : memref<!tpu.dma_semaphore, #tpu.memory_space<semaphore_mem>>) src(%dma_wait3A_178 : memref<10000x128xf32, #tpu.memory_space<hbm>>) dst(%arg11 : memref<128x128xf32, #tpu.memory_space<vmem>>)
      %run_scoped3A_179 = arith.constant 1 : i32
      "tpu.region"() ({
        %run_scoped3A_288 = tpu.sem_alloc : memref<!tpu.dma_semaphore, #tpu.memory_space<semaphore_mem>>
        %dma_start3A_289 = arith.constant 0 : i32
        %dma_start3A_290 = tpu.memref_slice %arg9[%run_scoped3A_179, %dma_start3A_289] : memref<8x128xi32, #tpu.memory_space<vmem>> -> memref<1x128xi32, #tpu.memory_space<vmem>>
        %dma_start3A_291 = tpu.memref_squeeze %dma_start3A_290 : memref<1x128xi32, #tpu.memory_space<vmem>> -> memref<128xi32, #tpu.memory_space<vmem>>
        %dma_start3A_292 = arith.constant 0 : i32
        %dma_start3A_293 = arith.constant 0 : i32
        %dma_start3A_294 = tpu.memref_slice %arg12[%dma_start3A_292, %dma_start3A_293] : memref<10008x128xf32, #tpu.memory_space<vmem_shared>> -> memref<10008x128xf32, #tpu.memory_space<vmem_shared>>
        tpu.enqueue_indirect_dma source(%arg11 : memref<128x128xf32, #tpu.memory_space<vmem>>) target(%dma_start3A_294 : memref<10008x128xf32, #tpu.memory_space<vmem_shared>>) offsets(%dma_start3A_291 : memref<128xi32, #tpu.memory_space<vmem>>) semaphore(%run_scoped3A_288 : memref<!tpu.dma_semaphore, #tpu.memory_space<semaphore_mem>>) {add = true}
        %dma_wait3A_295 = arith.constant 0 : i32
        %dma_wait3A_296 = tpu.memref_slice %arg9[%run_scoped3A_179, %dma_wait3A_295] : memref<8x128xi32, #tpu.memory_space<vmem>> -> memref<1x128xi32, #tpu.memory_space<vmem>>
        %dma_wait3A_297 = tpu.memref_squeeze %dma_wait3A_296 : memref<1x128xi32, #tpu.memory_space<vmem>> -> memref<128xi32, #tpu.memory_space<vmem>>
        %dma_wait3A_298 = arith.constant 0 : i32
        %dma_wait3A_299 = arith.constant 0 : i32
        %dma_wait3A_300 = tpu.memref_slice %arg12[%dma_wait3A_298, %dma_wait3A_299] : memref<10008x128xf32, #tpu.memory_space<vmem_shared>> -> memref<10008x128xf32, #tpu.memory_space<vmem_shared>>
        tpu.wait_indirect_dma semaphore(%run_scoped3A_288 : memref<!tpu.dma_semaphore, #tpu.memory_space<semaphore_mem>>) src(%arg11 : memref<128x128xf32, #tpu.memory_space<vmem>>) dst(%dma_wait3A_300 : memref<10008x128xf32, #tpu.memory_space<vmem_shared>>)
        tpu.yield
      }) : () -> ()
      %dma_start3A_180 = arith.constant 3 : i32
      %dma_start3A_181 = arith.constant 0 : i32
      %dma_start3A_182 = tpu.memref_slice %arg8[%dma_start3A_180, %dma_start3A_181] : memref<8x128xi32, #tpu.memory_space<vmem>> -> memref<1x128xi32, #tpu.memory_space<vmem>>
      %dma_start3A_183 = tpu.memref_squeeze %dma_start3A_182 : memref<1x128xi32, #tpu.memory_space<vmem>> -> memref<128xi32, #tpu.memory_space<vmem>>
      %dma_start3A_184 = arith.constant 0 : i32
      %dma_start3A_185 = arith.constant 0 : i32
      %dma_start3A_186 = tpu.memref_slice %arg2[%dma_start3A_184, %dma_start3A_185] : memref<10000x128xf32, #tpu.memory_space<hbm>> -> memref<10000x128xf32, #tpu.memory_space<hbm>>
      tpu.enqueue_indirect_dma source(%dma_start3A_186 : memref<10000x128xf32, #tpu.memory_space<hbm>>) target(%arg11 : memref<128x128xf32, #tpu.memory_space<vmem>>) offsets(%dma_start3A_183 : memref<128xi32, #tpu.memory_space<vmem>>) semaphore(%arg14 : memref<!tpu.dma_semaphore, #tpu.memory_space<semaphore_mem>>)
      %dma_wait3A_187 = arith.constant 2 : i32
      %dma_wait3A_188 = arith.constant 0 : i32
      %dma_wait3A_189 = tpu.memref_slice %arg8[%dma_wait3A_187, %dma_wait3A_188] : memref<8x128xi32, #tpu.memory_space<vmem>> -> memref<1x128xi32, #tpu.memory_space<vmem>>
      %dma_wait3A_190 = tpu.memref_squeeze %dma_wait3A_189 : memref<1x128xi32, #tpu.memory_space<vmem>> -> memref<128xi32, #tpu.memory_space<vmem>>
      %dma_wait3A_191 = arith.constant 0 : i32
      %dma_wait3A_192 = arith.constant 0 : i32
      %dma_wait3A_193 = tpu.memref_slice %arg2[%dma_wait3A_191, %dma_wait3A_192] : memref<10000x128xf32, #tpu.memory_space<hbm>> -> memref<10000x128xf32, #tpu.memory_space<hbm>>
      tpu.wait_indirect_dma semaphore(%arg13 : memref<!tpu.dma_semaphore, #tpu.memory_space<semaphore_mem>>) src(%dma_wait3A_193 : memref<10000x128xf32, #tpu.memory_space<hbm>>) dst(%arg10 : memref<128x128xf32, #tpu.memory_space<vmem>>)
      %run_scoped3A_194 = arith.constant 2 : i32
      "tpu.region"() ({
        %run_scoped3A_288 = tpu.sem_alloc : memref<!tpu.dma_semaphore, #tpu.memory_space<semaphore_mem>>
        %dma_start3A_289 = arith.constant 0 : i32
        %dma_start3A_290 = tpu.memref_slice %arg9[%run_scoped3A_194, %dma_start3A_289] : memref<8x128xi32, #tpu.memory_space<vmem>> -> memref<1x128xi32, #tpu.memory_space<vmem>>
        %dma_start3A_291 = tpu.memref_squeeze %dma_start3A_290 : memref<1x128xi32, #tpu.memory_space<vmem>> -> memref<128xi32, #tpu.memory_space<vmem>>
        %dma_start3A_292 = arith.constant 0 : i32
        %dma_start3A_293 = arith.constant 0 : i32
        %dma_start3A_294 = tpu.memref_slice %arg12[%dma_start3A_292, %dma_start3A_293] : memref<10008x128xf32, #tpu.memory_space<vmem_shared>> -> memref<10008x128xf32, #tpu.memory_space<vmem_shared>>
        tpu.enqueue_indirect_dma source(%arg10 : memref<128x128xf32, #tpu.memory_space<vmem>>) target(%dma_start3A_294 : memref<10008x128xf32, #tpu.memory_space<vmem_shared>>) offsets(%dma_start3A_291 : memref<128xi32, #tpu.memory_space<vmem>>) semaphore(%run_scoped3A_288 : memref<!tpu.dma_semaphore, #tpu.memory_space<semaphore_mem>>) {add = true}
        %dma_wait3A_295 = arith.constant 0 : i32
        %dma_wait3A_296 = tpu.memref_slice %arg9[%run_scoped3A_194, %dma_wait3A_295] : memref<8x128xi32, #tpu.memory_space<vmem>> -> memref<1x128xi32, #tpu.memory_space<vmem>>
        %dma_wait3A_297 = tpu.memref_squeeze %dma_wait3A_296 : memref<1x128xi32, #tpu.memory_space<vmem>> -> memref<128xi32, #tpu.memory_space<vmem>>
        %dma_wait3A_298 = arith.constant 0 : i32
        %dma_wait3A_299 = arith.constant 0 : i32
        %dma_wait3A_300 = tpu.memref_slice %arg12[%dma_wait3A_298, %dma_wait3A_299] : memref<10008x128xf32, #tpu.memory_space<vmem_shared>> -> memref<10008x128xf32, #tpu.memory_space<vmem_shared>>
        tpu.wait_indirect_dma semaphore(%run_scoped3A_288 : memref<!tpu.dma_semaphore, #tpu.memory_space<semaphore_mem>>) src(%arg10 : memref<128x128xf32, #tpu.memory_space<vmem>>) dst(%dma_wait3A_300 : memref<10008x128xf32, #tpu.memory_space<vmem_shared>>)
        tpu.yield
      }) : () -> ()
      %dma_start3A_195 = arith.constant 4 : i32
      %dma_start3A_196 = arith.constant 0 : i32
      %dma_start3A_197 = tpu.memref_slice %arg8[%dma_start3A_195, %dma_start3A_196] : memref<8x128xi32, #tpu.memory_space<vmem>> -> memref<1x128xi32, #tpu.memory_space<vmem>>
      %dma_start3A_198 = tpu.memref_squeeze %dma_start3A_197 : memref<1x128xi32, #tpu.memory_space<vmem>> -> memref<128xi32, #tpu.memory_space<vmem>>
      %dma_start3A_199 = arith.constant 0 : i32
      %dma_start3A_200 = arith.constant 0 : i32
      %dma_start3A_201 = tpu.memref_slice %arg2[%dma_start3A_199, %dma_start3A_200] : memref<10000x128xf32, #tpu.memory_space<hbm>> -> memref<10000x128xf32, #tpu.memory_space<hbm>>
      tpu.enqueue_indirect_dma source(%dma_start3A_201 : memref<10000x128xf32, #tpu.memory_space<hbm>>) target(%arg10 : memref<128x128xf32, #tpu.memory_space<vmem>>) offsets(%dma_start3A_198 : memref<128xi32, #tpu.memory_space<vmem>>) semaphore(%arg13 : memref<!tpu.dma_semaphore, #tpu.memory_space<semaphore_mem>>)
      %dma_wait3A_202 = arith.constant 3 : i32
      %dma_wait3A_203 = arith.constant 0 : i32
      %dma_wait3A_204 = tpu.memref_slice %arg8[%dma_wait3A_202, %dma_wait3A_203] : memref<8x128xi32, #tpu.memory_space<vmem>> -> memref<1x128xi32, #tpu.memory_space<vmem>>
      %dma_wait3A_205 = tpu.memref_squeeze %dma_wait3A_204 : memref<1x128xi32, #tpu.memory_space<vmem>> -> memref<128xi32, #tpu.memory_space<vmem>>
      %dma_wait3A_206 = arith.constant 0 : i32
      %dma_wait3A_207 = arith.constant 0 : i32
      %dma_wait3A_208 = tpu.memref_slice %arg2[%dma_wait3A_206, %dma_wait3A_207] : memref<10000x128xf32, #tpu.memory_space<hbm>> -> memref<10000x128xf32, #tpu.memory_space<hbm>>
      tpu.wait_indirect_dma semaphore(%arg14 : memref<!tpu.dma_semaphore, #tpu.memory_space<semaphore_mem>>) src(%dma_wait3A_208 : memref<10000x128xf32, #tpu.memory_space<hbm>>) dst(%arg11 : memref<128x128xf32, #tpu.memory_space<vmem>>)
      %run_scoped3A_209 = arith.constant 3 : i32
      "tpu.region"() ({
        %run_scoped3A_288 = tpu.sem_alloc : memref<!tpu.dma_semaphore, #tpu.memory_space<semaphore_mem>>
        %dma_start3A_289 = arith.constant 0 : i32
        %dma_start3A_290 = tpu.memref_slice %arg9[%run_scoped3A_209, %dma_start3A_289] : memref<8x128xi32, #tpu.memory_space<vmem>> -> memref<1x128xi32, #tpu.memory_space<vmem>>
        %dma_start3A_291 = tpu.memref_squeeze %dma_start3A_290 : memref<1x128xi32, #tpu.memory_space<vmem>> -> memref<128xi32, #tpu.memory_space<vmem>>
        %dma_start3A_292 = arith.constant 0 : i32
        %dma_start3A_293 = arith.constant 0 : i32
        %dma_start3A_294 = tpu.memref_slice %arg12[%dma_start3A_292, %dma_start3A_293] : memref<10008x128xf32, #tpu.memory_space<vmem_shared>> -> memref<10008x128xf32, #tpu.memory_space<vmem_shared>>
        tpu.enqueue_indirect_dma source(%arg11 : memref<128x128xf32, #tpu.memory_space<vmem>>) target(%dma_start3A_294 : memref<10008x128xf32, #tpu.memory_space<vmem_shared>>) offsets(%dma_start3A_291 : memref<128xi32, #tpu.memory_space<vmem>>) semaphore(%run_scoped3A_288 : memref<!tpu.dma_semaphore, #tpu.memory_space<semaphore_mem>>) {add = true}
        %dma_wait3A_295 = arith.constant 0 : i32
        %dma_wait3A_296 = tpu.memref_slice %arg9[%run_scoped3A_209, %dma_wait3A_295] : memref<8x128xi32, #tpu.memory_space<vmem>> -> memref<1x128xi32, #tpu.memory_space<vmem>>
        %dma_wait3A_297 = tpu.memref_squeeze %dma_wait3A_296 : memref<1x128xi32, #tpu.memory_space<vmem>> -> memref<128xi32, #tpu.memory_space<vmem>>
        %dma_wait3A_298 = arith.constant 0 : i32
        %dma_wait3A_299 = arith.constant 0 : i32
        %dma_wait3A_300 = tpu.memref_slice %arg12[%dma_wait3A_298, %dma_wait3A_299] : memref<10008x128xf32, #tpu.memory_space<vmem_shared>> -> memref<10008x128xf32, #tpu.memory_space<vmem_shared>>
        tpu.wait_indirect_dma semaphore(%run_scoped3A_288 : memref<!tpu.dma_semaphore, #tpu.memory_space<semaphore_mem>>) src(%arg11 : memref<128x128xf32, #tpu.memory_space<vmem>>) dst(%dma_wait3A_300 : memref<10008x128xf32, #tpu.memory_space<vmem_shared>>)
        tpu.yield
      }) : () -> ()
      %dma_start3A_210 = arith.constant 5 : i32
      %dma_start3A_211 = arith.constant 0 : i32
      %dma_start3A_212 = tpu.memref_slice %arg8[%dma_start3A_210, %dma_start3A_211] : memref<8x128xi32, #tpu.memory_space<vmem>> -> memref<1x128xi32, #tpu.memory_space<vmem>>
      %dma_start3A_213 = tpu.memref_squeeze %dma_start3A_212 : memref<1x128xi32, #tpu.memory_space<vmem>> -> memref<128xi32, #tpu.memory_space<vmem>>
      %dma_start3A_214 = arith.constant 0 : i32
      %dma_start3A_215 = arith.constant 0 : i32
      %dma_start3A_216 = tpu.memref_slice %arg2[%dma_start3A_214, %dma_start3A_215] : memref<10000x128xf32, #tpu.memory_space<hbm>> -> memref<10000x128xf32, #tpu.memory_space<hbm>>
      tpu.enqueue_indirect_dma source(%dma_start3A_216 : memref<10000x128xf32, #tpu.memory_space<hbm>>) target(%arg11 : memref<128x128xf32, #tpu.memory_space<vmem>>) offsets(%dma_start3A_213 : memref<128xi32, #tpu.memory_space<vmem>>) semaphore(%arg14 : memref<!tpu.dma_semaphore, #tpu.memory_space<semaphore_mem>>)
      %dma_wait3A_217 = arith.constant 4 : i32
      %dma_wait3A_218 = arith.constant 0 : i32
      %dma_wait3A_219 = tpu.memref_slice %arg8[%dma_wait3A_217, %dma_wait3A_218] : memref<8x128xi32, #tpu.memory_space<vmem>> -> memref<1x128xi32, #tpu.memory_space<vmem>>
      %dma_wait3A_220 = tpu.memref_squeeze %dma_wait3A_219 : memref<1x128xi32, #tpu.memory_space<vmem>> -> memref<128xi32, #tpu.memory_space<vmem>>
      %dma_wait3A_221 = arith.constant 0 : i32
      %dma_wait3A_222 = arith.constant 0 : i32
      %dma_wait3A_223 = tpu.memref_slice %arg2[%dma_wait3A_221, %dma_wait3A_222] : memref<10000x128xf32, #tpu.memory_space<hbm>> -> memref<10000x128xf32, #tpu.memory_space<hbm>>
      tpu.wait_indirect_dma semaphore(%arg13 : memref<!tpu.dma_semaphore, #tpu.memory_space<semaphore_mem>>) src(%dma_wait3A_223 : memref<10000x128xf32, #tpu.memory_space<hbm>>) dst(%arg10 : memref<128x128xf32, #tpu.memory_space<vmem>>)
      %run_scoped3A_224 = arith.constant 4 : i32
      "tpu.region"() ({
        %run_scoped3A_288 = tpu.sem_alloc : memref<!tpu.dma_semaphore, #tpu.memory_space<semaphore_mem>>
        %dma_start3A_289 = arith.constant 0 : i32
        %dma_start3A_290 = tpu.memref_slice %arg9[%run_scoped3A_224, %dma_start3A_289] : memref<8x128xi32, #tpu.memory_space<vmem>> -> memref<1x128xi32, #tpu.memory_space<vmem>>
        %dma_start3A_291 = tpu.memref_squeeze %dma_start3A_290 : memref<1x128xi32, #tpu.memory_space<vmem>> -> memref<128xi32, #tpu.memory_space<vmem>>
        %dma_start3A_292 = arith.constant 0 : i32
        %dma_start3A_293 = arith.constant 0 : i32
        %dma_start3A_294 = tpu.memref_slice %arg12[%dma_start3A_292, %dma_start3A_293] : memref<10008x128xf32, #tpu.memory_space<vmem_shared>> -> memref<10008x128xf32, #tpu.memory_space<vmem_shared>>
        tpu.enqueue_indirect_dma source(%arg10 : memref<128x128xf32, #tpu.memory_space<vmem>>) target(%dma_start3A_294 : memref<10008x128xf32, #tpu.memory_space<vmem_shared>>) offsets(%dma_start3A_291 : memref<128xi32, #tpu.memory_space<vmem>>) semaphore(%run_scoped3A_288 : memref<!tpu.dma_semaphore, #tpu.memory_space<semaphore_mem>>) {add = true}
        %dma_wait3A_295 = arith.constant 0 : i32
        %dma_wait3A_296 = tpu.memref_slice %arg9[%run_scoped3A_224, %dma_wait3A_295] : memref<8x128xi32, #tpu.memory_space<vmem>> -> memref<1x128xi32, #tpu.memory_space<vmem>>
        %dma_wait3A_297 = tpu.memref_squeeze %dma_wait3A_296 : memref<1x128xi32, #tpu.memory_space<vmem>> -> memref<128xi32, #tpu.memory_space<vmem>>
        %dma_wait3A_298 = arith.constant 0 : i32
        %dma_wait3A_299 = arith.constant 0 : i32
        %dma_wait3A_300 = tpu.memref_slice %arg12[%dma_wait3A_298, %dma_wait3A_299] : memref<10008x128xf32, #tpu.memory_space<vmem_shared>> -> memref<10008x128xf32, #tpu.memory_space<vmem_shared>>
        tpu.wait_indirect_dma semaphore(%run_scoped3A_288 : memref<!tpu.dma_semaphore, #tpu.memory_space<semaphore_mem>>) src(%arg10 : memref<128x128xf32, #tpu.memory_space<vmem>>) dst(%dma_wait3A_300 : memref<10008x128xf32, #tpu.memory_space<vmem_shared>>)
        tpu.yield
      }) : () -> ()
      %dma_start3A_225 = arith.constant 6 : i32
      %dma_start3A_226 = arith.constant 0 : i32
      %dma_start3A_227 = tpu.memref_slice %arg8[%dma_start3A_225, %dma_start3A_226] : memref<8x128xi32, #tpu.memory_space<vmem>> -> memref<1x128xi32, #tpu.memory_space<vmem>>
      %dma_start3A_228 = tpu.memref_squeeze %dma_start3A_227 : memref<1x128xi32, #tpu.memory_space<vmem>> -> memref<128xi32, #tpu.memory_space<vmem>>
      %dma_start3A_229 = arith.constant 0 : i32
      %dma_start3A_230 = arith.constant 0 : i32
      %dma_start3A_231 = tpu.memref_slice %arg2[%dma_start3A_229, %dma_start3A_230] : memref<10000x128xf32, #tpu.memory_space<hbm>> -> memref<10000x128xf32, #tpu.memory_space<hbm>>
      tpu.enqueue_indirect_dma source(%dma_start3A_231 : memref<10000x128xf32, #tpu.memory_space<hbm>>) target(%arg10 : memref<128x128xf32, #tpu.memory_space<vmem>>) offsets(%dma_start3A_228 : memref<128xi32, #tpu.memory_space<vmem>>) semaphore(%arg13 : memref<!tpu.dma_semaphore, #tpu.memory_space<semaphore_mem>>)
      %dma_wait3A_232 = arith.constant 5 : i32
      %dma_wait3A_233 = arith.constant 0 : i32
      %dma_wait3A_234 = tpu.memref_slice %arg8[%dma_wait3A_232, %dma_wait3A_233] : memref<8x128xi32, #tpu.memory_space<vmem>> -> memref<1x128xi32, #tpu.memory_space<vmem>>
      %dma_wait3A_235 = tpu.memref_squeeze %dma_wait3A_234 : memref<1x128xi32, #tpu.memory_space<vmem>> -> memref<128xi32, #tpu.memory_space<vmem>>
      %dma_wait3A_236 = arith.constant 0 : i32
      %dma_wait3A_237 = arith.constant 0 : i32
      %dma_wait3A_238 = tpu.memref_slice %arg2[%dma_wait3A_236, %dma_wait3A_237] : memref<10000x128xf32, #tpu.memory_space<hbm>> -> memref<10000x128xf32, #tpu.memory_space<hbm>>
      tpu.wait_indirect_dma semaphore(%arg14 : memref<!tpu.dma_semaphore, #tpu.memory_space<semaphore_mem>>) src(%dma_wait3A_238 : memref<10000x128xf32, #tpu.memory_space<hbm>>) dst(%arg11 : memref<128x128xf32, #tpu.memory_space<vmem>>)
      %run_scoped3A_239 = arith.constant 5 : i32
      "tpu.region"() ({
        %run_scoped3A_288 = tpu.sem_alloc : memref<!tpu.dma_semaphore, #tpu.memory_space<semaphore_mem>>
        %dma_start3A_289 = arith.constant 0 : i32
        %dma_start3A_290 = tpu.memref_slice %arg9[%run_scoped3A_239, %dma_start3A_289] : memref<8x128xi32, #tpu.memory_space<vmem>> -> memref<1x128xi32, #tpu.memory_space<vmem>>
        %dma_start3A_291 = tpu.memref_squeeze %dma_start3A_290 : memref<1x128xi32, #tpu.memory_space<vmem>> -> memref<128xi32, #tpu.memory_space<vmem>>
        %dma_start3A_292 = arith.constant 0 : i32
        %dma_start3A_293 = arith.constant 0 : i32
        %dma_start3A_294 = tpu.memref_slice %arg12[%dma_start3A_292, %dma_start3A_293] : memref<10008x128xf32, #tpu.memory_space<vmem_shared>> -> memref<10008x128xf32, #tpu.memory_space<vmem_shared>>
        tpu.enqueue_indirect_dma source(%arg11 : memref<128x128xf32, #tpu.memory_space<vmem>>) target(%dma_start3A_294 : memref<10008x128xf32, #tpu.memory_space<vmem_shared>>) offsets(%dma_start3A_291 : memref<128xi32, #tpu.memory_space<vmem>>) semaphore(%run_scoped3A_288 : memref<!tpu.dma_semaphore, #tpu.memory_space<semaphore_mem>>) {add = true}
        %dma_wait3A_295 = arith.constant 0 : i32
        %dma_wait3A_296 = tpu.memref_slice %arg9[%run_scoped3A_239, %dma_wait3A_295] : memref<8x128xi32, #tpu.memory_space<vmem>> -> memref<1x128xi32, #tpu.memory_space<vmem>>
        %dma_wait3A_297 = tpu.memref_squeeze %dma_wait3A_296 : memref<1x128xi32, #tpu.memory_space<vmem>> -> memref<128xi32, #tpu.memory_space<vmem>>
        %dma_wait3A_298 = arith.constant 0 : i32
        %dma_wait3A_299 = arith.constant 0 : i32
        %dma_wait3A_300 = tpu.memref_slice %arg12[%dma_wait3A_298, %dma_wait3A_299] : memref<10008x128xf32, #tpu.memory_space<vmem_shared>> -> memref<10008x128xf32, #tpu.memory_space<vmem_shared>>
        tpu.wait_indirect_dma semaphore(%run_scoped3A_288 : memref<!tpu.dma_semaphore, #tpu.memory_space<semaphore_mem>>) src(%arg11 : memref<128x128xf32, #tpu.memory_space<vmem>>) dst(%dma_wait3A_300 : memref<10008x128xf32, #tpu.memory_space<vmem_shared>>)
        tpu.yield
      }) : () -> ()
      %dma_start3A_240 = arith.constant 7 : i32
      %dma_start3A_241 = arith.constant 0 : i32
      %dma_start3A_242 = tpu.memref_slice %arg8[%dma_start3A_240, %dma_start3A_241] : memref<8x128xi32, #tpu.memory_space<vmem>> -> memref<1x128xi32, #tpu.memory_space<vmem>>
      %dma_start3A_243 = tpu.memref_squeeze %dma_start3A_242 : memref<1x128xi32, #tpu.memory_space<vmem>> -> memref<128xi32, #tpu.memory_space<vmem>>
      %dma_start3A_244 = arith.constant 0 : i32
      %dma_start3A_245 = arith.constant 0 : i32
      %dma_start3A_246 = tpu.memref_slice %arg2[%dma_start3A_244, %dma_start3A_245] : memref<10000x128xf32, #tpu.memory_space<hbm>> -> memref<10000x128xf32, #tpu.memory_space<hbm>>
      tpu.enqueue_indirect_dma source(%dma_start3A_246 : memref<10000x128xf32, #tpu.memory_space<hbm>>) target(%arg11 : memref<128x128xf32, #tpu.memory_space<vmem>>) offsets(%dma_start3A_243 : memref<128xi32, #tpu.memory_space<vmem>>) semaphore(%arg14 : memref<!tpu.dma_semaphore, #tpu.memory_space<semaphore_mem>>)
      %ge3A_247 = arith.constant 1 : i32
      %ge3A_248 = arith.cmpi sge, %add3A_156, %ge3A_247 : i32
      %lt3A_249 = arith.constant 9 : i32
      %lt3A_250 = arith.cmpi slt, %add3A_156, %lt3A_249 : i32
      %and3A_251 = arith.andi %ge3A_248, %lt3A_250 : i1
      %convert_element_type3A_252 = arith.extui %and3A_251 : i1 to i32
      %cond3A_253 = arith.constant 0 : i32
      %cond3A_254 = arith.cmpi ne, %convert_element_type3A_252, %cond3A_253 : i32
      scf.if %cond3A_254 {
        %dma_wait3A_288 = arith.constant 0 : i32
        %dma_wait3A_289 = arith.constant 0 : i32
        %dma_wait3A_290 = arith.constant 0 : i32
        %dma_wait3A_291 = tpu.memref_slice %arg3[%arg0, %dma_wait3A_288, %dma_wait3A_289, %dma_wait3A_290] : memref<2x16x80x128xi32, #tpu.memory_space<hbm>> -> memref<1x16x80x128xi32, #tpu.memory_space<hbm>>
        %dma_wait3A_292 = tpu.memref_squeeze %dma_wait3A_291 : memref<1x16x80x128xi32, #tpu.memory_space<hbm>> -> memref<16x80x128xi32, #tpu.memory_space<hbm>>
        %dma_wait3A_293 = arith.constant 0 : i32
        %dma_wait3A_294 = arith.constant 0 : i32
        %dma_wait3A_295 = tpu.memref_slice %dma_wait3A_292[%arg1, %dma_wait3A_293, %dma_wait3A_294] : memref<16x80x128xi32, #tpu.memory_space<hbm>> -> memref<1x80x128xi32, #tpu.memory_space<hbm>>
        %dma_wait3A_296 = tpu.memref_squeeze %dma_wait3A_295 : memref<1x80x128xi32, #tpu.memory_space<hbm>> -> memref<80x128xi32, #tpu.memory_space<hbm>>
        %dma_wait3A_297 = arith.constant 0 : i32
        %dma_wait3A_298 = arith.constant 0 : i32
        %dma_wait3A_299 = tpu.memref_slice %dma_wait3A_296[%dma_wait3A_297, %dma_wait3A_298] : memref<80x128xi32, #tpu.memory_space<hbm>> -> memref<8x128xi32, #tpu.memory_space<hbm>>
        %dma_wait3A_300 = arith.constant 0 : i32
        %dma_wait3A_301 = arith.constant 0 : i32
        %dma_wait3A_302 = arith.constant 0 : i32
        %dma_wait3A_303 = tpu.memref_slice %arg3[%arg0, %dma_wait3A_300, %dma_wait3A_301, %dma_wait3A_302] : memref<2x16x80x128xi32, #tpu.memory_space<hbm>> -> memref<1x16x80x128xi32, #tpu.memory_space<hbm>>
        %dma_wait3A_304 = tpu.memref_squeeze %dma_wait3A_303 : memref<1x16x80x128xi32, #tpu.memory_space<hbm>> -> memref<16x80x128xi32, #tpu.memory_space<hbm>>
        %dma_wait3A_305 = arith.constant 0 : i32
        %dma_wait3A_306 = arith.constant 0 : i32
        %dma_wait3A_307 = tpu.memref_slice %dma_wait3A_304[%arg1, %dma_wait3A_305, %dma_wait3A_306] : memref<16x80x128xi32, #tpu.memory_space<hbm>> -> memref<1x80x128xi32, #tpu.memory_space<hbm>>
        %dma_wait3A_308 = tpu.memref_squeeze %dma_wait3A_307 : memref<1x80x128xi32, #tpu.memory_space<hbm>> -> memref<80x128xi32, #tpu.memory_space<hbm>>
        %dma_wait3A_309 = arith.constant 0 : i32
        %dma_wait3A_310 = arith.constant 0 : i32
        %dma_wait3A_311 = tpu.memref_slice %dma_wait3A_308[%dma_wait3A_309, %dma_wait3A_310] : memref<80x128xi32, #tpu.memory_space<hbm>> -> memref<8x128xi32, #tpu.memory_space<hbm>>
        tpu.wait_dma2 semaphore(%arg15 : memref<!tpu.dma_semaphore, #tpu.memory_space<semaphore_mem>>) src(%dma_wait3A_311 : memref<8x128xi32, #tpu.memory_space<hbm>>) dst(%arg6 : memref<8x128xi32, #tpu.memory_space<vmem>>)
        %dma_wait3A_312 = arith.constant 0 : i32
        %dma_wait3A_313 = arith.constant 0 : i32
        %dma_wait3A_314 = arith.constant 0 : i32
        %dma_wait3A_315 = tpu.memref_slice %arg4[%arg0, %dma_wait3A_312, %dma_wait3A_313, %dma_wait3A_314] : memref<2x16x80x128xi32, #tpu.memory_space<hbm>> -> memref<1x16x80x128xi32, #tpu.memory_space<hbm>>
        %dma_wait3A_316 = tpu.memref_squeeze %dma_wait3A_315 : memref<1x16x80x128xi32, #tpu.memory_space<hbm>> -> memref<16x80x128xi32, #tpu.memory_space<hbm>>
        %dma_wait3A_317 = arith.constant 0 : i32
        %dma_wait3A_318 = arith.constant 0 : i32
        %dma_wait3A_319 = tpu.memref_slice %dma_wait3A_316[%arg1, %dma_wait3A_317, %dma_wait3A_318] : memref<16x80x128xi32, #tpu.memory_space<hbm>> -> memref<1x80x128xi32, #tpu.memory_space<hbm>>
        %dma_wait3A_320 = tpu.memref_squeeze %dma_wait3A_319 : memref<1x80x128xi32, #tpu.memory_space<hbm>> -> memref<80x128xi32, #tpu.memory_space<hbm>>
        %dma_wait3A_321 = arith.constant 0 : i32
        %dma_wait3A_322 = arith.constant 0 : i32
        %dma_wait3A_323 = tpu.memref_slice %dma_wait3A_320[%dma_wait3A_321, %dma_wait3A_322] : memref<80x128xi32, #tpu.memory_space<hbm>> -> memref<8x128xi32, #tpu.memory_space<hbm>>
        %dma_wait3A_324 = arith.constant 0 : i32
        %dma_wait3A_325 = arith.constant 0 : i32
        %dma_wait3A_326 = arith.constant 0 : i32
        %dma_wait3A_327 = tpu.memref_slice %arg4[%arg0, %dma_wait3A_324, %dma_wait3A_325, %dma_wait3A_326] : memref<2x16x80x128xi32, #tpu.memory_space<hbm>> -> memref<1x16x80x128xi32, #tpu.memory_space<hbm>>
        %dma_wait3A_328 = tpu.memref_squeeze %dma_wait3A_327 : memref<1x16x80x128xi32, #tpu.memory_space<hbm>> -> memref<16x80x128xi32, #tpu.memory_space<hbm>>
        %dma_wait3A_329 = arith.constant 0 : i32
        %dma_wait3A_330 = arith.constant 0 : i32
        %dma_wait3A_331 = tpu.memref_slice %dma_wait3A_328[%arg1, %dma_wait3A_329, %dma_wait3A_330] : memref<16x80x128xi32, #tpu.memory_space<hbm>> -> memref<1x80x128xi32, #tpu.memory_space<hbm>>
        %dma_wait3A_332 = tpu.memref_squeeze %dma_wait3A_331 : memref<1x80x128xi32, #tpu.memory_space<hbm>> -> memref<80x128xi32, #tpu.memory_space<hbm>>
        %dma_wait3A_333 = arith.constant 0 : i32
        %dma_wait3A_334 = arith.constant 0 : i32
        %dma_wait3A_335 = tpu.memref_slice %dma_wait3A_332[%dma_wait3A_333, %dma_wait3A_334] : memref<80x128xi32, #tpu.memory_space<hbm>> -> memref<8x128xi32, #tpu.memory_space<hbm>>
        tpu.wait_dma2 semaphore(%arg15 : memref<!tpu.dma_semaphore, #tpu.memory_space<semaphore_mem>>) src(%dma_wait3A_335 : memref<8x128xi32, #tpu.memory_space<hbm>>) dst(%arg7 : memref<8x128xi32, #tpu.memory_space<vmem>>)
      } else {
      }
      %dma_wait3A_255 = arith.constant 6 : i32
      %dma_wait3A_256 = arith.constant 0 : i32
      %dma_wait3A_257 = tpu.memref_slice %arg8[%dma_wait3A_255, %dma_wait3A_256] : memref<8x128xi32, #tpu.memory_space<vmem>> -> memref<1x128xi32, #tpu.memory_space<vmem>>
      %dma_wait3A_258 = tpu.memref_squeeze %dma_wait3A_257 : memref<1x128xi32, #tpu.memory_space<vmem>> -> memref<128xi32, #tpu.memory_space<vmem>>
      %dma_wait3A_259 = arith.constant 0 : i32
      %dma_wait3A_260 = arith.constant 0 : i32
      %dma_wait3A_261 = tpu.memref_slice %arg2[%dma_wait3A_259, %dma_wait3A_260] : memref<10000x128xf32, #tpu.memory_space<hbm>> -> memref<10000x128xf32, #tpu.memory_space<hbm>>
      tpu.wait_indirect_dma semaphore(%arg13 : memref<!tpu.dma_semaphore, #tpu.memory_space<semaphore_mem>>) src(%dma_wait3A_261 : memref<10000x128xf32, #tpu.memory_space<hbm>>) dst(%arg10 : memref<128x128xf32, #tpu.memory_space<vmem>>)
      %run_scoped3A_262 = arith.constant 6 : i32
      "tpu.region"() ({
        %run_scoped3A_288 = tpu.sem_alloc : memref<!tpu.dma_semaphore, #tpu.memory_space<semaphore_mem>>
        %dma_start3A_289 = arith.constant 0 : i32
        %dma_start3A_290 = tpu.memref_slice %arg9[%run_scoped3A_262, %dma_start3A_289] : memref<8x128xi32, #tpu.memory_space<vmem>> -> memref<1x128xi32, #tpu.memory_space<vmem>>
        %dma_start3A_291 = tpu.memref_squeeze %dma_start3A_290 : memref<1x128xi32, #tpu.memory_space<vmem>> -> memref<128xi32, #tpu.memory_space<vmem>>
        %dma_start3A_292 = arith.constant 0 : i32
        %dma_start3A_293 = arith.constant 0 : i32
        %dma_start3A_294 = tpu.memref_slice %arg12[%dma_start3A_292, %dma_start3A_293] : memref<10008x128xf32, #tpu.memory_space<vmem_shared>> -> memref<10008x128xf32, #tpu.memory_space<vmem_shared>>
        tpu.enqueue_indirect_dma source(%arg10 : memref<128x128xf32, #tpu.memory_space<vmem>>) target(%dma_start3A_294 : memref<10008x128xf32, #tpu.memory_space<vmem_shared>>) offsets(%dma_start3A_291 : memref<128xi32, #tpu.memory_space<vmem>>) semaphore(%run_scoped3A_288 : memref<!tpu.dma_semaphore, #tpu.memory_space<semaphore_mem>>) {add = true}
        %dma_wait3A_295 = arith.constant 0 : i32
        %dma_wait3A_296 = tpu.memref_slice %arg9[%run_scoped3A_262, %dma_wait3A_295] : memref<8x128xi32, #tpu.memory_space<vmem>> -> memref<1x128xi32, #tpu.memory_space<vmem>>
        %dma_wait3A_297 = tpu.memref_squeeze %dma_wait3A_296 : memref<1x128xi32, #tpu.memory_space<vmem>> -> memref<128xi32, #tpu.memory_space<vmem>>
        %dma_wait3A_298 = arith.constant 0 : i32
        %dma_wait3A_299 = arith.constant 0 : i32
        %dma_wait3A_300 = tpu.memref_slice %arg12[%dma_wait3A_298, %dma_wait3A_299] : memref<10008x128xf32, #tpu.memory_space<vmem_shared>> -> memref<10008x128xf32, #tpu.memory_space<vmem_shared>>
        tpu.wait_indirect_dma semaphore(%run_scoped3A_288 : memref<!tpu.dma_semaphore, #tpu.memory_space<semaphore_mem>>) src(%arg10 : memref<128x128xf32, #tpu.memory_space<vmem>>) dst(%dma_wait3A_300 : memref<10008x128xf32, #tpu.memory_space<vmem_shared>>)
        tpu.yield
      }) : () -> ()
      %lt3A_263 = arith.constant 9 : i32
      %lt3A_264 = arith.cmpi slt, %add3A_156, %lt3A_263 : i32
      %convert_element_type3A_265 = arith.extui %lt3A_264 : i1 to i32
      %cond3A_266 = arith.constant 0 : i32
      %cond3A_267 = arith.cmpi ne, %convert_element_type3A_265, %cond3A_266 : i32
      scf.if %cond3A_267 {
        %dma_start3A_288 = arith.constant 0 : i32
        %dma_start3A_289 = arith.constant 0 : i32
        %dma_start3A_290 = tpu.memref_slice %arg6[%dma_start3A_288, %dma_start3A_289] : memref<8x128xi32, #tpu.memory_space<vmem>> -> memref<1x128xi32, #tpu.memory_space<vmem>>
        %dma_start3A_291 = tpu.memref_squeeze %dma_start3A_290 : memref<1x128xi32, #tpu.memory_space<vmem>> -> memref<128xi32, #tpu.memory_space<vmem>>
        %dma_start3A_292 = arith.constant 0 : i32
        %dma_start3A_293 = arith.constant 0 : i32
        %dma_start3A_294 = tpu.memref_slice %arg2[%dma_start3A_292, %dma_start3A_293] : memref<10000x128xf32, #tpu.memory_space<hbm>> -> memref<10000x128xf32, #tpu.memory_space<hbm>>
        tpu.enqueue_indirect_dma source(%dma_start3A_294 : memref<10000x128xf32, #tpu.memory_space<hbm>>) target(%arg10 : memref<128x128xf32, #tpu.memory_space<vmem>>) offsets(%dma_start3A_291 : memref<128xi32, #tpu.memory_space<vmem>>) semaphore(%arg13 : memref<!tpu.dma_semaphore, #tpu.memory_space<semaphore_mem>>)
      } else {
      }
      %dma_wait3A_268 = arith.constant 7 : i32
      %dma_wait3A_269 = arith.constant 0 : i32
      %dma_wait3A_270 = tpu.memref_slice %arg8[%dma_wait3A_268, %dma_wait3A_269] : memref<8x128xi32, #tpu.memory_space<vmem>> -> memref<1x128xi32, #tpu.memory_space<vmem>>
      %dma_wait3A_271 = tpu.memref_squeeze %dma_wait3A_270 : memref<1x128xi32, #tpu.memory_space<vmem>> -> memref<128xi32, #tpu.memory_space<vmem>>
      %dma_wait3A_272 = arith.constant 0 : i32
      %dma_wait3A_273 = arith.constant 0 : i32
      %dma_wait3A_274 = tpu.memref_slice %arg2[%dma_wait3A_272, %dma_wait3A_273] : memref<10000x128xf32, #tpu.memory_space<hbm>> -> memref<10000x128xf32, #tpu.memory_space<hbm>>
      tpu.wait_indirect_dma semaphore(%arg14 : memref<!tpu.dma_semaphore, #tpu.memory_space<semaphore_mem>>) src(%dma_wait3A_274 : memref<10000x128xf32, #tpu.memory_space<hbm>>) dst(%arg11 : memref<128x128xf32, #tpu.memory_space<vmem>>)
      %run_scoped3A_275 = arith.constant 7 : i32
      "tpu.region"() ({
        %run_scoped3A_288 = tpu.sem_alloc : memref<!tpu.dma_semaphore, #tpu.memory_space<semaphore_mem>>
        %dma_start3A_289 = arith.constant 0 : i32
        %dma_start3A_290 = tpu.memref_slice %arg9[%run_scoped3A_275, %dma_start3A_289] : memref<8x128xi32, #tpu.memory_space<vmem>> -> memref<1x128xi32, #tpu.memory_space<vmem>>
        %dma_start3A_291 = tpu.memref_squeeze %dma_start3A_290 : memref<1x128xi32, #tpu.memory_space<vmem>> -> memref<128xi32, #tpu.memory_space<vmem>>
        %dma_start3A_292 = arith.constant 0 : i32
        %dma_start3A_293 = arith.constant 0 : i32
        %dma_start3A_294 = tpu.memref_slice %arg12[%dma_start3A_292, %dma_start3A_293] : memref<10008x128xf32, #tpu.memory_space<vmem_shared>> -> memref<10008x128xf32, #tpu.memory_space<vmem_shared>>
        tpu.enqueue_indirect_dma source(%arg11 : memref<128x128xf32, #tpu.memory_space<vmem>>) target(%dma_start3A_294 : memref<10008x128xf32, #tpu.memory_space<vmem_shared>>) offsets(%dma_start3A_291 : memref<128xi32, #tpu.memory_space<vmem>>) semaphore(%run_scoped3A_288 : memref<!tpu.dma_semaphore, #tpu.memory_space<semaphore_mem>>) {add = true}
        %dma_wait3A_295 = arith.constant 0 : i32
        %dma_wait3A_296 = tpu.memref_slice %arg9[%run_scoped3A_275, %dma_wait3A_295] : memref<8x128xi32, #tpu.memory_space<vmem>> -> memref<1x128xi32, #tpu.memory_space<vmem>>
        %dma_wait3A_297 = tpu.memref_squeeze %dma_wait3A_296 : memref<1x128xi32, #tpu.memory_space<vmem>> -> memref<128xi32, #tpu.memory_space<vmem>>
        %dma_wait3A_298 = arith.constant 0 : i32
        %dma_wait3A_299 = arith.constant 0 : i32
        %dma_wait3A_300 = tpu.memref_slice %arg12[%dma_wait3A_298, %dma_wait3A_299] : memref<10008x128xf32, #tpu.memory_space<vmem_shared>> -> memref<10008x128xf32, #tpu.memory_space<vmem_shared>>
        tpu.wait_indirect_dma semaphore(%run_scoped3A_288 : memref<!tpu.dma_semaphore, #tpu.memory_space<semaphore_mem>>) src(%arg11 : memref<128x128xf32, #tpu.memory_space<vmem>>) dst(%dma_wait3A_300 : memref<10008x128xf32, #tpu.memory_space<vmem_shared>>)
        tpu.yield
      }) : () -> ()
      %lt3A_276 = arith.constant 9 : i32
      %lt3A_277 = arith.cmpi slt, %add3A_156, %lt3A_276 : i32
      %convert_element_type3A_278 = arith.extui %lt3A_277 : i1 to i32
      %cond3A_279 = arith.constant 0 : i32
      %cond3A_280 = arith.cmpi ne, %convert_element_type3A_278, %cond3A_279 : i32
      scf.if %cond3A_280 {
        %dma_start3A_288 = arith.constant 1 : i32
        %dma_start3A_289 = arith.constant 0 : i32
        %dma_start3A_290 = tpu.memref_slice %arg6[%dma_start3A_288, %dma_start3A_289] : memref<8x128xi32, #tpu.memory_space<vmem>> -> memref<1x128xi32, #tpu.memory_space<vmem>>
        %dma_start3A_291 = tpu.memref_squeeze %dma_start3A_290 : memref<1x128xi32, #tpu.memory_space<vmem>> -> memref<128xi32, #tpu.memory_space<vmem>>
        %dma_start3A_292 = arith.constant 0 : i32
        %dma_start3A_293 = arith.constant 0 : i32
        %dma_start3A_294 = tpu.memref_slice %arg2[%dma_start3A_292, %dma_start3A_293] : memref<10000x128xf32, #tpu.memory_space<hbm>> -> memref<10000x128xf32, #tpu.memory_space<hbm>>
        tpu.enqueue_indirect_dma source(%dma_start3A_294 : memref<10000x128xf32, #tpu.memory_space<hbm>>) target(%arg11 : memref<128x128xf32, #tpu.memory_space<vmem>>) offsets(%dma_start3A_291 : memref<128xi32, #tpu.memory_space<vmem>>) semaphore(%arg14 : memref<!tpu.dma_semaphore, #tpu.memory_space<semaphore_mem>>)
      } else {
      }
      %add3A_281 = arith.constant 2 : i32
      %add3A_282 = arith.addi %add3A_156, %add3A_281 : i32
      %lt3A_283 = arith.constant 10 : i32
      %lt3A_284 = arith.cmpi slt, %add3A_282, %lt3A_283 : i32
      %convert_element_type3A_285 = arith.extui %lt3A_284 : i1 to i32
      %cond3A_286 = arith.constant 0 : i32
      %cond3A_287 = arith.cmpi ne, %convert_element_type3A_285, %cond3A_286 : i32
      scf.if %cond3A_287 {
        %add3A_288 = arith.constant 2 : i32
        %add3A_289 = arith.addi %add3A_156, %add3A_288 : i32
        %mul3A_290 = arith.constant 8 : i32
        %mul3A_291 = arith.muli %add3A_289, %mul3A_290 : i32
        %multiple_of3A_292 = tpu.assume_multiple %mul3A_291, 8 : i32
        %dma_start3A_293 = arith.constant 0 : i32
        %dma_start3A_294 = arith.constant 0 : i32
        %dma_start3A_295 = arith.constant 0 : i32
        %dma_start3A_296 = tpu.memref_slice %arg3[%arg0, %dma_start3A_293, %dma_start3A_294, %dma_start3A_295] : memref<2x16x80x128xi32, #tpu.memory_space<hbm>> -> memref<1x16x80x128xi32, #tpu.memory_space<hbm>>
        %dma_start3A_297 = tpu.memref_squeeze %dma_start3A_296 : memref<1x16x80x128xi32, #tpu.memory_space<hbm>> -> memref<16x80x128xi32, #tpu.memory_space<hbm>>
        %dma_start3A_298 = arith.constant 0 : i32
        %dma_start3A_299 = arith.constant 0 : i32
        %dma_start3A_300 = tpu.memref_slice %dma_start3A_297[%arg1, %dma_start3A_298, %dma_start3A_299] : memref<16x80x128xi32, #tpu.memory_space<hbm>> -> memref<1x80x128xi32, #tpu.memory_space<hbm>>
        %dma_start3A_301 = tpu.memref_squeeze %dma_start3A_300 : memref<1x80x128xi32, #tpu.memory_space<hbm>> -> memref<80x128xi32, #tpu.memory_space<hbm>>
        %dma_start3A_302 = arith.constant 0 : i32
        %dma_start3A_303 = tpu.memref_slice %dma_start3A_301[%multiple_of3A_292, %dma_start3A_302] : memref<80x128xi32, #tpu.memory_space<hbm>> -> memref<8x128xi32, #tpu.memory_space<hbm>>
        %dma_start3A_304 = arith.constant 0 : i32
        %dma_start3A_305 = arith.constant 0 : i32
        %dma_start3A_306 = arith.constant 0 : i32
        %dma_start3A_307 = tpu.memref_slice %arg3[%arg0, %dma_start3A_304, %dma_start3A_305, %dma_start3A_306] : memref<2x16x80x128xi32, #tpu.memory_space<hbm>> -> memref<1x16x80x128xi32, #tpu.memory_space<hbm>>
        %dma_start3A_308 = tpu.memref_squeeze %dma_start3A_307 : memref<1x16x80x128xi32, #tpu.memory_space<hbm>> -> memref<16x80x128xi32, #tpu.memory_space<hbm>>
        %dma_start3A_309 = arith.constant 0 : i32
        %dma_start3A_310 = arith.constant 0 : i32
        %dma_start3A_311 = tpu.memref_slice %dma_start3A_308[%arg1, %dma_start3A_309, %dma_start3A_310] : memref<16x80x128xi32, #tpu.memory_space<hbm>> -> memref<1x80x128xi32, #tpu.memory_space<hbm>>
        %dma_start3A_312 = tpu.memref_squeeze %dma_start3A_311 : memref<1x80x128xi32, #tpu.memory_space<hbm>> -> memref<80x128xi32, #tpu.memory_space<hbm>>
        %dma_start3A_313 = arith.constant 0 : i32
        %dma_start3A_314 = tpu.memref_slice %dma_start3A_312[%multiple_of3A_292, %dma_start3A_313] : memref<80x128xi32, #tpu.memory_space<hbm>> -> memref<8x128xi32, #tpu.memory_space<hbm>>
        tpu.enqueue_dma source(%dma_start3A_314 : memref<8x128xi32, #tpu.memory_space<hbm>>) target(%arg8 : memref<8x128xi32, #tpu.memory_space<vmem>>) target_semaphore(%arg15 : memref<!tpu.dma_semaphore, #tpu.memory_space<semaphore_mem>>)
        %dma_start3A_315 = arith.constant 0 : i32
        %dma_start3A_316 = arith.constant 0 : i32
        %dma_start3A_317 = arith.constant 0 : i32
        %dma_start3A_318 = tpu.memref_slice %arg4[%arg0, %dma_start3A_315, %dma_start3A_316, %dma_start3A_317] : memref<2x16x80x128xi32, #tpu.memory_space<hbm>> -> memref<1x16x80x128xi32, #tpu.memory_space<hbm>>
        %dma_start3A_319 = tpu.memref_squeeze %dma_start3A_318 : memref<1x16x80x128xi32, #tpu.memory_space<hbm>> -> memref<16x80x128xi32, #tpu.memory_space<hbm>>
        %dma_start3A_320 = arith.constant 0 : i32
        %dma_start3A_321 = arith.constant 0 : i32
        %dma_start3A_322 = tpu.memref_slice %dma_start3A_319[%arg1, %dma_start3A_320, %dma_start3A_321] : memref<16x80x128xi32, #tpu.memory_space<hbm>> -> memref<1x80x128xi32, #tpu.memory_space<hbm>>
        %dma_start3A_323 = tpu.memref_squeeze %dma_start3A_322 : memref<1x80x128xi32, #tpu.memory_space<hbm>> -> memref<80x128xi32, #tpu.memory_space<hbm>>
        %dma_start3A_324 = arith.constant 0 : i32
        %dma_start3A_325 = tpu.memref_slice %dma_start3A_323[%multiple_of3A_292, %dma_start3A_324] : memref<80x128xi32, #tpu.memory_space<hbm>> -> memref<8x128xi32, #tpu.memory_space<hbm>>
        %dma_start3A_326 = arith.constant 0 : i32
        %dma_start3A_327 = arith.constant 0 : i32
        %dma_start3A_328 = arith.constant 0 : i32
        %dma_start3A_329 = tpu.memref_slice %arg4[%arg0, %dma_start3A_326, %dma_start3A_327, %dma_start3A_328] : memref<2x16x80x128xi32, #tpu.memory_space<hbm>> -> memref<1x16x80x128xi32, #tpu.memory_space<hbm>>
        %dma_start3A_330 = tpu.memref_squeeze %dma_start3A_329 : memref<1x16x80x128xi32, #tpu.memory_space<hbm>> -> memref<16x80x128xi32, #tpu.memory_space<hbm>>
        %dma_start3A_331 = arith.constant 0 : i32
        %dma_start3A_332 = arith.constant 0 : i32
        %dma_start3A_333 = tpu.memref_slice %dma_start3A_330[%arg1, %dma_start3A_331, %dma_start3A_332] : memref<16x80x128xi32, #tpu.memory_space<hbm>> -> memref<1x80x128xi32, #tpu.memory_space<hbm>>
        %dma_start3A_334 = tpu.memref_squeeze %dma_start3A_333 : memref<1x80x128xi32, #tpu.memory_space<hbm>> -> memref<80x128xi32, #tpu.memory_space<hbm>>
        %dma_start3A_335 = arith.constant 0 : i32
        %dma_start3A_336 = tpu.memref_slice %dma_start3A_334[%multiple_of3A_292, %dma_start3A_335] : memref<80x128xi32, #tpu.memory_space<hbm>> -> memref<8x128xi32, #tpu.memory_space<hbm>>
        tpu.enqueue_dma source(%dma_start3A_336 : memref<8x128xi32, #tpu.memory_space<hbm>>) target(%arg9 : memref<8x128xi32, #tpu.memory_space<vmem>>) target_semaphore(%arg15 : memref<!tpu.dma_semaphore, #tpu.memory_space<semaphore_mem>>)
      } else {
      }
    }
    %scan3A_20 = arith.constant 5 : i32
    %barrier3A_21 = arith.constant 0 : index
    tpu.barrier barrier_id(%barrier3A_21)
    "tpu.region"() ({
      %run_scoped3A = tpu.sem_alloc : memref<!tpu.dma_semaphore, #tpu.memory_space<semaphore_mem>>
      %dma_start3A_25 = arith.constant 0 : i32
      %dma_start3A_26 = arith.constant 0 : i32
      %dma_start3A_27 = tpu.memref_slice %arg5[%arg0, %dma_start3A_25, %dma_start3A_26] : memref<2x10000x128xf32, #tpu.memory_space<hbm>> -> memref<1x10000x128xf32, #tpu.memory_space<hbm>>
      %dma_start3A_28 = tpu.memref_squeeze %dma_start3A_27 : memref<1x10000x128xf32, #tpu.memory_space<hbm>> -> memref<10000x128xf32, #tpu.memory_space<hbm>>
      %dma_start3A_29 = arith.constant 0 : i32
      %dma_start3A_30 = tpu.memref_slice %dma_start3A_28[%multiple_of3A, %dma_start3A_29] : memref<10000x128xf32, #tpu.memory_space<hbm>> -> memref<624x128xf32, #tpu.memory_space<hbm>>
      %dma_start3A_31 = arith.constant 0 : i32
      %dma_start3A_32 = tpu.memref_slice %arg12[%multiple_of3A, %dma_start3A_31] : memref<10008x128xf32, #tpu.memory_space<vmem_shared>> -> memref<624x128xf32, #tpu.memory_space<vmem_shared>>
      tpu.enqueue_dma source(%dma_start3A_32 : memref<624x128xf32, #tpu.memory_space<vmem_shared>>) target(%dma_start3A_30 : memref<624x128xf32, #tpu.memory_space<hbm>>) target_semaphore(%run_scoped3A : memref<!tpu.dma_semaphore, #tpu.memory_space<semaphore_mem>>)
      %dma_wait3A = arith.constant 0 : i32
      %dma_wait3A_33 = arith.constant 0 : i32
      %dma_wait3A_34 = tpu.memref_slice %arg5[%arg0, %dma_wait3A, %dma_wait3A_33] : memref<2x10000x128xf32, #tpu.memory_space<hbm>> -> memref<1x10000x128xf32, #tpu.memory_space<hbm>>
      %dma_wait3A_35 = tpu.memref_squeeze %dma_wait3A_34 : memref<1x10000x128xf32, #tpu.memory_space<hbm>> -> memref<10000x128xf32, #tpu.memory_space<hbm>>
      %dma_wait3A_36 = arith.constant 0 : i32
      %dma_wait3A_37 = tpu.memref_slice %dma_wait3A_35[%multiple_of3A, %dma_wait3A_36] : memref<10000x128xf32, #tpu.memory_space<hbm>> -> memref<624x128xf32, #tpu.memory_space<hbm>>
      %dma_wait3A_38 = arith.constant 0 : i32
      %dma_wait3A_39 = tpu.memref_slice %arg12[%multiple_of3A, %dma_wait3A_38] : memref<10008x128xf32, #tpu.memory_space<vmem_shared>> -> memref<624x128xf32, #tpu.memory_space<vmem_shared>>
      tpu.wait_dma2 semaphore(%run_scoped3A : memref<!tpu.dma_semaphore, #tpu.memory_space<semaphore_mem>>) src(%dma_wait3A_39 : memref<624x128xf32, #tpu.memory_space<vmem_shared>>) dst(%dma_wait3A_37 : memref<624x128xf32, #tpu.memory_space<hbm>>)
      tpu.yield
    }) : () -> ()
    %convert_element_type3A_22 = arith.extui %eq3A_1 : i1 to i32
    %cond3A_23 = arith.constant 0 : i32
    %cond3A_24 = arith.cmpi ne, %convert_element_type3A_22, %cond3A_23 : i32
    scf.if %cond3A_24 {
      "tpu.region"() ({
        %run_scoped3A = tpu.sem_alloc : memref<!tpu.dma_semaphore, #tpu.memory_space<semaphore_mem>>
        %dma_start3A_25 = arith.constant 0 : i32
        %dma_start3A_26 = arith.constant 0 : i32
        %dma_start3A_27 = tpu.memref_slice %arg5[%arg0, %dma_start3A_25, %dma_start3A_26] : memref<2x10000x128xf32, #tpu.memory_space<hbm>> -> memref<1x10000x128xf32, #tpu.memory_space<hbm>>
        %dma_start3A_28 = tpu.memref_squeeze %dma_start3A_27 : memref<1x10000x128xf32, #tpu.memory_space<hbm>> -> memref<10000x128xf32, #tpu.memory_space<hbm>>
        %dma_start3A_29 = arith.constant 9984 : i32
        %dma_start3A_30 = arith.constant 0 : i32
        %dma_start3A_31 = tpu.memref_slice %dma_start3A_28[%dma_start3A_29, %dma_start3A_30] : memref<10000x128xf32, #tpu.memory_space<hbm>> -> memref<16x128xf32, #tpu.memory_space<hbm>>
        %dma_start3A_32 = arith.constant 9984 : i32
        %dma_start3A_33 = arith.constant 0 : i32
        %dma_start3A_34 = tpu.memref_slice %arg12[%dma_start3A_32, %dma_start3A_33] : memref<10008x128xf32, #tpu.memory_space<vmem_shared>> -> memref<16x128xf32, #tpu.memory_space<vmem_shared>>
        tpu.enqueue_dma source(%dma_start3A_34 : memref<16x128xf32, #tpu.memory_space<vmem_shared>>) target(%dma_start3A_31 : memref<16x128xf32, #tpu.memory_space<hbm>>) target_semaphore(%run_scoped3A : memref<!tpu.dma_semaphore, #tpu.memory_space<semaphore_mem>>)
        %dma_wait3A = arith.constant 0 : i32
        %dma_wait3A_35 = arith.constant 0 : i32
        %dma_wait3A_36 = tpu.memref_slice %arg5[%arg0, %dma_wait3A, %dma_wait3A_35] : memref<2x10000x128xf32, #tpu.memory_space<hbm>> -> memref<1x10000x128xf32, #tpu.memory_space<hbm>>
        %dma_wait3A_37 = tpu.memref_squeeze %dma_wait3A_36 : memref<1x10000x128xf32, #tpu.memory_space<hbm>> -> memref<10000x128xf32, #tpu.memory_space<hbm>>
        %dma_wait3A_38 = arith.constant 9984 : i32
        %dma_wait3A_39 = arith.constant 0 : i32
        %dma_wait3A_40 = tpu.memref_slice %dma_wait3A_37[%dma_wait3A_38, %dma_wait3A_39] : memref<10000x128xf32, #tpu.memory_space<hbm>> -> memref<16x128xf32, #tpu.memory_space<hbm>>
        %dma_wait3A_41 = arith.constant 9984 : i32
        %dma_wait3A_42 = arith.constant 0 : i32
        %dma_wait3A_43 = tpu.memref_slice %arg12[%dma_wait3A_41, %dma_wait3A_42] : memref<10008x128xf32, #tpu.memory_space<vmem_shared>> -> memref<16x128xf32, #tpu.memory_space<vmem_shared>>
        tpu.wait_dma2 semaphore(%run_scoped3A : memref<!tpu.dma_semaphore, #tpu.memory_space<semaphore_mem>>) src(%dma_wait3A_43 : memref<16x128xf32, #tpu.memory_space<vmem_shared>>) dst(%dma_wait3A_40 : memref<16x128xf32, #tpu.memory_space<hbm>>)
        tpu.yield
      }) : () -> ()
    } else {
    }
    return
  }
}

#map = affine_map<(d0, d1) -> (0, 0)>
#map1 = affine_map<(d0, d1) -> (0, 0, 0, 0)>
#map2 = affine_map<(d0, d1) -> (0, 0, 0)>
module attributes {stable_mosaic.version = 14 : i64} {
  func.func @_deg_body(%arg0: i32, %arg1: i32, %arg2: memref<10000x128xf32, #tpu.memory_space<hbm>>, %arg3: memref<2x16x80x128xi32, #tpu.memory_space<hbm>>, %arg4: memref<2x10000x128xf32, #tpu.memory_space<hbm>>, %arg5: memref<80x128xi32, #tpu.memory_space<vmem>>, %arg6: memref<128x128xf32, #tpu.memory_space<vmem>>, %arg7: memref<10008x128xf32, #tpu.memory_space<vmem_shared>>) attributes {dimension_semantics = [#tpu.dimension_semantics<core_parallel>, #tpu.dimension_semantics<subcore_parallel>], iteration_bounds = array<i64: 2, 16>, scalar_prefetch = 0 : i64, scratch_operands = 3 : i64, tpu.core_type = #tpu.core_type<sc_vector_subcore>, window_params = [{transform_indices = #map}, {transform_indices = #map1}, {transform_indices = #map2}]} {
    %mul3A = arith.constant 624 : i32
    %mul3A_0 = arith.muli %arg1, %mul3A : i32
    %multiple_of3A = tpu.assume_multiple %mul3A_0, 8 : i32
    %eq3A = arith.constant 15 : i32
    %eq3A_1 = arith.cmpi eq, %arg1, %eq3A : i32
    "tpu.region"() ({
      %run_scoped3A = tpu.sem_alloc : memref<!tpu.dma_semaphore, #tpu.memory_space<semaphore_mem>>
      %dma_start3A = arith.constant 0 : i32
      %dma_start3A_12 = tpu.memref_slice %arg7[%multiple_of3A, %dma_start3A] : memref<10008x128xf32, #tpu.memory_space<vmem_shared>> -> memref<624x128xf32, #tpu.memory_space<vmem_shared>>
      %dma_start3A_13 = arith.constant 0 : i32
      %dma_start3A_14 = tpu.memref_slice %arg2[%multiple_of3A, %dma_start3A_13] : memref<10000x128xf32, #tpu.memory_space<hbm>> -> memref<624x128xf32, #tpu.memory_space<hbm>>
      tpu.enqueue_dma source(%dma_start3A_14 : memref<624x128xf32, #tpu.memory_space<hbm>>) target(%dma_start3A_12 : memref<624x128xf32, #tpu.memory_space<vmem_shared>>) target_semaphore(%run_scoped3A : memref<!tpu.dma_semaphore, #tpu.memory_space<semaphore_mem>>)
      %dma_wait3A = arith.constant 0 : i32
      %dma_wait3A_15 = tpu.memref_slice %arg7[%multiple_of3A, %dma_wait3A] : memref<10008x128xf32, #tpu.memory_space<vmem_shared>> -> memref<624x128xf32, #tpu.memory_space<vmem_shared>>
      %dma_wait3A_16 = arith.constant 0 : i32
      %dma_wait3A_17 = tpu.memref_slice %arg2[%multiple_of3A, %dma_wait3A_16] : memref<10000x128xf32, #tpu.memory_space<hbm>> -> memref<624x128xf32, #tpu.memory_space<hbm>>
      tpu.wait_dma2 semaphore(%run_scoped3A : memref<!tpu.dma_semaphore, #tpu.memory_space<semaphore_mem>>) src(%dma_wait3A_17 : memref<624x128xf32, #tpu.memory_space<hbm>>) dst(%dma_wait3A_15 : memref<624x128xf32, #tpu.memory_space<vmem_shared>>)
      tpu.yield
    }) : () -> ()
    "tpu.region"() ({
      %run_scoped3A = tpu.sem_alloc : memref<!tpu.dma_semaphore, #tpu.memory_space<semaphore_mem>>
      %dma_start3A = arith.constant 0 : i32
      %dma_start3A_12 = arith.constant 0 : i32
      %dma_start3A_13 = tpu.memref_slice %arg2[%dma_start3A, %dma_start3A_12] : memref<10000x128xf32, #tpu.memory_space<hbm>> -> memref<128x128xf32, #tpu.memory_space<hbm>>
      %dma_start3A_14 = arith.constant 0 : i32
      %dma_start3A_15 = arith.constant 0 : i32
      %dma_start3A_16 = tpu.memref_slice %arg2[%dma_start3A_14, %dma_start3A_15] : memref<10000x128xf32, #tpu.memory_space<hbm>> -> memref<128x128xf32, #tpu.memory_space<hbm>>
      tpu.enqueue_dma source(%dma_start3A_16 : memref<128x128xf32, #tpu.memory_space<hbm>>) target(%arg6 : memref<128x128xf32, #tpu.memory_space<vmem>>) target_semaphore(%run_scoped3A : memref<!tpu.dma_semaphore, #tpu.memory_space<semaphore_mem>>)
      %dma_wait3A = arith.constant 0 : i32
      %dma_wait3A_17 = arith.constant 0 : i32
      %dma_wait3A_18 = tpu.memref_slice %arg2[%dma_wait3A, %dma_wait3A_17] : memref<10000x128xf32, #tpu.memory_space<hbm>> -> memref<128x128xf32, #tpu.memory_space<hbm>>
      %dma_wait3A_19 = arith.constant 0 : i32
      %dma_wait3A_20 = arith.constant 0 : i32
      %dma_wait3A_21 = tpu.memref_slice %arg2[%dma_wait3A_19, %dma_wait3A_20] : memref<10000x128xf32, #tpu.memory_space<hbm>> -> memref<128x128xf32, #tpu.memory_space<hbm>>
      tpu.wait_dma2 semaphore(%run_scoped3A : memref<!tpu.dma_semaphore, #tpu.memory_space<semaphore_mem>>) src(%dma_wait3A_21 : memref<128x128xf32, #tpu.memory_space<hbm>>) dst(%arg6 : memref<128x128xf32, #tpu.memory_space<vmem>>)
      tpu.yield
    }) : () -> ()
    %convert_element_type3A = arith.extui %eq3A_1 : i1 to i32
    %cond3A = arith.constant 0 : i32
    %cond3A_2 = arith.cmpi ne, %convert_element_type3A, %cond3A : i32
    scf.if %cond3A_2 {
      "tpu.region"() ({
        %run_scoped3A = tpu.sem_alloc : memref<!tpu.dma_semaphore, #tpu.memory_space<semaphore_mem>>
        %dma_start3A = arith.constant 9984 : i32
        %dma_start3A_12 = arith.constant 0 : i32
        %dma_start3A_13 = tpu.memref_slice %arg7[%dma_start3A, %dma_start3A_12] : memref<10008x128xf32, #tpu.memory_space<vmem_shared>> -> memref<16x128xf32, #tpu.memory_space<vmem_shared>>
        %dma_start3A_14 = arith.constant 9984 : i32
        %dma_start3A_15 = arith.constant 0 : i32
        %dma_start3A_16 = tpu.memref_slice %arg2[%dma_start3A_14, %dma_start3A_15] : memref<10000x128xf32, #tpu.memory_space<hbm>> -> memref<16x128xf32, #tpu.memory_space<hbm>>
        tpu.enqueue_dma source(%dma_start3A_16 : memref<16x128xf32, #tpu.memory_space<hbm>>) target(%dma_start3A_13 : memref<16x128xf32, #tpu.memory_space<vmem_shared>>) target_semaphore(%run_scoped3A : memref<!tpu.dma_semaphore, #tpu.memory_space<semaphore_mem>>)
        %dma_wait3A = arith.constant 9984 : i32
        %dma_wait3A_17 = arith.constant 0 : i32
        %dma_wait3A_18 = tpu.memref_slice %arg7[%dma_wait3A, %dma_wait3A_17] : memref<10008x128xf32, #tpu.memory_space<vmem_shared>> -> memref<16x128xf32, #tpu.memory_space<vmem_shared>>
        %dma_wait3A_19 = arith.constant 9984 : i32
        %dma_wait3A_20 = arith.constant 0 : i32
        %dma_wait3A_21 = tpu.memref_slice %arg2[%dma_wait3A_19, %dma_wait3A_20] : memref<10000x128xf32, #tpu.memory_space<hbm>> -> memref<16x128xf32, #tpu.memory_space<hbm>>
        tpu.wait_dma2 semaphore(%run_scoped3A : memref<!tpu.dma_semaphore, #tpu.memory_space<semaphore_mem>>) src(%dma_wait3A_21 : memref<16x128xf32, #tpu.memory_space<hbm>>) dst(%dma_wait3A_18 : memref<16x128xf32, #tpu.memory_space<vmem_shared>>)
        tpu.yield
      }) : () -> ()
    } else {
    }
    "tpu.region"() ({
      %run_scoped3A = tpu.sem_alloc : memref<!tpu.dma_semaphore, #tpu.memory_space<semaphore_mem>>
      %dma_start3A = arith.constant 0 : i32
      %dma_start3A_12 = arith.constant 0 : i32
      %dma_start3A_13 = arith.constant 0 : i32
      %dma_start3A_14 = tpu.memref_slice %arg3[%arg0, %dma_start3A, %dma_start3A_12, %dma_start3A_13] : memref<2x16x80x128xi32, #tpu.memory_space<hbm>> -> memref<1x16x80x128xi32, #tpu.memory_space<hbm>>
      %dma_start3A_15 = tpu.memref_squeeze %dma_start3A_14 : memref<1x16x80x128xi32, #tpu.memory_space<hbm>> -> memref<16x80x128xi32, #tpu.memory_space<hbm>>
      %dma_start3A_16 = arith.constant 0 : i32
      %dma_start3A_17 = arith.constant 0 : i32
      %dma_start3A_18 = tpu.memref_slice %dma_start3A_15[%arg1, %dma_start3A_16, %dma_start3A_17] : memref<16x80x128xi32, #tpu.memory_space<hbm>> -> memref<1x80x128xi32, #tpu.memory_space<hbm>>
      %dma_start3A_19 = tpu.memref_squeeze %dma_start3A_18 : memref<1x80x128xi32, #tpu.memory_space<hbm>> -> memref<80x128xi32, #tpu.memory_space<hbm>>
      %dma_start3A_20 = arith.constant 0 : i32
      %dma_start3A_21 = arith.constant 0 : i32
      %dma_start3A_22 = arith.constant 0 : i32
      %dma_start3A_23 = tpu.memref_slice %arg3[%arg0, %dma_start3A_20, %dma_start3A_21, %dma_start3A_22] : memref<2x16x80x128xi32, #tpu.memory_space<hbm>> -> memref<1x16x80x128xi32, #tpu.memory_space<hbm>>
      %dma_start3A_24 = tpu.memref_squeeze %dma_start3A_23 : memref<1x16x80x128xi32, #tpu.memory_space<hbm>> -> memref<16x80x128xi32, #tpu.memory_space<hbm>>
      %dma_start3A_25 = arith.constant 0 : i32
      %dma_start3A_26 = arith.constant 0 : i32
      %dma_start3A_27 = tpu.memref_slice %dma_start3A_24[%arg1, %dma_start3A_25, %dma_start3A_26] : memref<16x80x128xi32, #tpu.memory_space<hbm>> -> memref<1x80x128xi32, #tpu.memory_space<hbm>>
      %dma_start3A_28 = tpu.memref_squeeze %dma_start3A_27 : memref<1x80x128xi32, #tpu.memory_space<hbm>> -> memref<80x128xi32, #tpu.memory_space<hbm>>
      tpu.enqueue_dma source(%dma_start3A_28 : memref<80x128xi32, #tpu.memory_space<hbm>>) target(%arg5 : memref<80x128xi32, #tpu.memory_space<vmem>>) target_semaphore(%run_scoped3A : memref<!tpu.dma_semaphore, #tpu.memory_space<semaphore_mem>>)
      %dma_wait3A = arith.constant 0 : i32
      %dma_wait3A_29 = arith.constant 0 : i32
      %dma_wait3A_30 = arith.constant 0 : i32
      %dma_wait3A_31 = tpu.memref_slice %arg3[%arg0, %dma_wait3A, %dma_wait3A_29, %dma_wait3A_30] : memref<2x16x80x128xi32, #tpu.memory_space<hbm>> -> memref<1x16x80x128xi32, #tpu.memory_space<hbm>>
      %dma_wait3A_32 = tpu.memref_squeeze %dma_wait3A_31 : memref<1x16x80x128xi32, #tpu.memory_space<hbm>> -> memref<16x80x128xi32, #tpu.memory_space<hbm>>
      %dma_wait3A_33 = arith.constant 0 : i32
      %dma_wait3A_34 = arith.constant 0 : i32
      %dma_wait3A_35 = tpu.memref_slice %dma_wait3A_32[%arg1, %dma_wait3A_33, %dma_wait3A_34] : memref<16x80x128xi32, #tpu.memory_space<hbm>> -> memref<1x80x128xi32, #tpu.memory_space<hbm>>
      %dma_wait3A_36 = tpu.memref_squeeze %dma_wait3A_35 : memref<1x80x128xi32, #tpu.memory_space<hbm>> -> memref<80x128xi32, #tpu.memory_space<hbm>>
      %dma_wait3A_37 = arith.constant 0 : i32
      %dma_wait3A_38 = arith.constant 0 : i32
      %dma_wait3A_39 = arith.constant 0 : i32
      %dma_wait3A_40 = tpu.memref_slice %arg3[%arg0, %dma_wait3A_37, %dma_wait3A_38, %dma_wait3A_39] : memref<2x16x80x128xi32, #tpu.memory_space<hbm>> -> memref<1x16x80x128xi32, #tpu.memory_space<hbm>>
      %dma_wait3A_41 = tpu.memref_squeeze %dma_wait3A_40 : memref<1x16x80x128xi32, #tpu.memory_space<hbm>> -> memref<16x80x128xi32, #tpu.memory_space<hbm>>
      %dma_wait3A_42 = arith.constant 0 : i32
      %dma_wait3A_43 = arith.constant 0 : i32
      %dma_wait3A_44 = tpu.memref_slice %dma_wait3A_41[%arg1, %dma_wait3A_42, %dma_wait3A_43] : memref<16x80x128xi32, #tpu.memory_space<hbm>> -> memref<1x80x128xi32, #tpu.memory_space<hbm>>
      %dma_wait3A_45 = tpu.memref_squeeze %dma_wait3A_44 : memref<1x80x128xi32, #tpu.memory_space<hbm>> -> memref<80x128xi32, #tpu.memory_space<hbm>>
      tpu.wait_dma2 semaphore(%run_scoped3A : memref<!tpu.dma_semaphore, #tpu.memory_space<semaphore_mem>>) src(%dma_wait3A_45 : memref<80x128xi32, #tpu.memory_space<hbm>>) dst(%arg5 : memref<80x128xi32, #tpu.memory_space<vmem>>)
      tpu.yield
    }) : () -> ()
    %barrier3A = arith.constant 0 : index
    tpu.barrier barrier_id(%barrier3A)
    %scan3A = arith.constant 0 : i32
    %scan3A_3 = arith.constant 0 : i32
    %scan3A_4 = arith.constant 80 : i32
    %scan3A_5 = arith.addi %scan3A_3, %scan3A_4 : i32
    %scan3A_6 = arith.constant 1 : i32
    scf.for %scan3A_12 = %scan3A_3 to %scan3A_5 step %scan3A_6  : i32 {
      "tpu.region"() ({
        %run_scoped3A = tpu.sem_alloc : memref<!tpu.dma_semaphore, #tpu.memory_space<semaphore_mem>>
        %dma_start3A = arith.constant 0 : i32
        %dma_start3A_13 = tpu.memref_slice %arg5[%scan3A_12, %dma_start3A] : memref<80x128xi32, #tpu.memory_space<vmem>> -> memref<1x128xi32, #tpu.memory_space<vmem>>
        %dma_start3A_14 = tpu.memref_squeeze %dma_start3A_13 : memref<1x128xi32, #tpu.memory_space<vmem>> -> memref<128xi32, #tpu.memory_space<vmem>>
        %dma_start3A_15 = arith.constant 0 : i32
        %dma_start3A_16 = arith.constant 0 : i32
        %dma_start3A_17 = tpu.memref_slice %arg7[%dma_start3A_15, %dma_start3A_16] : memref<10008x128xf32, #tpu.memory_space<vmem_shared>> -> memref<10008x128xf32, #tpu.memory_space<vmem_shared>>
        tpu.enqueue_indirect_dma source(%arg6 : memref<128x128xf32, #tpu.memory_space<vmem>>) target(%dma_start3A_17 : memref<10008x128xf32, #tpu.memory_space<vmem_shared>>) offsets(%dma_start3A_14 : memref<128xi32, #tpu.memory_space<vmem>>) semaphore(%run_scoped3A : memref<!tpu.dma_semaphore, #tpu.memory_space<semaphore_mem>>) {add = true}
        %dma_wait3A = arith.constant 0 : i32
        %dma_wait3A_18 = tpu.memref_slice %arg5[%scan3A_12, %dma_wait3A] : memref<80x128xi32, #tpu.memory_space<vmem>> -> memref<1x128xi32, #tpu.memory_space<vmem>>
        %dma_wait3A_19 = tpu.memref_squeeze %dma_wait3A_18 : memref<1x128xi32, #tpu.memory_space<vmem>> -> memref<128xi32, #tpu.memory_space<vmem>>
        %dma_wait3A_20 = arith.constant 0 : i32
        %dma_wait3A_21 = arith.constant 0 : i32
        %dma_wait3A_22 = tpu.memref_slice %arg7[%dma_wait3A_20, %dma_wait3A_21] : memref<10008x128xf32, #tpu.memory_space<vmem_shared>> -> memref<10008x128xf32, #tpu.memory_space<vmem_shared>>
        tpu.wait_indirect_dma semaphore(%run_scoped3A : memref<!tpu.dma_semaphore, #tpu.memory_space<semaphore_mem>>) src(%arg6 : memref<128x128xf32, #tpu.memory_space<vmem>>) dst(%dma_wait3A_22 : memref<10008x128xf32, #tpu.memory_space<vmem_shared>>)
        tpu.yield
      }) : () -> ()
    }
    %scan3A_7 = arith.constant 80 : i32
    %barrier3A_8 = arith.constant 0 : index
    tpu.barrier barrier_id(%barrier3A_8)
    "tpu.region"() ({
      %run_scoped3A = tpu.sem_alloc : memref<!tpu.dma_semaphore, #tpu.memory_space<semaphore_mem>>
      %dma_start3A = arith.constant 0 : i32
      %dma_start3A_12 = arith.constant 0 : i32
      %dma_start3A_13 = tpu.memref_slice %arg4[%arg0, %dma_start3A, %dma_start3A_12] : memref<2x10000x128xf32, #tpu.memory_space<hbm>> -> memref<1x10000x128xf32, #tpu.memory_space<hbm>>
      %dma_start3A_14 = tpu.memref_squeeze %dma_start3A_13 : memref<1x10000x128xf32, #tpu.memory_space<hbm>> -> memref<10000x128xf32, #tpu.memory_space<hbm>>
      %dma_start3A_15 = arith.constant 0 : i32
      %dma_start3A_16 = tpu.memref_slice %dma_start3A_14[%multiple_of3A, %dma_start3A_15] : memref<10000x128xf32, #tpu.memory_space<hbm>> -> memref<624x128xf32, #tpu.memory_space<hbm>>
      %dma_start3A_17 = arith.constant 0 : i32
      %dma_start3A_18 = tpu.memref_slice %arg7[%multiple_of3A, %dma_start3A_17] : memref<10008x128xf32, #tpu.memory_space<vmem_shared>> -> memref<624x128xf32, #tpu.memory_space<vmem_shared>>
      tpu.enqueue_dma source(%dma_start3A_18 : memref<624x128xf32, #tpu.memory_space<vmem_shared>>) target(%dma_start3A_16 : memref<624x128xf32, #tpu.memory_space<hbm>>) target_semaphore(%run_scoped3A : memref<!tpu.dma_semaphore, #tpu.memory_space<semaphore_mem>>)
      %dma_wait3A = arith.constant 0 : i32
      %dma_wait3A_19 = arith.constant 0 : i32
      %dma_wait3A_20 = tpu.memref_slice %arg4[%arg0, %dma_wait3A, %dma_wait3A_19] : memref<2x10000x128xf32, #tpu.memory_space<hbm>> -> memref<1x10000x128xf32, #tpu.memory_space<hbm>>
      %dma_wait3A_21 = tpu.memref_squeeze %dma_wait3A_20 : memref<1x10000x128xf32, #tpu.memory_space<hbm>> -> memref<10000x128xf32, #tpu.memory_space<hbm>>
      %dma_wait3A_22 = arith.constant 0 : i32
      %dma_wait3A_23 = tpu.memref_slice %dma_wait3A_21[%multiple_of3A, %dma_wait3A_22] : memref<10000x128xf32, #tpu.memory_space<hbm>> -> memref<624x128xf32, #tpu.memory_space<hbm>>
      %dma_wait3A_24 = arith.constant 0 : i32
      %dma_wait3A_25 = tpu.memref_slice %arg7[%multiple_of3A, %dma_wait3A_24] : memref<10008x128xf32, #tpu.memory_space<vmem_shared>> -> memref<624x128xf32, #tpu.memory_space<vmem_shared>>
      tpu.wait_dma2 semaphore(%run_scoped3A : memref<!tpu.dma_semaphore, #tpu.memory_space<semaphore_mem>>) src(%dma_wait3A_25 : memref<624x128xf32, #tpu.memory_space<vmem_shared>>) dst(%dma_wait3A_23 : memref<624x128xf32, #tpu.memory_space<hbm>>)
      tpu.yield
    }) : () -> ()
    %convert_element_type3A_9 = arith.extui %eq3A_1 : i1 to i32
    %cond3A_10 = arith.constant 0 : i32
    %cond3A_11 = arith.cmpi ne, %convert_element_type3A_9, %cond3A_10 : i32
    scf.if %cond3A_11 {
      "tpu.region"() ({
        %run_scoped3A = tpu.sem_alloc : memref<!tpu.dma_semaphore, #tpu.memory_space<semaphore_mem>>
        %dma_start3A = arith.constant 0 : i32
        %dma_start3A_12 = arith.constant 0 : i32
        %dma_start3A_13 = tpu.memref_slice %arg4[%arg0, %dma_start3A, %dma_start3A_12] : memref<2x10000x128xf32, #tpu.memory_space<hbm>> -> memref<1x10000x128xf32, #tpu.memory_space<hbm>>
        %dma_start3A_14 = tpu.memref_squeeze %dma_start3A_13 : memref<1x10000x128xf32, #tpu.memory_space<hbm>> -> memref<10000x128xf32, #tpu.memory_space<hbm>>
        %dma_start3A_15 = arith.constant 9984 : i32
        %dma_start3A_16 = arith.constant 0 : i32
        %dma_start3A_17 = tpu.memref_slice %dma_start3A_14[%dma_start3A_15, %dma_start3A_16] : memref<10000x128xf32, #tpu.memory_space<hbm>> -> memref<16x128xf32, #tpu.memory_space<hbm>>
        %dma_start3A_18 = arith.constant 9984 : i32
        %dma_start3A_19 = arith.constant 0 : i32
        %dma_start3A_20 = tpu.memref_slice %arg7[%dma_start3A_18, %dma_start3A_19] : memref<10008x128xf32, #tpu.memory_space<vmem_shared>> -> memref<16x128xf32, #tpu.memory_space<vmem_shared>>
        tpu.enqueue_dma source(%dma_start3A_20 : memref<16x128xf32, #tpu.memory_space<vmem_shared>>) target(%dma_start3A_17 : memref<16x128xf32, #tpu.memory_space<hbm>>) target_semaphore(%run_scoped3A : memref<!tpu.dma_semaphore, #tpu.memory_space<semaphore_mem>>)
        %dma_wait3A = arith.constant 0 : i32
        %dma_wait3A_21 = arith.constant 0 : i32
        %dma_wait3A_22 = tpu.memref_slice %arg4[%arg0, %dma_wait3A, %dma_wait3A_21] : memref<2x10000x128xf32, #tpu.memory_space<hbm>> -> memref<1x10000x128xf32, #tpu.memory_space<hbm>>
        %dma_wait3A_23 = tpu.memref_squeeze %dma_wait3A_22 : memref<1x10000x128xf32, #tpu.memory_space<hbm>> -> memref<10000x128xf32, #tpu.memory_space<hbm>>
        %dma_wait3A_24 = arith.constant 9984 : i32
        %dma_wait3A_25 = arith.constant 0 : i32
        %dma_wait3A_26 = tpu.memref_slice %dma_wait3A_23[%dma_wait3A_24, %dma_wait3A_25] : memref<10000x128xf32, #tpu.memory_space<hbm>> -> memref<16x128xf32, #tpu.memory_space<hbm>>
        %dma_wait3A_27 = arith.constant 9984 : i32
        %dma_wait3A_28 = arith.constant 0 : i32
        %dma_wait3A_29 = tpu.memref_slice %arg7[%dma_wait3A_27, %dma_wait3A_28] : memref<10008x128xf32, #tpu.memory_space<vmem_shared>> -> memref<16x128xf32, #tpu.memory_space<vmem_shared>>
        tpu.wait_dma2 semaphore(%run_scoped3A : memref<!tpu.dma_semaphore, #tpu.memory_space<semaphore_mem>>) src(%dma_wait3A_29 : memref<16x128xf32, #tpu.memory_space<vmem_shared>>) dst(%dma_wait3A_26 : memref<16x128xf32, #tpu.memory_space<hbm>>)
        tpu.yield
      }) : () -> ()
    } else {
    }
    return
  }
}

#map = affine_map<(d0, d1) -> (0, 0)>
#map1 = affine_map<(d0, d1) -> (0, 0, 0, 0)>
#map2 = affine_map<(d0, d1) -> (0, 0, 0)>
module attributes {stable_mosaic.version = 14 : i64} {
  func.func @_agg_body(%arg0: i32, %arg1: i32, %arg2: memref<10000x128xf32, #tpu.memory_space<hbm>>, %arg3: memref<2x16x80x128xi32, #tpu.memory_space<hbm>>, %arg4: memref<2x16x80x128xi32, #tpu.memory_space<hbm>>, %arg5: memref<2x10000x128xf32, #tpu.memory_space<hbm>>, %arg6: memref<8x128xi32, #tpu.memory_space<vmem>>, %arg7: memref<8x128xi32, #tpu.memory_space<vmem>>, %arg8: memref<8x128xi32, #tpu.memory_space<vmem>>, %arg9: memref<8x128xi32, #tpu.memory_space<vmem>>, %arg10: memref<128x128xf32, #tpu.memory_space<vmem>>, %arg11: memref<128x128xf32, #tpu.memory_space<vmem>>, %arg12: memref<10008x128xf32, #tpu.memory_space<vmem_shared>>, %arg13: memref<!tpu.dma_semaphore, #tpu.memory_space<semaphore_mem>>, %arg14: memref<!tpu.dma_semaphore, #tpu.memory_space<semaphore_mem>>, %arg15: memref<!tpu.dma_semaphore, #tpu.memory_space<semaphore_mem>>) attributes {dimension_semantics = [#tpu.dimension_semantics<core_parallel>, #tpu.dimension_semantics<subcore_parallel>], iteration_bounds = array<i64: 2, 16>, scalar_prefetch = 0 : i64, scratch_operands = 10 : i64, tpu.core_type = #tpu.core_type<sc_vector_subcore>, window_params = [{transform_indices = #map}, {transform_indices = #map1}, {transform_indices = #map1}, {transform_indices = #map2}]} {
    %mul3A = arith.constant 624 : i32
    %mul3A_0 = arith.muli %arg1, %mul3A : i32
    %multiple_of3A = tpu.assume_multiple %mul3A_0, 8 : i32
    %eq3A = arith.constant 15 : i32
    %eq3A_1 = arith.cmpi eq, %arg1, %eq3A : i32
    "tpu.region"() ({
      %run_scoped3A = tpu.sem_alloc : memref<!tpu.dma_semaphore, #tpu.memory_space<semaphore_mem>>
      %dma_start3A_25 = arith.constant 0 : i32
      %dma_start3A_26 = arith.constant 0 : i32
      %dma_start3A_27 = arith.constant 0 : i32
      %dma_start3A_28 = tpu.memref_slice %arg3[%arg0, %dma_start3A_25, %dma_start3A_26, %dma_start3A_27] : memref<2x16x80x128xi32, #tpu.memory_space<hbm>> -> memref<1x16x80x128xi32, #tpu.memory_space<hbm>>
      %dma_start3A_29 = tpu.memref_squeeze %dma_start3A_28 : memref<1x16x80x128xi32, #tpu.memory_space<hbm>> -> memref<16x80x128xi32, #tpu.memory_space<hbm>>
      %dma_start3A_30 = arith.constant 0 : i32
      %dma_start3A_31 = arith.constant 0 : i32
      %dma_start3A_32 = tpu.memref_slice %dma_start3A_29[%arg1, %dma_start3A_30, %dma_start3A_31] : memref<16x80x128xi32, #tpu.memory_space<hbm>> -> memref<1x80x128xi32, #tpu.memory_space<hbm>>
      %dma_start3A_33 = tpu.memref_squeeze %dma_start3A_32 : memref<1x80x128xi32, #tpu.memory_space<hbm>> -> memref<80x128xi32, #tpu.memory_space<hbm>>
      %dma_start3A_34 = arith.constant 0 : i32
      %dma_start3A_35 = arith.constant 0 : i32
      %dma_start3A_36 = tpu.memref_slice %dma_start3A_33[%dma_start3A_34, %dma_start3A_35] : memref<80x128xi32, #tpu.memory_space<hbm>> -> memref<8x128xi32, #tpu.memory_space<hbm>>
      %dma_start3A_37 = arith.constant 0 : i32
      %dma_start3A_38 = arith.constant 0 : i32
      %dma_start3A_39 = arith.constant 0 : i32
      %dma_start3A_40 = tpu.memref_slice %arg3[%arg0, %dma_start3A_37, %dma_start3A_38, %dma_start3A_39] : memref<2x16x80x128xi32, #tpu.memory_space<hbm>> -> memref<1x16x80x128xi32, #tpu.memory_space<hbm>>
      %dma_start3A_41 = tpu.memref_squeeze %dma_start3A_40 : memref<1x16x80x128xi32, #tpu.memory_space<hbm>> -> memref<16x80x128xi32, #tpu.memory_space<hbm>>
      %dma_start3A_42 = arith.constant 0 : i32
      %dma_start3A_43 = arith.constant 0 : i32
      %dma_start3A_44 = tpu.memref_slice %dma_start3A_41[%arg1, %dma_start3A_42, %dma_start3A_43] : memref<16x80x128xi32, #tpu.memory_space<hbm>> -> memref<1x80x128xi32, #tpu.memory_space<hbm>>
      %dma_start3A_45 = tpu.memref_squeeze %dma_start3A_44 : memref<1x80x128xi32, #tpu.memory_space<hbm>> -> memref<80x128xi32, #tpu.memory_space<hbm>>
      %dma_start3A_46 = arith.constant 0 : i32
      %dma_start3A_47 = arith.constant 0 : i32
      %dma_start3A_48 = tpu.memref_slice %dma_start3A_45[%dma_start3A_46, %dma_start3A_47] : memref<80x128xi32, #tpu.memory_space<hbm>> -> memref<8x128xi32, #tpu.memory_space<hbm>>
      tpu.enqueue_dma source(%dma_start3A_48 : memref<8x128xi32, #tpu.memory_space<hbm>>) target(%arg6 : memref<8x128xi32, #tpu.memory_space<vmem>>) target_semaphore(%run_scoped3A : memref<!tpu.dma_semaphore, #tpu.memory_space<semaphore_mem>>)
      %dma_wait3A = arith.constant 0 : i32
      %dma_wait3A_49 = arith.constant 0 : i32
      %dma_wait3A_50 = arith.constant 0 : i32
      %dma_wait3A_51 = tpu.memref_slice %arg3[%arg0, %dma_wait3A, %dma_wait3A_49, %dma_wait3A_50] : memref<2x16x80x128xi32, #tpu.memory_space<hbm>> -> memref<1x16x80x128xi32, #tpu.memory_space<hbm>>
      %dma_wait3A_52 = tpu.memref_squeeze %dma_wait3A_51 : memref<1x16x80x128xi32, #tpu.memory_space<hbm>> -> memref<16x80x128xi32, #tpu.memory_space<hbm>>
      %dma_wait3A_53 = arith.constant 0 : i32
      %dma_wait3A_54 = arith.constant 0 : i32
      %dma_wait3A_55 = tpu.memref_slice %dma_wait3A_52[%arg1, %dma_wait3A_53, %dma_wait3A_54] : memref<16x80x128xi32, #tpu.memory_space<hbm>> -> memref<1x80x128xi32, #tpu.memory_space<hbm>>
      %dma_wait3A_56 = tpu.memref_squeeze %dma_wait3A_55 : memref<1x80x128xi32, #tpu.memory_space<hbm>> -> memref<80x128xi32, #tpu.memory_space<hbm>>
      %dma_wait3A_57 = arith.constant 0 : i32
      %dma_wait3A_58 = arith.constant 0 : i32
      %dma_wait3A_59 = tpu.memref_slice %dma_wait3A_56[%dma_wait3A_57, %dma_wait3A_58] : memref<80x128xi32, #tpu.memory_space<hbm>> -> memref<8x128xi32, #tpu.memory_space<hbm>>
      %dma_wait3A_60 = arith.constant 0 : i32
      %dma_wait3A_61 = arith.constant 0 : i32
      %dma_wait3A_62 = arith.constant 0 : i32
      %dma_wait3A_63 = tpu.memref_slice %arg3[%arg0, %dma_wait3A_60, %dma_wait3A_61, %dma_wait3A_62] : memref<2x16x80x128xi32, #tpu.memory_space<hbm>> -> memref<1x16x80x128xi32, #tpu.memory_space<hbm>>
      %dma_wait3A_64 = tpu.memref_squeeze %dma_wait3A_63 : memref<1x16x80x128xi32, #tpu.memory_space<hbm>> -> memref<16x80x128xi32, #tpu.memory_space<hbm>>
      %dma_wait3A_65 = arith.constant 0 : i32
      %dma_wait3A_66 = arith.constant 0 : i32
      %dma_wait3A_67 = tpu.memref_slice %dma_wait3A_64[%arg1, %dma_wait3A_65, %dma_wait3A_66] : memref<16x80x128xi32, #tpu.memory_space<hbm>> -> memref<1x80x128xi32, #tpu.memory_space<hbm>>
      %dma_wait3A_68 = tpu.memref_squeeze %dma_wait3A_67 : memref<1x80x128xi32, #tpu.memory_space<hbm>> -> memref<80x128xi32, #tpu.memory_space<hbm>>
      %dma_wait3A_69 = arith.constant 0 : i32
      %dma_wait3A_70 = arith.constant 0 : i32
      %dma_wait3A_71 = tpu.memref_slice %dma_wait3A_68[%dma_wait3A_69, %dma_wait3A_70] : memref<80x128xi32, #tpu.memory_space<hbm>> -> memref<8x128xi32, #tpu.memory_space<hbm>>
      tpu.wait_dma2 semaphore(%run_scoped3A : memref<!tpu.dma_semaphore, #tpu.memory_space<semaphore_mem>>) src(%dma_wait3A_71 : memref<8x128xi32, #tpu.memory_space<hbm>>) dst(%arg6 : memref<8x128xi32, #tpu.memory_space<vmem>>)
      tpu.yield
    }) : () -> ()
    "tpu.region"() ({
      %run_scoped3A = tpu.sem_alloc : memref<!tpu.dma_semaphore, #tpu.memory_space<semaphore_mem>>
      %dma_start3A_25 = arith.constant 0 : i32
      %dma_start3A_26 = arith.constant 0 : i32
      %dma_start3A_27 = arith.constant 0 : i32
      %dma_start3A_28 = tpu.memref_slice %arg4[%arg0, %dma_start3A_25, %dma_start3A_26, %dma_start3A_27] : memref<2x16x80x128xi32, #tpu.memory_space<hbm>> -> memref<1x16x80x128xi32, #tpu.memory_space<hbm>>
      %dma_start3A_29 = tpu.memref_squeeze %dma_start3A_28 : memref<1x16x80x128xi32, #tpu.memory_space<hbm>> -> memref<16x80x128xi32, #tpu.memory_space<hbm>>
      %dma_start3A_30 = arith.constant 0 : i32
      %dma_start3A_31 = arith.constant 0 : i32
      %dma_start3A_32 = tpu.memref_slice %dma_start3A_29[%arg1, %dma_start3A_30, %dma_start3A_31] : memref<16x80x128xi32, #tpu.memory_space<hbm>> -> memref<1x80x128xi32, #tpu.memory_space<hbm>>
      %dma_start3A_33 = tpu.memref_squeeze %dma_start3A_32 : memref<1x80x128xi32, #tpu.memory_space<hbm>> -> memref<80x128xi32, #tpu.memory_space<hbm>>
      %dma_start3A_34 = arith.constant 0 : i32
      %dma_start3A_35 = arith.constant 0 : i32
      %dma_start3A_36 = tpu.memref_slice %dma_start3A_33[%dma_start3A_34, %dma_start3A_35] : memref<80x128xi32, #tpu.memory_space<hbm>> -> memref<8x128xi32, #tpu.memory_space<hbm>>
      %dma_start3A_37 = arith.constant 0 : i32
      %dma_start3A_38 = arith.constant 0 : i32
      %dma_start3A_39 = arith.constant 0 : i32
      %dma_start3A_40 = tpu.memref_slice %arg4[%arg0, %dma_start3A_37, %dma_start3A_38, %dma_start3A_39] : memref<2x16x80x128xi32, #tpu.memory_space<hbm>> -> memref<1x16x80x128xi32, #tpu.memory_space<hbm>>
      %dma_start3A_41 = tpu.memref_squeeze %dma_start3A_40 : memref<1x16x80x128xi32, #tpu.memory_space<hbm>> -> memref<16x80x128xi32, #tpu.memory_space<hbm>>
      %dma_start3A_42 = arith.constant 0 : i32
      %dma_start3A_43 = arith.constant 0 : i32
      %dma_start3A_44 = tpu.memref_slice %dma_start3A_41[%arg1, %dma_start3A_42, %dma_start3A_43] : memref<16x80x128xi32, #tpu.memory_space<hbm>> -> memref<1x80x128xi32, #tpu.memory_space<hbm>>
      %dma_start3A_45 = tpu.memref_squeeze %dma_start3A_44 : memref<1x80x128xi32, #tpu.memory_space<hbm>> -> memref<80x128xi32, #tpu.memory_space<hbm>>
      %dma_start3A_46 = arith.constant 0 : i32
      %dma_start3A_47 = arith.constant 0 : i32
      %dma_start3A_48 = tpu.memref_slice %dma_start3A_45[%dma_start3A_46, %dma_start3A_47] : memref<80x128xi32, #tpu.memory_space<hbm>> -> memref<8x128xi32, #tpu.memory_space<hbm>>
      tpu.enqueue_dma source(%dma_start3A_48 : memref<8x128xi32, #tpu.memory_space<hbm>>) target(%arg7 : memref<8x128xi32, #tpu.memory_space<vmem>>) target_semaphore(%run_scoped3A : memref<!tpu.dma_semaphore, #tpu.memory_space<semaphore_mem>>)
      %dma_wait3A = arith.constant 0 : i32
      %dma_wait3A_49 = arith.constant 0 : i32
      %dma_wait3A_50 = arith.constant 0 : i32
      %dma_wait3A_51 = tpu.memref_slice %arg4[%arg0, %dma_wait3A, %dma_wait3A_49, %dma_wait3A_50] : memref<2x16x80x128xi32, #tpu.memory_space<hbm>> -> memref<1x16x80x128xi32, #tpu.memory_space<hbm>>
      %dma_wait3A_52 = tpu.memref_squeeze %dma_wait3A_51 : memref<1x16x80x128xi32, #tpu.memory_space<hbm>> -> memref<16x80x128xi32, #tpu.memory_space<hbm>>
      %dma_wait3A_53 = arith.constant 0 : i32
      %dma_wait3A_54 = arith.constant 0 : i32
      %dma_wait3A_55 = tpu.memref_slice %dma_wait3A_52[%arg1, %dma_wait3A_53, %dma_wait3A_54] : memref<16x80x128xi32, #tpu.memory_space<hbm>> -> memref<1x80x128xi32, #tpu.memory_space<hbm>>
      %dma_wait3A_56 = tpu.memref_squeeze %dma_wait3A_55 : memref<1x80x128xi32, #tpu.memory_space<hbm>> -> memref<80x128xi32, #tpu.memory_space<hbm>>
      %dma_wait3A_57 = arith.constant 0 : i32
      %dma_wait3A_58 = arith.constant 0 : i32
      %dma_wait3A_59 = tpu.memref_slice %dma_wait3A_56[%dma_wait3A_57, %dma_wait3A_58] : memref<80x128xi32, #tpu.memory_space<hbm>> -> memref<8x128xi32, #tpu.memory_space<hbm>>
      %dma_wait3A_60 = arith.constant 0 : i32
      %dma_wait3A_61 = arith.constant 0 : i32
      %dma_wait3A_62 = arith.constant 0 : i32
      %dma_wait3A_63 = tpu.memref_slice %arg4[%arg0, %dma_wait3A_60, %dma_wait3A_61, %dma_wait3A_62] : memref<2x16x80x128xi32, #tpu.memory_space<hbm>> -> memref<1x16x80x128xi32, #tpu.memory_space<hbm>>
      %dma_wait3A_64 = tpu.memref_squeeze %dma_wait3A_63 : memref<1x16x80x128xi32, #tpu.memory_space<hbm>> -> memref<16x80x128xi32, #tpu.memory_space<hbm>>
      %dma_wait3A_65 = arith.constant 0 : i32
      %dma_wait3A_66 = arith.constant 0 : i32
      %dma_wait3A_67 = tpu.memref_slice %dma_wait3A_64[%arg1, %dma_wait3A_65, %dma_wait3A_66] : memref<16x80x128xi32, #tpu.memory_space<hbm>> -> memref<1x80x128xi32, #tpu.memory_space<hbm>>
      %dma_wait3A_68 = tpu.memref_squeeze %dma_wait3A_67 : memref<1x80x128xi32, #tpu.memory_space<hbm>> -> memref<80x128xi32, #tpu.memory_space<hbm>>
      %dma_wait3A_69 = arith.constant 0 : i32
      %dma_wait3A_70 = arith.constant 0 : i32
      %dma_wait3A_71 = tpu.memref_slice %dma_wait3A_68[%dma_wait3A_69, %dma_wait3A_70] : memref<80x128xi32, #tpu.memory_space<hbm>> -> memref<8x128xi32, #tpu.memory_space<hbm>>
      tpu.wait_dma2 semaphore(%run_scoped3A : memref<!tpu.dma_semaphore, #tpu.memory_space<semaphore_mem>>) src(%dma_wait3A_71 : memref<8x128xi32, #tpu.memory_space<hbm>>) dst(%arg7 : memref<8x128xi32, #tpu.memory_space<vmem>>)
      tpu.yield
    }) : () -> ()
    %dma_start3A = arith.constant 0 : i32
    %dma_start3A_2 = arith.constant 0 : i32
    %dma_start3A_3 = tpu.memref_slice %arg6[%dma_start3A, %dma_start3A_2] : memref<8x128xi32, #tpu.memory_space<vmem>> -> memref<1x128xi32, #tpu.memory_space<vmem>>
    %dma_start3A_4 = tpu.memref_squeeze %dma_start3A_3 : memref<1x128xi32, #tpu.memory_space<vmem>> -> memref<128xi32, #tpu.memory_space<vmem>>
    %dma_start3A_5 = arith.constant 0 : i32
    %dma_start3A_6 = arith.constant 0 : i32
    %dma_start3A_7 = tpu.memref_slice %arg2[%dma_start3A_5, %dma_start3A_6] : memref<10000x128xf32, #tpu.memory_space<hbm>> -> memref<10000x128xf32, #tpu.memory_space<hbm>>
    tpu.enqueue_indirect_dma source(%dma_start3A_7 : memref<10000x128xf32, #tpu.memory_space<hbm>>) target(%arg10 : memref<128x128xf32, #tpu.memory_space<vmem>>) offsets(%dma_start3A_4 : memref<128xi32, #tpu.memory_space<vmem>>) semaphore(%arg13 : memref<!tpu.dma_semaphore, #tpu.memory_space<semaphore_mem>>)
    %dma_start3A_8 = arith.constant 1 : i32
    %dma_start3A_9 = arith.constant 0 : i32
    %dma_start3A_10 = tpu.memref_slice %arg6[%dma_start3A_8, %dma_start3A_9] : memref<8x128xi32, #tpu.memory_space<vmem>> -> memref<1x128xi32, #tpu.memory_space<vmem>>
    %dma_start3A_11 = tpu.memref_squeeze %dma_start3A_10 : memref<1x128xi32, #tpu.memory_space<vmem>> -> memref<128xi32, #tpu.memory_space<vmem>>
    %dma_start3A_12 = arith.constant 0 : i32
    %dma_start3A_13 = arith.constant 0 : i32
    %dma_start3A_14 = tpu.memref_slice %arg2[%dma_start3A_12, %dma_start3A_13] : memref<10000x128xf32, #tpu.memory_space<hbm>> -> memref<10000x128xf32, #tpu.memory_space<hbm>>
    tpu.enqueue_indirect_dma source(%dma_start3A_14 : memref<10000x128xf32, #tpu.memory_space<hbm>>) target(%arg11 : memref<128x128xf32, #tpu.memory_space<vmem>>) offsets(%dma_start3A_11 : memref<128xi32, #tpu.memory_space<vmem>>) semaphore(%arg14 : memref<!tpu.dma_semaphore, #tpu.memory_space<semaphore_mem>>)
    "tpu.region"() ({
      %run_scoped3A = tpu.sem_alloc : memref<!tpu.dma_semaphore, #tpu.memory_space<semaphore_mem>>
      %dma_start3A_25 = arith.constant 0 : i32
      %dma_start3A_26 = arith.constant 0 : i32
      %dma_start3A_27 = arith.constant 0 : i32
      %dma_start3A_28 = tpu.memref_slice %arg3[%arg0, %dma_start3A_25, %dma_start3A_26, %dma_start3A_27] : memref<2x16x80x128xi32, #tpu.memory_space<hbm>> -> memref<1x16x80x128xi32, #tpu.memory_space<hbm>>
      %dma_start3A_29 = tpu.memref_squeeze %dma_start3A_28 : memref<1x16x80x128xi32, #tpu.memory_space<hbm>> -> memref<16x80x128xi32, #tpu.memory_space<hbm>>
      %dma_start3A_30 = arith.constant 0 : i32
      %dma_start3A_31 = arith.constant 0 : i32
      %dma_start3A_32 = tpu.memref_slice %dma_start3A_29[%arg1, %dma_start3A_30, %dma_start3A_31] : memref<16x80x128xi32, #tpu.memory_space<hbm>> -> memref<1x80x128xi32, #tpu.memory_space<hbm>>
      %dma_start3A_33 = tpu.memref_squeeze %dma_start3A_32 : memref<1x80x128xi32, #tpu.memory_space<hbm>> -> memref<80x128xi32, #tpu.memory_space<hbm>>
      %dma_start3A_34 = arith.constant 8 : i32
      %dma_start3A_35 = arith.constant 0 : i32
      %dma_start3A_36 = tpu.memref_slice %dma_start3A_33[%dma_start3A_34, %dma_start3A_35] : memref<80x128xi32, #tpu.memory_space<hbm>> -> memref<8x128xi32, #tpu.memory_space<hbm>>
      %dma_start3A_37 = arith.constant 0 : i32
      %dma_start3A_38 = arith.constant 0 : i32
      %dma_start3A_39 = arith.constant 0 : i32
      %dma_start3A_40 = tpu.memref_slice %arg3[%arg0, %dma_start3A_37, %dma_start3A_38, %dma_start3A_39] : memref<2x16x80x128xi32, #tpu.memory_space<hbm>> -> memref<1x16x80x128xi32, #tpu.memory_space<hbm>>
      %dma_start3A_41 = tpu.memref_squeeze %dma_start3A_40 : memref<1x16x80x128xi32, #tpu.memory_space<hbm>> -> memref<16x80x128xi32, #tpu.memory_space<hbm>>
      %dma_start3A_42 = arith.constant 0 : i32
      %dma_start3A_43 = arith.constant 0 : i32
      %dma_start3A_44 = tpu.memref_slice %dma_start3A_41[%arg1, %dma_start3A_42, %dma_start3A_43] : memref<16x80x128xi32, #tpu.memory_space<hbm>> -> memref<1x80x128xi32, #tpu.memory_space<hbm>>
      %dma_start3A_45 = tpu.memref_squeeze %dma_start3A_44 : memref<1x80x128xi32, #tpu.memory_space<hbm>> -> memref<80x128xi32, #tpu.memory_space<hbm>>
      %dma_start3A_46 = arith.constant 8 : i32
      %dma_start3A_47 = arith.constant 0 : i32
      %dma_start3A_48 = tpu.memref_slice %dma_start3A_45[%dma_start3A_46, %dma_start3A_47] : memref<80x128xi32, #tpu.memory_space<hbm>> -> memref<8x128xi32, #tpu.memory_space<hbm>>
      tpu.enqueue_dma source(%dma_start3A_48 : memref<8x128xi32, #tpu.memory_space<hbm>>) target(%arg8 : memref<8x128xi32, #tpu.memory_space<vmem>>) target_semaphore(%run_scoped3A : memref<!tpu.dma_semaphore, #tpu.memory_space<semaphore_mem>>)
      %dma_wait3A = arith.constant 0 : i32
      %dma_wait3A_49 = arith.constant 0 : i32
      %dma_wait3A_50 = arith.constant 0 : i32
      %dma_wait3A_51 = tpu.memref_slice %arg3[%arg0, %dma_wait3A, %dma_wait3A_49, %dma_wait3A_50] : memref<2x16x80x128xi32, #tpu.memory_space<hbm>> -> memref<1x16x80x128xi32, #tpu.memory_space<hbm>>
      %dma_wait3A_52 = tpu.memref_squeeze %dma_wait3A_51 : memref<1x16x80x128xi32, #tpu.memory_space<hbm>> -> memref<16x80x128xi32, #tpu.memory_space<hbm>>
      %dma_wait3A_53 = arith.constant 0 : i32
      %dma_wait3A_54 = arith.constant 0 : i32
      %dma_wait3A_55 = tpu.memref_slice %dma_wait3A_52[%arg1, %dma_wait3A_53, %dma_wait3A_54] : memref<16x80x128xi32, #tpu.memory_space<hbm>> -> memref<1x80x128xi32, #tpu.memory_space<hbm>>
      %dma_wait3A_56 = tpu.memref_squeeze %dma_wait3A_55 : memref<1x80x128xi32, #tpu.memory_space<hbm>> -> memref<80x128xi32, #tpu.memory_space<hbm>>
      %dma_wait3A_57 = arith.constant 8 : i32
      %dma_wait3A_58 = arith.constant 0 : i32
      %dma_wait3A_59 = tpu.memref_slice %dma_wait3A_56[%dma_wait3A_57, %dma_wait3A_58] : memref<80x128xi32, #tpu.memory_space<hbm>> -> memref<8x128xi32, #tpu.memory_space<hbm>>
      %dma_wait3A_60 = arith.constant 0 : i32
      %dma_wait3A_61 = arith.constant 0 : i32
      %dma_wait3A_62 = arith.constant 0 : i32
      %dma_wait3A_63 = tpu.memref_slice %arg3[%arg0, %dma_wait3A_60, %dma_wait3A_61, %dma_wait3A_62] : memref<2x16x80x128xi32, #tpu.memory_space<hbm>> -> memref<1x16x80x128xi32, #tpu.memory_space<hbm>>
      %dma_wait3A_64 = tpu.memref_squeeze %dma_wait3A_63 : memref<1x16x80x128xi32, #tpu.memory_space<hbm>> -> memref<16x80x128xi32, #tpu.memory_space<hbm>>
      %dma_wait3A_65 = arith.constant 0 : i32
      %dma_wait3A_66 = arith.constant 0 : i32
      %dma_wait3A_67 = tpu.memref_slice %dma_wait3A_64[%arg1, %dma_wait3A_65, %dma_wait3A_66] : memref<16x80x128xi32, #tpu.memory_space<hbm>> -> memref<1x80x128xi32, #tpu.memory_space<hbm>>
      %dma_wait3A_68 = tpu.memref_squeeze %dma_wait3A_67 : memref<1x80x128xi32, #tpu.memory_space<hbm>> -> memref<80x128xi32, #tpu.memory_space<hbm>>
      %dma_wait3A_69 = arith.constant 8 : i32
      %dma_wait3A_70 = arith.constant 0 : i32
      %dma_wait3A_71 = tpu.memref_slice %dma_wait3A_68[%dma_wait3A_69, %dma_wait3A_70] : memref<80x128xi32, #tpu.memory_space<hbm>> -> memref<8x128xi32, #tpu.memory_space<hbm>>
      tpu.wait_dma2 semaphore(%run_scoped3A : memref<!tpu.dma_semaphore, #tpu.memory_space<semaphore_mem>>) src(%dma_wait3A_71 : memref<8x128xi32, #tpu.memory_space<hbm>>) dst(%arg8 : memref<8x128xi32, #tpu.memory_space<vmem>>)
      tpu.yield
    }) : () -> ()
    "tpu.region"() ({
      %run_scoped3A = tpu.sem_alloc : memref<!tpu.dma_semaphore, #tpu.memory_space<semaphore_mem>>
      %dma_start3A_25 = arith.constant 0 : i32
      %dma_start3A_26 = arith.constant 0 : i32
      %dma_start3A_27 = arith.constant 0 : i32
      %dma_start3A_28 = tpu.memref_slice %arg4[%arg0, %dma_start3A_25, %dma_start3A_26, %dma_start3A_27] : memref<2x16x80x128xi32, #tpu.memory_space<hbm>> -> memref<1x16x80x128xi32, #tpu.memory_space<hbm>>
      %dma_start3A_29 = tpu.memref_squeeze %dma_start3A_28 : memref<1x16x80x128xi32, #tpu.memory_space<hbm>> -> memref<16x80x128xi32, #tpu.memory_space<hbm>>
      %dma_start3A_30 = arith.constant 0 : i32
      %dma_start3A_31 = arith.constant 0 : i32
      %dma_start3A_32 = tpu.memref_slice %dma_start3A_29[%arg1, %dma_start3A_30, %dma_start3A_31] : memref<16x80x128xi32, #tpu.memory_space<hbm>> -> memref<1x80x128xi32, #tpu.memory_space<hbm>>
      %dma_start3A_33 = tpu.memref_squeeze %dma_start3A_32 : memref<1x80x128xi32, #tpu.memory_space<hbm>> -> memref<80x128xi32, #tpu.memory_space<hbm>>
      %dma_start3A_34 = arith.constant 8 : i32
      %dma_start3A_35 = arith.constant 0 : i32
      %dma_start3A_36 = tpu.memref_slice %dma_start3A_33[%dma_start3A_34, %dma_start3A_35] : memref<80x128xi32, #tpu.memory_space<hbm>> -> memref<8x128xi32, #tpu.memory_space<hbm>>
      %dma_start3A_37 = arith.constant 0 : i32
      %dma_start3A_38 = arith.constant 0 : i32
      %dma_start3A_39 = arith.constant 0 : i32
      %dma_start3A_40 = tpu.memref_slice %arg4[%arg0, %dma_start3A_37, %dma_start3A_38, %dma_start3A_39] : memref<2x16x80x128xi32, #tpu.memory_space<hbm>> -> memref<1x16x80x128xi32, #tpu.memory_space<hbm>>
      %dma_start3A_41 = tpu.memref_squeeze %dma_start3A_40 : memref<1x16x80x128xi32, #tpu.memory_space<hbm>> -> memref<16x80x128xi32, #tpu.memory_space<hbm>>
      %dma_start3A_42 = arith.constant 0 : i32
      %dma_start3A_43 = arith.constant 0 : i32
      %dma_start3A_44 = tpu.memref_slice %dma_start3A_41[%arg1, %dma_start3A_42, %dma_start3A_43] : memref<16x80x128xi32, #tpu.memory_space<hbm>> -> memref<1x80x128xi32, #tpu.memory_space<hbm>>
      %dma_start3A_45 = tpu.memref_squeeze %dma_start3A_44 : memref<1x80x128xi32, #tpu.memory_space<hbm>> -> memref<80x128xi32, #tpu.memory_space<hbm>>
      %dma_start3A_46 = arith.constant 8 : i32
      %dma_start3A_47 = arith.constant 0 : i32
      %dma_start3A_48 = tpu.memref_slice %dma_start3A_45[%dma_start3A_46, %dma_start3A_47] : memref<80x128xi32, #tpu.memory_space<hbm>> -> memref<8x128xi32, #tpu.memory_space<hbm>>
      tpu.enqueue_dma source(%dma_start3A_48 : memref<8x128xi32, #tpu.memory_space<hbm>>) target(%arg9 : memref<8x128xi32, #tpu.memory_space<vmem>>) target_semaphore(%run_scoped3A : memref<!tpu.dma_semaphore, #tpu.memory_space<semaphore_mem>>)
      %dma_wait3A = arith.constant 0 : i32
      %dma_wait3A_49 = arith.constant 0 : i32
      %dma_wait3A_50 = arith.constant 0 : i32
      %dma_wait3A_51 = tpu.memref_slice %arg4[%arg0, %dma_wait3A, %dma_wait3A_49, %dma_wait3A_50] : memref<2x16x80x128xi32, #tpu.memory_space<hbm>> -> memref<1x16x80x128xi32, #tpu.memory_space<hbm>>
      %dma_wait3A_52 = tpu.memref_squeeze %dma_wait3A_51 : memref<1x16x80x128xi32, #tpu.memory_space<hbm>> -> memref<16x80x128xi32, #tpu.memory_space<hbm>>
      %dma_wait3A_53 = arith.constant 0 : i32
      %dma_wait3A_54 = arith.constant 0 : i32
      %dma_wait3A_55 = tpu.memref_slice %dma_wait3A_52[%arg1, %dma_wait3A_53, %dma_wait3A_54] : memref<16x80x128xi32, #tpu.memory_space<hbm>> -> memref<1x80x128xi32, #tpu.memory_space<hbm>>
      %dma_wait3A_56 = tpu.memref_squeeze %dma_wait3A_55 : memref<1x80x128xi32, #tpu.memory_space<hbm>> -> memref<80x128xi32, #tpu.memory_space<hbm>>
      %dma_wait3A_57 = arith.constant 8 : i32
      %dma_wait3A_58 = arith.constant 0 : i32
      %dma_wait3A_59 = tpu.memref_slice %dma_wait3A_56[%dma_wait3A_57, %dma_wait3A_58] : memref<80x128xi32, #tpu.memory_space<hbm>> -> memref<8x128xi32, #tpu.memory_space<hbm>>
      %dma_wait3A_60 = arith.constant 0 : i32
      %dma_wait3A_61 = arith.constant 0 : i32
      %dma_wait3A_62 = arith.constant 0 : i32
      %dma_wait3A_63 = tpu.memref_slice %arg4[%arg0, %dma_wait3A_60, %dma_wait3A_61, %dma_wait3A_62] : memref<2x16x80x128xi32, #tpu.memory_space<hbm>> -> memref<1x16x80x128xi32, #tpu.memory_space<hbm>>
      %dma_wait3A_64 = tpu.memref_squeeze %dma_wait3A_63 : memref<1x16x80x128xi32, #tpu.memory_space<hbm>> -> memref<16x80x128xi32, #tpu.memory_space<hbm>>
      %dma_wait3A_65 = arith.constant 0 : i32
      %dma_wait3A_66 = arith.constant 0 : i32
      %dma_wait3A_67 = tpu.memref_slice %dma_wait3A_64[%arg1, %dma_wait3A_65, %dma_wait3A_66] : memref<16x80x128xi32, #tpu.memory_space<hbm>> -> memref<1x80x128xi32, #tpu.memory_space<hbm>>
      %dma_wait3A_68 = tpu.memref_squeeze %dma_wait3A_67 : memref<1x80x128xi32, #tpu.memory_space<hbm>> -> memref<80x128xi32, #tpu.memory_space<hbm>>
      %dma_wait3A_69 = arith.constant 8 : i32
      %dma_wait3A_70 = arith.constant 0 : i32
      %dma_wait3A_71 = tpu.memref_slice %dma_wait3A_68[%dma_wait3A_69, %dma_wait3A_70] : memref<80x128xi32, #tpu.memory_space<hbm>> -> memref<8x128xi32, #tpu.memory_space<hbm>>
      tpu.wait_dma2 semaphore(%run_scoped3A : memref<!tpu.dma_semaphore, #tpu.memory_space<semaphore_mem>>) src(%dma_wait3A_71 : memref<8x128xi32, #tpu.memory_space<hbm>>) dst(%arg9 : memref<8x128xi32, #tpu.memory_space<vmem>>)
      tpu.yield
    }) : () -> ()
    "tpu.region"() ({
      %run_scoped3A = tpu.sem_alloc : memref<!tpu.dma_semaphore, #tpu.memory_space<semaphore_mem>>
      %dma_start3A_25 = arith.constant 0 : i32
      %dma_start3A_26 = tpu.memref_slice %arg12[%multiple_of3A, %dma_start3A_25] : memref<10008x128xf32, #tpu.memory_space<vmem_shared>> -> memref<624x128xf32, #tpu.memory_space<vmem_shared>>
      %dma_start3A_27 = arith.constant 0 : i32
      %dma_start3A_28 = tpu.memref_slice %arg2[%multiple_of3A, %dma_start3A_27] : memref<10000x128xf32, #tpu.memory_space<hbm>> -> memref<624x128xf32, #tpu.memory_space<hbm>>
      tpu.enqueue_dma source(%dma_start3A_28 : memref<624x128xf32, #tpu.memory_space<hbm>>) target(%dma_start3A_26 : memref<624x128xf32, #tpu.memory_space<vmem_shared>>) target_semaphore(%run_scoped3A : memref<!tpu.dma_semaphore, #tpu.memory_space<semaphore_mem>>)
      %dma_wait3A = arith.constant 0 : i32
      %dma_wait3A_29 = tpu.memref_slice %arg12[%multiple_of3A, %dma_wait3A] : memref<10008x128xf32, #tpu.memory_space<vmem_shared>> -> memref<624x128xf32, #tpu.memory_space<vmem_shared>>
      %dma_wait3A_30 = arith.constant 0 : i32
      %dma_wait3A_31 = tpu.memref_slice %arg2[%multiple_of3A, %dma_wait3A_30] : memref<10000x128xf32, #tpu.memory_space<hbm>> -> memref<624x128xf32, #tpu.memory_space<hbm>>
      tpu.wait_dma2 semaphore(%run_scoped3A : memref<!tpu.dma_semaphore, #tpu.memory_space<semaphore_mem>>) src(%dma_wait3A_31 : memref<624x128xf32, #tpu.memory_space<hbm>>) dst(%dma_wait3A_29 : memref<624x128xf32, #tpu.memory_space<vmem_shared>>)
      tpu.yield
    }) : () -> ()
    %convert_element_type3A = arith.extui %eq3A_1 : i1 to i32
    %cond3A = arith.constant 0 : i32
    %cond3A_15 = arith.cmpi ne, %convert_element_type3A, %cond3A : i32
    scf.if %cond3A_15 {
      "tpu.region"() ({
        %run_scoped3A = tpu.sem_alloc : memref<!tpu.dma_semaphore, #tpu.memory_space<semaphore_mem>>
        %dma_start3A_25 = arith.constant 9984 : i32
        %dma_start3A_26 = arith.constant 0 : i32
        %dma_start3A_27 = tpu.memref_slice %arg12[%dma_start3A_25, %dma_start3A_26] : memref<10008x128xf32, #tpu.memory_space<vmem_shared>> -> memref<16x128xf32, #tpu.memory_space<vmem_shared>>
        %dma_start3A_28 = arith.constant 9984 : i32
        %dma_start3A_29 = arith.constant 0 : i32
        %dma_start3A_30 = tpu.memref_slice %arg2[%dma_start3A_28, %dma_start3A_29] : memref<10000x128xf32, #tpu.memory_space<hbm>> -> memref<16x128xf32, #tpu.memory_space<hbm>>
        tpu.enqueue_dma source(%dma_start3A_30 : memref<16x128xf32, #tpu.memory_space<hbm>>) target(%dma_start3A_27 : memref<16x128xf32, #tpu.memory_space<vmem_shared>>) target_semaphore(%run_scoped3A : memref<!tpu.dma_semaphore, #tpu.memory_space<semaphore_mem>>)
        %dma_wait3A = arith.constant 9984 : i32
        %dma_wait3A_31 = arith.constant 0 : i32
        %dma_wait3A_32 = tpu.memref_slice %arg12[%dma_wait3A, %dma_wait3A_31] : memref<10008x128xf32, #tpu.memory_space<vmem_shared>> -> memref<16x128xf32, #tpu.memory_space<vmem_shared>>
        %dma_wait3A_33 = arith.constant 9984 : i32
        %dma_wait3A_34 = arith.constant 0 : i32
        %dma_wait3A_35 = tpu.memref_slice %arg2[%dma_wait3A_33, %dma_wait3A_34] : memref<10000x128xf32, #tpu.memory_space<hbm>> -> memref<16x128xf32, #tpu.memory_space<hbm>>
        tpu.wait_dma2 semaphore(%run_scoped3A : memref<!tpu.dma_semaphore, #tpu.memory_space<semaphore_mem>>) src(%dma_wait3A_35 : memref<16x128xf32, #tpu.memory_space<hbm>>) dst(%dma_wait3A_32 : memref<16x128xf32, #tpu.memory_space<vmem_shared>>)
        tpu.yield
      }) : () -> ()
    } else {
    }
    %barrier3A = arith.constant 0 : index
    tpu.barrier barrier_id(%barrier3A)
    %scan3A = arith.constant 0 : i32
    %scan3A_16 = arith.constant 0 : i32
    %scan3A_17 = arith.constant 5 : i32
    %scan3A_18 = arith.addi %scan3A_16, %scan3A_17 : i32
    %scan3A_19 = arith.constant 1 : i32
    scf.for %scan3A_25 = %scan3A_16 to %scan3A_18 step %scan3A_19  : i32 {
      %mul3A_26 = arith.constant 2 : i32
      %mul3A_27 = arith.muli %mul3A_26, %scan3A_25 : i32
      %dma_wait3A = arith.constant 0 : i32
      %dma_wait3A_28 = arith.constant 0 : i32
      %dma_wait3A_29 = tpu.memref_slice %arg6[%dma_wait3A, %dma_wait3A_28] : memref<8x128xi32, #tpu.memory_space<vmem>> -> memref<1x128xi32, #tpu.memory_space<vmem>>
      %dma_wait3A_30 = tpu.memref_squeeze %dma_wait3A_29 : memref<1x128xi32, #tpu.memory_space<vmem>> -> memref<128xi32, #tpu.memory_space<vmem>>
      %dma_wait3A_31 = arith.constant 0 : i32
      %dma_wait3A_32 = arith.constant 0 : i32
      %dma_wait3A_33 = tpu.memref_slice %arg2[%dma_wait3A_31, %dma_wait3A_32] : memref<10000x128xf32, #tpu.memory_space<hbm>> -> memref<10000x128xf32, #tpu.memory_space<hbm>>
      tpu.wait_indirect_dma semaphore(%arg13 : memref<!tpu.dma_semaphore, #tpu.memory_space<semaphore_mem>>) src(%dma_wait3A_33 : memref<10000x128xf32, #tpu.memory_space<hbm>>) dst(%arg10 : memref<128x128xf32, #tpu.memory_space<vmem>>)
      %run_scoped3A = arith.constant 0 : i32
      "tpu.region"() ({
        %run_scoped3A_288 = tpu.sem_alloc : memref<!tpu.dma_semaphore, #tpu.memory_space<semaphore_mem>>
        %dma_start3A_289 = arith.constant 0 : i32
        %dma_start3A_290 = tpu.memref_slice %arg7[%run_scoped3A, %dma_start3A_289] : memref<8x128xi32, #tpu.memory_space<vmem>> -> memref<1x128xi32, #tpu.memory_space<vmem>>
        %dma_start3A_291 = tpu.memref_squeeze %dma_start3A_290 : memref<1x128xi32, #tpu.memory_space<vmem>> -> memref<128xi32, #tpu.memory_space<vmem>>
        %dma_start3A_292 = arith.constant 0 : i32
        %dma_start3A_293 = arith.constant 0 : i32
        %dma_start3A_294 = tpu.memref_slice %arg12[%dma_start3A_292, %dma_start3A_293] : memref<10008x128xf32, #tpu.memory_space<vmem_shared>> -> memref<10008x128xf32, #tpu.memory_space<vmem_shared>>
        tpu.enqueue_indirect_dma source(%arg10 : memref<128x128xf32, #tpu.memory_space<vmem>>) target(%dma_start3A_294 : memref<10008x128xf32, #tpu.memory_space<vmem_shared>>) offsets(%dma_start3A_291 : memref<128xi32, #tpu.memory_space<vmem>>) semaphore(%run_scoped3A_288 : memref<!tpu.dma_semaphore, #tpu.memory_space<semaphore_mem>>) {add = true}
        %dma_wait3A_295 = arith.constant 0 : i32
        %dma_wait3A_296 = tpu.memref_slice %arg7[%run_scoped3A, %dma_wait3A_295] : memref<8x128xi32, #tpu.memory_space<vmem>> -> memref<1x128xi32, #tpu.memory_space<vmem>>
        %dma_wait3A_297 = tpu.memref_squeeze %dma_wait3A_296 : memref<1x128xi32, #tpu.memory_space<vmem>> -> memref<128xi32, #tpu.memory_space<vmem>>
        %dma_wait3A_298 = arith.constant 0 : i32
        %dma_wait3A_299 = arith.constant 0 : i32
        %dma_wait3A_300 = tpu.memref_slice %arg12[%dma_wait3A_298, %dma_wait3A_299] : memref<10008x128xf32, #tpu.memory_space<vmem_shared>> -> memref<10008x128xf32, #tpu.memory_space<vmem_shared>>
        tpu.wait_indirect_dma semaphore(%run_scoped3A_288 : memref<!tpu.dma_semaphore, #tpu.memory_space<semaphore_mem>>) src(%arg10 : memref<128x128xf32, #tpu.memory_space<vmem>>) dst(%dma_wait3A_300 : memref<10008x128xf32, #tpu.memory_space<vmem_shared>>)
        tpu.yield
      }) : () -> ()
      %dma_start3A_34 = arith.constant 2 : i32
      %dma_start3A_35 = arith.constant 0 : i32
      %dma_start3A_36 = tpu.memref_slice %arg6[%dma_start3A_34, %dma_start3A_35] : memref<8x128xi32, #tpu.memory_space<vmem>> -> memref<1x128xi32, #tpu.memory_space<vmem>>
      %dma_start3A_37 = tpu.memref_squeeze %dma_start3A_36 : memref<1x128xi32, #tpu.memory_space<vmem>> -> memref<128xi32, #tpu.memory_space<vmem>>
      %dma_start3A_38 = arith.constant 0 : i32
      %dma_start3A_39 = arith.constant 0 : i32
      %dma_start3A_40 = tpu.memref_slice %arg2[%dma_start3A_38, %dma_start3A_39] : memref<10000x128xf32, #tpu.memory_space<hbm>> -> memref<10000x128xf32, #tpu.memory_space<hbm>>
      tpu.enqueue_indirect_dma source(%dma_start3A_40 : memref<10000x128xf32, #tpu.memory_space<hbm>>) target(%arg10 : memref<128x128xf32, #tpu.memory_space<vmem>>) offsets(%dma_start3A_37 : memref<128xi32, #tpu.memory_space<vmem>>) semaphore(%arg13 : memref<!tpu.dma_semaphore, #tpu.memory_space<semaphore_mem>>)
      %dma_wait3A_41 = arith.constant 1 : i32
      %dma_wait3A_42 = arith.constant 0 : i32
      %dma_wait3A_43 = tpu.memref_slice %arg6[%dma_wait3A_41, %dma_wait3A_42] : memref<8x128xi32, #tpu.memory_space<vmem>> -> memref<1x128xi32, #tpu.memory_space<vmem>>
      %dma_wait3A_44 = tpu.memref_squeeze %dma_wait3A_43 : memref<1x128xi32, #tpu.memory_space<vmem>> -> memref<128xi32, #tpu.memory_space<vmem>>
      %dma_wait3A_45 = arith.constant 0 : i32
      %dma_wait3A_46 = arith.constant 0 : i32
      %dma_wait3A_47 = tpu.memref_slice %arg2[%dma_wait3A_45, %dma_wait3A_46] : memref<10000x128xf32, #tpu.memory_space<hbm>> -> memref<10000x128xf32, #tpu.memory_space<hbm>>
      tpu.wait_indirect_dma semaphore(%arg14 : memref<!tpu.dma_semaphore, #tpu.memory_space<semaphore_mem>>) src(%dma_wait3A_47 : memref<10000x128xf32, #tpu.memory_space<hbm>>) dst(%arg11 : memref<128x128xf32, #tpu.memory_space<vmem>>)
      %run_scoped3A_48 = arith.constant 1 : i32
      "tpu.region"() ({
        %run_scoped3A_288 = tpu.sem_alloc : memref<!tpu.dma_semaphore, #tpu.memory_space<semaphore_mem>>
        %dma_start3A_289 = arith.constant 0 : i32
        %dma_start3A_290 = tpu.memref_slice %arg7[%run_scoped3A_48, %dma_start3A_289] : memref<8x128xi32, #tpu.memory_space<vmem>> -> memref<1x128xi32, #tpu.memory_space<vmem>>
        %dma_start3A_291 = tpu.memref_squeeze %dma_start3A_290 : memref<1x128xi32, #tpu.memory_space<vmem>> -> memref<128xi32, #tpu.memory_space<vmem>>
        %dma_start3A_292 = arith.constant 0 : i32
        %dma_start3A_293 = arith.constant 0 : i32
        %dma_start3A_294 = tpu.memref_slice %arg12[%dma_start3A_292, %dma_start3A_293] : memref<10008x128xf32, #tpu.memory_space<vmem_shared>> -> memref<10008x128xf32, #tpu.memory_space<vmem_shared>>
        tpu.enqueue_indirect_dma source(%arg11 : memref<128x128xf32, #tpu.memory_space<vmem>>) target(%dma_start3A_294 : memref<10008x128xf32, #tpu.memory_space<vmem_shared>>) offsets(%dma_start3A_291 : memref<128xi32, #tpu.memory_space<vmem>>) semaphore(%run_scoped3A_288 : memref<!tpu.dma_semaphore, #tpu.memory_space<semaphore_mem>>) {add = true}
        %dma_wait3A_295 = arith.constant 0 : i32
        %dma_wait3A_296 = tpu.memref_slice %arg7[%run_scoped3A_48, %dma_wait3A_295] : memref<8x128xi32, #tpu.memory_space<vmem>> -> memref<1x128xi32, #tpu.memory_space<vmem>>
        %dma_wait3A_297 = tpu.memref_squeeze %dma_wait3A_296 : memref<1x128xi32, #tpu.memory_space<vmem>> -> memref<128xi32, #tpu.memory_space<vmem>>
        %dma_wait3A_298 = arith.constant 0 : i32
        %dma_wait3A_299 = arith.constant 0 : i32
        %dma_wait3A_300 = tpu.memref_slice %arg12[%dma_wait3A_298, %dma_wait3A_299] : memref<10008x128xf32, #tpu.memory_space<vmem_shared>> -> memref<10008x128xf32, #tpu.memory_space<vmem_shared>>
        tpu.wait_indirect_dma semaphore(%run_scoped3A_288 : memref<!tpu.dma_semaphore, #tpu.memory_space<semaphore_mem>>) src(%arg11 : memref<128x128xf32, #tpu.memory_space<vmem>>) dst(%dma_wait3A_300 : memref<10008x128xf32, #tpu.memory_space<vmem_shared>>)
        tpu.yield
      }) : () -> ()
      %dma_start3A_49 = arith.constant 3 : i32
      %dma_start3A_50 = arith.constant 0 : i32
      %dma_start3A_51 = tpu.memref_slice %arg6[%dma_start3A_49, %dma_start3A_50] : memref<8x128xi32, #tpu.memory_space<vmem>> -> memref<1x128xi32, #tpu.memory_space<vmem>>
      %dma_start3A_52 = tpu.memref_squeeze %dma_start3A_51 : memref<1x128xi32, #tpu.memory_space<vmem>> -> memref<128xi32, #tpu.memory_space<vmem>>
      %dma_start3A_53 = arith.constant 0 : i32
      %dma_start3A_54 = arith.constant 0 : i32
      %dma_start3A_55 = tpu.memref_slice %arg2[%dma_start3A_53, %dma_start3A_54] : memref<10000x128xf32, #tpu.memory_space<hbm>> -> memref<10000x128xf32, #tpu.memory_space<hbm>>
      tpu.enqueue_indirect_dma source(%dma_start3A_55 : memref<10000x128xf32, #tpu.memory_space<hbm>>) target(%arg11 : memref<128x128xf32, #tpu.memory_space<vmem>>) offsets(%dma_start3A_52 : memref<128xi32, #tpu.memory_space<vmem>>) semaphore(%arg14 : memref<!tpu.dma_semaphore, #tpu.memory_space<semaphore_mem>>)
      %dma_wait3A_56 = arith.constant 2 : i32
      %dma_wait3A_57 = arith.constant 0 : i32
      %dma_wait3A_58 = tpu.memref_slice %arg6[%dma_wait3A_56, %dma_wait3A_57] : memref<8x128xi32, #tpu.memory_space<vmem>> -> memref<1x128xi32, #tpu.memory_space<vmem>>
      %dma_wait3A_59 = tpu.memref_squeeze %dma_wait3A_58 : memref<1x128xi32, #tpu.memory_space<vmem>> -> memref<128xi32, #tpu.memory_space<vmem>>
      %dma_wait3A_60 = arith.constant 0 : i32
      %dma_wait3A_61 = arith.constant 0 : i32
      %dma_wait3A_62 = tpu.memref_slice %arg2[%dma_wait3A_60, %dma_wait3A_61] : memref<10000x128xf32, #tpu.memory_space<hbm>> -> memref<10000x128xf32, #tpu.memory_space<hbm>>
      tpu.wait_indirect_dma semaphore(%arg13 : memref<!tpu.dma_semaphore, #tpu.memory_space<semaphore_mem>>) src(%dma_wait3A_62 : memref<10000x128xf32, #tpu.memory_space<hbm>>) dst(%arg10 : memref<128x128xf32, #tpu.memory_space<vmem>>)
      %run_scoped3A_63 = arith.constant 2 : i32
      "tpu.region"() ({
        %run_scoped3A_288 = tpu.sem_alloc : memref<!tpu.dma_semaphore, #tpu.memory_space<semaphore_mem>>
        %dma_start3A_289 = arith.constant 0 : i32
        %dma_start3A_290 = tpu.memref_slice %arg7[%run_scoped3A_63, %dma_start3A_289] : memref<8x128xi32, #tpu.memory_space<vmem>> -> memref<1x128xi32, #tpu.memory_space<vmem>>
        %dma_start3A_291 = tpu.memref_squeeze %dma_start3A_290 : memref<1x128xi32, #tpu.memory_space<vmem>> -> memref<128xi32, #tpu.memory_space<vmem>>
        %dma_start3A_292 = arith.constant 0 : i32
        %dma_start3A_293 = arith.constant 0 : i32
        %dma_start3A_294 = tpu.memref_slice %arg12[%dma_start3A_292, %dma_start3A_293] : memref<10008x128xf32, #tpu.memory_space<vmem_shared>> -> memref<10008x128xf32, #tpu.memory_space<vmem_shared>>
        tpu.enqueue_indirect_dma source(%arg10 : memref<128x128xf32, #tpu.memory_space<vmem>>) target(%dma_start3A_294 : memref<10008x128xf32, #tpu.memory_space<vmem_shared>>) offsets(%dma_start3A_291 : memref<128xi32, #tpu.memory_space<vmem>>) semaphore(%run_scoped3A_288 : memref<!tpu.dma_semaphore, #tpu.memory_space<semaphore_mem>>) {add = true}
        %dma_wait3A_295 = arith.constant 0 : i32
        %dma_wait3A_296 = tpu.memref_slice %arg7[%run_scoped3A_63, %dma_wait3A_295] : memref<8x128xi32, #tpu.memory_space<vmem>> -> memref<1x128xi32, #tpu.memory_space<vmem>>
        %dma_wait3A_297 = tpu.memref_squeeze %dma_wait3A_296 : memref<1x128xi32, #tpu.memory_space<vmem>> -> memref<128xi32, #tpu.memory_space<vmem>>
        %dma_wait3A_298 = arith.constant 0 : i32
        %dma_wait3A_299 = arith.constant 0 : i32
        %dma_wait3A_300 = tpu.memref_slice %arg12[%dma_wait3A_298, %dma_wait3A_299] : memref<10008x128xf32, #tpu.memory_space<vmem_shared>> -> memref<10008x128xf32, #tpu.memory_space<vmem_shared>>
        tpu.wait_indirect_dma semaphore(%run_scoped3A_288 : memref<!tpu.dma_semaphore, #tpu.memory_space<semaphore_mem>>) src(%arg10 : memref<128x128xf32, #tpu.memory_space<vmem>>) dst(%dma_wait3A_300 : memref<10008x128xf32, #tpu.memory_space<vmem_shared>>)
        tpu.yield
      }) : () -> ()
      %dma_start3A_64 = arith.constant 4 : i32
      %dma_start3A_65 = arith.constant 0 : i32
      %dma_start3A_66 = tpu.memref_slice %arg6[%dma_start3A_64, %dma_start3A_65] : memref<8x128xi32, #tpu.memory_space<vmem>> -> memref<1x128xi32, #tpu.memory_space<vmem>>
      %dma_start3A_67 = tpu.memref_squeeze %dma_start3A_66 : memref<1x128xi32, #tpu.memory_space<vmem>> -> memref<128xi32, #tpu.memory_space<vmem>>
      %dma_start3A_68 = arith.constant 0 : i32
      %dma_start3A_69 = arith.constant 0 : i32
      %dma_start3A_70 = tpu.memref_slice %arg2[%dma_start3A_68, %dma_start3A_69] : memref<10000x128xf32, #tpu.memory_space<hbm>> -> memref<10000x128xf32, #tpu.memory_space<hbm>>
      tpu.enqueue_indirect_dma source(%dma_start3A_70 : memref<10000x128xf32, #tpu.memory_space<hbm>>) target(%arg10 : memref<128x128xf32, #tpu.memory_space<vmem>>) offsets(%dma_start3A_67 : memref<128xi32, #tpu.memory_space<vmem>>) semaphore(%arg13 : memref<!tpu.dma_semaphore, #tpu.memory_space<semaphore_mem>>)
      %dma_wait3A_71 = arith.constant 3 : i32
      %dma_wait3A_72 = arith.constant 0 : i32
      %dma_wait3A_73 = tpu.memref_slice %arg6[%dma_wait3A_71, %dma_wait3A_72] : memref<8x128xi32, #tpu.memory_space<vmem>> -> memref<1x128xi32, #tpu.memory_space<vmem>>
      %dma_wait3A_74 = tpu.memref_squeeze %dma_wait3A_73 : memref<1x128xi32, #tpu.memory_space<vmem>> -> memref<128xi32, #tpu.memory_space<vmem>>
      %dma_wait3A_75 = arith.constant 0 : i32
      %dma_wait3A_76 = arith.constant 0 : i32
      %dma_wait3A_77 = tpu.memref_slice %arg2[%dma_wait3A_75, %dma_wait3A_76] : memref<10000x128xf32, #tpu.memory_space<hbm>> -> memref<10000x128xf32, #tpu.memory_space<hbm>>
      tpu.wait_indirect_dma semaphore(%arg14 : memref<!tpu.dma_semaphore, #tpu.memory_space<semaphore_mem>>) src(%dma_wait3A_77 : memref<10000x128xf32, #tpu.memory_space<hbm>>) dst(%arg11 : memref<128x128xf32, #tpu.memory_space<vmem>>)
      %run_scoped3A_78 = arith.constant 3 : i32
      "tpu.region"() ({
        %run_scoped3A_288 = tpu.sem_alloc : memref<!tpu.dma_semaphore, #tpu.memory_space<semaphore_mem>>
        %dma_start3A_289 = arith.constant 0 : i32
        %dma_start3A_290 = tpu.memref_slice %arg7[%run_scoped3A_78, %dma_start3A_289] : memref<8x128xi32, #tpu.memory_space<vmem>> -> memref<1x128xi32, #tpu.memory_space<vmem>>
        %dma_start3A_291 = tpu.memref_squeeze %dma_start3A_290 : memref<1x128xi32, #tpu.memory_space<vmem>> -> memref<128xi32, #tpu.memory_space<vmem>>
        %dma_start3A_292 = arith.constant 0 : i32
        %dma_start3A_293 = arith.constant 0 : i32
        %dma_start3A_294 = tpu.memref_slice %arg12[%dma_start3A_292, %dma_start3A_293] : memref<10008x128xf32, #tpu.memory_space<vmem_shared>> -> memref<10008x128xf32, #tpu.memory_space<vmem_shared>>
        tpu.enqueue_indirect_dma source(%arg11 : memref<128x128xf32, #tpu.memory_space<vmem>>) target(%dma_start3A_294 : memref<10008x128xf32, #tpu.memory_space<vmem_shared>>) offsets(%dma_start3A_291 : memref<128xi32, #tpu.memory_space<vmem>>) semaphore(%run_scoped3A_288 : memref<!tpu.dma_semaphore, #tpu.memory_space<semaphore_mem>>) {add = true}
        %dma_wait3A_295 = arith.constant 0 : i32
        %dma_wait3A_296 = tpu.memref_slice %arg7[%run_scoped3A_78, %dma_wait3A_295] : memref<8x128xi32, #tpu.memory_space<vmem>> -> memref<1x128xi32, #tpu.memory_space<vmem>>
        %dma_wait3A_297 = tpu.memref_squeeze %dma_wait3A_296 : memref<1x128xi32, #tpu.memory_space<vmem>> -> memref<128xi32, #tpu.memory_space<vmem>>
        %dma_wait3A_298 = arith.constant 0 : i32
        %dma_wait3A_299 = arith.constant 0 : i32
        %dma_wait3A_300 = tpu.memref_slice %arg12[%dma_wait3A_298, %dma_wait3A_299] : memref<10008x128xf32, #tpu.memory_space<vmem_shared>> -> memref<10008x128xf32, #tpu.memory_space<vmem_shared>>
        tpu.wait_indirect_dma semaphore(%run_scoped3A_288 : memref<!tpu.dma_semaphore, #tpu.memory_space<semaphore_mem>>) src(%arg11 : memref<128x128xf32, #tpu.memory_space<vmem>>) dst(%dma_wait3A_300 : memref<10008x128xf32, #tpu.memory_space<vmem_shared>>)
        tpu.yield
      }) : () -> ()
      %dma_start3A_79 = arith.constant 5 : i32
      %dma_start3A_80 = arith.constant 0 : i32
      %dma_start3A_81 = tpu.memref_slice %arg6[%dma_start3A_79, %dma_start3A_80] : memref<8x128xi32, #tpu.memory_space<vmem>> -> memref<1x128xi32, #tpu.memory_space<vmem>>
      %dma_start3A_82 = tpu.memref_squeeze %dma_start3A_81 : memref<1x128xi32, #tpu.memory_space<vmem>> -> memref<128xi32, #tpu.memory_space<vmem>>
      %dma_start3A_83 = arith.constant 0 : i32
      %dma_start3A_84 = arith.constant 0 : i32
      %dma_start3A_85 = tpu.memref_slice %arg2[%dma_start3A_83, %dma_start3A_84] : memref<10000x128xf32, #tpu.memory_space<hbm>> -> memref<10000x128xf32, #tpu.memory_space<hbm>>
      tpu.enqueue_indirect_dma source(%dma_start3A_85 : memref<10000x128xf32, #tpu.memory_space<hbm>>) target(%arg11 : memref<128x128xf32, #tpu.memory_space<vmem>>) offsets(%dma_start3A_82 : memref<128xi32, #tpu.memory_space<vmem>>) semaphore(%arg14 : memref<!tpu.dma_semaphore, #tpu.memory_space<semaphore_mem>>)
      %dma_wait3A_86 = arith.constant 4 : i32
      %dma_wait3A_87 = arith.constant 0 : i32
      %dma_wait3A_88 = tpu.memref_slice %arg6[%dma_wait3A_86, %dma_wait3A_87] : memref<8x128xi32, #tpu.memory_space<vmem>> -> memref<1x128xi32, #tpu.memory_space<vmem>>
      %dma_wait3A_89 = tpu.memref_squeeze %dma_wait3A_88 : memref<1x128xi32, #tpu.memory_space<vmem>> -> memref<128xi32, #tpu.memory_space<vmem>>
      %dma_wait3A_90 = arith.constant 0 : i32
      %dma_wait3A_91 = arith.constant 0 : i32
      %dma_wait3A_92 = tpu.memref_slice %arg2[%dma_wait3A_90, %dma_wait3A_91] : memref<10000x128xf32, #tpu.memory_space<hbm>> -> memref<10000x128xf32, #tpu.memory_space<hbm>>
      tpu.wait_indirect_dma semaphore(%arg13 : memref<!tpu.dma_semaphore, #tpu.memory_space<semaphore_mem>>) src(%dma_wait3A_92 : memref<10000x128xf32, #tpu.memory_space<hbm>>) dst(%arg10 : memref<128x128xf32, #tpu.memory_space<vmem>>)
      %run_scoped3A_93 = arith.constant 4 : i32
      "tpu.region"() ({
        %run_scoped3A_288 = tpu.sem_alloc : memref<!tpu.dma_semaphore, #tpu.memory_space<semaphore_mem>>
        %dma_start3A_289 = arith.constant 0 : i32
        %dma_start3A_290 = tpu.memref_slice %arg7[%run_scoped3A_93, %dma_start3A_289] : memref<8x128xi32, #tpu.memory_space<vmem>> -> memref<1x128xi32, #tpu.memory_space<vmem>>
        %dma_start3A_291 = tpu.memref_squeeze %dma_start3A_290 : memref<1x128xi32, #tpu.memory_space<vmem>> -> memref<128xi32, #tpu.memory_space<vmem>>
        %dma_start3A_292 = arith.constant 0 : i32
        %dma_start3A_293 = arith.constant 0 : i32
        %dma_start3A_294 = tpu.memref_slice %arg12[%dma_start3A_292, %dma_start3A_293] : memref<10008x128xf32, #tpu.memory_space<vmem_shared>> -> memref<10008x128xf32, #tpu.memory_space<vmem_shared>>
        tpu.enqueue_indirect_dma source(%arg10 : memref<128x128xf32, #tpu.memory_space<vmem>>) target(%dma_start3A_294 : memref<10008x128xf32, #tpu.memory_space<vmem_shared>>) offsets(%dma_start3A_291 : memref<128xi32, #tpu.memory_space<vmem>>) semaphore(%run_scoped3A_288 : memref<!tpu.dma_semaphore, #tpu.memory_space<semaphore_mem>>) {add = true}
        %dma_wait3A_295 = arith.constant 0 : i32
        %dma_wait3A_296 = tpu.memref_slice %arg7[%run_scoped3A_93, %dma_wait3A_295] : memref<8x128xi32, #tpu.memory_space<vmem>> -> memref<1x128xi32, #tpu.memory_space<vmem>>
        %dma_wait3A_297 = tpu.memref_squeeze %dma_wait3A_296 : memref<1x128xi32, #tpu.memory_space<vmem>> -> memref<128xi32, #tpu.memory_space<vmem>>
        %dma_wait3A_298 = arith.constant 0 : i32
        %dma_wait3A_299 = arith.constant 0 : i32
        %dma_wait3A_300 = tpu.memref_slice %arg12[%dma_wait3A_298, %dma_wait3A_299] : memref<10008x128xf32, #tpu.memory_space<vmem_shared>> -> memref<10008x128xf32, #tpu.memory_space<vmem_shared>>
        tpu.wait_indirect_dma semaphore(%run_scoped3A_288 : memref<!tpu.dma_semaphore, #tpu.memory_space<semaphore_mem>>) src(%arg10 : memref<128x128xf32, #tpu.memory_space<vmem>>) dst(%dma_wait3A_300 : memref<10008x128xf32, #tpu.memory_space<vmem_shared>>)
        tpu.yield
      }) : () -> ()
      %dma_start3A_94 = arith.constant 6 : i32
      %dma_start3A_95 = arith.constant 0 : i32
      %dma_start3A_96 = tpu.memref_slice %arg6[%dma_start3A_94, %dma_start3A_95] : memref<8x128xi32, #tpu.memory_space<vmem>> -> memref<1x128xi32, #tpu.memory_space<vmem>>
      %dma_start3A_97 = tpu.memref_squeeze %dma_start3A_96 : memref<1x128xi32, #tpu.memory_space<vmem>> -> memref<128xi32, #tpu.memory_space<vmem>>
      %dma_start3A_98 = arith.constant 0 : i32
      %dma_start3A_99 = arith.constant 0 : i32
      %dma_start3A_100 = tpu.memref_slice %arg2[%dma_start3A_98, %dma_start3A_99] : memref<10000x128xf32, #tpu.memory_space<hbm>> -> memref<10000x128xf32, #tpu.memory_space<hbm>>
      tpu.enqueue_indirect_dma source(%dma_start3A_100 : memref<10000x128xf32, #tpu.memory_space<hbm>>) target(%arg10 : memref<128x128xf32, #tpu.memory_space<vmem>>) offsets(%dma_start3A_97 : memref<128xi32, #tpu.memory_space<vmem>>) semaphore(%arg13 : memref<!tpu.dma_semaphore, #tpu.memory_space<semaphore_mem>>)
      %dma_wait3A_101 = arith.constant 5 : i32
      %dma_wait3A_102 = arith.constant 0 : i32
      %dma_wait3A_103 = tpu.memref_slice %arg6[%dma_wait3A_101, %dma_wait3A_102] : memref<8x128xi32, #tpu.memory_space<vmem>> -> memref<1x128xi32, #tpu.memory_space<vmem>>
      %dma_wait3A_104 = tpu.memref_squeeze %dma_wait3A_103 : memref<1x128xi32, #tpu.memory_space<vmem>> -> memref<128xi32, #tpu.memory_space<vmem>>
      %dma_wait3A_105 = arith.constant 0 : i32
      %dma_wait3A_106 = arith.constant 0 : i32
      %dma_wait3A_107 = tpu.memref_slice %arg2[%dma_wait3A_105, %dma_wait3A_106] : memref<10000x128xf32, #tpu.memory_space<hbm>> -> memref<10000x128xf32, #tpu.memory_space<hbm>>
      tpu.wait_indirect_dma semaphore(%arg14 : memref<!tpu.dma_semaphore, #tpu.memory_space<semaphore_mem>>) src(%dma_wait3A_107 : memref<10000x128xf32, #tpu.memory_space<hbm>>) dst(%arg11 : memref<128x128xf32, #tpu.memory_space<vmem>>)
      %run_scoped3A_108 = arith.constant 5 : i32
      "tpu.region"() ({
        %run_scoped3A_288 = tpu.sem_alloc : memref<!tpu.dma_semaphore, #tpu.memory_space<semaphore_mem>>
        %dma_start3A_289 = arith.constant 0 : i32
        %dma_start3A_290 = tpu.memref_slice %arg7[%run_scoped3A_108, %dma_start3A_289] : memref<8x128xi32, #tpu.memory_space<vmem>> -> memref<1x128xi32, #tpu.memory_space<vmem>>
        %dma_start3A_291 = tpu.memref_squeeze %dma_start3A_290 : memref<1x128xi32, #tpu.memory_space<vmem>> -> memref<128xi32, #tpu.memory_space<vmem>>
        %dma_start3A_292 = arith.constant 0 : i32
        %dma_start3A_293 = arith.constant 0 : i32
        %dma_start3A_294 = tpu.memref_slice %arg12[%dma_start3A_292, %dma_start3A_293] : memref<10008x128xf32, #tpu.memory_space<vmem_shared>> -> memref<10008x128xf32, #tpu.memory_space<vmem_shared>>
        tpu.enqueue_indirect_dma source(%arg11 : memref<128x128xf32, #tpu.memory_space<vmem>>) target(%dma_start3A_294 : memref<10008x128xf32, #tpu.memory_space<vmem_shared>>) offsets(%dma_start3A_291 : memref<128xi32, #tpu.memory_space<vmem>>) semaphore(%run_scoped3A_288 : memref<!tpu.dma_semaphore, #tpu.memory_space<semaphore_mem>>) {add = true}
        %dma_wait3A_295 = arith.constant 0 : i32
        %dma_wait3A_296 = tpu.memref_slice %arg7[%run_scoped3A_108, %dma_wait3A_295] : memref<8x128xi32, #tpu.memory_space<vmem>> -> memref<1x128xi32, #tpu.memory_space<vmem>>
        %dma_wait3A_297 = tpu.memref_squeeze %dma_wait3A_296 : memref<1x128xi32, #tpu.memory_space<vmem>> -> memref<128xi32, #tpu.memory_space<vmem>>
        %dma_wait3A_298 = arith.constant 0 : i32
        %dma_wait3A_299 = arith.constant 0 : i32
        %dma_wait3A_300 = tpu.memref_slice %arg12[%dma_wait3A_298, %dma_wait3A_299] : memref<10008x128xf32, #tpu.memory_space<vmem_shared>> -> memref<10008x128xf32, #tpu.memory_space<vmem_shared>>
        tpu.wait_indirect_dma semaphore(%run_scoped3A_288 : memref<!tpu.dma_semaphore, #tpu.memory_space<semaphore_mem>>) src(%arg11 : memref<128x128xf32, #tpu.memory_space<vmem>>) dst(%dma_wait3A_300 : memref<10008x128xf32, #tpu.memory_space<vmem_shared>>)
        tpu.yield
      }) : () -> ()
      %dma_start3A_109 = arith.constant 7 : i32
      %dma_start3A_110 = arith.constant 0 : i32
      %dma_start3A_111 = tpu.memref_slice %arg6[%dma_start3A_109, %dma_start3A_110] : memref<8x128xi32, #tpu.memory_space<vmem>> -> memref<1x128xi32, #tpu.memory_space<vmem>>
      %dma_start3A_112 = tpu.memref_squeeze %dma_start3A_111 : memref<1x128xi32, #tpu.memory_space<vmem>> -> memref<128xi32, #tpu.memory_space<vmem>>
      %dma_start3A_113 = arith.constant 0 : i32
      %dma_start3A_114 = arith.constant 0 : i32
      %dma_start3A_115 = tpu.memref_slice %arg2[%dma_start3A_113, %dma_start3A_114] : memref<10000x128xf32, #tpu.memory_space<hbm>> -> memref<10000x128xf32, #tpu.memory_space<hbm>>
      tpu.enqueue_indirect_dma source(%dma_start3A_115 : memref<10000x128xf32, #tpu.memory_space<hbm>>) target(%arg11 : memref<128x128xf32, #tpu.memory_space<vmem>>) offsets(%dma_start3A_112 : memref<128xi32, #tpu.memory_space<vmem>>) semaphore(%arg14 : memref<!tpu.dma_semaphore, #tpu.memory_space<semaphore_mem>>)
      %ge3A = arith.constant 1 : i32
      %ge3A_116 = arith.cmpi sge, %mul3A_27, %ge3A : i32
      %lt3A = arith.constant 9 : i32
      %lt3A_117 = arith.cmpi slt, %mul3A_27, %lt3A : i32
      %and3A = arith.andi %ge3A_116, %lt3A_117 : i1
      %convert_element_type3A_118 = arith.extui %and3A : i1 to i32
      %cond3A_119 = arith.constant 0 : i32
      %cond3A_120 = arith.cmpi ne, %convert_element_type3A_118, %cond3A_119 : i32
      scf.if %cond3A_120 {
        %dma_wait3A_288 = arith.constant 0 : i32
        %dma_wait3A_289 = arith.constant 0 : i32
        %dma_wait3A_290 = arith.constant 0 : i32
        %dma_wait3A_291 = tpu.memref_slice %arg3[%arg0, %dma_wait3A_288, %dma_wait3A_289, %dma_wait3A_290] : memref<2x16x80x128xi32, #tpu.memory_space<hbm>> -> memref<1x16x80x128xi32, #tpu.memory_space<hbm>>
        %dma_wait3A_292 = tpu.memref_squeeze %dma_wait3A_291 : memref<1x16x80x128xi32, #tpu.memory_space<hbm>> -> memref<16x80x128xi32, #tpu.memory_space<hbm>>
        %dma_wait3A_293 = arith.constant 0 : i32
        %dma_wait3A_294 = arith.constant 0 : i32
        %dma_wait3A_295 = tpu.memref_slice %dma_wait3A_292[%arg1, %dma_wait3A_293, %dma_wait3A_294] : memref<16x80x128xi32, #tpu.memory_space<hbm>> -> memref<1x80x128xi32, #tpu.memory_space<hbm>>
        %dma_wait3A_296 = tpu.memref_squeeze %dma_wait3A_295 : memref<1x80x128xi32, #tpu.memory_space<hbm>> -> memref<80x128xi32, #tpu.memory_space<hbm>>
        %dma_wait3A_297 = arith.constant 0 : i32
        %dma_wait3A_298 = arith.constant 0 : i32
        %dma_wait3A_299 = tpu.memref_slice %dma_wait3A_296[%dma_wait3A_297, %dma_wait3A_298] : memref<80x128xi32, #tpu.memory_space<hbm>> -> memref<8x128xi32, #tpu.memory_space<hbm>>
        %dma_wait3A_300 = arith.constant 0 : i32
        %dma_wait3A_301 = arith.constant 0 : i32
        %dma_wait3A_302 = arith.constant 0 : i32
        %dma_wait3A_303 = tpu.memref_slice %arg3[%arg0, %dma_wait3A_300, %dma_wait3A_301, %dma_wait3A_302] : memref<2x16x80x128xi32, #tpu.memory_space<hbm>> -> memref<1x16x80x128xi32, #tpu.memory_space<hbm>>
        %dma_wait3A_304 = tpu.memref_squeeze %dma_wait3A_303 : memref<1x16x80x128xi32, #tpu.memory_space<hbm>> -> memref<16x80x128xi32, #tpu.memory_space<hbm>>
        %dma_wait3A_305 = arith.constant 0 : i32
        %dma_wait3A_306 = arith.constant 0 : i32
        %dma_wait3A_307 = tpu.memref_slice %dma_wait3A_304[%arg1, %dma_wait3A_305, %dma_wait3A_306] : memref<16x80x128xi32, #tpu.memory_space<hbm>> -> memref<1x80x128xi32, #tpu.memory_space<hbm>>
        %dma_wait3A_308 = tpu.memref_squeeze %dma_wait3A_307 : memref<1x80x128xi32, #tpu.memory_space<hbm>> -> memref<80x128xi32, #tpu.memory_space<hbm>>
        %dma_wait3A_309 = arith.constant 0 : i32
        %dma_wait3A_310 = arith.constant 0 : i32
        %dma_wait3A_311 = tpu.memref_slice %dma_wait3A_308[%dma_wait3A_309, %dma_wait3A_310] : memref<80x128xi32, #tpu.memory_space<hbm>> -> memref<8x128xi32, #tpu.memory_space<hbm>>
        tpu.wait_dma2 semaphore(%arg15 : memref<!tpu.dma_semaphore, #tpu.memory_space<semaphore_mem>>) src(%dma_wait3A_311 : memref<8x128xi32, #tpu.memory_space<hbm>>) dst(%arg8 : memref<8x128xi32, #tpu.memory_space<vmem>>)
        %dma_wait3A_312 = arith.constant 0 : i32
        %dma_wait3A_313 = arith.constant 0 : i32
        %dma_wait3A_314 = arith.constant 0 : i32
        %dma_wait3A_315 = tpu.memref_slice %arg4[%arg0, %dma_wait3A_312, %dma_wait3A_313, %dma_wait3A_314] : memref<2x16x80x128xi32, #tpu.memory_space<hbm>> -> memref<1x16x80x128xi32, #tpu.memory_space<hbm>>
        %dma_wait3A_316 = tpu.memref_squeeze %dma_wait3A_315 : memref<1x16x80x128xi32, #tpu.memory_space<hbm>> -> memref<16x80x128xi32, #tpu.memory_space<hbm>>
        %dma_wait3A_317 = arith.constant 0 : i32
        %dma_wait3A_318 = arith.constant 0 : i32
        %dma_wait3A_319 = tpu.memref_slice %dma_wait3A_316[%arg1, %dma_wait3A_317, %dma_wait3A_318] : memref<16x80x128xi32, #tpu.memory_space<hbm>> -> memref<1x80x128xi32, #tpu.memory_space<hbm>>
        %dma_wait3A_320 = tpu.memref_squeeze %dma_wait3A_319 : memref<1x80x128xi32, #tpu.memory_space<hbm>> -> memref<80x128xi32, #tpu.memory_space<hbm>>
        %dma_wait3A_321 = arith.constant 0 : i32
        %dma_wait3A_322 = arith.constant 0 : i32
        %dma_wait3A_323 = tpu.memref_slice %dma_wait3A_320[%dma_wait3A_321, %dma_wait3A_322] : memref<80x128xi32, #tpu.memory_space<hbm>> -> memref<8x128xi32, #tpu.memory_space<hbm>>
        %dma_wait3A_324 = arith.constant 0 : i32
        %dma_wait3A_325 = arith.constant 0 : i32
        %dma_wait3A_326 = arith.constant 0 : i32
        %dma_wait3A_327 = tpu.memref_slice %arg4[%arg0, %dma_wait3A_324, %dma_wait3A_325, %dma_wait3A_326] : memref<2x16x80x128xi32, #tpu.memory_space<hbm>> -> memref<1x16x80x128xi32, #tpu.memory_space<hbm>>
        %dma_wait3A_328 = tpu.memref_squeeze %dma_wait3A_327 : memref<1x16x80x128xi32, #tpu.memory_space<hbm>> -> memref<16x80x128xi32, #tpu.memory_space<hbm>>
        %dma_wait3A_329 = arith.constant 0 : i32
        %dma_wait3A_330 = arith.constant 0 : i32
        %dma_wait3A_331 = tpu.memref_slice %dma_wait3A_328[%arg1, %dma_wait3A_329, %dma_wait3A_330] : memref<16x80x128xi32, #tpu.memory_space<hbm>> -> memref<1x80x128xi32, #tpu.memory_space<hbm>>
        %dma_wait3A_332 = tpu.memref_squeeze %dma_wait3A_331 : memref<1x80x128xi32, #tpu.memory_space<hbm>> -> memref<80x128xi32, #tpu.memory_space<hbm>>
        %dma_wait3A_333 = arith.constant 0 : i32
        %dma_wait3A_334 = arith.constant 0 : i32
        %dma_wait3A_335 = tpu.memref_slice %dma_wait3A_332[%dma_wait3A_333, %dma_wait3A_334] : memref<80x128xi32, #tpu.memory_space<hbm>> -> memref<8x128xi32, #tpu.memory_space<hbm>>
        tpu.wait_dma2 semaphore(%arg15 : memref<!tpu.dma_semaphore, #tpu.memory_space<semaphore_mem>>) src(%dma_wait3A_335 : memref<8x128xi32, #tpu.memory_space<hbm>>) dst(%arg9 : memref<8x128xi32, #tpu.memory_space<vmem>>)
      } else {
      }
      %dma_wait3A_121 = arith.constant 6 : i32
      %dma_wait3A_122 = arith.constant 0 : i32
      %dma_wait3A_123 = tpu.memref_slice %arg6[%dma_wait3A_121, %dma_wait3A_122] : memref<8x128xi32, #tpu.memory_space<vmem>> -> memref<1x128xi32, #tpu.memory_space<vmem>>
      %dma_wait3A_124 = tpu.memref_squeeze %dma_wait3A_123 : memref<1x128xi32, #tpu.memory_space<vmem>> -> memref<128xi32, #tpu.memory_space<vmem>>
      %dma_wait3A_125 = arith.constant 0 : i32
      %dma_wait3A_126 = arith.constant 0 : i32
      %dma_wait3A_127 = tpu.memref_slice %arg2[%dma_wait3A_125, %dma_wait3A_126] : memref<10000x128xf32, #tpu.memory_space<hbm>> -> memref<10000x128xf32, #tpu.memory_space<hbm>>
      tpu.wait_indirect_dma semaphore(%arg13 : memref<!tpu.dma_semaphore, #tpu.memory_space<semaphore_mem>>) src(%dma_wait3A_127 : memref<10000x128xf32, #tpu.memory_space<hbm>>) dst(%arg10 : memref<128x128xf32, #tpu.memory_space<vmem>>)
      %run_scoped3A_128 = arith.constant 6 : i32
      "tpu.region"() ({
        %run_scoped3A_288 = tpu.sem_alloc : memref<!tpu.dma_semaphore, #tpu.memory_space<semaphore_mem>>
        %dma_start3A_289 = arith.constant 0 : i32
        %dma_start3A_290 = tpu.memref_slice %arg7[%run_scoped3A_128, %dma_start3A_289] : memref<8x128xi32, #tpu.memory_space<vmem>> -> memref<1x128xi32, #tpu.memory_space<vmem>>
        %dma_start3A_291 = tpu.memref_squeeze %dma_start3A_290 : memref<1x128xi32, #tpu.memory_space<vmem>> -> memref<128xi32, #tpu.memory_space<vmem>>
        %dma_start3A_292 = arith.constant 0 : i32
        %dma_start3A_293 = arith.constant 0 : i32
        %dma_start3A_294 = tpu.memref_slice %arg12[%dma_start3A_292, %dma_start3A_293] : memref<10008x128xf32, #tpu.memory_space<vmem_shared>> -> memref<10008x128xf32, #tpu.memory_space<vmem_shared>>
        tpu.enqueue_indirect_dma source(%arg10 : memref<128x128xf32, #tpu.memory_space<vmem>>) target(%dma_start3A_294 : memref<10008x128xf32, #tpu.memory_space<vmem_shared>>) offsets(%dma_start3A_291 : memref<128xi32, #tpu.memory_space<vmem>>) semaphore(%run_scoped3A_288 : memref<!tpu.dma_semaphore, #tpu.memory_space<semaphore_mem>>) {add = true}
        %dma_wait3A_295 = arith.constant 0 : i32
        %dma_wait3A_296 = tpu.memref_slice %arg7[%run_scoped3A_128, %dma_wait3A_295] : memref<8x128xi32, #tpu.memory_space<vmem>> -> memref<1x128xi32, #tpu.memory_space<vmem>>
        %dma_wait3A_297 = tpu.memref_squeeze %dma_wait3A_296 : memref<1x128xi32, #tpu.memory_space<vmem>> -> memref<128xi32, #tpu.memory_space<vmem>>
        %dma_wait3A_298 = arith.constant 0 : i32
        %dma_wait3A_299 = arith.constant 0 : i32
        %dma_wait3A_300 = tpu.memref_slice %arg12[%dma_wait3A_298, %dma_wait3A_299] : memref<10008x128xf32, #tpu.memory_space<vmem_shared>> -> memref<10008x128xf32, #tpu.memory_space<vmem_shared>>
        tpu.wait_indirect_dma semaphore(%run_scoped3A_288 : memref<!tpu.dma_semaphore, #tpu.memory_space<semaphore_mem>>) src(%arg10 : memref<128x128xf32, #tpu.memory_space<vmem>>) dst(%dma_wait3A_300 : memref<10008x128xf32, #tpu.memory_space<vmem_shared>>)
        tpu.yield
      }) : () -> ()
      %lt3A_129 = arith.constant 9 : i32
      %lt3A_130 = arith.cmpi slt, %mul3A_27, %lt3A_129 : i32
      %convert_element_type3A_131 = arith.extui %lt3A_130 : i1 to i32
      %cond3A_132 = arith.constant 0 : i32
      %cond3A_133 = arith.cmpi ne, %convert_element_type3A_131, %cond3A_132 : i32
      scf.if %cond3A_133 {
        %dma_start3A_288 = arith.constant 0 : i32
        %dma_start3A_289 = arith.constant 0 : i32
        %dma_start3A_290 = tpu.memref_slice %arg8[%dma_start3A_288, %dma_start3A_289] : memref<8x128xi32, #tpu.memory_space<vmem>> -> memref<1x128xi32, #tpu.memory_space<vmem>>
        %dma_start3A_291 = tpu.memref_squeeze %dma_start3A_290 : memref<1x128xi32, #tpu.memory_space<vmem>> -> memref<128xi32, #tpu.memory_space<vmem>>
        %dma_start3A_292 = arith.constant 0 : i32
        %dma_start3A_293 = arith.constant 0 : i32
        %dma_start3A_294 = tpu.memref_slice %arg2[%dma_start3A_292, %dma_start3A_293] : memref<10000x128xf32, #tpu.memory_space<hbm>> -> memref<10000x128xf32, #tpu.memory_space<hbm>>
        tpu.enqueue_indirect_dma source(%dma_start3A_294 : memref<10000x128xf32, #tpu.memory_space<hbm>>) target(%arg10 : memref<128x128xf32, #tpu.memory_space<vmem>>) offsets(%dma_start3A_291 : memref<128xi32, #tpu.memory_space<vmem>>) semaphore(%arg13 : memref<!tpu.dma_semaphore, #tpu.memory_space<semaphore_mem>>)
      } else {
      }
      %dma_wait3A_134 = arith.constant 7 : i32
      %dma_wait3A_135 = arith.constant 0 : i32
      %dma_wait3A_136 = tpu.memref_slice %arg6[%dma_wait3A_134, %dma_wait3A_135] : memref<8x128xi32, #tpu.memory_space<vmem>> -> memref<1x128xi32, #tpu.memory_space<vmem>>
      %dma_wait3A_137 = tpu.memref_squeeze %dma_wait3A_136 : memref<1x128xi32, #tpu.memory_space<vmem>> -> memref<128xi32, #tpu.memory_space<vmem>>
      %dma_wait3A_138 = arith.constant 0 : i32
      %dma_wait3A_139 = arith.constant 0 : i32
      %dma_wait3A_140 = tpu.memref_slice %arg2[%dma_wait3A_138, %dma_wait3A_139] : memref<10000x128xf32, #tpu.memory_space<hbm>> -> memref<10000x128xf32, #tpu.memory_space<hbm>>
      tpu.wait_indirect_dma semaphore(%arg14 : memref<!tpu.dma_semaphore, #tpu.memory_space<semaphore_mem>>) src(%dma_wait3A_140 : memref<10000x128xf32, #tpu.memory_space<hbm>>) dst(%arg11 : memref<128x128xf32, #tpu.memory_space<vmem>>)
      %run_scoped3A_141 = arith.constant 7 : i32
      "tpu.region"() ({
        %run_scoped3A_288 = tpu.sem_alloc : memref<!tpu.dma_semaphore, #tpu.memory_space<semaphore_mem>>
        %dma_start3A_289 = arith.constant 0 : i32
        %dma_start3A_290 = tpu.memref_slice %arg7[%run_scoped3A_141, %dma_start3A_289] : memref<8x128xi32, #tpu.memory_space<vmem>> -> memref<1x128xi32, #tpu.memory_space<vmem>>
        %dma_start3A_291 = tpu.memref_squeeze %dma_start3A_290 : memref<1x128xi32, #tpu.memory_space<vmem>> -> memref<128xi32, #tpu.memory_space<vmem>>
        %dma_start3A_292 = arith.constant 0 : i32
        %dma_start3A_293 = arith.constant 0 : i32
        %dma_start3A_294 = tpu.memref_slice %arg12[%dma_start3A_292, %dma_start3A_293] : memref<10008x128xf32, #tpu.memory_space<vmem_shared>> -> memref<10008x128xf32, #tpu.memory_space<vmem_shared>>
        tpu.enqueue_indirect_dma source(%arg11 : memref<128x128xf32, #tpu.memory_space<vmem>>) target(%dma_start3A_294 : memref<10008x128xf32, #tpu.memory_space<vmem_shared>>) offsets(%dma_start3A_291 : memref<128xi32, #tpu.memory_space<vmem>>) semaphore(%run_scoped3A_288 : memref<!tpu.dma_semaphore, #tpu.memory_space<semaphore_mem>>) {add = true}
        %dma_wait3A_295 = arith.constant 0 : i32
        %dma_wait3A_296 = tpu.memref_slice %arg7[%run_scoped3A_141, %dma_wait3A_295] : memref<8x128xi32, #tpu.memory_space<vmem>> -> memref<1x128xi32, #tpu.memory_space<vmem>>
        %dma_wait3A_297 = tpu.memref_squeeze %dma_wait3A_296 : memref<1x128xi32, #tpu.memory_space<vmem>> -> memref<128xi32, #tpu.memory_space<vmem>>
        %dma_wait3A_298 = arith.constant 0 : i32
        %dma_wait3A_299 = arith.constant 0 : i32
        %dma_wait3A_300 = tpu.memref_slice %arg12[%dma_wait3A_298, %dma_wait3A_299] : memref<10008x128xf32, #tpu.memory_space<vmem_shared>> -> memref<10008x128xf32, #tpu.memory_space<vmem_shared>>
        tpu.wait_indirect_dma semaphore(%run_scoped3A_288 : memref<!tpu.dma_semaphore, #tpu.memory_space<semaphore_mem>>) src(%arg11 : memref<128x128xf32, #tpu.memory_space<vmem>>) dst(%dma_wait3A_300 : memref<10008x128xf32, #tpu.memory_space<vmem_shared>>)
        tpu.yield
      }) : () -> ()
      %lt3A_142 = arith.constant 9 : i32
      %lt3A_143 = arith.cmpi slt, %mul3A_27, %lt3A_142 : i32
      %convert_element_type3A_144 = arith.extui %lt3A_143 : i1 to i32
      %cond3A_145 = arith.constant 0 : i32
      %cond3A_146 = arith.cmpi ne, %convert_element_type3A_144, %cond3A_145 : i32
      scf.if %cond3A_146 {
        %dma_start3A_288 = arith.constant 1 : i32
        %dma_start3A_289 = arith.constant 0 : i32
        %dma_start3A_290 = tpu.memref_slice %arg8[%dma_start3A_288, %dma_start3A_289] : memref<8x128xi32, #tpu.memory_space<vmem>> -> memref<1x128xi32, #tpu.memory_space<vmem>>
        %dma_start3A_291 = tpu.memref_squeeze %dma_start3A_290 : memref<1x128xi32, #tpu.memory_space<vmem>> -> memref<128xi32, #tpu.memory_space<vmem>>
        %dma_start3A_292 = arith.constant 0 : i32
        %dma_start3A_293 = arith.constant 0 : i32
        %dma_start3A_294 = tpu.memref_slice %arg2[%dma_start3A_292, %dma_start3A_293] : memref<10000x128xf32, #tpu.memory_space<hbm>> -> memref<10000x128xf32, #tpu.memory_space<hbm>>
        tpu.enqueue_indirect_dma source(%dma_start3A_294 : memref<10000x128xf32, #tpu.memory_space<hbm>>) target(%arg11 : memref<128x128xf32, #tpu.memory_space<vmem>>) offsets(%dma_start3A_291 : memref<128xi32, #tpu.memory_space<vmem>>) semaphore(%arg14 : memref<!tpu.dma_semaphore, #tpu.memory_space<semaphore_mem>>)
      } else {
      }
      %add3A = arith.constant 2 : i32
      %add3A_147 = arith.addi %mul3A_27, %add3A : i32
      %lt3A_148 = arith.constant 10 : i32
      %lt3A_149 = arith.cmpi slt, %add3A_147, %lt3A_148 : i32
      %convert_element_type3A_150 = arith.extui %lt3A_149 : i1 to i32
      %cond3A_151 = arith.constant 0 : i32
      %cond3A_152 = arith.cmpi ne, %convert_element_type3A_150, %cond3A_151 : i32
      scf.if %cond3A_152 {
        %add3A_288 = arith.constant 2 : i32
        %add3A_289 = arith.addi %mul3A_27, %add3A_288 : i32
        %mul3A_290 = arith.constant 8 : i32
        %mul3A_291 = arith.muli %add3A_289, %mul3A_290 : i32
        %multiple_of3A_292 = tpu.assume_multiple %mul3A_291, 8 : i32
        %dma_start3A_293 = arith.constant 0 : i32
        %dma_start3A_294 = arith.constant 0 : i32
        %dma_start3A_295 = arith.constant 0 : i32
        %dma_start3A_296 = tpu.memref_slice %arg3[%arg0, %dma_start3A_293, %dma_start3A_294, %dma_start3A_295] : memref<2x16x80x128xi32, #tpu.memory_space<hbm>> -> memref<1x16x80x128xi32, #tpu.memory_space<hbm>>
        %dma_start3A_297 = tpu.memref_squeeze %dma_start3A_296 : memref<1x16x80x128xi32, #tpu.memory_space<hbm>> -> memref<16x80x128xi32, #tpu.memory_space<hbm>>
        %dma_start3A_298 = arith.constant 0 : i32
        %dma_start3A_299 = arith.constant 0 : i32
        %dma_start3A_300 = tpu.memref_slice %dma_start3A_297[%arg1, %dma_start3A_298, %dma_start3A_299] : memref<16x80x128xi32, #tpu.memory_space<hbm>> -> memref<1x80x128xi32, #tpu.memory_space<hbm>>
        %dma_start3A_301 = tpu.memref_squeeze %dma_start3A_300 : memref<1x80x128xi32, #tpu.memory_space<hbm>> -> memref<80x128xi32, #tpu.memory_space<hbm>>
        %dma_start3A_302 = arith.constant 0 : i32
        %dma_start3A_303 = tpu.memref_slice %dma_start3A_301[%multiple_of3A_292, %dma_start3A_302] : memref<80x128xi32, #tpu.memory_space<hbm>> -> memref<8x128xi32, #tpu.memory_space<hbm>>
        %dma_start3A_304 = arith.constant 0 : i32
        %dma_start3A_305 = arith.constant 0 : i32
        %dma_start3A_306 = arith.constant 0 : i32
        %dma_start3A_307 = tpu.memref_slice %arg3[%arg0, %dma_start3A_304, %dma_start3A_305, %dma_start3A_306] : memref<2x16x80x128xi32, #tpu.memory_space<hbm>> -> memref<1x16x80x128xi32, #tpu.memory_space<hbm>>
        %dma_start3A_308 = tpu.memref_squeeze %dma_start3A_307 : memref<1x16x80x128xi32, #tpu.memory_space<hbm>> -> memref<16x80x128xi32, #tpu.memory_space<hbm>>
        %dma_start3A_309 = arith.constant 0 : i32
        %dma_start3A_310 = arith.constant 0 : i32
        %dma_start3A_311 = tpu.memref_slice %dma_start3A_308[%arg1, %dma_start3A_309, %dma_start3A_310] : memref<16x80x128xi32, #tpu.memory_space<hbm>> -> memref<1x80x128xi32, #tpu.memory_space<hbm>>
        %dma_start3A_312 = tpu.memref_squeeze %dma_start3A_311 : memref<1x80x128xi32, #tpu.memory_space<hbm>> -> memref<80x128xi32, #tpu.memory_space<hbm>>
        %dma_start3A_313 = arith.constant 0 : i32
        %dma_start3A_314 = tpu.memref_slice %dma_start3A_312[%multiple_of3A_292, %dma_start3A_313] : memref<80x128xi32, #tpu.memory_space<hbm>> -> memref<8x128xi32, #tpu.memory_space<hbm>>
        tpu.enqueue_dma source(%dma_start3A_314 : memref<8x128xi32, #tpu.memory_space<hbm>>) target(%arg6 : memref<8x128xi32, #tpu.memory_space<vmem>>) target_semaphore(%arg15 : memref<!tpu.dma_semaphore, #tpu.memory_space<semaphore_mem>>)
        %dma_start3A_315 = arith.constant 0 : i32
        %dma_start3A_316 = arith.constant 0 : i32
        %dma_start3A_317 = arith.constant 0 : i32
        %dma_start3A_318 = tpu.memref_slice %arg4[%arg0, %dma_start3A_315, %dma_start3A_316, %dma_start3A_317] : memref<2x16x80x128xi32, #tpu.memory_space<hbm>> -> memref<1x16x80x128xi32, #tpu.memory_space<hbm>>
        %dma_start3A_319 = tpu.memref_squeeze %dma_start3A_318 : memref<1x16x80x128xi32, #tpu.memory_space<hbm>> -> memref<16x80x128xi32, #tpu.memory_space<hbm>>
        %dma_start3A_320 = arith.constant 0 : i32
        %dma_start3A_321 = arith.constant 0 : i32
        %dma_start3A_322 = tpu.memref_slice %dma_start3A_319[%arg1, %dma_start3A_320, %dma_start3A_321] : memref<16x80x128xi32, #tpu.memory_space<hbm>> -> memref<1x80x128xi32, #tpu.memory_space<hbm>>
        %dma_start3A_323 = tpu.memref_squeeze %dma_start3A_322 : memref<1x80x128xi32, #tpu.memory_space<hbm>> -> memref<80x128xi32, #tpu.memory_space<hbm>>
        %dma_start3A_324 = arith.constant 0 : i32
        %dma_start3A_325 = tpu.memref_slice %dma_start3A_323[%multiple_of3A_292, %dma_start3A_324] : memref<80x128xi32, #tpu.memory_space<hbm>> -> memref<8x128xi32, #tpu.memory_space<hbm>>
        %dma_start3A_326 = arith.constant 0 : i32
        %dma_start3A_327 = arith.constant 0 : i32
        %dma_start3A_328 = arith.constant 0 : i32
        %dma_start3A_329 = tpu.memref_slice %arg4[%arg0, %dma_start3A_326, %dma_start3A_327, %dma_start3A_328] : memref<2x16x80x128xi32, #tpu.memory_space<hbm>> -> memref<1x16x80x128xi32, #tpu.memory_space<hbm>>
        %dma_start3A_330 = tpu.memref_squeeze %dma_start3A_329 : memref<1x16x80x128xi32, #tpu.memory_space<hbm>> -> memref<16x80x128xi32, #tpu.memory_space<hbm>>
        %dma_start3A_331 = arith.constant 0 : i32
        %dma_start3A_332 = arith.constant 0 : i32
        %dma_start3A_333 = tpu.memref_slice %dma_start3A_330[%arg1, %dma_start3A_331, %dma_start3A_332] : memref<16x80x128xi32, #tpu.memory_space<hbm>> -> memref<1x80x128xi32, #tpu.memory_space<hbm>>
        %dma_start3A_334 = tpu.memref_squeeze %dma_start3A_333 : memref<1x80x128xi32, #tpu.memory_space<hbm>> -> memref<80x128xi32, #tpu.memory_space<hbm>>
        %dma_start3A_335 = arith.constant 0 : i32
        %dma_start3A_336 = tpu.memref_slice %dma_start3A_334[%multiple_of3A_292, %dma_start3A_335] : memref<80x128xi32, #tpu.memory_space<hbm>> -> memref<8x128xi32, #tpu.memory_space<hbm>>
        tpu.enqueue_dma source(%dma_start3A_336 : memref<8x128xi32, #tpu.memory_space<hbm>>) target(%arg7 : memref<8x128xi32, #tpu.memory_space<vmem>>) target_semaphore(%arg15 : memref<!tpu.dma_semaphore, #tpu.memory_space<semaphore_mem>>)
      } else {
      }
      %mul3A_153 = arith.constant 2 : i32
      %mul3A_154 = arith.muli %mul3A_153, %scan3A_25 : i32
      %add3A_155 = arith.constant 1 : i32
      %add3A_156 = arith.addi %mul3A_154, %add3A_155 : i32
      %dma_wait3A_157 = arith.constant 0 : i32
      %dma_wait3A_158 = arith.constant 0 : i32
      %dma_wait3A_159 = tpu.memref_slice %arg8[%dma_wait3A_157, %dma_wait3A_158] : memref<8x128xi32, #tpu.memory_space<vmem>> -> memref<1x128xi32, #tpu.memory_space<vmem>>
      %dma_wait3A_160 = tpu.memref_squeeze %dma_wait3A_159 : memref<1x128xi32, #tpu.memory_space<vmem>> -> memref<128xi32, #tpu.memory_space<vmem>>
      %dma_wait3A_161 = arith.constant 0 : i32
      %dma_wait3A_162 = arith.constant 0 : i32
      %dma_wait3A_163 = tpu.memref_slice %arg2[%dma_wait3A_161, %dma_wait3A_162] : memref<10000x128xf32, #tpu.memory_space<hbm>> -> memref<10000x128xf32, #tpu.memory_space<hbm>>
      tpu.wait_indirect_dma semaphore(%arg13 : memref<!tpu.dma_semaphore, #tpu.memory_space<semaphore_mem>>) src(%dma_wait3A_163 : memref<10000x128xf32, #tpu.memory_space<hbm>>) dst(%arg10 : memref<128x128xf32, #tpu.memory_space<vmem>>)
      %run_scoped3A_164 = arith.constant 0 : i32
      "tpu.region"() ({
        %run_scoped3A_288 = tpu.sem_alloc : memref<!tpu.dma_semaphore, #tpu.memory_space<semaphore_mem>>
        %dma_start3A_289 = arith.constant 0 : i32
        %dma_start3A_290 = tpu.memref_slice %arg9[%run_scoped3A_164, %dma_start3A_289] : memref<8x128xi32, #tpu.memory_space<vmem>> -> memref<1x128xi32, #tpu.memory_space<vmem>>
        %dma_start3A_291 = tpu.memref_squeeze %dma_start3A_290 : memref<1x128xi32, #tpu.memory_space<vmem>> -> memref<128xi32, #tpu.memory_space<vmem>>
        %dma_start3A_292 = arith.constant 0 : i32
        %dma_start3A_293 = arith.constant 0 : i32
        %dma_start3A_294 = tpu.memref_slice %arg12[%dma_start3A_292, %dma_start3A_293] : memref<10008x128xf32, #tpu.memory_space<vmem_shared>> -> memref<10008x128xf32, #tpu.memory_space<vmem_shared>>
        tpu.enqueue_indirect_dma source(%arg10 : memref<128x128xf32, #tpu.memory_space<vmem>>) target(%dma_start3A_294 : memref<10008x128xf32, #tpu.memory_space<vmem_shared>>) offsets(%dma_start3A_291 : memref<128xi32, #tpu.memory_space<vmem>>) semaphore(%run_scoped3A_288 : memref<!tpu.dma_semaphore, #tpu.memory_space<semaphore_mem>>) {add = true}
        %dma_wait3A_295 = arith.constant 0 : i32
        %dma_wait3A_296 = tpu.memref_slice %arg9[%run_scoped3A_164, %dma_wait3A_295] : memref<8x128xi32, #tpu.memory_space<vmem>> -> memref<1x128xi32, #tpu.memory_space<vmem>>
        %dma_wait3A_297 = tpu.memref_squeeze %dma_wait3A_296 : memref<1x128xi32, #tpu.memory_space<vmem>> -> memref<128xi32, #tpu.memory_space<vmem>>
        %dma_wait3A_298 = arith.constant 0 : i32
        %dma_wait3A_299 = arith.constant 0 : i32
        %dma_wait3A_300 = tpu.memref_slice %arg12[%dma_wait3A_298, %dma_wait3A_299] : memref<10008x128xf32, #tpu.memory_space<vmem_shared>> -> memref<10008x128xf32, #tpu.memory_space<vmem_shared>>
        tpu.wait_indirect_dma semaphore(%run_scoped3A_288 : memref<!tpu.dma_semaphore, #tpu.memory_space<semaphore_mem>>) src(%arg10 : memref<128x128xf32, #tpu.memory_space<vmem>>) dst(%dma_wait3A_300 : memref<10008x128xf32, #tpu.memory_space<vmem_shared>>)
        tpu.yield
      }) : () -> ()
      %dma_start3A_165 = arith.constant 2 : i32
      %dma_start3A_166 = arith.constant 0 : i32
      %dma_start3A_167 = tpu.memref_slice %arg8[%dma_start3A_165, %dma_start3A_166] : memref<8x128xi32, #tpu.memory_space<vmem>> -> memref<1x128xi32, #tpu.memory_space<vmem>>
      %dma_start3A_168 = tpu.memref_squeeze %dma_start3A_167 : memref<1x128xi32, #tpu.memory_space<vmem>> -> memref<128xi32, #tpu.memory_space<vmem>>
      %dma_start3A_169 = arith.constant 0 : i32
      %dma_start3A_170 = arith.constant 0 : i32
      %dma_start3A_171 = tpu.memref_slice %arg2[%dma_start3A_169, %dma_start3A_170] : memref<10000x128xf32, #tpu.memory_space<hbm>> -> memref<10000x128xf32, #tpu.memory_space<hbm>>
      tpu.enqueue_indirect_dma source(%dma_start3A_171 : memref<10000x128xf32, #tpu.memory_space<hbm>>) target(%arg10 : memref<128x128xf32, #tpu.memory_space<vmem>>) offsets(%dma_start3A_168 : memref<128xi32, #tpu.memory_space<vmem>>) semaphore(%arg13 : memref<!tpu.dma_semaphore, #tpu.memory_space<semaphore_mem>>)
      %dma_wait3A_172 = arith.constant 1 : i32
      %dma_wait3A_173 = arith.constant 0 : i32
      %dma_wait3A_174 = tpu.memref_slice %arg8[%dma_wait3A_172, %dma_wait3A_173] : memref<8x128xi32, #tpu.memory_space<vmem>> -> memref<1x128xi32, #tpu.memory_space<vmem>>
      %dma_wait3A_175 = tpu.memref_squeeze %dma_wait3A_174 : memref<1x128xi32, #tpu.memory_space<vmem>> -> memref<128xi32, #tpu.memory_space<vmem>>
      %dma_wait3A_176 = arith.constant 0 : i32
      %dma_wait3A_177 = arith.constant 0 : i32
      %dma_wait3A_178 = tpu.memref_slice %arg2[%dma_wait3A_176, %dma_wait3A_177] : memref<10000x128xf32, #tpu.memory_space<hbm>> -> memref<10000x128xf32, #tpu.memory_space<hbm>>
      tpu.wait_indirect_dma semaphore(%arg14 : memref<!tpu.dma_semaphore, #tpu.memory_space<semaphore_mem>>) src(%dma_wait3A_178 : memref<10000x128xf32, #tpu.memory_space<hbm>>) dst(%arg11 : memref<128x128xf32, #tpu.memory_space<vmem>>)
      %run_scoped3A_179 = arith.constant 1 : i32
      "tpu.region"() ({
        %run_scoped3A_288 = tpu.sem_alloc : memref<!tpu.dma_semaphore, #tpu.memory_space<semaphore_mem>>
        %dma_start3A_289 = arith.constant 0 : i32
        %dma_start3A_290 = tpu.memref_slice %arg9[%run_scoped3A_179, %dma_start3A_289] : memref<8x128xi32, #tpu.memory_space<vmem>> -> memref<1x128xi32, #tpu.memory_space<vmem>>
        %dma_start3A_291 = tpu.memref_squeeze %dma_start3A_290 : memref<1x128xi32, #tpu.memory_space<vmem>> -> memref<128xi32, #tpu.memory_space<vmem>>
        %dma_start3A_292 = arith.constant 0 : i32
        %dma_start3A_293 = arith.constant 0 : i32
        %dma_start3A_294 = tpu.memref_slice %arg12[%dma_start3A_292, %dma_start3A_293] : memref<10008x128xf32, #tpu.memory_space<vmem_shared>> -> memref<10008x128xf32, #tpu.memory_space<vmem_shared>>
        tpu.enqueue_indirect_dma source(%arg11 : memref<128x128xf32, #tpu.memory_space<vmem>>) target(%dma_start3A_294 : memref<10008x128xf32, #tpu.memory_space<vmem_shared>>) offsets(%dma_start3A_291 : memref<128xi32, #tpu.memory_space<vmem>>) semaphore(%run_scoped3A_288 : memref<!tpu.dma_semaphore, #tpu.memory_space<semaphore_mem>>) {add = true}
        %dma_wait3A_295 = arith.constant 0 : i32
        %dma_wait3A_296 = tpu.memref_slice %arg9[%run_scoped3A_179, %dma_wait3A_295] : memref<8x128xi32, #tpu.memory_space<vmem>> -> memref<1x128xi32, #tpu.memory_space<vmem>>
        %dma_wait3A_297 = tpu.memref_squeeze %dma_wait3A_296 : memref<1x128xi32, #tpu.memory_space<vmem>> -> memref<128xi32, #tpu.memory_space<vmem>>
        %dma_wait3A_298 = arith.constant 0 : i32
        %dma_wait3A_299 = arith.constant 0 : i32
        %dma_wait3A_300 = tpu.memref_slice %arg12[%dma_wait3A_298, %dma_wait3A_299] : memref<10008x128xf32, #tpu.memory_space<vmem_shared>> -> memref<10008x128xf32, #tpu.memory_space<vmem_shared>>
        tpu.wait_indirect_dma semaphore(%run_scoped3A_288 : memref<!tpu.dma_semaphore, #tpu.memory_space<semaphore_mem>>) src(%arg11 : memref<128x128xf32, #tpu.memory_space<vmem>>) dst(%dma_wait3A_300 : memref<10008x128xf32, #tpu.memory_space<vmem_shared>>)
        tpu.yield
      }) : () -> ()
      %dma_start3A_180 = arith.constant 3 : i32
      %dma_start3A_181 = arith.constant 0 : i32
      %dma_start3A_182 = tpu.memref_slice %arg8[%dma_start3A_180, %dma_start3A_181] : memref<8x128xi32, #tpu.memory_space<vmem>> -> memref<1x128xi32, #tpu.memory_space<vmem>>
      %dma_start3A_183 = tpu.memref_squeeze %dma_start3A_182 : memref<1x128xi32, #tpu.memory_space<vmem>> -> memref<128xi32, #tpu.memory_space<vmem>>
      %dma_start3A_184 = arith.constant 0 : i32
      %dma_start3A_185 = arith.constant 0 : i32
      %dma_start3A_186 = tpu.memref_slice %arg2[%dma_start3A_184, %dma_start3A_185] : memref<10000x128xf32, #tpu.memory_space<hbm>> -> memref<10000x128xf32, #tpu.memory_space<hbm>>
      tpu.enqueue_indirect_dma source(%dma_start3A_186 : memref<10000x128xf32, #tpu.memory_space<hbm>>) target(%arg11 : memref<128x128xf32, #tpu.memory_space<vmem>>) offsets(%dma_start3A_183 : memref<128xi32, #tpu.memory_space<vmem>>) semaphore(%arg14 : memref<!tpu.dma_semaphore, #tpu.memory_space<semaphore_mem>>)
      %dma_wait3A_187 = arith.constant 2 : i32
      %dma_wait3A_188 = arith.constant 0 : i32
      %dma_wait3A_189 = tpu.memref_slice %arg8[%dma_wait3A_187, %dma_wait3A_188] : memref<8x128xi32, #tpu.memory_space<vmem>> -> memref<1x128xi32, #tpu.memory_space<vmem>>
      %dma_wait3A_190 = tpu.memref_squeeze %dma_wait3A_189 : memref<1x128xi32, #tpu.memory_space<vmem>> -> memref<128xi32, #tpu.memory_space<vmem>>
      %dma_wait3A_191 = arith.constant 0 : i32
      %dma_wait3A_192 = arith.constant 0 : i32
      %dma_wait3A_193 = tpu.memref_slice %arg2[%dma_wait3A_191, %dma_wait3A_192] : memref<10000x128xf32, #tpu.memory_space<hbm>> -> memref<10000x128xf32, #tpu.memory_space<hbm>>
      tpu.wait_indirect_dma semaphore(%arg13 : memref<!tpu.dma_semaphore, #tpu.memory_space<semaphore_mem>>) src(%dma_wait3A_193 : memref<10000x128xf32, #tpu.memory_space<hbm>>) dst(%arg10 : memref<128x128xf32, #tpu.memory_space<vmem>>)
      %run_scoped3A_194 = arith.constant 2 : i32
      "tpu.region"() ({
        %run_scoped3A_288 = tpu.sem_alloc : memref<!tpu.dma_semaphore, #tpu.memory_space<semaphore_mem>>
        %dma_start3A_289 = arith.constant 0 : i32
        %dma_start3A_290 = tpu.memref_slice %arg9[%run_scoped3A_194, %dma_start3A_289] : memref<8x128xi32, #tpu.memory_space<vmem>> -> memref<1x128xi32, #tpu.memory_space<vmem>>
        %dma_start3A_291 = tpu.memref_squeeze %dma_start3A_290 : memref<1x128xi32, #tpu.memory_space<vmem>> -> memref<128xi32, #tpu.memory_space<vmem>>
        %dma_start3A_292 = arith.constant 0 : i32
        %dma_start3A_293 = arith.constant 0 : i32
        %dma_start3A_294 = tpu.memref_slice %arg12[%dma_start3A_292, %dma_start3A_293] : memref<10008x128xf32, #tpu.memory_space<vmem_shared>> -> memref<10008x128xf32, #tpu.memory_space<vmem_shared>>
        tpu.enqueue_indirect_dma source(%arg10 : memref<128x128xf32, #tpu.memory_space<vmem>>) target(%dma_start3A_294 : memref<10008x128xf32, #tpu.memory_space<vmem_shared>>) offsets(%dma_start3A_291 : memref<128xi32, #tpu.memory_space<vmem>>) semaphore(%run_scoped3A_288 : memref<!tpu.dma_semaphore, #tpu.memory_space<semaphore_mem>>) {add = true}
        %dma_wait3A_295 = arith.constant 0 : i32
        %dma_wait3A_296 = tpu.memref_slice %arg9[%run_scoped3A_194, %dma_wait3A_295] : memref<8x128xi32, #tpu.memory_space<vmem>> -> memref<1x128xi32, #tpu.memory_space<vmem>>
        %dma_wait3A_297 = tpu.memref_squeeze %dma_wait3A_296 : memref<1x128xi32, #tpu.memory_space<vmem>> -> memref<128xi32, #tpu.memory_space<vmem>>
        %dma_wait3A_298 = arith.constant 0 : i32
        %dma_wait3A_299 = arith.constant 0 : i32
        %dma_wait3A_300 = tpu.memref_slice %arg12[%dma_wait3A_298, %dma_wait3A_299] : memref<10008x128xf32, #tpu.memory_space<vmem_shared>> -> memref<10008x128xf32, #tpu.memory_space<vmem_shared>>
        tpu.wait_indirect_dma semaphore(%run_scoped3A_288 : memref<!tpu.dma_semaphore, #tpu.memory_space<semaphore_mem>>) src(%arg10 : memref<128x128xf32, #tpu.memory_space<vmem>>) dst(%dma_wait3A_300 : memref<10008x128xf32, #tpu.memory_space<vmem_shared>>)
        tpu.yield
      }) : () -> ()
      %dma_start3A_195 = arith.constant 4 : i32
      %dma_start3A_196 = arith.constant 0 : i32
      %dma_start3A_197 = tpu.memref_slice %arg8[%dma_start3A_195, %dma_start3A_196] : memref<8x128xi32, #tpu.memory_space<vmem>> -> memref<1x128xi32, #tpu.memory_space<vmem>>
      %dma_start3A_198 = tpu.memref_squeeze %dma_start3A_197 : memref<1x128xi32, #tpu.memory_space<vmem>> -> memref<128xi32, #tpu.memory_space<vmem>>
      %dma_start3A_199 = arith.constant 0 : i32
      %dma_start3A_200 = arith.constant 0 : i32
      %dma_start3A_201 = tpu.memref_slice %arg2[%dma_start3A_199, %dma_start3A_200] : memref<10000x128xf32, #tpu.memory_space<hbm>> -> memref<10000x128xf32, #tpu.memory_space<hbm>>
      tpu.enqueue_indirect_dma source(%dma_start3A_201 : memref<10000x128xf32, #tpu.memory_space<hbm>>) target(%arg10 : memref<128x128xf32, #tpu.memory_space<vmem>>) offsets(%dma_start3A_198 : memref<128xi32, #tpu.memory_space<vmem>>) semaphore(%arg13 : memref<!tpu.dma_semaphore, #tpu.memory_space<semaphore_mem>>)
      %dma_wait3A_202 = arith.constant 3 : i32
      %dma_wait3A_203 = arith.constant 0 : i32
      %dma_wait3A_204 = tpu.memref_slice %arg8[%dma_wait3A_202, %dma_wait3A_203] : memref<8x128xi32, #tpu.memory_space<vmem>> -> memref<1x128xi32, #tpu.memory_space<vmem>>
      %dma_wait3A_205 = tpu.memref_squeeze %dma_wait3A_204 : memref<1x128xi32, #tpu.memory_space<vmem>> -> memref<128xi32, #tpu.memory_space<vmem>>
      %dma_wait3A_206 = arith.constant 0 : i32
      %dma_wait3A_207 = arith.constant 0 : i32
      %dma_wait3A_208 = tpu.memref_slice %arg2[%dma_wait3A_206, %dma_wait3A_207] : memref<10000x128xf32, #tpu.memory_space<hbm>> -> memref<10000x128xf32, #tpu.memory_space<hbm>>
      tpu.wait_indirect_dma semaphore(%arg14 : memref<!tpu.dma_semaphore, #tpu.memory_space<semaphore_mem>>) src(%dma_wait3A_208 : memref<10000x128xf32, #tpu.memory_space<hbm>>) dst(%arg11 : memref<128x128xf32, #tpu.memory_space<vmem>>)
      %run_scoped3A_209 = arith.constant 3 : i32
      "tpu.region"() ({
        %run_scoped3A_288 = tpu.sem_alloc : memref<!tpu.dma_semaphore, #tpu.memory_space<semaphore_mem>>
        %dma_start3A_289 = arith.constant 0 : i32
        %dma_start3A_290 = tpu.memref_slice %arg9[%run_scoped3A_209, %dma_start3A_289] : memref<8x128xi32, #tpu.memory_space<vmem>> -> memref<1x128xi32, #tpu.memory_space<vmem>>
        %dma_start3A_291 = tpu.memref_squeeze %dma_start3A_290 : memref<1x128xi32, #tpu.memory_space<vmem>> -> memref<128xi32, #tpu.memory_space<vmem>>
        %dma_start3A_292 = arith.constant 0 : i32
        %dma_start3A_293 = arith.constant 0 : i32
        %dma_start3A_294 = tpu.memref_slice %arg12[%dma_start3A_292, %dma_start3A_293] : memref<10008x128xf32, #tpu.memory_space<vmem_shared>> -> memref<10008x128xf32, #tpu.memory_space<vmem_shared>>
        tpu.enqueue_indirect_dma source(%arg11 : memref<128x128xf32, #tpu.memory_space<vmem>>) target(%dma_start3A_294 : memref<10008x128xf32, #tpu.memory_space<vmem_shared>>) offsets(%dma_start3A_291 : memref<128xi32, #tpu.memory_space<vmem>>) semaphore(%run_scoped3A_288 : memref<!tpu.dma_semaphore, #tpu.memory_space<semaphore_mem>>) {add = true}
        %dma_wait3A_295 = arith.constant 0 : i32
        %dma_wait3A_296 = tpu.memref_slice %arg9[%run_scoped3A_209, %dma_wait3A_295] : memref<8x128xi32, #tpu.memory_space<vmem>> -> memref<1x128xi32, #tpu.memory_space<vmem>>
        %dma_wait3A_297 = tpu.memref_squeeze %dma_wait3A_296 : memref<1x128xi32, #tpu.memory_space<vmem>> -> memref<128xi32, #tpu.memory_space<vmem>>
        %dma_wait3A_298 = arith.constant 0 : i32
        %dma_wait3A_299 = arith.constant 0 : i32
        %dma_wait3A_300 = tpu.memref_slice %arg12[%dma_wait3A_298, %dma_wait3A_299] : memref<10008x128xf32, #tpu.memory_space<vmem_shared>> -> memref<10008x128xf32, #tpu.memory_space<vmem_shared>>
        tpu.wait_indirect_dma semaphore(%run_scoped3A_288 : memref<!tpu.dma_semaphore, #tpu.memory_space<semaphore_mem>>) src(%arg11 : memref<128x128xf32, #tpu.memory_space<vmem>>) dst(%dma_wait3A_300 : memref<10008x128xf32, #tpu.memory_space<vmem_shared>>)
        tpu.yield
      }) : () -> ()
      %dma_start3A_210 = arith.constant 5 : i32
      %dma_start3A_211 = arith.constant 0 : i32
      %dma_start3A_212 = tpu.memref_slice %arg8[%dma_start3A_210, %dma_start3A_211] : memref<8x128xi32, #tpu.memory_space<vmem>> -> memref<1x128xi32, #tpu.memory_space<vmem>>
      %dma_start3A_213 = tpu.memref_squeeze %dma_start3A_212 : memref<1x128xi32, #tpu.memory_space<vmem>> -> memref<128xi32, #tpu.memory_space<vmem>>
      %dma_start3A_214 = arith.constant 0 : i32
      %dma_start3A_215 = arith.constant 0 : i32
      %dma_start3A_216 = tpu.memref_slice %arg2[%dma_start3A_214, %dma_start3A_215] : memref<10000x128xf32, #tpu.memory_space<hbm>> -> memref<10000x128xf32, #tpu.memory_space<hbm>>
      tpu.enqueue_indirect_dma source(%dma_start3A_216 : memref<10000x128xf32, #tpu.memory_space<hbm>>) target(%arg11 : memref<128x128xf32, #tpu.memory_space<vmem>>) offsets(%dma_start3A_213 : memref<128xi32, #tpu.memory_space<vmem>>) semaphore(%arg14 : memref<!tpu.dma_semaphore, #tpu.memory_space<semaphore_mem>>)
      %dma_wait3A_217 = arith.constant 4 : i32
      %dma_wait3A_218 = arith.constant 0 : i32
      %dma_wait3A_219 = tpu.memref_slice %arg8[%dma_wait3A_217, %dma_wait3A_218] : memref<8x128xi32, #tpu.memory_space<vmem>> -> memref<1x128xi32, #tpu.memory_space<vmem>>
      %dma_wait3A_220 = tpu.memref_squeeze %dma_wait3A_219 : memref<1x128xi32, #tpu.memory_space<vmem>> -> memref<128xi32, #tpu.memory_space<vmem>>
      %dma_wait3A_221 = arith.constant 0 : i32
      %dma_wait3A_222 = arith.constant 0 : i32
      %dma_wait3A_223 = tpu.memref_slice %arg2[%dma_wait3A_221, %dma_wait3A_222] : memref<10000x128xf32, #tpu.memory_space<hbm>> -> memref<10000x128xf32, #tpu.memory_space<hbm>>
      tpu.wait_indirect_dma semaphore(%arg13 : memref<!tpu.dma_semaphore, #tpu.memory_space<semaphore_mem>>) src(%dma_wait3A_223 : memref<10000x128xf32, #tpu.memory_space<hbm>>) dst(%arg10 : memref<128x128xf32, #tpu.memory_space<vmem>>)
      %run_scoped3A_224 = arith.constant 4 : i32
      "tpu.region"() ({
        %run_scoped3A_288 = tpu.sem_alloc : memref<!tpu.dma_semaphore, #tpu.memory_space<semaphore_mem>>
        %dma_start3A_289 = arith.constant 0 : i32
        %dma_start3A_290 = tpu.memref_slice %arg9[%run_scoped3A_224, %dma_start3A_289] : memref<8x128xi32, #tpu.memory_space<vmem>> -> memref<1x128xi32, #tpu.memory_space<vmem>>
        %dma_start3A_291 = tpu.memref_squeeze %dma_start3A_290 : memref<1x128xi32, #tpu.memory_space<vmem>> -> memref<128xi32, #tpu.memory_space<vmem>>
        %dma_start3A_292 = arith.constant 0 : i32
        %dma_start3A_293 = arith.constant 0 : i32
        %dma_start3A_294 = tpu.memref_slice %arg12[%dma_start3A_292, %dma_start3A_293] : memref<10008x128xf32, #tpu.memory_space<vmem_shared>> -> memref<10008x128xf32, #tpu.memory_space<vmem_shared>>
        tpu.enqueue_indirect_dma source(%arg10 : memref<128x128xf32, #tpu.memory_space<vmem>>) target(%dma_start3A_294 : memref<10008x128xf32, #tpu.memory_space<vmem_shared>>) offsets(%dma_start3A_291 : memref<128xi32, #tpu.memory_space<vmem>>) semaphore(%run_scoped3A_288 : memref<!tpu.dma_semaphore, #tpu.memory_space<semaphore_mem>>) {add = true}
        %dma_wait3A_295 = arith.constant 0 : i32
        %dma_wait3A_296 = tpu.memref_slice %arg9[%run_scoped3A_224, %dma_wait3A_295] : memref<8x128xi32, #tpu.memory_space<vmem>> -> memref<1x128xi32, #tpu.memory_space<vmem>>
        %dma_wait3A_297 = tpu.memref_squeeze %dma_wait3A_296 : memref<1x128xi32, #tpu.memory_space<vmem>> -> memref<128xi32, #tpu.memory_space<vmem>>
        %dma_wait3A_298 = arith.constant 0 : i32
        %dma_wait3A_299 = arith.constant 0 : i32
        %dma_wait3A_300 = tpu.memref_slice %arg12[%dma_wait3A_298, %dma_wait3A_299] : memref<10008x128xf32, #tpu.memory_space<vmem_shared>> -> memref<10008x128xf32, #tpu.memory_space<vmem_shared>>
        tpu.wait_indirect_dma semaphore(%run_scoped3A_288 : memref<!tpu.dma_semaphore, #tpu.memory_space<semaphore_mem>>) src(%arg10 : memref<128x128xf32, #tpu.memory_space<vmem>>) dst(%dma_wait3A_300 : memref<10008x128xf32, #tpu.memory_space<vmem_shared>>)
        tpu.yield
      }) : () -> ()
      %dma_start3A_225 = arith.constant 6 : i32
      %dma_start3A_226 = arith.constant 0 : i32
      %dma_start3A_227 = tpu.memref_slice %arg8[%dma_start3A_225, %dma_start3A_226] : memref<8x128xi32, #tpu.memory_space<vmem>> -> memref<1x128xi32, #tpu.memory_space<vmem>>
      %dma_start3A_228 = tpu.memref_squeeze %dma_start3A_227 : memref<1x128xi32, #tpu.memory_space<vmem>> -> memref<128xi32, #tpu.memory_space<vmem>>
      %dma_start3A_229 = arith.constant 0 : i32
      %dma_start3A_230 = arith.constant 0 : i32
      %dma_start3A_231 = tpu.memref_slice %arg2[%dma_start3A_229, %dma_start3A_230] : memref<10000x128xf32, #tpu.memory_space<hbm>> -> memref<10000x128xf32, #tpu.memory_space<hbm>>
      tpu.enqueue_indirect_dma source(%dma_start3A_231 : memref<10000x128xf32, #tpu.memory_space<hbm>>) target(%arg10 : memref<128x128xf32, #tpu.memory_space<vmem>>) offsets(%dma_start3A_228 : memref<128xi32, #tpu.memory_space<vmem>>) semaphore(%arg13 : memref<!tpu.dma_semaphore, #tpu.memory_space<semaphore_mem>>)
      %dma_wait3A_232 = arith.constant 5 : i32
      %dma_wait3A_233 = arith.constant 0 : i32
      %dma_wait3A_234 = tpu.memref_slice %arg8[%dma_wait3A_232, %dma_wait3A_233] : memref<8x128xi32, #tpu.memory_space<vmem>> -> memref<1x128xi32, #tpu.memory_space<vmem>>
      %dma_wait3A_235 = tpu.memref_squeeze %dma_wait3A_234 : memref<1x128xi32, #tpu.memory_space<vmem>> -> memref<128xi32, #tpu.memory_space<vmem>>
      %dma_wait3A_236 = arith.constant 0 : i32
      %dma_wait3A_237 = arith.constant 0 : i32
      %dma_wait3A_238 = tpu.memref_slice %arg2[%dma_wait3A_236, %dma_wait3A_237] : memref<10000x128xf32, #tpu.memory_space<hbm>> -> memref<10000x128xf32, #tpu.memory_space<hbm>>
      tpu.wait_indirect_dma semaphore(%arg14 : memref<!tpu.dma_semaphore, #tpu.memory_space<semaphore_mem>>) src(%dma_wait3A_238 : memref<10000x128xf32, #tpu.memory_space<hbm>>) dst(%arg11 : memref<128x128xf32, #tpu.memory_space<vmem>>)
      %run_scoped3A_239 = arith.constant 5 : i32
      "tpu.region"() ({
        %run_scoped3A_288 = tpu.sem_alloc : memref<!tpu.dma_semaphore, #tpu.memory_space<semaphore_mem>>
        %dma_start3A_289 = arith.constant 0 : i32
        %dma_start3A_290 = tpu.memref_slice %arg9[%run_scoped3A_239, %dma_start3A_289] : memref<8x128xi32, #tpu.memory_space<vmem>> -> memref<1x128xi32, #tpu.memory_space<vmem>>
        %dma_start3A_291 = tpu.memref_squeeze %dma_start3A_290 : memref<1x128xi32, #tpu.memory_space<vmem>> -> memref<128xi32, #tpu.memory_space<vmem>>
        %dma_start3A_292 = arith.constant 0 : i32
        %dma_start3A_293 = arith.constant 0 : i32
        %dma_start3A_294 = tpu.memref_slice %arg12[%dma_start3A_292, %dma_start3A_293] : memref<10008x128xf32, #tpu.memory_space<vmem_shared>> -> memref<10008x128xf32, #tpu.memory_space<vmem_shared>>
        tpu.enqueue_indirect_dma source(%arg11 : memref<128x128xf32, #tpu.memory_space<vmem>>) target(%dma_start3A_294 : memref<10008x128xf32, #tpu.memory_space<vmem_shared>>) offsets(%dma_start3A_291 : memref<128xi32, #tpu.memory_space<vmem>>) semaphore(%run_scoped3A_288 : memref<!tpu.dma_semaphore, #tpu.memory_space<semaphore_mem>>) {add = true}
        %dma_wait3A_295 = arith.constant 0 : i32
        %dma_wait3A_296 = tpu.memref_slice %arg9[%run_scoped3A_239, %dma_wait3A_295] : memref<8x128xi32, #tpu.memory_space<vmem>> -> memref<1x128xi32, #tpu.memory_space<vmem>>
        %dma_wait3A_297 = tpu.memref_squeeze %dma_wait3A_296 : memref<1x128xi32, #tpu.memory_space<vmem>> -> memref<128xi32, #tpu.memory_space<vmem>>
        %dma_wait3A_298 = arith.constant 0 : i32
        %dma_wait3A_299 = arith.constant 0 : i32
        %dma_wait3A_300 = tpu.memref_slice %arg12[%dma_wait3A_298, %dma_wait3A_299] : memref<10008x128xf32, #tpu.memory_space<vmem_shared>> -> memref<10008x128xf32, #tpu.memory_space<vmem_shared>>
        tpu.wait_indirect_dma semaphore(%run_scoped3A_288 : memref<!tpu.dma_semaphore, #tpu.memory_space<semaphore_mem>>) src(%arg11 : memref<128x128xf32, #tpu.memory_space<vmem>>) dst(%dma_wait3A_300 : memref<10008x128xf32, #tpu.memory_space<vmem_shared>>)
        tpu.yield
      }) : () -> ()
      %dma_start3A_240 = arith.constant 7 : i32
      %dma_start3A_241 = arith.constant 0 : i32
      %dma_start3A_242 = tpu.memref_slice %arg8[%dma_start3A_240, %dma_start3A_241] : memref<8x128xi32, #tpu.memory_space<vmem>> -> memref<1x128xi32, #tpu.memory_space<vmem>>
      %dma_start3A_243 = tpu.memref_squeeze %dma_start3A_242 : memref<1x128xi32, #tpu.memory_space<vmem>> -> memref<128xi32, #tpu.memory_space<vmem>>
      %dma_start3A_244 = arith.constant 0 : i32
      %dma_start3A_245 = arith.constant 0 : i32
      %dma_start3A_246 = tpu.memref_slice %arg2[%dma_start3A_244, %dma_start3A_245] : memref<10000x128xf32, #tpu.memory_space<hbm>> -> memref<10000x128xf32, #tpu.memory_space<hbm>>
      tpu.enqueue_indirect_dma source(%dma_start3A_246 : memref<10000x128xf32, #tpu.memory_space<hbm>>) target(%arg11 : memref<128x128xf32, #tpu.memory_space<vmem>>) offsets(%dma_start3A_243 : memref<128xi32, #tpu.memory_space<vmem>>) semaphore(%arg14 : memref<!tpu.dma_semaphore, #tpu.memory_space<semaphore_mem>>)
      %ge3A_247 = arith.constant 1 : i32
      %ge3A_248 = arith.cmpi sge, %add3A_156, %ge3A_247 : i32
      %lt3A_249 = arith.constant 9 : i32
      %lt3A_250 = arith.cmpi slt, %add3A_156, %lt3A_249 : i32
      %and3A_251 = arith.andi %ge3A_248, %lt3A_250 : i1
      %convert_element_type3A_252 = arith.extui %and3A_251 : i1 to i32
      %cond3A_253 = arith.constant 0 : i32
      %cond3A_254 = arith.cmpi ne, %convert_element_type3A_252, %cond3A_253 : i32
      scf.if %cond3A_254 {
        %dma_wait3A_288 = arith.constant 0 : i32
        %dma_wait3A_289 = arith.constant 0 : i32
        %dma_wait3A_290 = arith.constant 0 : i32
        %dma_wait3A_291 = tpu.memref_slice %arg3[%arg0, %dma_wait3A_288, %dma_wait3A_289, %dma_wait3A_290] : memref<2x16x80x128xi32, #tpu.memory_space<hbm>> -> memref<1x16x80x128xi32, #tpu.memory_space<hbm>>
        %dma_wait3A_292 = tpu.memref_squeeze %dma_wait3A_291 : memref<1x16x80x128xi32, #tpu.memory_space<hbm>> -> memref<16x80x128xi32, #tpu.memory_space<hbm>>
        %dma_wait3A_293 = arith.constant 0 : i32
        %dma_wait3A_294 = arith.constant 0 : i32
        %dma_wait3A_295 = tpu.memref_slice %dma_wait3A_292[%arg1, %dma_wait3A_293, %dma_wait3A_294] : memref<16x80x128xi32, #tpu.memory_space<hbm>> -> memref<1x80x128xi32, #tpu.memory_space<hbm>>
        %dma_wait3A_296 = tpu.memref_squeeze %dma_wait3A_295 : memref<1x80x128xi32, #tpu.memory_space<hbm>> -> memref<80x128xi32, #tpu.memory_space<hbm>>
        %dma_wait3A_297 = arith.constant 0 : i32
        %dma_wait3A_298 = arith.constant 0 : i32
        %dma_wait3A_299 = tpu.memref_slice %dma_wait3A_296[%dma_wait3A_297, %dma_wait3A_298] : memref<80x128xi32, #tpu.memory_space<hbm>> -> memref<8x128xi32, #tpu.memory_space<hbm>>
        %dma_wait3A_300 = arith.constant 0 : i32
        %dma_wait3A_301 = arith.constant 0 : i32
        %dma_wait3A_302 = arith.constant 0 : i32
        %dma_wait3A_303 = tpu.memref_slice %arg3[%arg0, %dma_wait3A_300, %dma_wait3A_301, %dma_wait3A_302] : memref<2x16x80x128xi32, #tpu.memory_space<hbm>> -> memref<1x16x80x128xi32, #tpu.memory_space<hbm>>
        %dma_wait3A_304 = tpu.memref_squeeze %dma_wait3A_303 : memref<1x16x80x128xi32, #tpu.memory_space<hbm>> -> memref<16x80x128xi32, #tpu.memory_space<hbm>>
        %dma_wait3A_305 = arith.constant 0 : i32
        %dma_wait3A_306 = arith.constant 0 : i32
        %dma_wait3A_307 = tpu.memref_slice %dma_wait3A_304[%arg1, %dma_wait3A_305, %dma_wait3A_306] : memref<16x80x128xi32, #tpu.memory_space<hbm>> -> memref<1x80x128xi32, #tpu.memory_space<hbm>>
        %dma_wait3A_308 = tpu.memref_squeeze %dma_wait3A_307 : memref<1x80x128xi32, #tpu.memory_space<hbm>> -> memref<80x128xi32, #tpu.memory_space<hbm>>
        %dma_wait3A_309 = arith.constant 0 : i32
        %dma_wait3A_310 = arith.constant 0 : i32
        %dma_wait3A_311 = tpu.memref_slice %dma_wait3A_308[%dma_wait3A_309, %dma_wait3A_310] : memref<80x128xi32, #tpu.memory_space<hbm>> -> memref<8x128xi32, #tpu.memory_space<hbm>>
        tpu.wait_dma2 semaphore(%arg15 : memref<!tpu.dma_semaphore, #tpu.memory_space<semaphore_mem>>) src(%dma_wait3A_311 : memref<8x128xi32, #tpu.memory_space<hbm>>) dst(%arg6 : memref<8x128xi32, #tpu.memory_space<vmem>>)
        %dma_wait3A_312 = arith.constant 0 : i32
        %dma_wait3A_313 = arith.constant 0 : i32
        %dma_wait3A_314 = arith.constant 0 : i32
        %dma_wait3A_315 = tpu.memref_slice %arg4[%arg0, %dma_wait3A_312, %dma_wait3A_313, %dma_wait3A_314] : memref<2x16x80x128xi32, #tpu.memory_space<hbm>> -> memref<1x16x80x128xi32, #tpu.memory_space<hbm>>
        %dma_wait3A_316 = tpu.memref_squeeze %dma_wait3A_315 : memref<1x16x80x128xi32, #tpu.memory_space<hbm>> -> memref<16x80x128xi32, #tpu.memory_space<hbm>>
        %dma_wait3A_317 = arith.constant 0 : i32
        %dma_wait3A_318 = arith.constant 0 : i32
        %dma_wait3A_319 = tpu.memref_slice %dma_wait3A_316[%arg1, %dma_wait3A_317, %dma_wait3A_318] : memref<16x80x128xi32, #tpu.memory_space<hbm>> -> memref<1x80x128xi32, #tpu.memory_space<hbm>>
        %dma_wait3A_320 = tpu.memref_squeeze %dma_wait3A_319 : memref<1x80x128xi32, #tpu.memory_space<hbm>> -> memref<80x128xi32, #tpu.memory_space<hbm>>
        %dma_wait3A_321 = arith.constant 0 : i32
        %dma_wait3A_322 = arith.constant 0 : i32
        %dma_wait3A_323 = tpu.memref_slice %dma_wait3A_320[%dma_wait3A_321, %dma_wait3A_322] : memref<80x128xi32, #tpu.memory_space<hbm>> -> memref<8x128xi32, #tpu.memory_space<hbm>>
        %dma_wait3A_324 = arith.constant 0 : i32
        %dma_wait3A_325 = arith.constant 0 : i32
        %dma_wait3A_326 = arith.constant 0 : i32
        %dma_wait3A_327 = tpu.memref_slice %arg4[%arg0, %dma_wait3A_324, %dma_wait3A_325, %dma_wait3A_326] : memref<2x16x80x128xi32, #tpu.memory_space<hbm>> -> memref<1x16x80x128xi32, #tpu.memory_space<hbm>>
        %dma_wait3A_328 = tpu.memref_squeeze %dma_wait3A_327 : memref<1x16x80x128xi32, #tpu.memory_space<hbm>> -> memref<16x80x128xi32, #tpu.memory_space<hbm>>
        %dma_wait3A_329 = arith.constant 0 : i32
        %dma_wait3A_330 = arith.constant 0 : i32
        %dma_wait3A_331 = tpu.memref_slice %dma_wait3A_328[%arg1, %dma_wait3A_329, %dma_wait3A_330] : memref<16x80x128xi32, #tpu.memory_space<hbm>> -> memref<1x80x128xi32, #tpu.memory_space<hbm>>
        %dma_wait3A_332 = tpu.memref_squeeze %dma_wait3A_331 : memref<1x80x128xi32, #tpu.memory_space<hbm>> -> memref<80x128xi32, #tpu.memory_space<hbm>>
        %dma_wait3A_333 = arith.constant 0 : i32
        %dma_wait3A_334 = arith.constant 0 : i32
        %dma_wait3A_335 = tpu.memref_slice %dma_wait3A_332[%dma_wait3A_333, %dma_wait3A_334] : memref<80x128xi32, #tpu.memory_space<hbm>> -> memref<8x128xi32, #tpu.memory_space<hbm>>
        tpu.wait_dma2 semaphore(%arg15 : memref<!tpu.dma_semaphore, #tpu.memory_space<semaphore_mem>>) src(%dma_wait3A_335 : memref<8x128xi32, #tpu.memory_space<hbm>>) dst(%arg7 : memref<8x128xi32, #tpu.memory_space<vmem>>)
      } else {
      }
      %dma_wait3A_255 = arith.constant 6 : i32
      %dma_wait3A_256 = arith.constant 0 : i32
      %dma_wait3A_257 = tpu.memref_slice %arg8[%dma_wait3A_255, %dma_wait3A_256] : memref<8x128xi32, #tpu.memory_space<vmem>> -> memref<1x128xi32, #tpu.memory_space<vmem>>
      %dma_wait3A_258 = tpu.memref_squeeze %dma_wait3A_257 : memref<1x128xi32, #tpu.memory_space<vmem>> -> memref<128xi32, #tpu.memory_space<vmem>>
      %dma_wait3A_259 = arith.constant 0 : i32
      %dma_wait3A_260 = arith.constant 0 : i32
      %dma_wait3A_261 = tpu.memref_slice %arg2[%dma_wait3A_259, %dma_wait3A_260] : memref<10000x128xf32, #tpu.memory_space<hbm>> -> memref<10000x128xf32, #tpu.memory_space<hbm>>
      tpu.wait_indirect_dma semaphore(%arg13 : memref<!tpu.dma_semaphore, #tpu.memory_space<semaphore_mem>>) src(%dma_wait3A_261 : memref<10000x128xf32, #tpu.memory_space<hbm>>) dst(%arg10 : memref<128x128xf32, #tpu.memory_space<vmem>>)
      %run_scoped3A_262 = arith.constant 6 : i32
      "tpu.region"() ({
        %run_scoped3A_288 = tpu.sem_alloc : memref<!tpu.dma_semaphore, #tpu.memory_space<semaphore_mem>>
        %dma_start3A_289 = arith.constant 0 : i32
        %dma_start3A_290 = tpu.memref_slice %arg9[%run_scoped3A_262, %dma_start3A_289] : memref<8x128xi32, #tpu.memory_space<vmem>> -> memref<1x128xi32, #tpu.memory_space<vmem>>
        %dma_start3A_291 = tpu.memref_squeeze %dma_start3A_290 : memref<1x128xi32, #tpu.memory_space<vmem>> -> memref<128xi32, #tpu.memory_space<vmem>>
        %dma_start3A_292 = arith.constant 0 : i32
        %dma_start3A_293 = arith.constant 0 : i32
        %dma_start3A_294 = tpu.memref_slice %arg12[%dma_start3A_292, %dma_start3A_293] : memref<10008x128xf32, #tpu.memory_space<vmem_shared>> -> memref<10008x128xf32, #tpu.memory_space<vmem_shared>>
        tpu.enqueue_indirect_dma source(%arg10 : memref<128x128xf32, #tpu.memory_space<vmem>>) target(%dma_start3A_294 : memref<10008x128xf32, #tpu.memory_space<vmem_shared>>) offsets(%dma_start3A_291 : memref<128xi32, #tpu.memory_space<vmem>>) semaphore(%run_scoped3A_288 : memref<!tpu.dma_semaphore, #tpu.memory_space<semaphore_mem>>) {add = true}
        %dma_wait3A_295 = arith.constant 0 : i32
        %dma_wait3A_296 = tpu.memref_slice %arg9[%run_scoped3A_262, %dma_wait3A_295] : memref<8x128xi32, #tpu.memory_space<vmem>> -> memref<1x128xi32, #tpu.memory_space<vmem>>
        %dma_wait3A_297 = tpu.memref_squeeze %dma_wait3A_296 : memref<1x128xi32, #tpu.memory_space<vmem>> -> memref<128xi32, #tpu.memory_space<vmem>>
        %dma_wait3A_298 = arith.constant 0 : i32
        %dma_wait3A_299 = arith.constant 0 : i32
        %dma_wait3A_300 = tpu.memref_slice %arg12[%dma_wait3A_298, %dma_wait3A_299] : memref<10008x128xf32, #tpu.memory_space<vmem_shared>> -> memref<10008x128xf32, #tpu.memory_space<vmem_shared>>
        tpu.wait_indirect_dma semaphore(%run_scoped3A_288 : memref<!tpu.dma_semaphore, #tpu.memory_space<semaphore_mem>>) src(%arg10 : memref<128x128xf32, #tpu.memory_space<vmem>>) dst(%dma_wait3A_300 : memref<10008x128xf32, #tpu.memory_space<vmem_shared>>)
        tpu.yield
      }) : () -> ()
      %lt3A_263 = arith.constant 9 : i32
      %lt3A_264 = arith.cmpi slt, %add3A_156, %lt3A_263 : i32
      %convert_element_type3A_265 = arith.extui %lt3A_264 : i1 to i32
      %cond3A_266 = arith.constant 0 : i32
      %cond3A_267 = arith.cmpi ne, %convert_element_type3A_265, %cond3A_266 : i32
      scf.if %cond3A_267 {
        %dma_start3A_288 = arith.constant 0 : i32
        %dma_start3A_289 = arith.constant 0 : i32
        %dma_start3A_290 = tpu.memref_slice %arg6[%dma_start3A_288, %dma_start3A_289] : memref<8x128xi32, #tpu.memory_space<vmem>> -> memref<1x128xi32, #tpu.memory_space<vmem>>
        %dma_start3A_291 = tpu.memref_squeeze %dma_start3A_290 : memref<1x128xi32, #tpu.memory_space<vmem>> -> memref<128xi32, #tpu.memory_space<vmem>>
        %dma_start3A_292 = arith.constant 0 : i32
        %dma_start3A_293 = arith.constant 0 : i32
        %dma_start3A_294 = tpu.memref_slice %arg2[%dma_start3A_292, %dma_start3A_293] : memref<10000x128xf32, #tpu.memory_space<hbm>> -> memref<10000x128xf32, #tpu.memory_space<hbm>>
        tpu.enqueue_indirect_dma source(%dma_start3A_294 : memref<10000x128xf32, #tpu.memory_space<hbm>>) target(%arg10 : memref<128x128xf32, #tpu.memory_space<vmem>>) offsets(%dma_start3A_291 : memref<128xi32, #tpu.memory_space<vmem>>) semaphore(%arg13 : memref<!tpu.dma_semaphore, #tpu.memory_space<semaphore_mem>>)
      } else {
      }
      %dma_wait3A_268 = arith.constant 7 : i32
      %dma_wait3A_269 = arith.constant 0 : i32
      %dma_wait3A_270 = tpu.memref_slice %arg8[%dma_wait3A_268, %dma_wait3A_269] : memref<8x128xi32, #tpu.memory_space<vmem>> -> memref<1x128xi32, #tpu.memory_space<vmem>>
      %dma_wait3A_271 = tpu.memref_squeeze %dma_wait3A_270 : memref<1x128xi32, #tpu.memory_space<vmem>> -> memref<128xi32, #tpu.memory_space<vmem>>
      %dma_wait3A_272 = arith.constant 0 : i32
      %dma_wait3A_273 = arith.constant 0 : i32
      %dma_wait3A_274 = tpu.memref_slice %arg2[%dma_wait3A_272, %dma_wait3A_273] : memref<10000x128xf32, #tpu.memory_space<hbm>> -> memref<10000x128xf32, #tpu.memory_space<hbm>>
      tpu.wait_indirect_dma semaphore(%arg14 : memref<!tpu.dma_semaphore, #tpu.memory_space<semaphore_mem>>) src(%dma_wait3A_274 : memref<10000x128xf32, #tpu.memory_space<hbm>>) dst(%arg11 : memref<128x128xf32, #tpu.memory_space<vmem>>)
      %run_scoped3A_275 = arith.constant 7 : i32
      "tpu.region"() ({
        %run_scoped3A_288 = tpu.sem_alloc : memref<!tpu.dma_semaphore, #tpu.memory_space<semaphore_mem>>
        %dma_start3A_289 = arith.constant 0 : i32
        %dma_start3A_290 = tpu.memref_slice %arg9[%run_scoped3A_275, %dma_start3A_289] : memref<8x128xi32, #tpu.memory_space<vmem>> -> memref<1x128xi32, #tpu.memory_space<vmem>>
        %dma_start3A_291 = tpu.memref_squeeze %dma_start3A_290 : memref<1x128xi32, #tpu.memory_space<vmem>> -> memref<128xi32, #tpu.memory_space<vmem>>
        %dma_start3A_292 = arith.constant 0 : i32
        %dma_start3A_293 = arith.constant 0 : i32
        %dma_start3A_294 = tpu.memref_slice %arg12[%dma_start3A_292, %dma_start3A_293] : memref<10008x128xf32, #tpu.memory_space<vmem_shared>> -> memref<10008x128xf32, #tpu.memory_space<vmem_shared>>
        tpu.enqueue_indirect_dma source(%arg11 : memref<128x128xf32, #tpu.memory_space<vmem>>) target(%dma_start3A_294 : memref<10008x128xf32, #tpu.memory_space<vmem_shared>>) offsets(%dma_start3A_291 : memref<128xi32, #tpu.memory_space<vmem>>) semaphore(%run_scoped3A_288 : memref<!tpu.dma_semaphore, #tpu.memory_space<semaphore_mem>>) {add = true}
        %dma_wait3A_295 = arith.constant 0 : i32
        %dma_wait3A_296 = tpu.memref_slice %arg9[%run_scoped3A_275, %dma_wait3A_295] : memref<8x128xi32, #tpu.memory_space<vmem>> -> memref<1x128xi32, #tpu.memory_space<vmem>>
        %dma_wait3A_297 = tpu.memref_squeeze %dma_wait3A_296 : memref<1x128xi32, #tpu.memory_space<vmem>> -> memref<128xi32, #tpu.memory_space<vmem>>
        %dma_wait3A_298 = arith.constant 0 : i32
        %dma_wait3A_299 = arith.constant 0 : i32
        %dma_wait3A_300 = tpu.memref_slice %arg12[%dma_wait3A_298, %dma_wait3A_299] : memref<10008x128xf32, #tpu.memory_space<vmem_shared>> -> memref<10008x128xf32, #tpu.memory_space<vmem_shared>>
        tpu.wait_indirect_dma semaphore(%run_scoped3A_288 : memref<!tpu.dma_semaphore, #tpu.memory_space<semaphore_mem>>) src(%arg11 : memref<128x128xf32, #tpu.memory_space<vmem>>) dst(%dma_wait3A_300 : memref<10008x128xf32, #tpu.memory_space<vmem_shared>>)
        tpu.yield
      }) : () -> ()
      %lt3A_276 = arith.constant 9 : i32
      %lt3A_277 = arith.cmpi slt, %add3A_156, %lt3A_276 : i32
      %convert_element_type3A_278 = arith.extui %lt3A_277 : i1 to i32
      %cond3A_279 = arith.constant 0 : i32
      %cond3A_280 = arith.cmpi ne, %convert_element_type3A_278, %cond3A_279 : i32
      scf.if %cond3A_280 {
        %dma_start3A_288 = arith.constant 1 : i32
        %dma_start3A_289 = arith.constant 0 : i32
        %dma_start3A_290 = tpu.memref_slice %arg6[%dma_start3A_288, %dma_start3A_289] : memref<8x128xi32, #tpu.memory_space<vmem>> -> memref<1x128xi32, #tpu.memory_space<vmem>>
        %dma_start3A_291 = tpu.memref_squeeze %dma_start3A_290 : memref<1x128xi32, #tpu.memory_space<vmem>> -> memref<128xi32, #tpu.memory_space<vmem>>
        %dma_start3A_292 = arith.constant 0 : i32
        %dma_start3A_293 = arith.constant 0 : i32
        %dma_start3A_294 = tpu.memref_slice %arg2[%dma_start3A_292, %dma_start3A_293] : memref<10000x128xf32, #tpu.memory_space<hbm>> -> memref<10000x128xf32, #tpu.memory_space<hbm>>
        tpu.enqueue_indirect_dma source(%dma_start3A_294 : memref<10000x128xf32, #tpu.memory_space<hbm>>) target(%arg11 : memref<128x128xf32, #tpu.memory_space<vmem>>) offsets(%dma_start3A_291 : memref<128xi32, #tpu.memory_space<vmem>>) semaphore(%arg14 : memref<!tpu.dma_semaphore, #tpu.memory_space<semaphore_mem>>)
      } else {
      }
      %add3A_281 = arith.constant 2 : i32
      %add3A_282 = arith.addi %add3A_156, %add3A_281 : i32
      %lt3A_283 = arith.constant 10 : i32
      %lt3A_284 = arith.cmpi slt, %add3A_282, %lt3A_283 : i32
      %convert_element_type3A_285 = arith.extui %lt3A_284 : i1 to i32
      %cond3A_286 = arith.constant 0 : i32
      %cond3A_287 = arith.cmpi ne, %convert_element_type3A_285, %cond3A_286 : i32
      scf.if %cond3A_287 {
        %add3A_288 = arith.constant 2 : i32
        %add3A_289 = arith.addi %add3A_156, %add3A_288 : i32
        %mul3A_290 = arith.constant 8 : i32
        %mul3A_291 = arith.muli %add3A_289, %mul3A_290 : i32
        %multiple_of3A_292 = tpu.assume_multiple %mul3A_291, 8 : i32
        %dma_start3A_293 = arith.constant 0 : i32
        %dma_start3A_294 = arith.constant 0 : i32
        %dma_start3A_295 = arith.constant 0 : i32
        %dma_start3A_296 = tpu.memref_slice %arg3[%arg0, %dma_start3A_293, %dma_start3A_294, %dma_start3A_295] : memref<2x16x80x128xi32, #tpu.memory_space<hbm>> -> memref<1x16x80x128xi32, #tpu.memory_space<hbm>>
        %dma_start3A_297 = tpu.memref_squeeze %dma_start3A_296 : memref<1x16x80x128xi32, #tpu.memory_space<hbm>> -> memref<16x80x128xi32, #tpu.memory_space<hbm>>
        %dma_start3A_298 = arith.constant 0 : i32
        %dma_start3A_299 = arith.constant 0 : i32
        %dma_start3A_300 = tpu.memref_slice %dma_start3A_297[%arg1, %dma_start3A_298, %dma_start3A_299] : memref<16x80x128xi32, #tpu.memory_space<hbm>> -> memref<1x80x128xi32, #tpu.memory_space<hbm>>
        %dma_start3A_301 = tpu.memref_squeeze %dma_start3A_300 : memref<1x80x128xi32, #tpu.memory_space<hbm>> -> memref<80x128xi32, #tpu.memory_space<hbm>>
        %dma_start3A_302 = arith.constant 0 : i32
        %dma_start3A_303 = tpu.memref_slice %dma_start3A_301[%multiple_of3A_292, %dma_start3A_302] : memref<80x128xi32, #tpu.memory_space<hbm>> -> memref<8x128xi32, #tpu.memory_space<hbm>>
        %dma_start3A_304 = arith.constant 0 : i32
        %dma_start3A_305 = arith.constant 0 : i32
        %dma_start3A_306 = arith.constant 0 : i32
        %dma_start3A_307 = tpu.memref_slice %arg3[%arg0, %dma_start3A_304, %dma_start3A_305, %dma_start3A_306] : memref<2x16x80x128xi32, #tpu.memory_space<hbm>> -> memref<1x16x80x128xi32, #tpu.memory_space<hbm>>
        %dma_start3A_308 = tpu.memref_squeeze %dma_start3A_307 : memref<1x16x80x128xi32, #tpu.memory_space<hbm>> -> memref<16x80x128xi32, #tpu.memory_space<hbm>>
        %dma_start3A_309 = arith.constant 0 : i32
        %dma_start3A_310 = arith.constant 0 : i32
        %dma_start3A_311 = tpu.memref_slice %dma_start3A_308[%arg1, %dma_start3A_309, %dma_start3A_310] : memref<16x80x128xi32, #tpu.memory_space<hbm>> -> memref<1x80x128xi32, #tpu.memory_space<hbm>>
        %dma_start3A_312 = tpu.memref_squeeze %dma_start3A_311 : memref<1x80x128xi32, #tpu.memory_space<hbm>> -> memref<80x128xi32, #tpu.memory_space<hbm>>
        %dma_start3A_313 = arith.constant 0 : i32
        %dma_start3A_314 = tpu.memref_slice %dma_start3A_312[%multiple_of3A_292, %dma_start3A_313] : memref<80x128xi32, #tpu.memory_space<hbm>> -> memref<8x128xi32, #tpu.memory_space<hbm>>
        tpu.enqueue_dma source(%dma_start3A_314 : memref<8x128xi32, #tpu.memory_space<hbm>>) target(%arg8 : memref<8x128xi32, #tpu.memory_space<vmem>>) target_semaphore(%arg15 : memref<!tpu.dma_semaphore, #tpu.memory_space<semaphore_mem>>)
        %dma_start3A_315 = arith.constant 0 : i32
        %dma_start3A_316 = arith.constant 0 : i32
        %dma_start3A_317 = arith.constant 0 : i32
        %dma_start3A_318 = tpu.memref_slice %arg4[%arg0, %dma_start3A_315, %dma_start3A_316, %dma_start3A_317] : memref<2x16x80x128xi32, #tpu.memory_space<hbm>> -> memref<1x16x80x128xi32, #tpu.memory_space<hbm>>
        %dma_start3A_319 = tpu.memref_squeeze %dma_start3A_318 : memref<1x16x80x128xi32, #tpu.memory_space<hbm>> -> memref<16x80x128xi32, #tpu.memory_space<hbm>>
        %dma_start3A_320 = arith.constant 0 : i32
        %dma_start3A_321 = arith.constant 0 : i32
        %dma_start3A_322 = tpu.memref_slice %dma_start3A_319[%arg1, %dma_start3A_320, %dma_start3A_321] : memref<16x80x128xi32, #tpu.memory_space<hbm>> -> memref<1x80x128xi32, #tpu.memory_space<hbm>>
        %dma_start3A_323 = tpu.memref_squeeze %dma_start3A_322 : memref<1x80x128xi32, #tpu.memory_space<hbm>> -> memref<80x128xi32, #tpu.memory_space<hbm>>
        %dma_start3A_324 = arith.constant 0 : i32
        %dma_start3A_325 = tpu.memref_slice %dma_start3A_323[%multiple_of3A_292, %dma_start3A_324] : memref<80x128xi32, #tpu.memory_space<hbm>> -> memref<8x128xi32, #tpu.memory_space<hbm>>
        %dma_start3A_326 = arith.constant 0 : i32
        %dma_start3A_327 = arith.constant 0 : i32
        %dma_start3A_328 = arith.constant 0 : i32
        %dma_start3A_329 = tpu.memref_slice %arg4[%arg0, %dma_start3A_326, %dma_start3A_327, %dma_start3A_328] : memref<2x16x80x128xi32, #tpu.memory_space<hbm>> -> memref<1x16x80x128xi32, #tpu.memory_space<hbm>>
        %dma_start3A_330 = tpu.memref_squeeze %dma_start3A_329 : memref<1x16x80x128xi32, #tpu.memory_space<hbm>> -> memref<16x80x128xi32, #tpu.memory_space<hbm>>
        %dma_start3A_331 = arith.constant 0 : i32
        %dma_start3A_332 = arith.constant 0 : i32
        %dma_start3A_333 = tpu.memref_slice %dma_start3A_330[%arg1, %dma_start3A_331, %dma_start3A_332] : memref<16x80x128xi32, #tpu.memory_space<hbm>> -> memref<1x80x128xi32, #tpu.memory_space<hbm>>
        %dma_start3A_334 = tpu.memref_squeeze %dma_start3A_333 : memref<1x80x128xi32, #tpu.memory_space<hbm>> -> memref<80x128xi32, #tpu.memory_space<hbm>>
        %dma_start3A_335 = arith.constant 0 : i32
        %dma_start3A_336 = tpu.memref_slice %dma_start3A_334[%multiple_of3A_292, %dma_start3A_335] : memref<80x128xi32, #tpu.memory_space<hbm>> -> memref<8x128xi32, #tpu.memory_space<hbm>>
        tpu.enqueue_dma source(%dma_start3A_336 : memref<8x128xi32, #tpu.memory_space<hbm>>) target(%arg9 : memref<8x128xi32, #tpu.memory_space<vmem>>) target_semaphore(%arg15 : memref<!tpu.dma_semaphore, #tpu.memory_space<semaphore_mem>>)
      } else {
      }
    }
    %scan3A_20 = arith.constant 5 : i32
    %barrier3A_21 = arith.constant 0 : index
    tpu.barrier barrier_id(%barrier3A_21)
    "tpu.region"() ({
      %run_scoped3A = tpu.sem_alloc : memref<!tpu.dma_semaphore, #tpu.memory_space<semaphore_mem>>
      %dma_start3A_25 = arith.constant 0 : i32
      %dma_start3A_26 = arith.constant 0 : i32
      %dma_start3A_27 = tpu.memref_slice %arg5[%arg0, %dma_start3A_25, %dma_start3A_26] : memref<2x10000x128xf32, #tpu.memory_space<hbm>> -> memref<1x10000x128xf32, #tpu.memory_space<hbm>>
      %dma_start3A_28 = tpu.memref_squeeze %dma_start3A_27 : memref<1x10000x128xf32, #tpu.memory_space<hbm>> -> memref<10000x128xf32, #tpu.memory_space<hbm>>
      %dma_start3A_29 = arith.constant 0 : i32
      %dma_start3A_30 = tpu.memref_slice %dma_start3A_28[%multiple_of3A, %dma_start3A_29] : memref<10000x128xf32, #tpu.memory_space<hbm>> -> memref<624x128xf32, #tpu.memory_space<hbm>>
      %dma_start3A_31 = arith.constant 0 : i32
      %dma_start3A_32 = tpu.memref_slice %arg12[%multiple_of3A, %dma_start3A_31] : memref<10008x128xf32, #tpu.memory_space<vmem_shared>> -> memref<624x128xf32, #tpu.memory_space<vmem_shared>>
      tpu.enqueue_dma source(%dma_start3A_32 : memref<624x128xf32, #tpu.memory_space<vmem_shared>>) target(%dma_start3A_30 : memref<624x128xf32, #tpu.memory_space<hbm>>) target_semaphore(%run_scoped3A : memref<!tpu.dma_semaphore, #tpu.memory_space<semaphore_mem>>)
      %dma_wait3A = arith.constant 0 : i32
      %dma_wait3A_33 = arith.constant 0 : i32
      %dma_wait3A_34 = tpu.memref_slice %arg5[%arg0, %dma_wait3A, %dma_wait3A_33] : memref<2x10000x128xf32, #tpu.memory_space<hbm>> -> memref<1x10000x128xf32, #tpu.memory_space<hbm>>
      %dma_wait3A_35 = tpu.memref_squeeze %dma_wait3A_34 : memref<1x10000x128xf32, #tpu.memory_space<hbm>> -> memref<10000x128xf32, #tpu.memory_space<hbm>>
      %dma_wait3A_36 = arith.constant 0 : i32
      %dma_wait3A_37 = tpu.memref_slice %dma_wait3A_35[%multiple_of3A, %dma_wait3A_36] : memref<10000x128xf32, #tpu.memory_space<hbm>> -> memref<624x128xf32, #tpu.memory_space<hbm>>
      %dma_wait3A_38 = arith.constant 0 : i32
      %dma_wait3A_39 = tpu.memref_slice %arg12[%multiple_of3A, %dma_wait3A_38] : memref<10008x128xf32, #tpu.memory_space<vmem_shared>> -> memref<624x128xf32, #tpu.memory_space<vmem_shared>>
      tpu.wait_dma2 semaphore(%run_scoped3A : memref<!tpu.dma_semaphore, #tpu.memory_space<semaphore_mem>>) src(%dma_wait3A_39 : memref<624x128xf32, #tpu.memory_space<vmem_shared>>) dst(%dma_wait3A_37 : memref<624x128xf32, #tpu.memory_space<hbm>>)
      tpu.yield
    }) : () -> ()
    %convert_element_type3A_22 = arith.extui %eq3A_1 : i1 to i32
    %cond3A_23 = arith.constant 0 : i32
    %cond3A_24 = arith.cmpi ne, %convert_element_type3A_22, %cond3A_23 : i32
    scf.if %cond3A_24 {
      "tpu.region"() ({
        %run_scoped3A = tpu.sem_alloc : memref<!tpu.dma_semaphore, #tpu.memory_space<semaphore_mem>>
        %dma_start3A_25 = arith.constant 0 : i32
        %dma_start3A_26 = arith.constant 0 : i32
        %dma_start3A_27 = tpu.memref_slice %arg5[%arg0, %dma_start3A_25, %dma_start3A_26] : memref<2x10000x128xf32, #tpu.memory_space<hbm>> -> memref<1x10000x128xf32, #tpu.memory_space<hbm>>
        %dma_start3A_28 = tpu.memref_squeeze %dma_start3A_27 : memref<1x10000x128xf32, #tpu.memory_space<hbm>> -> memref<10000x128xf32, #tpu.memory_space<hbm>>
        %dma_start3A_29 = arith.constant 9984 : i32
        %dma_start3A_30 = arith.constant 0 : i32
        %dma_start3A_31 = tpu.memref_slice %dma_start3A_28[%dma_start3A_29, %dma_start3A_30] : memref<10000x128xf32, #tpu.memory_space<hbm>> -> memref<16x128xf32, #tpu.memory_space<hbm>>
        %dma_start3A_32 = arith.constant 9984 : i32
        %dma_start3A_33 = arith.constant 0 : i32
        %dma_start3A_34 = tpu.memref_slice %arg12[%dma_start3A_32, %dma_start3A_33] : memref<10008x128xf32, #tpu.memory_space<vmem_shared>> -> memref<16x128xf32, #tpu.memory_space<vmem_shared>>
        tpu.enqueue_dma source(%dma_start3A_34 : memref<16x128xf32, #tpu.memory_space<vmem_shared>>) target(%dma_start3A_31 : memref<16x128xf32, #tpu.memory_space<hbm>>) target_semaphore(%run_scoped3A : memref<!tpu.dma_semaphore, #tpu.memory_space<semaphore_mem>>)
        %dma_wait3A = arith.constant 0 : i32
        %dma_wait3A_35 = arith.constant 0 : i32
        %dma_wait3A_36 = tpu.memref_slice %arg5[%arg0, %dma_wait3A, %dma_wait3A_35] : memref<2x10000x128xf32, #tpu.memory_space<hbm>> -> memref<1x10000x128xf32, #tpu.memory_space<hbm>>
        %dma_wait3A_37 = tpu.memref_squeeze %dma_wait3A_36 : memref<1x10000x128xf32, #tpu.memory_space<hbm>> -> memref<10000x128xf32, #tpu.memory_space<hbm>>
        %dma_wait3A_38 = arith.constant 9984 : i32
        %dma_wait3A_39 = arith.constant 0 : i32
        %dma_wait3A_40 = tpu.memref_slice %dma_wait3A_37[%dma_wait3A_38, %dma_wait3A_39] : memref<10000x128xf32, #tpu.memory_space<hbm>> -> memref<16x128xf32, #tpu.memory_space<hbm>>
        %dma_wait3A_41 = arith.constant 9984 : i32
        %dma_wait3A_42 = arith.constant 0 : i32
        %dma_wait3A_43 = tpu.memref_slice %arg12[%dma_wait3A_41, %dma_wait3A_42] : memref<10008x128xf32, #tpu.memory_space<vmem_shared>> -> memref<16x128xf32, #tpu.memory_space<vmem_shared>>
        tpu.wait_dma2 semaphore(%run_scoped3A : memref<!tpu.dma_semaphore, #tpu.memory_space<semaphore_mem>>) src(%dma_wait3A_43 : memref<16x128xf32, #tpu.memory_space<vmem_shared>>) dst(%dma_wait3A_40 : memref<16x128xf32, #tpu.memory_space<hbm>>)
        tpu.yield
      }) : () -> ()
    } else {
    }
    return
  }
}

module attributes {stable_mosaic.version = 14 : i64} {
  func.func @_combine1_body(%arg0: i32, %arg1: memref<2000x128xf32, #tpu.memory_space<vmem>>, %arg2: memref<2000x128xf32, #tpu.memory_space<vmem>>, %arg3: memref<2000x128xf32, #tpu.memory_space<vmem>>, %arg4: memref<2000x128xf32, #tpu.memory_space<vmem>>, %arg5: memref<128x128xf32, #tpu.memory_space<vmem>>, %arg6: memref<128x128xf32, #tpu.memory_space<vmem>>, %arg7: memref<1x128xf32, #tpu.memory_space<vmem>>, %arg8: memref<1x128xf32, #tpu.memory_space<vmem>>, %arg9: memref<2000x128xf32, #tpu.memory_space<vmem>>) attributes {dimension_semantics = [#tpu.dimension_semantics<arbitrary>], iteration_bounds = array<i64: 5>, scalar_prefetch = 0 : i64, scratch_operands = 0 : i64, tpu.core_type = #tpu.core_type<tc>, window_params = [{transform_indices = @transform_0, window_bounds = array<i64: 2000, 128>}, {transform_indices = @transform_1, window_bounds = array<i64: 2000, 128>}, {transform_indices = @transform_2, window_bounds = array<i64: 2000, 128>}, {transform_indices = @transform_3, window_bounds = array<i64: 2000, 128>}, {pipeline_mode = #tpu.pipeline_mode<synchronous>, transform_indices = @transform_4, window_bounds = array<i64: 128, 128>}, {pipeline_mode = #tpu.pipeline_mode<synchronous>, transform_indices = @transform_5, window_bounds = array<i64: 128, 128>}, {pipeline_mode = #tpu.pipeline_mode<synchronous>, transform_indices = @transform_6, window_bounds = array<i64: 1, 128>}, {pipeline_mode = #tpu.pipeline_mode<synchronous>, transform_indices = @transform_7, window_bounds = array<i64: 1, 128>}, {transform_indices = @transform_8, window_bounds = array<i64: 2000, 128>}]} {
    %get3A = arith.constant 0 : index
    %get3A_0 = arith.constant 0 : index
    %get3A_1 = vector.load %arg3[%get3A, %get3A_0] : memref<2000x128xf32, #tpu.memory_space<vmem>>, vector<2000x1xf32>
    %div3A = arith.constant 1.000000e+00 : f32
    %div3A_2 = vector.broadcast %div3A : f32 to vector<2000x1xf32>
    %div3A_3 = arith.divf %div3A_2, %get3A_1 : vector<2000x1xf32>
    %get3A_4 = arith.constant 0 : index
    %get3A_5 = arith.constant 0 : index
    %get3A_6 = vector.load %arg4[%get3A_4, %get3A_5] : memref<2000x128xf32, #tpu.memory_space<vmem>>, vector<2000x1xf32>
    %div3A_7 = arith.constant 1.000000e+00 : f32
    %div3A_8 = vector.broadcast %div3A_7 : f32 to vector<2000x1xf32>
    %div3A_9 = arith.divf %div3A_8, %get3A_6 : vector<2000x1xf32>
    %get3A_10 = arith.constant 0 : index
    %get3A_11 = arith.constant 0 : index
    %get3A_12 = vector.load %arg1[%get3A_10, %get3A_11] : memref<2000x128xf32, #tpu.memory_space<vmem>>, vector<2000x128xf32>
    %mul3A = vector.broadcast %div3A_3 : vector<2000x1xf32> to vector<2000x128xf32>
    %mul3A_13 = arith.mulf %get3A_12, %mul3A : vector<2000x128xf32>
    %get3A_14 = arith.constant 0 : index
    %get3A_15 = arith.constant 0 : index
    %get3A_16 = vector.load %arg2[%get3A_14, %get3A_15] : memref<2000x128xf32, #tpu.memory_space<vmem>>, vector<2000x128xf32>
    %mul3A_17 = vector.broadcast %div3A_9 : vector<2000x1xf32> to vector<2000x128xf32>
    %mul3A_18 = arith.mulf %get3A_16, %mul3A_17 : vector<2000x128xf32>
    %get3A_19 = arith.constant 0 : index
    %get3A_20 = arith.constant 0 : index
    %get3A_21 = vector.load %arg5[%get3A_19, %get3A_20] : memref<128x128xf32, #tpu.memory_space<vmem>>, vector<128x128xf32>
    %dot_general3A = arith.constant dense<0.000000e+00> : vector<2000x128xf32>
    %dot_general3A_22 = tpu.matmul %mul3A_13, %get3A_21, %dot_general3A {dimension_numbers = #tpu.dot_dimension_numbers<[1], [0], [0], [1], [0, 0, 1, 1], [], []>, transpose_lhs_hint = false} : vector<2000x128xf32>, vector<128x128xf32>, vector<2000x128xf32> -> vector<2000x128xf32>
    %get3A_23 = arith.constant 0 : index
    %get3A_24 = arith.constant 0 : index
    %get3A_25 = vector.load %arg6[%get3A_23, %get3A_24] : memref<128x128xf32, #tpu.memory_space<vmem>>, vector<128x128xf32>
    %dot_general3A_26 = arith.constant dense<0.000000e+00> : vector<2000x128xf32>
    %dot_general3A_27 = tpu.matmul %mul3A_18, %get3A_25, %dot_general3A_26 {dimension_numbers = #tpu.dot_dimension_numbers<[1], [0], [0], [1], [0, 0, 1, 1], [], []>, transpose_lhs_hint = false} : vector<2000x128xf32>, vector<128x128xf32>, vector<2000x128xf32> -> vector<2000x128xf32>
    %add3A = arith.addf %dot_general3A_22, %dot_general3A_27 : vector<2000x128xf32>
    %get3A_28 = arith.constant 0 : index
    %get3A_29 = arith.constant 0 : index
    %get3A_30 = vector.load %arg7[%get3A_28, %get3A_29] : memref<1x128xf32, #tpu.memory_space<vmem>>, vector<1x128xf32>
    %add3A_31 = vector.broadcast %get3A_30 : vector<1x128xf32> to vector<2000x128xf32>
    %add3A_32 = arith.addf %add3A, %add3A_31 : vector<2000x128xf32>
    %get3A_33 = arith.constant 0 : index
    %get3A_34 = arith.constant 0 : index
    %get3A_35 = vector.load %arg8[%get3A_33, %get3A_34] : memref<1x128xf32, #tpu.memory_space<vmem>>, vector<1x128xf32>
    %add3A_36 = vector.broadcast %get3A_35 : vector<1x128xf32> to vector<2000x128xf32>
    %add3A_37 = arith.addf %add3A_32, %add3A_36 : vector<2000x128xf32>
    %mul3A_38 = arith.constant 5.000000e-01 : f32
    %mul3A_39 = vector.broadcast %mul3A_38 : f32 to vector<2000x128xf32>
    %mul3A_40 = arith.mulf %add3A_37, %mul3A_39 : vector<2000x128xf32>
    %max3A = arith.constant 0.000000e+00 : f32
    %max3A_41 = vector.broadcast %max3A : f32 to vector<2000x128xf32>
    %max3A_42 = arith.maximumf %mul3A_40, %max3A_41 : vector<2000x128xf32>
    %swap3A = arith.constant 0 : index
    %swap3A_43 = arith.constant 0 : index
    %swap3A_44 = vector.load %arg9[%swap3A, %swap3A_43] : memref<2000x128xf32, #tpu.memory_space<vmem>>, vector<2000x128xf32>
    tpu.vector_store %arg9[%swap3A, %swap3A_43], %max3A_42 {strides = array<i32>} : memref<2000x128xf32, #tpu.memory_space<vmem>>, vector<2000x128xf32>,
    return
  }
  func.func @transform_0(%arg0: i32) -> (i32, i32) {
    %c0_i32 = arith.constant 0 : i32
    %c0_i32_0 = arith.constant 0 : i32
    return %arg0, %c0_i32 : i32, i32
  }
  func.func @transform_1(%arg0: i32) -> (i32, i32) {
    %c0_i32 = arith.constant 0 : i32
    %c0_i32_0 = arith.constant 0 : i32
    return %arg0, %c0_i32 : i32, i32
  }
  func.func @transform_2(%arg0: i32) -> (i32, i32) {
    %c0_i32 = arith.constant 0 : i32
    %c0_i32_0 = arith.constant 0 : i32
    return %arg0, %c0_i32 : i32, i32
  }
  func.func @transform_3(%arg0: i32) -> (i32, i32) {
    %c0_i32 = arith.constant 0 : i32
    %c0_i32_0 = arith.constant 0 : i32
    return %arg0, %c0_i32 : i32, i32
  }
  func.func @transform_4(%arg0: i32) -> (i32, i32) {
    %c0_i32 = arith.constant 0 : i32
    %c0_i32_0 = arith.constant 0 : i32
    %c0_i32_1 = arith.constant 0 : i32
    return %c0_i32, %c0_i32_0 : i32, i32
  }
  func.func @transform_5(%arg0: i32) -> (i32, i32) {
    %c0_i32 = arith.constant 0 : i32
    %c0_i32_0 = arith.constant 0 : i32
    %c0_i32_1 = arith.constant 0 : i32
    return %c0_i32, %c0_i32_0 : i32, i32
  }
  func.func @transform_6(%arg0: i32) -> (i32, i32) {
    %c0_i32 = arith.constant 0 : i32
    %c0_i32_0 = arith.constant 0 : i32
    %c0_i32_1 = arith.constant 0 : i32
    return %c0_i32, %c0_i32_0 : i32, i32
  }
  func.func @transform_7(%arg0: i32) -> (i32, i32) {
    %c0_i32 = arith.constant 0 : i32
    %c0_i32_0 = arith.constant 0 : i32
    %c0_i32_1 = arith.constant 0 : i32
    return %c0_i32, %c0_i32_0 : i32, i32
  }
  func.func @transform_8(%arg0: i32) -> (i32, i32) {
    %c0_i32 = arith.constant 0 : i32
    %c0_i32_0 = arith.constant 0 : i32
    return %arg0, %c0_i32 : i32, i32
  }
}

module attributes {stable_mosaic.version = 14 : i64} {
  func.func @_combine2_body(%arg0: i32, %arg1: memref<2000x128xf32, #tpu.memory_space<vmem>>, %arg2: memref<2000x128xf32, #tpu.memory_space<vmem>>, %arg3: memref<2000x128xf32, #tpu.memory_space<vmem>>, %arg4: memref<2000x128xf32, #tpu.memory_space<vmem>>, %arg5: memref<128x128xf32, #tpu.memory_space<vmem>>, %arg6: memref<128x128xf32, #tpu.memory_space<vmem>>, %arg7: memref<1x128xf32, #tpu.memory_space<vmem>>, %arg8: memref<1x128xf32, #tpu.memory_space<vmem>>, %arg9: memref<128x64xf32, #tpu.memory_space<vmem>>, %arg10: memref<1x64xf32, #tpu.memory_space<vmem>>, %arg11: memref<2000x64xf32, #tpu.memory_space<vmem>>) attributes {dimension_semantics = [#tpu.dimension_semantics<arbitrary>], iteration_bounds = array<i64: 5>, scalar_prefetch = 0 : i64, scratch_operands = 0 : i64, tpu.core_type = #tpu.core_type<tc>, window_params = [{transform_indices = @transform_0, window_bounds = array<i64: 2000, 128>}, {transform_indices = @transform_1, window_bounds = array<i64: 2000, 128>}, {transform_indices = @transform_2, window_bounds = array<i64: 2000, 128>}, {transform_indices = @transform_3, window_bounds = array<i64: 2000, 128>}, {pipeline_mode = #tpu.pipeline_mode<synchronous>, transform_indices = @transform_4, window_bounds = array<i64: 128, 128>}, {pipeline_mode = #tpu.pipeline_mode<synchronous>, transform_indices = @transform_5, window_bounds = array<i64: 128, 128>}, {pipeline_mode = #tpu.pipeline_mode<synchronous>, transform_indices = @transform_6, window_bounds = array<i64: 1, 128>}, {pipeline_mode = #tpu.pipeline_mode<synchronous>, transform_indices = @transform_7, window_bounds = array<i64: 1, 128>}, {pipeline_mode = #tpu.pipeline_mode<synchronous>, transform_indices = @transform_8, window_bounds = array<i64: 128, 64>}, {pipeline_mode = #tpu.pipeline_mode<synchronous>, transform_indices = @transform_9, window_bounds = array<i64: 1, 64>}, {transform_indices = @transform_10, window_bounds = array<i64: 2000, 64>}]} {
    %get3A = arith.constant 0 : index
    %get3A_0 = arith.constant 0 : index
    %get3A_1 = vector.load %arg3[%get3A, %get3A_0] : memref<2000x128xf32, #tpu.memory_space<vmem>>, vector<2000x1xf32>
    %div3A = arith.constant 1.000000e+00 : f32
    %div3A_2 = vector.broadcast %div3A : f32 to vector<2000x1xf32>
    %div3A_3 = arith.divf %div3A_2, %get3A_1 : vector<2000x1xf32>
    %get3A_4 = arith.constant 0 : index
    %get3A_5 = arith.constant 0 : index
    %get3A_6 = vector.load %arg4[%get3A_4, %get3A_5] : memref<2000x128xf32, #tpu.memory_space<vmem>>, vector<2000x1xf32>
    %div3A_7 = arith.constant 1.000000e+00 : f32
    %div3A_8 = vector.broadcast %div3A_7 : f32 to vector<2000x1xf32>
    %div3A_9 = arith.divf %div3A_8, %get3A_6 : vector<2000x1xf32>
    %get3A_10 = arith.constant 0 : index
    %get3A_11 = arith.constant 0 : index
    %get3A_12 = vector.load %arg1[%get3A_10, %get3A_11] : memref<2000x128xf32, #tpu.memory_space<vmem>>, vector<2000x128xf32>
    %mul3A = vector.broadcast %div3A_3 : vector<2000x1xf32> to vector<2000x128xf32>
    %mul3A_13 = arith.mulf %get3A_12, %mul3A : vector<2000x128xf32>
    %get3A_14 = arith.constant 0 : index
    %get3A_15 = arith.constant 0 : index
    %get3A_16 = vector.load %arg2[%get3A_14, %get3A_15] : memref<2000x128xf32, #tpu.memory_space<vmem>>, vector<2000x128xf32>
    %mul3A_17 = vector.broadcast %div3A_9 : vector<2000x1xf32> to vector<2000x128xf32>
    %mul3A_18 = arith.mulf %get3A_16, %mul3A_17 : vector<2000x128xf32>
    %get3A_19 = arith.constant 0 : index
    %get3A_20 = arith.constant 0 : index
    %get3A_21 = vector.load %arg5[%get3A_19, %get3A_20] : memref<128x128xf32, #tpu.memory_space<vmem>>, vector<128x128xf32>
    %dot_general3A = arith.constant dense<0.000000e+00> : vector<2000x128xf32>
    %dot_general3A_22 = tpu.matmul %mul3A_13, %get3A_21, %dot_general3A {dimension_numbers = #tpu.dot_dimension_numbers<[1], [0], [0], [1], [0, 0, 1, 1], [], []>, transpose_lhs_hint = false} : vector<2000x128xf32>, vector<128x128xf32>, vector<2000x128xf32> -> vector<2000x128xf32>
    %get3A_23 = arith.constant 0 : index
    %get3A_24 = arith.constant 0 : index
    %get3A_25 = vector.load %arg6[%get3A_23, %get3A_24] : memref<128x128xf32, #tpu.memory_space<vmem>>, vector<128x128xf32>
    %dot_general3A_26 = arith.constant dense<0.000000e+00> : vector<2000x128xf32>
    %dot_general3A_27 = tpu.matmul %mul3A_18, %get3A_25, %dot_general3A_26 {dimension_numbers = #tpu.dot_dimension_numbers<[1], [0], [0], [1], [0, 0, 1, 1], [], []>, transpose_lhs_hint = false} : vector<2000x128xf32>, vector<128x128xf32>, vector<2000x128xf32> -> vector<2000x128xf32>
    %add3A = arith.addf %dot_general3A_22, %dot_general3A_27 : vector<2000x128xf32>
    %get3A_28 = arith.constant 0 : index
    %get3A_29 = arith.constant 0 : index
    %get3A_30 = vector.load %arg7[%get3A_28, %get3A_29] : memref<1x128xf32, #tpu.memory_space<vmem>>, vector<1x128xf32>
    %add3A_31 = vector.broadcast %get3A_30 : vector<1x128xf32> to vector<2000x128xf32>
    %add3A_32 = arith.addf %add3A, %add3A_31 : vector<2000x128xf32>
    %get3A_33 = arith.constant 0 : index
    %get3A_34 = arith.constant 0 : index
    %get3A_35 = vector.load %arg8[%get3A_33, %get3A_34] : memref<1x128xf32, #tpu.memory_space<vmem>>, vector<1x128xf32>
    %add3A_36 = vector.broadcast %get3A_35 : vector<1x128xf32> to vector<2000x128xf32>
    %add3A_37 = arith.addf %add3A_32, %add3A_36 : vector<2000x128xf32>
    %mul3A_38 = arith.constant 5.000000e-01 : f32
    %mul3A_39 = vector.broadcast %mul3A_38 : f32 to vector<2000x128xf32>
    %mul3A_40 = arith.mulf %add3A_37, %mul3A_39 : vector<2000x128xf32>
    %get3A_41 = arith.constant 0 : index
    %get3A_42 = arith.constant 0 : index
    %get3A_43 = vector.load %arg9[%get3A_41, %get3A_42] : memref<128x64xf32, #tpu.memory_space<vmem>>, vector<128x64xf32>
    %dot_general3A_44 = arith.constant dense<0.000000e+00> : vector<2000x64xf32>
    %dot_general3A_45 = tpu.matmul %mul3A_40, %get3A_43, %dot_general3A_44 {dimension_numbers = #tpu.dot_dimension_numbers<[1], [0], [0], [1], [0, 0, 1, 1], [], []>, transpose_lhs_hint = false} : vector<2000x128xf32>, vector<128x64xf32>, vector<2000x64xf32> -> vector<2000x64xf32>
    %get3A_46 = arith.constant 0 : index
    %get3A_47 = arith.constant 0 : index
    %get3A_48 = vector.load %arg10[%get3A_46, %get3A_47] : memref<1x64xf32, #tpu.memory_space<vmem>>, vector<1x64xf32>
    %add3A_49 = vector.broadcast %get3A_48 : vector<1x64xf32> to vector<2000x64xf32>
    %add3A_50 = arith.addf %dot_general3A_45, %add3A_49 : vector<2000x64xf32>
    %swap3A = arith.constant 0 : index
    %swap3A_51 = arith.constant 0 : index
    %swap3A_52 = vector.load %arg11[%swap3A, %swap3A_51] : memref<2000x64xf32, #tpu.memory_space<vmem>>, vector<2000x64xf32>
    tpu.vector_store %arg11[%swap3A, %swap3A_51], %add3A_50 {strides = array<i32>} : memref<2000x64xf32, #tpu.memory_space<vmem>>, vector<2000x64xf32>,
    return
  }
  func.func @transform_0(%arg0: i32) -> (i32, i32) {
    %c0_i32 = arith.constant 0 : i32
    %c0_i32_0 = arith.constant 0 : i32
    return %arg0, %c0_i32 : i32, i32
  }
  func.func @transform_1(%arg0: i32) -> (i32, i32) {
    %c0_i32 = arith.constant 0 : i32
    %c0_i32_0 = arith.constant 0 : i32
    return %arg0, %c0_i32 : i32, i32
  }
  func.func @transform_2(%arg0: i32) -> (i32, i32) {
    %c0_i32 = arith.constant 0 : i32
    %c0_i32_0 = arith.constant 0 : i32
    return %arg0, %c0_i32 : i32, i32
  }
  func.func @transform_3(%arg0: i32) -> (i32, i32) {
    %c0_i32 = arith.constant 0 : i32
    %c0_i32_0 = arith.constant 0 : i32
    return %arg0, %c0_i32 : i32, i32
  }
  func.func @transform_4(%arg0: i32) -> (i32, i32) {
    %c0_i32 = arith.constant 0 : i32
    %c0_i32_0 = arith.constant 0 : i32
    %c0_i32_1 = arith.constant 0 : i32
    return %c0_i32, %c0_i32_0 : i32, i32
  }
  func.func @transform_5(%arg0: i32) -> (i32, i32) {
    %c0_i32 = arith.constant 0 : i32
    %c0_i32_0 = arith.constant 0 : i32
    %c0_i32_1 = arith.constant 0 : i32
    return %c0_i32, %c0_i32_0 : i32, i32
  }
  func.func @transform_6(%arg0: i32) -> (i32, i32) {
    %c0_i32 = arith.constant 0 : i32
    %c0_i32_0 = arith.constant 0 : i32
    %c0_i32_1 = arith.constant 0 : i32
    return %c0_i32, %c0_i32_0 : i32, i32
  }
  func.func @transform_7(%arg0: i32) -> (i32, i32) {
    %c0_i32 = arith.constant 0 : i32
    %c0_i32_0 = arith.constant 0 : i32
    %c0_i32_1 = arith.constant 0 : i32
    return %c0_i32, %c0_i32_0 : i32, i32
  }
  func.func @transform_8(%arg0: i32) -> (i32, i32) {
    %c0_i32 = arith.constant 0 : i32
    %c0_i32_0 = arith.constant 0 : i32
    %c0_i32_1 = arith.constant 0 : i32
    return %c0_i32, %c0_i32_0 : i32, i32
  }
  func.func @transform_9(%arg0: i32) -> (i32, i32) {
    %c0_i32 = arith.constant 0 : i32
    %c0_i32_0 = arith.constant 0 : i32
    %c0_i32_1 = arith.constant 0 : i32
    return %c0_i32, %c0_i32_0 : i32, i32
  }
  func.func @transform_10(%arg0: i32) -> (i32, i32) {
    %c0_i32 = arith.constant 0 : i32
    %c0_i32_0 = arith.constant 0 : i32
    return %arg0, %c0_i32 : i32, i32
  }
}

</mosaic_0001>

<sc_bundles>
// kernel: kernel.10.cloned.1.call-start
scs
__scs_entry_jumppad:
0x0: {  	(pc) =	sbr.rel $0x88, $3  }
0x1: {  	(tag) =	ssettag $0x0;
	lr =	simm.s32 $0x1  }
0x2: {  	[smem:$0x3F94] =	sst lr;
	_ =	strace $0xD0000000  }
0x3: {  	_ = 	snop  }
0x4: {  	_ = 	snop  }
0x5: {  	_ = 	snop  }
0x6: {  	_ = 	snop  }
0x7: {  	_ = 	snop  }
__scs_overlays_trampoline_lowered:
0x8: {  	[smem:$0x3FA3] =	sst s0  }
0x9: {  	[smem:$0x3FA4] =	sst s1  }
0xa: {  	[smem:$0x3FA5] =	sst s2  }
0xb: {  	[smem:$0x3FA6] =	sst s3  }
0xc: {  	[smem:$0x3FA7] =	sst s4  }
0xd: {  	[smem:$0x3FA8] =	sst s5  }
0xe: {  	[smem:$0x3FA9] =	sst s6  }
0xf: {  	[smem:$0x3FAA] =	sst s7  }
0x10: {  	[smem:$0x3FAB] =	sst s8  }
0x11: {  	[smem:$0x3FAC] =	sst s9;
	s0 =	simm.s32 @!p0 $0x0  }
0x12: {  	s1 =	sld [smem:$0x3F92];
	s0 =	simm.s32 @p0 $0x1  }
0x13: {  	[smem:$0x3FAD] =	sst s0;
	s0 =	simm.s32 @!p1 $0x0  }
0x14: {  	s2 =	sld [smem:$0x3F91];
	s0 =	simm.s32 @p1 $0x1  }
0x15: {  	[smem:$0x3FAE] =	sst s0;
	s0 =	simm.s32 @!p2 $0x0  }
0x16: {  	s3 =	sld [smem:$0x3FDB];
	s0 =	simm.s32 @p2 $0x1  }
0x17: {  	s4 =	simm.s32 $0x1BF5;
	[smem:$0x3FB0] =	sst s0  }
0x18: {  	s0 =	sld [smem:$0x3F93];
	_ =	swait.ge [sflag:s4], $0x0  }
0x19: {  	s7 =	sld [smem:$0x3F94]  }
0x1a: {  	s8 =	sadd.s32 $0xFFFFE003, lr  }
0x1b: {  	s9 =	sadd.s32 $0xFFFFFEF7, lr;
	s5 =	simm.s32 $0xFFFFFFFF;
	p2 =	slt.u32 s8, $0xFFFFF086  }
0x1c: {  	p1 =	slt.u32 s9, $0xF7A;
	s5 =	simm.s32 @!p2 $0x0  }
0x1d: {  	s5 =	simm.s32 @p1 $0x1;
	p0 =	seq.s32 s7, s2  }
0x1e: {  	s7 =	smul.u32 @!p0 $0xF7A, s2;
	p2 =	seq.s32 @!p0 s5, $0x0  }
0x1f: {  	s9 =	smul.u32 $0xF7A, s1;
	s8 =	simm.s32 @!p0 $0x1BF5;
	p2 =	por !p2, p0  }
0x20: {  	[sflag:s8] =	ssyncset.s32 @!p0 $0xFFFFF086;
	s6 =	sadd.s32 @!p0 s3, s7;
	s7 =	simm.s32 @!p0 $0x108  }
0x21: {  	s3 =	sadd.s32 s3, s9;
	s6 =	sadd.s32 @!p0 $0x88, s6;
	s7 =	simm.s32 @p2 $0x1082  }
0x22: {  	[simem:s7], [sflag:s8] =	dma.local @!p0 [hbm:s6], $0xF7A  }
0x23: {  	s9 =	sor.u32 $0xD0000000, s2;
	s6 =	simm.s32 $0x108;
	_ =	swait.ge @!p0 [sflag:s8], $0x0  }
0x24: {  	s3 =	sadd.s32 $0x88, s3;
	s6 =	simm.s32 @!p1 $0x1082;
	[sflag:s4] =	ssyncset.s32 $0xFFFFF086  }
0x25: {  	[simem:s6], [sflag:s4] =	dma.local [hbm:s3], $0xF7A  }
0x26: {  	[smem:$0x3F94] =	sst s1;
	(tag) =	ssettag s2;
	_ =	strace s9  }
0x27: {  	s1 =	sld [smem:$0x3FA4]  }
0x28: {  	s2 =	sld [smem:$0x3FA5]  }
0x29: {  	s4 =	sld [smem:$0x3FA7]  }
0x2a: {  	p0 =	seq.s32 s5, $0x0;
	s5 =	sld [smem:$0x3FA8]  }
0x2b: {  	s6 =	sld [smem:$0x3FA9]  }
0x2c: {  	s7 =	sld [smem:$0x3FAA]  }
0x2d: {  	s3 =	simm.s32 $0x108;
	s8 =	sld [smem:$0x3FAB]  }
0x2e: {  	s3 =	simm.s32 @!p0 $0x1082;
	s9 =	sld [smem:$0x3FAC]  }
0x2f: {  	lr =	sadd.s32 s0, s3;
	s0 =	sld [smem:$0x3FA3]  }
0x30: {  	s3 =	sld [smem:$0x3FA6]  }
0x31: {  	[smem:$0x3FAF] =	sst s10  }
0x32: {  	s10 =	sld [smem:$0x3FAD];
	_ =	sdelay $0x3  }
0x33: {  	p0 =	seq.s32 s10, $0x1;
	s10 =	sld [smem:$0x3FAF];
	_ =	sdelay $0x3  }
0x34: {  	[smem:$0x3FAF] =	sst s10  }
0x35: {  	s10 =	sld [smem:$0x3FAE];
	_ =	sdelay $0x3  }
0x36: {  	p1 =	seq.s32 s10, $0x1;
	s10 =	sld [smem:$0x3FAF];
	_ =	sdelay $0x3  }
0x37: {  	[smem:$0x3FAF] =	sst s10  }
0x38: {  	s10 =	sld [smem:$0x3FB0]  }
0x39: {  	_ = 	snop;
	(pc) =	sbr.ind lr, $3  }
0x3a: {  	_ = 	snop  }
0x3b: {  	_ = 	snop  }
0x3c: {  	p2 =	seq.s32 s10, $0x1;
	s10 =	sld [smem:$0x3FAF]  }
0x3d: {  	_ =	shalt  }
0x3e: {  	_ =	shalt  }
0x3f: {  	_ =	shalt  }
0x40: {  	_ =	shalt  }
0x41: {  	_ =	shalt  }
0x42: {  	_ =	shalt  }
0x43: {  	_ =	shalt  }
0x44: {  	_ =	shalt  }
0x45: {  	_ =	shalt  }
0x46: {  	_ =	shalt  }
0x47: {  	_ =	shalt  }
0x48: {  	_ =	shalt  }
0x49: {  	_ =	shalt  }
0x4a: {  	_ =	shalt  }
0x4b: {  	_ =	shalt  }
0x4c: {  	_ =	shalt  }
0x4d: {  	_ =	shalt  }
0x4e: {  	_ =	shalt  }
0x4f: {  	_ =	shalt  }
0x50: {  	_ =	shalt  }
0x51: {  	_ =	shalt  }
0x52: {  	_ =	shalt  }
0x53: {  	_ =	shalt  }
0x54: {  	_ =	shalt  }
0x55: {  	_ =	shalt  }
0x56: {  	_ =	shalt  }
0x57: {  	_ =	shalt  }
0x58: {  	_ =	shalt  }
0x59: {  	_ =	shalt  }
0x5a: {  	_ =	shalt  }
0x5b: {  	_ =	shalt  }
0x5c: {  	_ =	shalt  }
0x5d: {  	_ =	shalt  }
0x5e: {  	_ =	shalt  }
0x5f: {  	_ =	shalt  }
0x60: {  	_ =	shalt  }
0x61: {  	_ =	shalt  }
0x62: {  	_ =	shalt  }
0x63: {  	_ =	shalt  }
0x64: {  	_ =	shalt  }
0x65: {  	_ =	shalt  }
0x66: {  	_ =	shalt  }
0x67: {  	_ =	shalt  }
0x68: {  	_ =	shalt  }
0x69: {  	_ =	shalt  }
0x6a: {  	_ =	shalt  }
0x6b: {  	_ =	shalt  }
0x6c: {  	_ =	shalt  }
0x6d: {  	_ =	shalt  }
0x6e: {  	_ =	shalt  }
0x6f: {  	_ =	shalt  }
0x70: {  	_ =	shalt  }
0x71: {  	_ =	shalt  }
0x72: {  	_ =	shalt  }
0x73: {  	_ =	shalt  }
0x74: {  	_ =	shalt  }
0x75: {  	_ =	shalt  }
0x76: {  	_ =	shalt  }
0x77: {  	_ =	shalt  }
0x78: {  	_ =	shalt  }
0x79: {  	_ =	shalt  }
0x7a: {  	_ =	shalt  }
0x7b: {  	_ =	shalt  }
0x7c: {  	_ =	shalt  }
0x7d: {  	_ =	shalt  }
0x7e: {  	_ =	shalt  }
0x7f: {  	_ =	shalt  }
0x80: {  	_ =	shalt  }
0x81: {  	_ =	shalt  }
0x82: {  	_ =	shalt  }
0x83: {  	_ =	shalt  }
0x84: {  	_ =	shalt  }
0x85: {  	_ =	shalt  }
0x86: {  	_ =	shalt  }
0x87: {  	_ =	shalt  }
.Lfunc_end0:
.L_simem_size_0:
called_computation.1_lowered:
.L_overlay_start_0:
0x88: {  	s2 =	sld [smem:$0x3FD9]  }
0x89: {  	s3 =	sld [smem:$0x3FFE];
	_ =	sdelay $0x1  }
0x8a: {  	s1 =	srdreg.scid  }
0x8b: {  	s0 =	sand.u32 $0x1, s1  }
0x8c: {  	s17 =	sshll.u32 s0, $0xA;
	s2 =	sadd.s32 s3, s2  }
0x8d: {  	s2 =	sadd.s32 s2, s17  }
0x8e: {  	[smem:$0x3FBB] =	sst s2  }
0x8f: {  	_ = 	snop  }
0x90: {  	s2 =	sld [smem:$0x3FD0];
	(tm) =	ssettm $0x1  }
0x91: {  	s18 =	sld [smem:$0x3FFB];
	_ =	sdelay $0x3  }
0x92: {  	_ =	strace s18  }
0x93: {  	s3 =	sld [smem:$0x3FFC];
	_ =	sdelay $0x3  }
0x94: {  	_ =	strace s3  }
0x95: {  	s3 =	sld [smem:$0x3FFD];
	_ =	sdelay $0x3  }
0x96: {  	_ =	strace s3  }
0x97: {  	_ =	strace $0x8FFFFFFF  }
0x98: {  	s19 =	sld [smem:$0x3FDB];
	_ =	sdelay $0x1  }
0x99: {  	s4 =	simm.s32 $_scs_section_size  }
0x9a: {  	s5 =	simm.s32 $_size__tile_overlayer_lowered;
	s6 =	simm.s32 $_tile_overlayer_lowered  }
0x9b: {  	s22 =	simm.s32 $0x1BFF;
	s21 =	sshll.u32 s6, $0x1;
	s3 =	sadd.s32 s4, s19  }
0x9c: {  	s7 =	simm.s32 $0x0;
	s20 =	sshll.u32 s5, $0x1;
	s5 =	sadd.s32 s21, s3  }
0x9d: {  	[timem:s7], [sflag:s22] =	dma.local [hbm:s5], s20  }
0x9e: {  	_ =	swait.ge [sflag:s22], s20  }
0x9f: {  	s4 =	ssub.s32 $0x0, s20;
	[sflag:s22] =	ssyncset.done $0x0  }
0xa0: {  	[sflag:s22] =	ssyncadd.s32 s4;
	_ =	sdelay $0x1  }
0xa1: {  	s23 =	simm.s32 $0x1B8B  }
0xa2: {  	_ =	swait.ge [sflag:s23], $0x1  }
0xa3: {  	[sflag:s23] =	ssyncset.done $0x0  }
0xa4: {  	s25 =	simm.s32 $0x1B8E;
	s24 =	sld [smem:$0x3FFE];
	[sflag:s23] =	ssyncadd.s32 $0xFFFFFFFF  }
0xa5: {  	s26 =	simm.s32 $execute0_lowered;
	[smem:$0x3FD2] =	sst s25  }
0xa6: {  	s5 =	sshll.u32 s26, $0x1;
	_ =	strace $0x80000049;
	[dreg:$0x1] =	wrdreg $0xFFFFFFFF  }
0xa7: {  	s28 =	simm.s32 $_size_execute0_lowered;
	s3 =	sadd.s32 s3, s5;
	[dreg:$0x0] =	wrdreg $0x0  }
0xa8: {  	s5 =	sshll.u32 s28, $0x1;
	[dreg:$0x2] =	wrdreg s3  }
0xa9: {  	[dreg:$0x3] =	wrdreg s5  }
0xaa: {  	[dreg:$0x4] =	wrdreg $0xC0  }
0xab: {  	_ =	task [dreg:s7], $0x5FFFF  }
0xac: {  	[dreg:$0x1] =	wrdreg $0xFFFFFFFF  }
0xad: {  	[dreg:$0x0] =	wrdreg $0x60  }
0xae: {  	[dreg:$0x2] =	wrdreg s24  }
0xaf: {  	[dreg:$0x3] =	wrdreg s2  }
0xb0: {  	[dreg:$0x4] =	wrdreg $0x90000  }
0xb1: {  	[dreg:$0x5] =	wrdreg $0x9  }
0xb2: {  	_ =	task.clear_ibuf [dreg:s7], $0x6FFFF;
	_ =	strace $0x90000049  }
0xb3: {  	s29 =	simm.s32 $0x9;
	_ =	strace $0x8000004B  }
0xb4: {  	_ =	swait.ge [sflag:s29], $0x1  }
0xb5: {  	[sflag:s29] =	ssyncadd.s32 $0xFFFFFFFF  }
0xb6: {  	_ =	strace $0x9000004B  }
0xb7: {  	_ =	sfence  }
0xb8: {  	s30 =	sld [smem:$0x0];
	_ =	sdelay $0x2  }
0xb9: {  	s31 =	sshll.u32 s1, $0xD;
	s1 =	sshrl.u32 s1, $0x2  }
0xba: {  	s3 =	sand.u32 $0x4000, s31;
	s1 =	sadd.s32 s1, s30  }
0xbb: {  	s0 =	sor.u32 s3, s0;
	s1 =	sshll.u32 s1, $0x11  }
0xbc: {  	s0 =	sor.u32 s1, s0  }
0xbd: {  	s0 =	sadd.s32 $0x8F2B, s0  }
0xbe: {  	[sflag:s0] =	ssyncadd.remote.s32 $0x1  }
0xbf: {  	_ =	sfence.sel $0xFFFF  }
0xc0: {  	[dreg:$0x0] =	wrdreg $0xFFFFFFFF;
	(pc) =	sbr.abs _section_cstart, $3  }
0xc1: {  	[dreg:$0x1] =	wrdreg $0xFFFFFFFF  }
0xc2: {  	_ =	task.clear_ibuf [dreg:s7], $0x2FFFF;
	_ =	strace $0x9FFFFFFF  }
0xc3: {  	(tm) =	ssettm $0x7FFFFFFF  }
tec
execute0_lowered:
.L_overlay_start_1:
0x0: {  	(tag) =	ssettag $0x1  }
0x1: {  	s0 =	rddreg [dreg:$0x0]  }
0x2: {  	s3 =	rddreg [dreg:$0x1]  }
0x3: {  	s1 =	rddreg [dreg:$0x2]  }
0x4: {  	s4 =	srdreg.scid;
	s2 =	simm.s32 $0x0;
	s12 =	stileid.u32  }
0x5: {  	s15 =	simm.s32 $0x4;
	s28 =	simm.s32 $0x2;
	s14 =	simm.s32 $0x900  }
0x6: {  	s29 =	simm.s32 $0xE00;
	s30 =	simm.s32 $0xB00;
	s8 =	smul.u32 $0x500, s12  }
0x7: {  	s31 =	simm.s32 $0xE80;
	s5 =	sand.u32 $0x1, s4;
	s11 =	smul.u32 $0x4E000, s12  }
0x8: {  	[smem:$0x7FF] =	sst s2;
	s4 =	sadd.s32 $0x33200, s0;
	s17 =	smul.u32 $0x2700, s12  }
0x9: {  	s21 =	sadd.s32 $0x138000, s1;
	p0 =	sne.s32 s12, $0xF;
	s6 =	smul.u32 $0x5000, s5  }
0xa: {  	s26 =	sshll.u32 s12, $0x6;
	s12 =	simm.s32 $0x980;
	s7 =	smul.u32 $0x27100, s5  }
0xb: {  	_ =	strace $0x8000004A;
	s5 =	ssub.s32 $0x2, s5;
	[dreg:$0x9] =	wrdreg s21  }
0xc: {  	s21 =	simm.s32 $0x800;
	s10 =	sshrl.u32 s5, $0x1;
	s19 =	sshrl.u32 s11, $0x2  }
0xd: {  	[dreg:$0x5] =	wrdreg s17;
	s20 =	sadd.s32 s4, s17;
	s17 =	simm.s32 $0xD80  }
0xe: {  	s9 =	sadd.s32 s6, s0;
	s7 =	sadd.s32 s7, s0;
	s5 =	ssub.s32 s5, s10  }
0xf: {  	s3 =	sadd.s32 s3, s6;
	s6 =	sadd.s32 s19, s1;
	[dreg:$0x8] =	wrdreg s20  }
0x10: {  	s0 =	sadd.s32 $0x5A200, s0;
	s19 =	simm.s32 $0x1000;
	[dreg:$0x7] =	wrdreg s6  }
0x11: {  	s20 =	simm.s32 $0x5000;
	[dreg:$0xa] =	wrdreg s0;
	s22 =	sadd.s32 $0x5A400, s7  }
0x12: {  	s9 =	sadd.s32 s8, s9;
	s23 =	smax.u32 s5, $0x1;
	[dreg:$0xb] =	wrdreg s22  }
0x13: {  	s25 =	sadd.s32 s8, s3;
	s8 =	sor.u32 $0x1C04, s26;
	[dreg:$0xc] =	wrdreg s23  }
0x14: {  	s6 =	simm.s32 $0x880;
	s26 =	simm.s32 $0xA80;
	[dreg:$0xe] =	wrdreg s25  }
0x15: {  	s3 =	simm.s32 $0xF80;
	s16 =	sadd.s32 $0x2000, s9;
	[dreg:$0x10] =	wrdreg s8  }
0x16: {  	s18 =	sadd.s32 $0x2080, s9;
	s24 =	sadd.s32 $0x2180, s9;
	[dreg:$0x4] =	wrdreg s16  }
0x17: {  	s0 =	sadd.s32 $0x80, s25;
	s23 =	simm.s32 $0xC00;
	[dreg:$0x6] =	wrdreg s18  }
0x18: {  	s25 =	simm.s32 $0x1;
	s22 =	simm.s32 $0xC80;
	[dreg:$0xd] =	wrdreg s24  }
0x19: {  	s9 =	simm.s32 $0x0;
	s18 =	simm.s32 $0x80;
	[dreg:$0xf] =	wrdreg s0  }
0x1a: {  	s16 =	simm.s32 $0xD00;
	s24 =	simm.s32 $0xA00;
	s0 =	simm.s32 $0xB80  }
.LBB2_1:
0x1b: {  	[dreg:$0x11] =	wrdreg s9  }
0x1c: {  	s5 =	rddreg [dreg:$0x4]  }
0x1d: {  	[tilespmem:s2], [sflag:$0x4] =	stream.linear.gather [hbm4b:s5+s2], $0x400, $0x38;
	[tilespmem:$0x1C8C0] =	vst v63  }
0x1e: {  	_ =	swait.ge [sflag:s15], $0x400  }
0x1f: {  	[sflag:s15] =	ssyncset.done $0x0  }
0x20: {  	s11 =	simm.s32 $0x400;
	s7 =	rddreg [dreg:$0xe];
	[sflag:s15] =	ssyncadd.s32 $0xFFFFFC00  }
0x21: {  	[tilespmem:s11], [sflag:$0x4] =	stream.linear.gather [hbm4b:s7+s2], $0x400, $0x38;
	[tilespmem:$0x1C8C0] =	vst v63  }
0x22: {  	_ =	swait.ge [sflag:s15], $0x400  }
0x23: {  	[sflag:s15] =	ssyncset.done $0x0  }
0x24: {  	[sflag:s15] =	ssyncadd.s32 $0xFFFFFC00  }
0x25: {  	[tilespmem:s19], [sflag:$0x1] =	stream.indirect.gather [hbm4b:s4+s18], $0x80, s2, s18, $0xb8;
	[tilespmem:$0x1C8C0] =	vst v63  }
0x26: {  	_ = 	snop  }
0x27: {  	[tilespmem:s20], [sflag:$0x2] =	stream.indirect.gather [hbm4b:s4+s18], $0x80, s18, s18, $0xb8;
	[tilespmem:$0x1C8C0] =	vst v63  }
0x28: {  	s13 =	rddreg [dreg:$0x6]  }
0x29: {  	[tilespmem:s21], [sflag:$0x4] =	stream.linear.gather [hbm4b:s13+s2], $0x400, $0x38;
	[tilespmem:$0x1C8C0] =	vst v63  }
0x2a: {  	_ =	swait.ge [sflag:s15], $0x400  }
0x2b: {  	[sflag:s15] =	ssyncset.done $0x0  }
0x2c: {  	s9 =	rddreg [dreg:$0xf];
	[sflag:s15] =	ssyncadd.s32 $0xFFFFFC00  }
0x2d: {  	[tilespmem:s23], [sflag:$0x4] =	stream.linear.gather [hbm4b:s9+s2], $0x400, $0x38;
	[tilespmem:$0x1C8C0] =	vst v63  }
0x2e: {  	_ =	swait.ge [sflag:s15], $0x400  }
0x2f: {  	s10 =	rddreg [dreg:$0x7]  }
0x30: {  	[sflag:s15] =	ssyncset.done $0x0;
	s13 =	rddreg [dreg:$0x8];
	s11 =	sshrl.u32 s10, $0x3  }
0x31: {  	[sflag:s15] =	ssyncadd.s32 $0xFFFFFC00;
	[dreg:$0x12] =	wrdreg s11  }
0x32: {  	[spmem:s11], [sflag:s8] =	dma.local [hbm:s13], $0x2700  }
0x33: {  	_ =	swait.ge [sflag:s15], $0x2700  }
0x34: {  	s5 =	rddreg [dreg:$0x9]  }
0x35: {  	[sflag:s15] =	ssyncset.done $0x0;
	s9 =	sshrl.u32 @!p0 s5, $0x3;
	s5 =	rddreg [dreg:$0xa]  }
0x36: {  	[sflag:s15] =	ssyncadd.s32 $0xFFFFD900;
	[dreg:$0x13] =	wrdreg s9  }
0x37: {  	[spmem:s9], [sflag:s8] =	dma.local @!p0 [hbm:s5], $0x100  }
0x38: {  	s5 =	simm.s32 @!p0 $0x4  }
.Ltmp0:
0x39: {  	_ =	swait.ge @!p0 [sflag:s5], $0x100;
	(pc) =	sbr.rel .LBB2_2-.Ltmp0, $4  }
0x3a: {  	[sflag:s5] =	ssyncset.done @!p0 $0x0  }
0x3b: {  	[sflag:s5] =	ssyncadd.s32 @!p0 $0xFFFFFF00  }
0x3c: {  	s9 =	simm.s32 $0x0;
	[bflag:$0x0] =	sbarrier.arrive $0xFFFF  }
0x3d: {  	s5 =	sadd.s32 $0x180, s7;
	s7 =	simm.s32 $0xFFFFFFFE;
	s8 =	rddreg [dreg:$0xd]  }
.LBB2_3:
0x3e: {  	[tilespmem:s20], [sflag:$0x2] =	stream.indirect.gather [hbm4b:s4+s18], $0x80, s18, s18, $0xb8;
	[tilespmem:$0x1C8C0] =	vst v63  }
.LBB2_5:
0x3f: {  	[tilespmem:s21], [sflag:$0x3] =	stream.linear.gather [hbm4b:s8+s2], $0x400, $0x38;
	[tilespmem:$0x1C8C0] =	vst v63  }
0x40: {  	s9 =	sadd.s32 $0x1, s9  }
0x41: {  	[tilespmem:s23], [sflag:$0x3] =	stream.linear.gather [hbm4b:s5+s2], $0x400, $0x38;
	[tilespmem:$0x1C8C0] =	vst v63  }
0x42: {  	s8 =	sadd.s32 $0x100, s8;
	s7 =	sadd.s32 $0x2, s7;
	s5 =	sadd.s32 $0x100, s5  }
.LBB2_2:
0x43: {  	_ =	swait.ge [sflag:s25], $0x4000  }
0x44: {  	[sflag:s25] =	ssyncset.done $0x0  }
0x45: {  	s10 =	simm.s32 $0x400;
	[sflag:s25] =	ssyncadd.s32 $0xFFFFC000  }
0x46: {  	[spmem:s1] =	stream.indirect.scatter.add.f32 [tilespmem:s19], [sflag:$0x4], $0x80, s10, s18, $0xb8;
	[tilespmem:$0x1C8C0] =	vst v63  }
0x47: {  	_ =	swait.ge [sflag:s15], $0x4000  }
0x48: {  	[sflag:s15] =	ssyncset.done $0x0  }
0x49: {  	s13 =	simm.s32 $0x100;
	[sflag:s15] =	ssyncadd.s32 $0xFFFFC000  }
0x4a: {  	[tilespmem:s19], [sflag:$0x1] =	stream.indirect.gather [hbm4b:s4+s18], $0x80, s13, s18, $0xb8;
	[tilespmem:$0x1C8C0] =	vst v63  }
0x4b: {  	_ =	swait.ge [sflag:s28], $0x4000  }
0x4c: {  	[sflag:s28] =	ssyncset.done $0x0  }
0x4d: {  	s11 =	simm.s32 $0x480;
	[sflag:s28] =	ssyncadd.s32 $0xFFFFC000  }
0x4e: {  	[spmem:s1] =	stream.indirect.scatter.add.f32 [tilespmem:s20], [sflag:$0x4], $0x80, s11, s18, $0xb8;
	[tilespmem:$0x1C8C0] =	vst v63  }
0x4f: {  	_ =	swait.ge [sflag:s15], $0x4000  }
0x50: {  	[sflag:s15] =	ssyncset.done $0x0  }
0x51: {  	s13 =	simm.s32 $0x180;
	[sflag:s15] =	ssyncadd.s32 $0xFFFFC000  }
0x52: {  	[tilespmem:s20], [sflag:$0x2] =	stream.indirect.gather [hbm4b:s4+s18], $0x80, s13, s18, $0xb8;
	[tilespmem:$0x1C8C0] =	vst v63  }
0x53: {  	_ =	swait.ge [sflag:s25], $0x4000  }
0x54: {  	[sflag:s25] =	ssyncset.done $0x0  }
0x55: {  	s11 =	simm.s32 $0x500;
	[sflag:s25] =	ssyncadd.s32 $0xFFFFC000  }
0x56: {  	[spmem:s1] =	stream.indirect.scatter.add.f32 [tilespmem:s19], [sflag:$0x4], $0x80, s11, s18, $0xb8;
	[tilespmem:$0x1C8C0] =	vst v63  }
0x57: {  	_ =	swait.ge [sflag:s15], $0x4000  }
0x58: {  	[sflag:s15] =	ssyncset.done $0x0  }
0x59: {  	s13 =	simm.s32 $0x200;
	[sflag:s15] =	ssyncadd.s32 $0xFFFFC000  }
0x5a: {  	[tilespmem:s19], [sflag:$0x1] =	stream.indirect.gather [hbm4b:s4+s18], $0x80, s13, s18, $0xb8;
	[tilespmem:$0x1C8C0] =	vst v63  }
0x5b: {  	_ =	swait.ge [sflag:s28], $0x4000  }
0x5c: {  	[sflag:s28] =	ssyncset.done $0x0  }
0x5d: {  	s11 =	simm.s32 $0x580;
	[sflag:s28] =	ssyncadd.s32 $0xFFFFC000  }
0x5e: {  	[spmem:s1] =	stream.indirect.scatter.add.f32 [tilespmem:s20], [sflag:$0x4], $0x80, s11, s18, $0xb8;
	[tilespmem:$0x1C8C0] =	vst v63  }
0x5f: {  	_ =	swait.ge [sflag:s15], $0x4000  }
0x60: {  	[sflag:s15] =	ssyncset.done $0x0  }
0x61: {  	s13 =	simm.s32 $0x280;
	[sflag:s15] =	ssyncadd.s32 $0xFFFFC000  }
0x62: {  	[tilespmem:s20], [sflag:$0x2] =	stream.indirect.gather [hbm4b:s4+s18], $0x80, s13, s18, $0xb8;
	[tilespmem:$0x1C8C0] =	vst v63  }
0x63: {  	_ =	swait.ge [sflag:s25], $0x4000  }
0x64: {  	[sflag:s25] =	ssyncset.done $0x0  }
0x65: {  	s11 =	simm.s32 $0x600;
	[sflag:s25] =	ssyncadd.s32 $0xFFFFC000  }
0x66: {  	[spmem:s1] =	stream.indirect.scatter.add.f32 [tilespmem:s19], [sflag:$0x4], $0x80, s11, s18, $0xb8;
	[tilespmem:$0x1C8C0] =	vst v63  }
0x67: {  	_ =	swait.ge [sflag:s15], $0x4000  }
0x68: {  	[sflag:s15] =	ssyncset.done $0x0  }
0x69: {  	s13 =	simm.s32 $0x300;
	[sflag:s15] =	ssyncadd.s32 $0xFFFFC000  }
0x6a: {  	[tilespmem:s19], [sflag:$0x1] =	stream.indirect.gather [hbm4b:s4+s18], $0x80, s13, s18, $0xb8;
	[tilespmem:$0x1C8C0] =	vst v63  }
0x6b: {  	_ =	swait.ge [sflag:s28], $0x4000  }
0x6c: {  	[sflag:s28] =	ssyncset.done $0x0  }
0x6d: {  	s11 =	simm.s32 $0x680;
	[sflag:s28] =	ssyncadd.s32 $0xFFFFC000  }
0x6e: {  	[spmem:s1] =	stream.indirect.scatter.add.f32 [tilespmem:s20], [sflag:$0x4], $0x80, s11, s18, $0xb8;
	[tilespmem:$0x1C8C0] =	vst v63  }
0x6f: {  	_ =	swait.ge [sflag:s15], $0x4000  }
0x70: {  	p1 =	sgt.u32 s7, $0x7;
	[sflag:s15] =	ssyncset.done $0x0  }
0x71: {  	s10 =	simm.s32 @!p1 $0x3;
	s13 =	simm.s32 $0x380;
	[sflag:s15] =	ssyncadd.s32 $0xFFFFC000  }
0x72: {  	[tilespmem:s20], [sflag:$0x2] =	stream.indirect.gather [hbm4b:s4+s18], $0x80, s13, s18, $0xb8;
	[tilespmem:$0x1C8C0] =	vst v63  }
0x73: {  	_ =	swait.ge @!p1 [sflag:s10], $0x400  }
0x74: {  	[sflag:s10] =	ssyncset.done @!p1 $0x0  }
0x75: {  	[sflag:s10] =	ssyncadd.s32 @!p1 $0xFFFFFC00  }
0x76: {  	_ =	swait.ge @!p1 [sflag:s10], $0x400  }
0x77: {  	[sflag:s10] =	ssyncset.done @!p1 $0x0  }
0x78: {  	[sflag:s10] =	ssyncadd.s32 @!p1 $0xFFFFFC00  }
0x79: {  	_ =	swait.ge [sflag:s25], $0x4000  }
0x7a: {  	[sflag:s25] =	ssyncset.done $0x0  }
0x7b: {  	s11 =	simm.s32 $0x700;
	[sflag:s25] =	ssyncadd.s32 $0xFFFFC000  }
0x7c: {  	[spmem:s1] =	stream.indirect.scatter.add.f32 [tilespmem:s19], [sflag:$0x4], $0x80, s11, s18, $0xb8;
	[tilespmem:$0x1C8C0] =	vst v63  }
0x7d: {  	_ =	swait.ge [sflag:s15], $0x4000  }
0x7e: {  	[sflag:s15] =	ssyncset.done $0x0  }
0x7f: {  	[sflag:s15] =	ssyncadd.s32 $0xFFFFC000  }
0x80: {  	[tilespmem:s19], [sflag:$0x1] =	stream.indirect.gather [hbm4b:s4+s18], $0x80, s21, s18, $0xb8;
	[tilespmem:$0x1C8C0] =	vst v63  }
0x81: {  	_ =	swait.ge [sflag:s28], $0x4000  }
0x82: {  	[sflag:s28] =	ssyncset.done $0x0  }
0x83: {  	s13 =	simm.s32 $0x780;
	[sflag:s28] =	ssyncadd.s32 $0xFFFFC000  }
0x84: {  	[spmem:s1] =	stream.indirect.scatter.add.f32 [tilespmem:s20], [sflag:$0x4], $0x80, s13, s18, $0xb8;
	[tilespmem:$0x1C8C0] =	vst v63  }
0x85: {  	_ =	swait.ge [sflag:s15], $0x4000  }
0x86: {  	[sflag:s15] =	ssyncset.done $0x0  }
0x87: {  	p1 =	seq.s32 s9, $0x4;
	[sflag:s15] =	ssyncadd.s32 $0xFFFFC000  }
0x88: {  	[tilespmem:s20], [sflag:$0x2] =	stream.indirect.gather [hbm4b:s4+s18], $0x80, s6, s18, $0xb8;
	[tilespmem:$0x1C8C0] =	vst v63  }
0x89: {  	s10 =	sadd.s32 @!p1 $0xFFFFFF80, s8;
	s11 =	simm.s32 @!p1 $0x0  }
0x8a: {  	[tilespmem:s11], [sflag:$0x3] =	stream.linear.gather @!p1 [hbm4b:s10+s11], $0x400, $0x38;
	[tilespmem:$0x1C8C0] =	vst v63  }
0x8b: {  	s13 =	simm.s32 @!p1 $0x400;
	s10 =	sadd.s32 @!p1 $0xFFFFFF80, s5  }
0x8c: {  	[tilespmem:s13], [sflag:$0x3] =	stream.linear.gather @!p1 [hbm4b:s10+s11], $0x400, $0x38;
	[tilespmem:$0x1C8C0] =	vst v63  }
0x8d: {  	_ =	swait.ge [sflag:s25], $0x4000  }
0x8e: {  	[sflag:s25] =	ssyncset.done $0x0  }
0x8f: {  	[sflag:s25] =	ssyncadd.s32 $0xFFFFC000  }
0x90: {  	[spmem:s1] =	stream.indirect.scatter.add.f32 [tilespmem:s19], [sflag:$0x4], $0x80, s23, s18, $0xb8;
	[tilespmem:$0x1C8C0] =	vst v63  }
0x91: {  	_ =	swait.ge [sflag:s15], $0x4000  }
0x92: {  	[sflag:s15] =	ssyncset.done $0x0  }
0x93: {  	[sflag:s15] =	ssyncadd.s32 $0xFFFFC000  }
0x94: {  	[tilespmem:s19], [sflag:$0x1] =	stream.indirect.gather [hbm4b:s4+s18], $0x80, s14, s18, $0xb8;
	[tilespmem:$0x1C8C0] =	vst v63  }
0x95: {  	_ =	swait.ge [sflag:s28], $0x4000  }
0x96: {  	[sflag:s28] =	ssyncset.done $0x0  }
0x97: {  	[sflag:s28] =	ssyncadd.s32 $0xFFFFC000  }
0x98: {  	[spmem:s1] =	stream.indirect.scatter.add.f32 [tilespmem:s20], [sflag:$0x4], $0x80, s22, s18, $0xb8;
	[tilespmem:$0x1C8C0] =	vst v63  }
0x99: {  	_ =	swait.ge [sflag:s15], $0x4000  }
0x9a: {  	[sflag:s15] =	ssyncset.done $0x0  }
0x9b: {  	[sflag:s15] =	ssyncadd.s32 $0xFFFFC000  }
0x9c: {  	[tilespmem:s20], [sflag:$0x2] =	stream.indirect.gather [hbm4b:s4+s18], $0x80, s12, s18, $0xb8;
	[tilespmem:$0x1C8C0] =	vst v63  }
0x9d: {  	_ =	swait.ge [sflag:s25], $0x4000  }
0x9e: {  	[sflag:s25] =	ssyncset.done $0x0  }
0x9f: {  	[sflag:s25] =	ssyncadd.s32 $0xFFFFC000  }
0xa0: {  	[spmem:s1] =	stream.indirect.scatter.add.f32 [tilespmem:s19], [sflag:$0x4], $0x80, s16, s18, $0xb8;
	[tilespmem:$0x1C8C0] =	vst v63  }
0xa1: {  	_ =	swait.ge [sflag:s15], $0x4000  }
0xa2: {  	[sflag:s15] =	ssyncset.done $0x0  }
0xa3: {  	[sflag:s15] =	ssyncadd.s32 $0xFFFFC000  }
0xa4: {  	[tilespmem:s19], [sflag:$0x1] =	stream.indirect.gather [hbm4b:s4+s18], $0x80, s24, s18, $0xb8;
	[tilespmem:$0x1C8C0] =	vst v63  }
0xa5: {  	_ =	swait.ge [sflag:s28], $0x4000  }
0xa6: {  	[sflag:s28] =	ssyncset.done $0x0  }
0xa7: {  	[sflag:s28] =	ssyncadd.s32 $0xFFFFC000  }
0xa8: {  	[spmem:s1] =	stream.indirect.scatter.add.f32 [tilespmem:s20], [sflag:$0x4], $0x80, s17, s18, $0xb8;
	[tilespmem:$0x1C8C0] =	vst v63  }
0xa9: {  	_ =	swait.ge [sflag:s15], $0x4000  }
0xaa: {  	[sflag:s15] =	ssyncset.done $0x0  }
0xab: {  	[sflag:s15] =	ssyncadd.s32 $0xFFFFC000  }
0xac: {  	[tilespmem:s20], [sflag:$0x2] =	stream.indirect.gather [hbm4b:s4+s18], $0x80, s26, s18, $0xb8;
	[tilespmem:$0x1C8C0] =	vst v63  }
0xad: {  	_ =	swait.ge [sflag:s25], $0x4000  }
0xae: {  	[sflag:s25] =	ssyncset.done $0x0  }
0xaf: {  	[sflag:s25] =	ssyncadd.s32 $0xFFFFC000  }
0xb0: {  	[spmem:s1] =	stream.indirect.scatter.add.f32 [tilespmem:s19], [sflag:$0x4], $0x80, s29, s18, $0xb8;
	[tilespmem:$0x1C8C0] =	vst v63  }
0xb1: {  	_ =	swait.ge [sflag:s15], $0x4000  }
0xb2: {  	[sflag:s15] =	ssyncset.done $0x0  }
0xb3: {  	[sflag:s15] =	ssyncadd.s32 $0xFFFFC000  }
0xb4: {  	[tilespmem:s19], [sflag:$0x1] =	stream.indirect.gather [hbm4b:s4+s18], $0x80, s30, s18, $0xb8;
	[tilespmem:$0x1C8C0] =	vst v63  }
0xb5: {  	_ =	swait.ge [sflag:s28], $0x4000  }
0xb6: {  	[sflag:s28] =	ssyncset.done $0x0  }
0xb7: {  	[sflag:s28] =	ssyncadd.s32 $0xFFFFC000  }
0xb8: {  	[spmem:s1] =	stream.indirect.scatter.add.f32 [tilespmem:s20], [sflag:$0x4], $0x80, s31, s18, $0xb8;
	[tilespmem:$0x1C8C0] =	vst v63  }
0xb9: {  	_ =	swait.ge [sflag:s15], $0x4000  }
0xba: {  	p2 =	sgt.u32 s9, $0x3;
	[sflag:s15] =	ssyncset.done $0x0  }
0xbb: {  	s10 =	simm.s32 @p2 $0x1;
	[sflag:s15] =	ssyncadd.s32 $0xFFFFC000  }
0xbc: {  	[tilespmem:s20], [sflag:$0x2] =	stream.indirect.gather [hbm4b:s4+s18], $0x80, s0, s18, $0xb8;
	[tilespmem:$0x1C8C0] =	vst v63  }
0xbd: {  	_ =	swait.ge @p2 [sflag:s10], $0x4000  }
0xbe: {  	s11 =	simm.s32 @p2 $0xF00;
	[sflag:s10] =	ssyncset.done @p2 $0x0  }
0xbf: {  	s13 =	simm.s32 @p2 $0x1000;
	[sflag:s10] =	ssyncadd.s32 @p2 $0xFFFFC000;
	s10 =	simm.s32 @p2 $0x80  }
0xc0: {  	[spmem:s1] =	stream.indirect.scatter.add.f32 @p2 [tilespmem:s13], [sflag:$0x4], $0x80, s11, s10, $0xb8;
	[tilespmem:$0x1C8C0] =	vst v63  }
0xc1: {  	s10 =	simm.s32 @p2 $0x4  }
0xc2: {  	_ =	swait.ge @p2 [sflag:s10], $0x4000  }
0xc3: {  	[sflag:s10] =	ssyncset.done @p2 $0x0  }
0xc4: {  	[sflag:s10] =	ssyncadd.s32 @p2 $0xFFFFC000;
	s10 =	simm.s32 @!p2 $0x3  }
0xc5: {  	_ =	swait.ge @!p2 [sflag:s10], $0x400  }
0xc6: {  	[sflag:s10] =	ssyncset.done @!p2 $0x0  }
0xc7: {  	[sflag:s10] =	ssyncadd.s32 @!p2 $0xFFFFFC00  }
0xc8: {  	_ =	swait.ge @!p2 [sflag:s10], $0x400  }
0xc9: {  	[sflag:s10] =	ssyncset.done @!p2 $0x0  }
0xca: {  	[sflag:s10] =	ssyncadd.s32 @!p2 $0xFFFFFC00;
	s10 =	simm.s32 @!p2 $0x1  }
0xcb: {  	_ =	swait.ge @!p2 [sflag:s10], $0x4000  }
0xcc: {  	s11 =	simm.s32 @!p2 $0xF00;
	[sflag:s10] =	ssyncset.done @!p2 $0x0  }
0xcd: {  	s13 =	simm.s32 @!p2 $0x1000;
	[sflag:s10] =	ssyncadd.s32 @!p2 $0xFFFFC000;
	s10 =	simm.s32 @!p2 $0x80  }
0xce: {  	[spmem:s1] =	stream.indirect.scatter.add.f32 @!p2 [tilespmem:s13], [sflag:$0x4], $0x80, s11, s10, $0xb8;
	[tilespmem:$0x1C8C0] =	vst v63  }
0xcf: {  	s11 =	simm.s32 @!p2 $0x4  }
0xd0: {  	_ =	swait.ge @!p2 [sflag:s11], $0x4000  }
0xd1: {  	[sflag:s11] =	ssyncset.done @!p2 $0x0  }
0xd2: {  	[sflag:s11] =	ssyncadd.s32 @!p2 $0xFFFFC000;
	s11 =	simm.s32 @!p2 $0x0  }
0xd3: {  	[tilespmem:s13], [sflag:$0x1] =	stream.indirect.gather @!p2 [hbm4b:s4+s10], $0x80, s11, s10, $0xb8;
	[tilespmem:$0x1C8C0] =	vst v63  }
0xd4: {  	_ =	swait.ge [sflag:s28], $0x4000  }
0xd5: {  	[sflag:s28] =	ssyncset.done $0x0  }
.Ltmp1:
0xd6: {  	[sflag:s28] =	ssyncadd.s32 $0xFFFFC000;
	(pc) =	sbr.rel @!p2 .LBB2_3-.Ltmp1, $4  }
0xd7: {  	[spmem:s1] =	stream.indirect.scatter.add.f32 [tilespmem:s20], [sflag:$0x4], $0x80, s3, s18, $0xb8;
	[tilespmem:$0x1C8C0] =	vst v63  }
0xd8: {  	_ =	swait.ge [sflag:s15], $0x4000  }
0xd9: {  	[sflag:s15] =	ssyncset.done $0x0  }
0xda: {  	[sflag:s15] =	ssyncadd.s32 $0xFFFFC000  }
.Ltmp2:
0xdb: {  	(pc) =	sbr.rel @!p1 .LBB2_5-.Ltmp2, $1  }
0xdc: {  	_ =	sdelay $0x3  }
0xdd: {  	[bflag:$0x0] =	sbarrier.arrive $0xFFFF  }
0xde: {  	s5 =	rddreg [dreg:$0x5]  }
0xdf: {  	s7 =	rddreg [dreg:$0xb]  }
0xe0: {  	s8 =	rddreg [dreg:$0x10]  }
0xe1: {  	s9 =	rddreg [dreg:$0x12];
	s5 =	sadd.s32 s5, s7  }
0xe2: {  	[hbm:s5], [sflag:s8] =	dma.local [spmem:s9], $0x2700  }
0xe3: {  	_ =	swait.ge [sflag:s15], $0x2700  }
0xe4: {  	[sflag:s15] =	ssyncset.done $0x0  }
0xe5: {  	s5 =	sadd.s32 @!p0 $0x27000, s7;
	s7 =	rddreg [dreg:$0x13];
	[sflag:s15] =	ssyncadd.s32 $0xFFFFD900  }
0xe6: {  	[hbm:s5], [sflag:s8] =	dma.local @!p0 [spmem:s7], $0x100  }
0xe7: {  	s5 =	simm.s32 @!p0 $0x4  }
0xe8: {  	_ =	swait.ge @!p0 [sflag:s5], $0x100  }
0xe9: {  	s11 =	rddreg [dreg:$0x11]  }
0xea: {  	s13 =	rddreg [dreg:$0xc];
	s9 =	sadd.s32 $0x1, s11  }
0xeb: {  	p1 =	sne.s32 s9, s13  }
.Ltmp3:
0xec: {  	_ = 	snop;
	(pc) =	sbr.rel @p1 .LBB2_1-.Ltmp3, $3  }
0xed: {  	_ =	sdelay $0x1  }
0xee: {  	[sflag:s5] =	ssyncset.done @!p0 $0x0  }
0xef: {  	[sflag:s5] =	ssyncadd.s32 @!p0 $0xFFFFFF00  }
0xf0: {  	_ =	sfence.sel $0x180000  }
0xf1: {  	[bflag:$0x0] =	sbarrier.arrive $0xFFFF  }
0xf2: {  	_ =	strace $0x9000004A  }
0xf3: {  	s0 =	stileid.u32;
	[bflag:$0x2] =	sbarrier.arrive $0xFFFF  }
0xf4: {  	p0 =	sne.s32 s0, $0x0;
	s0 =	rddreg [dreg:$0x3]  }
0xf5: {  	s0 =	sadd.s32 @!p0 $0x100000, s0  }
0xf6: {  	[sflag:s0] =	ssyncadd.tile.s32 @!p0 $0x1;
	_ =	shalt  }
.Lfunc_end2:
_tile_overlayer_lowered:
.L_overlay_start_2:
0xf7: {  	(tag) =	ssettag $0x2  }
0xf8: {  	s0 =	rddreg [dreg:$0x0];
	s2 =	stileid.u32  }
0xf9: {  	s1 =	rddreg [dreg:$0x1];
	p0 =	sne.s32 s2, $0x0  }
0xfa: {  	s3 =	rddreg [dreg:$0x2];
	[bflag:$0x3] =	sbarrier.arrive $0xFFFF;
	s2 =	simm.s32 @!p0 $0x1C04  }
0xfb: {  	[timem:s3], [sflag:s2] =	dma.local @!p0 [hbm:s0], s1  }
0xfc: {  	s0 =	simm.s32 @!p0 $0x4  }
0xfd: {  	_ =	swait.ge @!p0 [sflag:s0], s1  }
0xfe: {  	s1 =	ssub.s32 @!p0 $0x0, s1;
	[sflag:s0] =	ssyncset.done @!p0 $0x0  }
0xff: {  	[sflag:s0] =	ssyncadd.s32 @!p0 s1  }
0x100: {  	[bflag:$0x3] =	sbarrier.arrive $0xFFFF  }
0x101: {  	_ =	shalt  }

// kernel: kernel.13.cloned.1.call-start
scs
__scs_entry_jumppad:
0x0: {  	(pc) =	sbr.rel $0x88, $3  }
0x1: {  	(tag) =	ssettag $0x0;
	lr =	simm.s32 $0x1  }
0x2: {  	[smem:$0x3F94] =	sst lr;
	_ =	strace $0xD0000000  }
0x3: {  	_ = 	snop  }
0x4: {  	_ = 	snop  }
0x5: {  	_ = 	snop  }
0x6: {  	_ = 	snop  }
0x7: {  	_ = 	snop  }
__scs_overlays_trampoline_lowered:
0x8: {  	[smem:$0x3FA3] =	sst s0  }
0x9: {  	[smem:$0x3FA4] =	sst s1  }
0xa: {  	[smem:$0x3FA5] =	sst s2  }
0xb: {  	[smem:$0x3FA6] =	sst s3  }
0xc: {  	[smem:$0x3FA7] =	sst s4  }
0xd: {  	[smem:$0x3FA8] =	sst s5  }
0xe: {  	[smem:$0x3FA9] =	sst s6  }
0xf: {  	[smem:$0x3FAA] =	sst s7  }
0x10: {  	[smem:$0x3FAB] =	sst s8  }
0x11: {  	[smem:$0x3FAC] =	sst s9;
	s0 =	simm.s32 @!p0 $0x0  }
0x12: {  	s1 =	sld [smem:$0x3F92];
	s0 =	simm.s32 @p0 $0x1  }
0x13: {  	[smem:$0x3FAD] =	sst s0;
	s0 =	simm.s32 @!p1 $0x0  }
0x14: {  	s2 =	sld [smem:$0x3F91];
	s0 =	simm.s32 @p1 $0x1  }
0x15: {  	[smem:$0x3FAE] =	sst s0;
	s0 =	simm.s32 @!p2 $0x0  }
0x16: {  	s3 =	sld [smem:$0x3FDB];
	s0 =	simm.s32 @p2 $0x1  }
0x17: {  	s4 =	simm.s32 $0x1BF5;
	[smem:$0x3FB0] =	sst s0  }
0x18: {  	s0 =	sld [smem:$0x3F93];
	_ =	swait.ge [sflag:s4], $0x0  }
0x19: {  	s7 =	sld [smem:$0x3F94]  }
0x1a: {  	s8 =	sadd.s32 $0xFFFFE003, lr  }
0x1b: {  	s9 =	sadd.s32 $0xFFFFFEF7, lr;
	s5 =	simm.s32 $0xFFFFFFFF;
	p2 =	slt.u32 s8, $0xFFFFF086  }
0x1c: {  	p1 =	slt.u32 s9, $0xF7A;
	s5 =	simm.s32 @!p2 $0x0  }
0x1d: {  	s5 =	simm.s32 @p1 $0x1;
	p0 =	seq.s32 s7, s2  }
0x1e: {  	s7 =	smul.u32 @!p0 $0xF7A, s2;
	p2 =	seq.s32 @!p0 s5, $0x0  }
0x1f: {  	s9 =	smul.u32 $0xF7A, s1;
	s8 =	simm.s32 @!p0 $0x1BF5;
	p2 =	por !p2, p0  }
0x20: {  	[sflag:s8] =	ssyncset.s32 @!p0 $0xFFFFF086;
	s6 =	sadd.s32 @!p0 s3, s7;
	s7 =	simm.s32 @!p0 $0x108  }
0x21: {  	s3 =	sadd.s32 s3, s9;
	s6 =	sadd.s32 @!p0 $0x88, s6;
	s7 =	simm.s32 @p2 $0x1082  }
0x22: {  	[simem:s7], [sflag:s8] =	dma.local @!p0 [hbm:s6], $0xF7A  }
0x23: {  	s9 =	sor.u32 $0xD0000000, s2;
	s6 =	simm.s32 $0x108;
	_ =	swait.ge @!p0 [sflag:s8], $0x0  }
0x24: {  	s3 =	sadd.s32 $0x88, s3;
	s6 =	simm.s32 @!p1 $0x1082;
	[sflag:s4] =	ssyncset.s32 $0xFFFFF086  }
0x25: {  	[simem:s6], [sflag:s4] =	dma.local [hbm:s3], $0xF7A  }
0x26: {  	[smem:$0x3F94] =	sst s1;
	(tag) =	ssettag s2;
	_ =	strace s9  }
0x27: {  	s1 =	sld [smem:$0x3FA4]  }
0x28: {  	s2 =	sld [smem:$0x3FA5]  }
0x29: {  	s4 =	sld [smem:$0x3FA7]  }
0x2a: {  	p0 =	seq.s32 s5, $0x0;
	s5 =	sld [smem:$0x3FA8]  }
0x2b: {  	s6 =	sld [smem:$0x3FA9]  }
0x2c: {  	s7 =	sld [smem:$0x3FAA]  }
0x2d: {  	s3 =	simm.s32 $0x108;
	s8 =	sld [smem:$0x3FAB]  }
0x2e: {  	s3 =	simm.s32 @!p0 $0x1082;
	s9 =	sld [smem:$0x3FAC]  }
0x2f: {  	lr =	sadd.s32 s0, s3;
	s0 =	sld [smem:$0x3FA3]  }
0x30: {  	s3 =	sld [smem:$0x3FA6]  }
0x31: {  	[smem:$0x3FAF] =	sst s10  }
0x32: {  	s10 =	sld [smem:$0x3FAD];
	_ =	sdelay $0x3  }
0x33: {  	p0 =	seq.s32 s10, $0x1;
	s10 =	sld [smem:$0x3FAF];
	_ =	sdelay $0x3  }
0x34: {  	[smem:$0x3FAF] =	sst s10  }
0x35: {  	s10 =	sld [smem:$0x3FAE];
	_ =	sdelay $0x3  }
0x36: {  	p1 =	seq.s32 s10, $0x1;
	s10 =	sld [smem:$0x3FAF];
	_ =	sdelay $0x3  }
0x37: {  	[smem:$0x3FAF] =	sst s10  }
0x38: {  	s10 =	sld [smem:$0x3FB0]  }
0x39: {  	_ = 	snop;
	(pc) =	sbr.ind lr, $3  }
0x3a: {  	_ = 	snop  }
0x3b: {  	_ = 	snop  }
0x3c: {  	p2 =	seq.s32 s10, $0x1;
	s10 =	sld [smem:$0x3FAF]  }
0x3d: {  	_ =	shalt  }
0x3e: {  	_ =	shalt  }
0x3f: {  	_ =	shalt  }
0x40: {  	_ =	shalt  }
0x41: {  	_ =	shalt  }
0x42: {  	_ =	shalt  }
0x43: {  	_ =	shalt  }
0x44: {  	_ =	shalt  }
0x45: {  	_ =	shalt  }
0x46: {  	_ =	shalt  }
0x47: {  	_ =	shalt  }
0x48: {  	_ =	shalt  }
0x49: {  	_ =	shalt  }
0x4a: {  	_ =	shalt  }
0x4b: {  	_ =	shalt  }
0x4c: {  	_ =	shalt  }
0x4d: {  	_ =	shalt  }
0x4e: {  	_ =	shalt  }
0x4f: {  	_ =	shalt  }
0x50: {  	_ =	shalt  }
0x51: {  	_ =	shalt  }
0x52: {  	_ =	shalt  }
0x53: {  	_ =	shalt  }
0x54: {  	_ =	shalt  }
0x55: {  	_ =	shalt  }
0x56: {  	_ =	shalt  }
0x57: {  	_ =	shalt  }
0x58: {  	_ =	shalt  }
0x59: {  	_ =	shalt  }
0x5a: {  	_ =	shalt  }
0x5b: {  	_ =	shalt  }
0x5c: {  	_ =	shalt  }
0x5d: {  	_ =	shalt  }
0x5e: {  	_ =	shalt  }
0x5f: {  	_ =	shalt  }
0x60: {  	_ =	shalt  }
0x61: {  	_ =	shalt  }
0x62: {  	_ =	shalt  }
0x63: {  	_ =	shalt  }
0x64: {  	_ =	shalt  }
0x65: {  	_ =	shalt  }
0x66: {  	_ =	shalt  }
0x67: {  	_ =	shalt  }
0x68: {  	_ =	shalt  }
0x69: {  	_ =	shalt  }
0x6a: {  	_ =	shalt  }
0x6b: {  	_ =	shalt  }
0x6c: {  	_ =	shalt  }
0x6d: {  	_ =	shalt  }
0x6e: {  	_ =	shalt  }
0x6f: {  	_ =	shalt  }
0x70: {  	_ =	shalt  }
0x71: {  	_ =	shalt  }
0x72: {  	_ =	shalt  }
0x73: {  	_ =	shalt  }
0x74: {  	_ =	shalt  }
0x75: {  	_ =	shalt  }
0x76: {  	_ =	shalt  }
0x77: {  	_ =	shalt  }
0x78: {  	_ =	shalt  }
0x79: {  	_ =	shalt  }
0x7a: {  	_ =	shalt  }
0x7b: {  	_ =	shalt  }
0x7c: {  	_ =	shalt  }
0x7d: {  	_ =	shalt  }
0x7e: {  	_ =	shalt  }
0x7f: {  	_ =	shalt  }
0x80: {  	_ =	shalt  }
0x81: {  	_ =	shalt  }
0x82: {  	_ =	shalt  }
0x83: {  	_ =	shalt  }
0x84: {  	_ =	shalt  }
0x85: {  	_ =	shalt  }
0x86: {  	_ =	shalt  }
0x87: {  	_ =	shalt  }
.Lfunc_end0:
.L_simem_size_0:
called_computation.2_lowered:
.L_overlay_start_0:
0x88: {  	s2 =	sld [smem:$0x3FD9]  }
0x89: {  	s3 =	sld [smem:$0x3FFE];
	_ =	sdelay $0x1  }
0x8a: {  	s1 =	srdreg.scid  }
0x8b: {  	s0 =	sand.u32 $0x1, s1  }
0x8c: {  	s17 =	sshll.u32 s0, $0xA;
	s2 =	sadd.s32 s3, s2  }
0x8d: {  	s2 =	sadd.s32 s2, s17  }
0x8e: {  	[smem:$0x3FBB] =	sst s2  }
0x8f: {  	_ = 	snop  }
0x90: {  	s2 =	sld [smem:$0x3FD0];
	(tm) =	ssettm $0x1  }
0x91: {  	s18 =	sld [smem:$0x3FFB];
	_ =	sdelay $0x3  }
0x92: {  	_ =	strace s18  }
0x93: {  	s3 =	sld [smem:$0x3FFC];
	_ =	sdelay $0x3  }
0x94: {  	_ =	strace s3  }
0x95: {  	s3 =	sld [smem:$0x3FFD];
	_ =	sdelay $0x3  }
0x96: {  	_ =	strace s3  }
0x97: {  	_ =	strace $0x8FFFFFFF  }
0x98: {  	s19 =	sld [smem:$0x3FDB];
	_ =	sdelay $0x1  }
0x99: {  	s4 =	simm.s32 $_scs_section_size  }
0x9a: {  	s5 =	simm.s32 $_size__tile_overlayer_lowered;
	s6 =	simm.s32 $_tile_overlayer_lowered  }
0x9b: {  	s22 =	simm.s32 $0x1BFF;
	s21 =	sshll.u32 s6, $0x1;
	s3 =	sadd.s32 s4, s19  }
0x9c: {  	s7 =	simm.s32 $0x0;
	s20 =	sshll.u32 s5, $0x1;
	s5 =	sadd.s32 s21, s3  }
0x9d: {  	[timem:s7], [sflag:s22] =	dma.local [hbm:s5], s20  }
0x9e: {  	_ =	swait.ge [sflag:s22], s20  }
0x9f: {  	s4 =	ssub.s32 $0x0, s20;
	[sflag:s22] =	ssyncset.done $0x0  }
0xa0: {  	[sflag:s22] =	ssyncadd.s32 s4;
	_ =	sdelay $0x1  }
0xa1: {  	s23 =	simm.s32 $0x1B8B  }
0xa2: {  	_ =	swait.ge [sflag:s23], $0x1  }
0xa3: {  	[sflag:s23] =	ssyncset.done $0x0  }
0xa4: {  	s25 =	simm.s32 $0x1B8E;
	s24 =	sld [smem:$0x3FFE];
	[sflag:s23] =	ssyncadd.s32 $0xFFFFFFFF  }
0xa5: {  	s26 =	simm.s32 $execute0_lowered;
	[smem:$0x3FD2] =	sst s25  }
0xa6: {  	s5 =	sshll.u32 s26, $0x1;
	_ =	strace $0x8000004C;
	[dreg:$0x1] =	wrdreg $0xFFFFFFFF  }
0xa7: {  	s28 =	simm.s32 $_size_execute0_lowered;
	s3 =	sadd.s32 s3, s5;
	[dreg:$0x0] =	wrdreg $0x0  }
0xa8: {  	s5 =	sshll.u32 s28, $0x1;
	[dreg:$0x2] =	wrdreg s3  }
0xa9: {  	[dreg:$0x3] =	wrdreg s5  }
0xaa: {  	[dreg:$0x4] =	wrdreg $0xC0  }
0xab: {  	_ =	task [dreg:s7], $0x5FFFF  }
0xac: {  	[dreg:$0x1] =	wrdreg $0xFFFFFFFF  }
0xad: {  	[dreg:$0x0] =	wrdreg $0x60  }
0xae: {  	[dreg:$0x2] =	wrdreg s24  }
0xaf: {  	[dreg:$0x3] =	wrdreg s2  }
0xb0: {  	[dreg:$0x4] =	wrdreg $0x90000  }
0xb1: {  	[dreg:$0x5] =	wrdreg $0x9  }
0xb2: {  	_ =	task.clear_ibuf [dreg:s7], $0x6FFFF;
	_ =	strace $0x9000004C  }
0xb3: {  	s29 =	simm.s32 $0x9;
	_ =	strace $0x8000004E  }
0xb4: {  	_ =	swait.ge [sflag:s29], $0x1  }
0xb5: {  	[sflag:s29] =	ssyncadd.s32 $0xFFFFFFFF  }
0xb6: {  	_ =	strace $0x9000004E  }
0xb7: {  	_ =	sfence  }
0xb8: {  	s30 =	sld [smem:$0x0];
	_ =	sdelay $0x2  }
0xb9: {  	s31 =	sshll.u32 s1, $0xD;
	s1 =	sshrl.u32 s1, $0x2  }
0xba: {  	s3 =	sand.u32 $0x4000, s31;
	s1 =	sadd.s32 s1, s30  }
0xbb: {  	s0 =	sor.u32 s3, s0;
	s1 =	sshll.u32 s1, $0x11  }
0xbc: {  	s0 =	sor.u32 s1, s0  }
0xbd: {  	s0 =	sadd.s32 $0x8F2B, s0  }
0xbe: {  	[sflag:s0] =	ssyncadd.remote.s32 $0x1  }
0xbf: {  	_ =	sfence.sel $0xFFFF  }
0xc0: {  	[dreg:$0x0] =	wrdreg $0xFFFFFFFF;
	(pc) =	sbr.abs _section_cstart, $3  }
0xc1: {  	[dreg:$0x1] =	wrdreg $0xFFFFFFFF  }
0xc2: {  	_ =	task.clear_ibuf [dreg:s7], $0x2FFFF;
	_ =	strace $0x9FFFFFFF  }
0xc3: {  	(tm) =	ssettm $0x7FFFFFFF  }
tec
execute0_lowered:
.L_overlay_start_1:
0x0: {  	(tag) =	ssettag $0x1  }
0x1: {  	s0 =	rddreg [dreg:$0x0]  }
0x2: {  	s3 =	rddreg [dreg:$0x1]  }
0x3: {  	s1 =	rddreg [dreg:$0x2]  }
0x4: {  	s4 =	srdreg.scid;
	s2 =	simm.s32 $0x0;
	s12 =	stileid.u32  }
0x5: {  	s15 =	simm.s32 $0x4;
	s28 =	simm.s32 $0x2;
	s14 =	simm.s32 $0x900  }
0x6: {  	s29 =	simm.s32 $0xE00;
	s30 =	simm.s32 $0xB00;
	s8 =	smul.u32 $0x500, s12  }
0x7: {  	s31 =	simm.s32 $0xE80;
	s5 =	sand.u32 $0x1, s4;
	s11 =	smul.u32 $0x4E000, s12  }
0x8: {  	[smem:$0x7FF] =	sst s2;
	s4 =	sadd.s32 $0x33200, s0;
	s17 =	smul.u32 $0x2700, s12  }
0x9: {  	s21 =	sadd.s32 $0x138000, s1;
	p0 =	sne.s32 s12, $0xF;
	s6 =	smul.u32 $0x5000, s5  }
0xa: {  	s26 =	sshll.u32 s12, $0x6;
	s12 =	simm.s32 $0x980;
	s7 =	smul.u32 $0x27100, s5  }
0xb: {  	_ =	strace $0x8000004D;
	s5 =	ssub.s32 $0x2, s5;
	[dreg:$0x9] =	wrdreg s21  }
0xc: {  	s21 =	simm.s32 $0x800;
	s10 =	sshrl.u32 s5, $0x1;
	s19 =	sshrl.u32 s11, $0x2  }
0xd: {  	[dreg:$0x5] =	wrdreg s17;
	s20 =	sadd.s32 s4, s17;
	s17 =	simm.s32 $0xD80  }
0xe: {  	s9 =	sadd.s32 s6, s0;
	s7 =	sadd.s32 s7, s0;
	s5 =	ssub.s32 s5, s10  }
0xf: {  	s3 =	sadd.s32 s3, s6;
	s6 =	sadd.s32 s19, s1;
	[dreg:$0x8] =	wrdreg s20  }
0x10: {  	s0 =	sadd.s32 $0x5A200, s0;
	s19 =	simm.s32 $0x1000;
	[dreg:$0x7] =	wrdreg s6  }
0x11: {  	s20 =	simm.s32 $0x5000;
	[dreg:$0xa] =	wrdreg s0;
	s22 =	sadd.s32 $0x5A400, s7  }
0x12: {  	s9 =	sadd.s32 s8, s9;
	s23 =	smax.u32 s5, $0x1;
	[dreg:$0xb] =	wrdreg s22  }
0x13: {  	s25 =	sadd.s32 s8, s3;
	s8 =	sor.u32 $0x1C04, s26;
	[dreg:$0xc] =	wrdreg s23  }
0x14: {  	s6 =	simm.s32 $0x880;
	s26 =	simm.s32 $0xA80;
	[dreg:$0xe] =	wrdreg s25  }
0x15: {  	s3 =	simm.s32 $0xF80;
	s16 =	sadd.s32 $0x2000, s9;
	[dreg:$0x10] =	wrdreg s8  }
0x16: {  	s18 =	sadd.s32 $0x2080, s9;
	s24 =	sadd.s32 $0x2180, s9;
	[dreg:$0x4] =	wrdreg s16  }
0x17: {  	s0 =	sadd.s32 $0x80, s25;
	s23 =	simm.s32 $0xC00;
	[dreg:$0x6] =	wrdreg s18  }
0x18: {  	s25 =	simm.s32 $0x1;
	s22 =	simm.s32 $0xC80;
	[dreg:$0xd] =	wrdreg s24  }
0x19: {  	s9 =	simm.s32 $0x0;
	s18 =	simm.s32 $0x80;
	[dreg:$0xf] =	wrdreg s0  }
0x1a: {  	s16 =	simm.s32 $0xD00;
	s24 =	simm.s32 $0xA00;
	s0 =	simm.s32 $0xB80  }
.LBB2_1:
0x1b: {  	[dreg:$0x11] =	wrdreg s9  }
0x1c: {  	s5 =	rddreg [dreg:$0x4]  }
0x1d: {  	[tilespmem:s2], [sflag:$0x4] =	stream.linear.gather [hbm4b:s5+s2], $0x400, $0x38;
	[tilespmem:$0x1C8C0] =	vst v63  }
0x1e: {  	_ =	swait.ge [sflag:s15], $0x400  }
0x1f: {  	[sflag:s15] =	ssyncset.done $0x0  }
0x20: {  	s11 =	simm.s32 $0x400;
	s7 =	rddreg [dreg:$0xe];
	[sflag:s15] =	ssyncadd.s32 $0xFFFFFC00  }
0x21: {  	[tilespmem:s11], [sflag:$0x4] =	stream.linear.gather [hbm4b:s7+s2], $0x400, $0x38;
	[tilespmem:$0x1C8C0] =	vst v63  }
0x22: {  	_ =	swait.ge [sflag:s15], $0x400  }
0x23: {  	[sflag:s15] =	ssyncset.done $0x0  }
0x24: {  	[sflag:s15] =	ssyncadd.s32 $0xFFFFFC00  }
0x25: {  	[tilespmem:s19], [sflag:$0x1] =	stream.indirect.gather [hbm4b:s4+s18], $0x80, s2, s18, $0xb8;
	[tilespmem:$0x1C8C0] =	vst v63  }
0x26: {  	_ = 	snop  }
0x27: {  	[tilespmem:s20], [sflag:$0x2] =	stream.indirect.gather [hbm4b:s4+s18], $0x80, s18, s18, $0xb8;
	[tilespmem:$0x1C8C0] =	vst v63  }
0x28: {  	s13 =	rddreg [dreg:$0x6]  }
0x29: {  	[tilespmem:s21], [sflag:$0x4] =	stream.linear.gather [hbm4b:s13+s2], $0x400, $0x38;
	[tilespmem:$0x1C8C0] =	vst v63  }
0x2a: {  	_ =	swait.ge [sflag:s15], $0x400  }
0x2b: {  	[sflag:s15] =	ssyncset.done $0x0  }
0x2c: {  	s9 =	rddreg [dreg:$0xf];
	[sflag:s15] =	ssyncadd.s32 $0xFFFFFC00  }
0x2d: {  	[tilespmem:s23], [sflag:$0x4] =	stream.linear.gather [hbm4b:s9+s2], $0x400, $0x38;
	[tilespmem:$0x1C8C0] =	vst v63  }
0x2e: {  	_ =	swait.ge [sflag:s15], $0x400  }
0x2f: {  	s10 =	rddreg [dreg:$0x7]  }
0x30: {  	[sflag:s15] =	ssyncset.done $0x0;
	s13 =	rddreg [dreg:$0x8];
	s11 =	sshrl.u32 s10, $0x3  }
0x31: {  	[sflag:s15] =	ssyncadd.s32 $0xFFFFFC00;
	[dreg:$0x12] =	wrdreg s11  }
0x32: {  	[spmem:s11], [sflag:s8] =	dma.local [hbm:s13], $0x2700  }
0x33: {  	_ =	swait.ge [sflag:s15], $0x2700  }
0x34: {  	s5 =	rddreg [dreg:$0x9]  }
0x35: {  	[sflag:s15] =	ssyncset.done $0x0;
	s9 =	sshrl.u32 @!p0 s5, $0x3;
	s5 =	rddreg [dreg:$0xa]  }
0x36: {  	[sflag:s15] =	ssyncadd.s32 $0xFFFFD900;
	[dreg:$0x13] =	wrdreg s9  }
0x37: {  	[spmem:s9], [sflag:s8] =	dma.local @!p0 [hbm:s5], $0x100  }
0x38: {  	s5 =	simm.s32 @!p0 $0x4  }
.Ltmp0:
0x39: {  	_ =	swait.ge @!p0 [sflag:s5], $0x100;
	(pc) =	sbr.rel .LBB2_2-.Ltmp0, $4  }
0x3a: {  	[sflag:s5] =	ssyncset.done @!p0 $0x0  }
0x3b: {  	[sflag:s5] =	ssyncadd.s32 @!p0 $0xFFFFFF00  }
0x3c: {  	s9 =	simm.s32 $0x0;
	[bflag:$0x0] =	sbarrier.arrive $0xFFFF  }
0x3d: {  	s5 =	sadd.s32 $0x180, s7;
	s7 =	simm.s32 $0xFFFFFFFE;
	s8 =	rddreg [dreg:$0xd]  }
.LBB2_3:
0x3e: {  	[tilespmem:s20], [sflag:$0x2] =	stream.indirect.gather [hbm4b:s4+s18], $0x80, s18, s18, $0xb8;
	[tilespmem:$0x1C8C0] =	vst v63  }
.LBB2_5:
0x3f: {  	[tilespmem:s21], [sflag:$0x3] =	stream.linear.gather [hbm4b:s8+s2], $0x400, $0x38;
	[tilespmem:$0x1C8C0] =	vst v63  }
0x40: {  	s9 =	sadd.s32 $0x1, s9  }
0x41: {  	[tilespmem:s23], [sflag:$0x3] =	stream.linear.gather [hbm4b:s5+s2], $0x400, $0x38;
	[tilespmem:$0x1C8C0] =	vst v63  }
0x42: {  	s8 =	sadd.s32 $0x100, s8;
	s7 =	sadd.s32 $0x2, s7;
	s5 =	sadd.s32 $0x100, s5  }
.LBB2_2:
0x43: {  	_ =	swait.ge [sflag:s25], $0x4000  }
0x44: {  	[sflag:s25] =	ssyncset.done $0x0  }
0x45: {  	s10 =	simm.s32 $0x400;
	[sflag:s25] =	ssyncadd.s32 $0xFFFFC000  }
0x46: {  	[spmem:s1] =	stream.indirect.scatter.add.f32 [tilespmem:s19], [sflag:$0x4], $0x80, s10, s18, $0xb8;
	[tilespmem:$0x1C8C0] =	vst v63  }
0x47: {  	_ =	swait.ge [sflag:s15], $0x4000  }
0x48: {  	[sflag:s15] =	ssyncset.done $0x0  }
0x49: {  	s13 =	simm.s32 $0x100;
	[sflag:s15] =	ssyncadd.s32 $0xFFFFC000  }
0x4a: {  	[tilespmem:s19], [sflag:$0x1] =	stream.indirect.gather [hbm4b:s4+s18], $0x80, s13, s18, $0xb8;
	[tilespmem:$0x1C8C0] =	vst v63  }
0x4b: {  	_ =	swait.ge [sflag:s28], $0x4000  }
0x4c: {  	[sflag:s28] =	ssyncset.done $0x0  }
0x4d: {  	s11 =	simm.s32 $0x480;
	[sflag:s28] =	ssyncadd.s32 $0xFFFFC000  }
0x4e: {  	[spmem:s1] =	stream.indirect.scatter.add.f32 [tilespmem:s20], [sflag:$0x4], $0x80, s11, s18, $0xb8;
	[tilespmem:$0x1C8C0] =	vst v63  }
0x4f: {  	_ =	swait.ge [sflag:s15], $0x4000  }
0x50: {  	[sflag:s15] =	ssyncset.done $0x0  }
0x51: {  	s13 =	simm.s32 $0x180;
	[sflag:s15] =	ssyncadd.s32 $0xFFFFC000  }
0x52: {  	[tilespmem:s20], [sflag:$0x2] =	stream.indirect.gather [hbm4b:s4+s18], $0x80, s13, s18, $0xb8;
	[tilespmem:$0x1C8C0] =	vst v63  }
0x53: {  	_ =	swait.ge [sflag:s25], $0x4000  }
0x54: {  	[sflag:s25] =	ssyncset.done $0x0  }
0x55: {  	s11 =	simm.s32 $0x500;
	[sflag:s25] =	ssyncadd.s32 $0xFFFFC000  }
0x56: {  	[spmem:s1] =	stream.indirect.scatter.add.f32 [tilespmem:s19], [sflag:$0x4], $0x80, s11, s18, $0xb8;
	[tilespmem:$0x1C8C0] =	vst v63  }
0x57: {  	_ =	swait.ge [sflag:s15], $0x4000  }
0x58: {  	[sflag:s15] =	ssyncset.done $0x0  }
0x59: {  	s13 =	simm.s32 $0x200;
	[sflag:s15] =	ssyncadd.s32 $0xFFFFC000  }
0x5a: {  	[tilespmem:s19], [sflag:$0x1] =	stream.indirect.gather [hbm4b:s4+s18], $0x80, s13, s18, $0xb8;
	[tilespmem:$0x1C8C0] =	vst v63  }
0x5b: {  	_ =	swait.ge [sflag:s28], $0x4000  }
0x5c: {  	[sflag:s28] =	ssyncset.done $0x0  }
0x5d: {  	s11 =	simm.s32 $0x580;
	[sflag:s28] =	ssyncadd.s32 $0xFFFFC000  }
0x5e: {  	[spmem:s1] =	stream.indirect.scatter.add.f32 [tilespmem:s20], [sflag:$0x4], $0x80, s11, s18, $0xb8;
	[tilespmem:$0x1C8C0] =	vst v63  }
0x5f: {  	_ =	swait.ge [sflag:s15], $0x4000  }
0x60: {  	[sflag:s15] =	ssyncset.done $0x0  }
0x61: {  	s13 =	simm.s32 $0x280;
	[sflag:s15] =	ssyncadd.s32 $0xFFFFC000  }
0x62: {  	[tilespmem:s20], [sflag:$0x2] =	stream.indirect.gather [hbm4b:s4+s18], $0x80, s13, s18, $0xb8;
	[tilespmem:$0x1C8C0] =	vst v63  }
0x63: {  	_ =	swait.ge [sflag:s25], $0x4000  }
0x64: {  	[sflag:s25] =	ssyncset.done $0x0  }
0x65: {  	s11 =	simm.s32 $0x600;
	[sflag:s25] =	ssyncadd.s32 $0xFFFFC000  }
0x66: {  	[spmem:s1] =	stream.indirect.scatter.add.f32 [tilespmem:s19], [sflag:$0x4], $0x80, s11, s18, $0xb8;
	[tilespmem:$0x1C8C0] =	vst v63  }
0x67: {  	_ =	swait.ge [sflag:s15], $0x4000  }
0x68: {  	[sflag:s15] =	ssyncset.done $0x0  }
0x69: {  	s13 =	simm.s32 $0x300;
	[sflag:s15] =	ssyncadd.s32 $0xFFFFC000  }
0x6a: {  	[tilespmem:s19], [sflag:$0x1] =	stream.indirect.gather [hbm4b:s4+s18], $0x80, s13, s18, $0xb8;
	[tilespmem:$0x1C8C0] =	vst v63  }
0x6b: {  	_ =	swait.ge [sflag:s28], $0x4000  }
0x6c: {  	[sflag:s28] =	ssyncset.done $0x0  }
0x6d: {  	s11 =	simm.s32 $0x680;
	[sflag:s28] =	ssyncadd.s32 $0xFFFFC000  }
0x6e: {  	[spmem:s1] =	stream.indirect.scatter.add.f32 [tilespmem:s20], [sflag:$0x4], $0x80, s11, s18, $0xb8;
	[tilespmem:$0x1C8C0] =	vst v63  }
0x6f: {  	_ =	swait.ge [sflag:s15], $0x4000  }
0x70: {  	p1 =	sgt.u32 s7, $0x7;
	[sflag:s15] =	ssyncset.done $0x0  }
0x71: {  	s10 =	simm.s32 @!p1 $0x3;
	s13 =	simm.s32 $0x380;
	[sflag:s15] =	ssyncadd.s32 $0xFFFFC000  }
0x72: {  	[tilespmem:s20], [sflag:$0x2] =	stream.indirect.gather [hbm4b:s4+s18], $0x80, s13, s18, $0xb8;
	[tilespmem:$0x1C8C0] =	vst v63  }
0x73: {  	_ =	swait.ge @!p1 [sflag:s10], $0x400  }
0x74: {  	[sflag:s10] =	ssyncset.done @!p1 $0x0  }
0x75: {  	[sflag:s10] =	ssyncadd.s32 @!p1 $0xFFFFFC00  }
0x76: {  	_ =	swait.ge @!p1 [sflag:s10], $0x400  }
0x77: {  	[sflag:s10] =	ssyncset.done @!p1 $0x0  }
0x78: {  	[sflag:s10] =	ssyncadd.s32 @!p1 $0xFFFFFC00  }
0x79: {  	_ =	swait.ge [sflag:s25], $0x4000  }
0x7a: {  	[sflag:s25] =	ssyncset.done $0x0  }
0x7b: {  	s11 =	simm.s32 $0x700;
	[sflag:s25] =	ssyncadd.s32 $0xFFFFC000  }
0x7c: {  	[spmem:s1] =	stream.indirect.scatter.add.f32 [tilespmem:s19], [sflag:$0x4], $0x80, s11, s18, $0xb8;
	[tilespmem:$0x1C8C0] =	vst v63  }
0x7d: {  	_ =	swait.ge [sflag:s15], $0x4000  }
0x7e: {  	[sflag:s15] =	ssyncset.done $0x0  }
0x7f: {  	[sflag:s15] =	ssyncadd.s32 $0xFFFFC000  }
0x80: {  	[tilespmem:s19], [sflag:$0x1] =	stream.indirect.gather [hbm4b:s4+s18], $0x80, s21, s18, $0xb8;
	[tilespmem:$0x1C8C0] =	vst v63  }
0x81: {  	_ =	swait.ge [sflag:s28], $0x4000  }
0x82: {  	[sflag:s28] =	ssyncset.done $0x0  }
0x83: {  	s13 =	simm.s32 $0x780;
	[sflag:s28] =	ssyncadd.s32 $0xFFFFC000  }
0x84: {  	[spmem:s1] =	stream.indirect.scatter.add.f32 [tilespmem:s20], [sflag:$0x4], $0x80, s13, s18, $0xb8;
	[tilespmem:$0x1C8C0] =	vst v63  }
0x85: {  	_ =	swait.ge [sflag:s15], $0x4000  }
0x86: {  	[sflag:s15] =	ssyncset.done $0x0  }
0x87: {  	p1 =	seq.s32 s9, $0x4;
	[sflag:s15] =	ssyncadd.s32 $0xFFFFC000  }
0x88: {  	[tilespmem:s20], [sflag:$0x2] =	stream.indirect.gather [hbm4b:s4+s18], $0x80, s6, s18, $0xb8;
	[tilespmem:$0x1C8C0] =	vst v63  }
0x89: {  	s10 =	sadd.s32 @!p1 $0xFFFFFF80, s8;
	s11 =	simm.s32 @!p1 $0x0  }
0x8a: {  	[tilespmem:s11], [sflag:$0x3] =	stream.linear.gather @!p1 [hbm4b:s10+s11], $0x400, $0x38;
	[tilespmem:$0x1C8C0] =	vst v63  }
0x8b: {  	s13 =	simm.s32 @!p1 $0x400;
	s10 =	sadd.s32 @!p1 $0xFFFFFF80, s5  }
0x8c: {  	[tilespmem:s13], [sflag:$0x3] =	stream.linear.gather @!p1 [hbm4b:s10+s11], $0x400, $0x38;
	[tilespmem:$0x1C8C0] =	vst v63  }
0x8d: {  	_ =	swait.ge [sflag:s25], $0x4000  }
0x8e: {  	[sflag:s25] =	ssyncset.done $0x0  }
0x8f: {  	[sflag:s25] =	ssyncadd.s32 $0xFFFFC000  }
0x90: {  	[spmem:s1] =	stream.indirect.scatter.add.f32 [tilespmem:s19], [sflag:$0x4], $0x80, s23, s18, $0xb8;
	[tilespmem:$0x1C8C0] =	vst v63  }
0x91: {  	_ =	swait.ge [sflag:s15], $0x4000  }
0x92: {  	[sflag:s15] =	ssyncset.done $0x0  }
0x93: {  	[sflag:s15] =	ssyncadd.s32 $0xFFFFC000  }
0x94: {  	[tilespmem:s19], [sflag:$0x1] =	stream.indirect.gather [hbm4b:s4+s18], $0x80, s14, s18, $0xb8;
	[tilespmem:$0x1C8C0] =	vst v63  }
0x95: {  	_ =	swait.ge [sflag:s28], $0x4000  }
0x96: {  	[sflag:s28] =	ssyncset.done $0x0  }
0x97: {  	[sflag:s28] =	ssyncadd.s32 $0xFFFFC000  }
0x98: {  	[spmem:s1] =	stream.indirect.scatter.add.f32 [tilespmem:s20], [sflag:$0x4], $0x80, s22, s18, $0xb8;
	[tilespmem:$0x1C8C0] =	vst v63  }
0x99: {  	_ =	swait.ge [sflag:s15], $0x4000  }
0x9a: {  	[sflag:s15] =	ssyncset.done $0x0  }
0x9b: {  	[sflag:s15] =	ssyncadd.s32 $0xFFFFC000  }
0x9c: {  	[tilespmem:s20], [sflag:$0x2] =	stream.indirect.gather [hbm4b:s4+s18], $0x80, s12, s18, $0xb8;
	[tilespmem:$0x1C8C0] =	vst v63  }
0x9d: {  	_ =	swait.ge [sflag:s25], $0x4000  }
0x9e: {  	[sflag:s25] =	ssyncset.done $0x0  }
0x9f: {  	[sflag:s25] =	ssyncadd.s32 $0xFFFFC000  }
0xa0: {  	[spmem:s1] =	stream.indirect.scatter.add.f32 [tilespmem:s19], [sflag:$0x4], $0x80, s16, s18, $0xb8;
	[tilespmem:$0x1C8C0] =	vst v63  }
0xa1: {  	_ =	swait.ge [sflag:s15], $0x4000  }
0xa2: {  	[sflag:s15] =	ssyncset.done $0x0  }
0xa3: {  	[sflag:s15] =	ssyncadd.s32 $0xFFFFC000  }
0xa4: {  	[tilespmem:s19], [sflag:$0x1] =	stream.indirect.gather [hbm4b:s4+s18], $0x80, s24, s18, $0xb8;
	[tilespmem:$0x1C8C0] =	vst v63  }
0xa5: {  	_ =	swait.ge [sflag:s28], $0x4000  }
0xa6: {  	[sflag:s28] =	ssyncset.done $0x0  }
0xa7: {  	[sflag:s28] =	ssyncadd.s32 $0xFFFFC000  }
0xa8: {  	[spmem:s1] =	stream.indirect.scatter.add.f32 [tilespmem:s20], [sflag:$0x4], $0x80, s17, s18, $0xb8;
	[tilespmem:$0x1C8C0] =	vst v63  }
0xa9: {  	_ =	swait.ge [sflag:s15], $0x4000  }
0xaa: {  	[sflag:s15] =	ssyncset.done $0x0  }
0xab: {  	[sflag:s15] =	ssyncadd.s32 $0xFFFFC000  }
0xac: {  	[tilespmem:s20], [sflag:$0x2] =	stream.indirect.gather [hbm4b:s4+s18], $0x80, s26, s18, $0xb8;
	[tilespmem:$0x1C8C0] =	vst v63  }
0xad: {  	_ =	swait.ge [sflag:s25], $0x4000  }
0xae: {  	[sflag:s25] =	ssyncset.done $0x0  }
0xaf: {  	[sflag:s25] =	ssyncadd.s32 $0xFFFFC000  }
0xb0: {  	[spmem:s1] =	stream.indirect.scatter.add.f32 [tilespmem:s19], [sflag:$0x4], $0x80, s29, s18, $0xb8;
	[tilespmem:$0x1C8C0] =	vst v63  }
0xb1: {  	_ =	swait.ge [sflag:s15], $0x4000  }
0xb2: {  	[sflag:s15] =	ssyncset.done $0x0  }
0xb3: {  	[sflag:s15] =	ssyncadd.s32 $0xFFFFC000  }
0xb4: {  	[tilespmem:s19], [sflag:$0x1] =	stream.indirect.gather [hbm4b:s4+s18], $0x80, s30, s18, $0xb8;
	[tilespmem:$0x1C8C0] =	vst v63  }
0xb5: {  	_ =	swait.ge [sflag:s28], $0x4000  }
0xb6: {  	[sflag:s28] =	ssyncset.done $0x0  }
0xb7: {  	[sflag:s28] =	ssyncadd.s32 $0xFFFFC000  }
0xb8: {  	[spmem:s1] =	stream.indirect.scatter.add.f32 [tilespmem:s20], [sflag:$0x4], $0x80, s31, s18, $0xb8;
	[tilespmem:$0x1C8C0] =	vst v63  }
0xb9: {  	_ =	swait.ge [sflag:s15], $0x4000  }
0xba: {  	p2 =	sgt.u32 s9, $0x3;
	[sflag:s15] =	ssyncset.done $0x0  }
0xbb: {  	s10 =	simm.s32 @p2 $0x1;
	[sflag:s15] =	ssyncadd.s32 $0xFFFFC000  }
0xbc: {  	[tilespmem:s20], [sflag:$0x2] =	stream.indirect.gather [hbm4b:s4+s18], $0x80, s0, s18, $0xb8;
	[tilespmem:$0x1C8C0] =	vst v63  }
0xbd: {  	_ =	swait.ge @p2 [sflag:s10], $0x4000  }
0xbe: {  	s11 =	simm.s32 @p2 $0xF00;
	[sflag:s10] =	ssyncset.done @p2 $0x0  }
0xbf: {  	s13 =	simm.s32 @p2 $0x1000;
	[sflag:s10] =	ssyncadd.s32 @p2 $0xFFFFC000;
	s10 =	simm.s32 @p2 $0x80  }
0xc0: {  	[spmem:s1] =	stream.indirect.scatter.add.f32 @p2 [tilespmem:s13], [sflag:$0x4], $0x80, s11, s10, $0xb8;
	[tilespmem:$0x1C8C0] =	vst v63  }
0xc1: {  	s10 =	simm.s32 @p2 $0x4  }
0xc2: {  	_ =	swait.ge @p2 [sflag:s10], $0x4000  }
0xc3: {  	[sflag:s10] =	ssyncset.done @p2 $0x0  }
0xc4: {  	[sflag:s10] =	ssyncadd.s32 @p2 $0xFFFFC000;
	s10 =	simm.s32 @!p2 $0x3  }
0xc5: {  	_ =	swait.ge @!p2 [sflag:s10], $0x400  }
0xc6: {  	[sflag:s10] =	ssyncset.done @!p2 $0x0  }
0xc7: {  	[sflag:s10] =	ssyncadd.s32 @!p2 $0xFFFFFC00  }
0xc8: {  	_ =	swait.ge @!p2 [sflag:s10], $0x400  }
0xc9: {  	[sflag:s10] =	ssyncset.done @!p2 $0x0  }
0xca: {  	[sflag:s10] =	ssyncadd.s32 @!p2 $0xFFFFFC00;
	s10 =	simm.s32 @!p2 $0x1  }
0xcb: {  	_ =	swait.ge @!p2 [sflag:s10], $0x4000  }
0xcc: {  	s11 =	simm.s32 @!p2 $0xF00;
	[sflag:s10] =	ssyncset.done @!p2 $0x0  }
0xcd: {  	s13 =	simm.s32 @!p2 $0x1000;
	[sflag:s10] =	ssyncadd.s32 @!p2 $0xFFFFC000;
	s10 =	simm.s32 @!p2 $0x80  }
0xce: {  	[spmem:s1] =	stream.indirect.scatter.add.f32 @!p2 [tilespmem:s13], [sflag:$0x4], $0x80, s11, s10, $0xb8;
	[tilespmem:$0x1C8C0] =	vst v63  }
0xcf: {  	s11 =	simm.s32 @!p2 $0x4  }
0xd0: {  	_ =	swait.ge @!p2 [sflag:s11], $0x4000  }
0xd1: {  	[sflag:s11] =	ssyncset.done @!p2 $0x0  }
0xd2: {  	[sflag:s11] =	ssyncadd.s32 @!p2 $0xFFFFC000;
	s11 =	simm.s32 @!p2 $0x0  }
0xd3: {  	[tilespmem:s13], [sflag:$0x1] =	stream.indirect.gather @!p2 [hbm4b:s4+s10], $0x80, s11, s10, $0xb8;
	[tilespmem:$0x1C8C0] =	vst v63  }
0xd4: {  	_ =	swait.ge [sflag:s28], $0x4000  }
0xd5: {  	[sflag:s28] =	ssyncset.done $0x0  }
.Ltmp1:
0xd6: {  	[sflag:s28] =	ssyncadd.s32 $0xFFFFC000;
	(pc) =	sbr.rel @!p2 .LBB2_3-.Ltmp1, $4  }
0xd7: {  	[spmem:s1] =	stream.indirect.scatter.add.f32 [tilespmem:s20], [sflag:$0x4], $0x80, s3, s18, $0xb8;
	[tilespmem:$0x1C8C0] =	vst v63  }
0xd8: {  	_ =	swait.ge [sflag:s15], $0x4000  }
0xd9: {  	[sflag:s15] =	ssyncset.done $0x0  }
0xda: {  	[sflag:s15] =	ssyncadd.s32 $0xFFFFC000  }
.Ltmp2:
0xdb: {  	(pc) =	sbr.rel @!p1 .LBB2_5-.Ltmp2, $1  }
0xdc: {  	_ =	sdelay $0x3  }
0xdd: {  	[bflag:$0x0] =	sbarrier.arrive $0xFFFF  }
0xde: {  	s5 =	rddreg [dreg:$0x5]  }
0xdf: {  	s7 =	rddreg [dreg:$0xb]  }
0xe0: {  	s8 =	rddreg [dreg:$0x10]  }
0xe1: {  	s9 =	rddreg [dreg:$0x12];
	s5 =	sadd.s32 s5, s7  }
0xe2: {  	[hbm:s5], [sflag:s8] =	dma.local [spmem:s9], $0x2700  }
0xe3: {  	_ =	swait.ge [sflag:s15], $0x2700  }
0xe4: {  	[sflag:s15] =	ssyncset.done $0x0  }
0xe5: {  	s5 =	sadd.s32 @!p0 $0x27000, s7;
	s7 =	rddreg [dreg:$0x13];
	[sflag:s15] =	ssyncadd.s32 $0xFFFFD900  }
0xe6: {  	[hbm:s5], [sflag:s8] =	dma.local @!p0 [spmem:s7], $0x100  }
0xe7: {  	s5 =	simm.s32 @!p0 $0x4  }
0xe8: {  	_ =	swait.ge @!p0 [sflag:s5], $0x100  }
0xe9: {  	s11 =	rddreg [dreg:$0x11]  }
0xea: {  	s13 =	rddreg [dreg:$0xc];
	s9 =	sadd.s32 $0x1, s11  }
0xeb: {  	p1 =	sne.s32 s9, s13  }
.Ltmp3:
0xec: {  	_ = 	snop;
	(pc) =	sbr.rel @p1 .LBB2_1-.Ltmp3, $3  }
0xed: {  	_ =	sdelay $0x1  }
0xee: {  	[sflag:s5] =	ssyncset.done @!p0 $0x0  }
0xef: {  	[sflag:s5] =	ssyncadd.s32 @!p0 $0xFFFFFF00  }
0xf0: {  	_ =	sfence.sel $0x180000  }
0xf1: {  	[bflag:$0x0] =	sbarrier.arrive $0xFFFF  }
0xf2: {  	_ =	strace $0x9000004D  }
0xf3: {  	s0 =	stileid.u32;
	[bflag:$0x2] =	sbarrier.arrive $0xFFFF  }
0xf4: {  	p0 =	sne.s32 s0, $0x0;
	s0 =	rddreg [dreg:$0x3]  }
0xf5: {  	s0 =	sadd.s32 @!p0 $0x100000, s0  }
0xf6: {  	[sflag:s0] =	ssyncadd.tile.s32 @!p0 $0x1;
	_ =	shalt  }
.Lfunc_end2:
_tile_overlayer_lowered:
.L_overlay_start_2:
0xf7: {  	(tag) =	ssettag $0x2  }
0xf8: {  	s0 =	rddreg [dreg:$0x0];
	s2 =	stileid.u32  }
0xf9: {  	s1 =	rddreg [dreg:$0x1];
	p0 =	sne.s32 s2, $0x0  }
0xfa: {  	s3 =	rddreg [dreg:$0x2];
	[bflag:$0x3] =	sbarrier.arrive $0xFFFF;
	s2 =	simm.s32 @!p0 $0x1C04  }
0xfb: {  	[timem:s3], [sflag:s2] =	dma.local @!p0 [hbm:s0], s1  }
0xfc: {  	s0 =	simm.s32 @!p0 $0x4  }
0xfd: {  	_ =	swait.ge @!p0 [sflag:s0], s1  }
0xfe: {  	s1 =	ssub.s32 @!p0 $0x0, s1;
	[sflag:s0] =	ssyncset.done @!p0 $0x0  }
0xff: {  	[sflag:s0] =	ssyncadd.s32 @!p0 s1  }
0x100: {  	[bflag:$0x3] =	sbarrier.arrive $0xFFFF  }
0x101: {  	_ =	shalt  }

// kernel: kernel.7.cloned.1.call-start
scs
__scs_entry_jumppad:
0x0: {  	(pc) =	sbr.rel $0x88, $3  }
0x1: {  	(tag) =	ssettag $0x0;
	lr =	simm.s32 $0x1  }
0x2: {  	[smem:$0x3F94] =	sst lr;
	_ =	strace $0xD0000000  }
0x3: {  	_ = 	snop  }
0x4: {  	_ = 	snop  }
0x5: {  	_ = 	snop  }
0x6: {  	_ = 	snop  }
0x7: {  	_ = 	snop  }
__scs_overlays_trampoline_lowered:
0x8: {  	[smem:$0x3FA3] =	sst s0  }
0x9: {  	[smem:$0x3FA4] =	sst s1  }
0xa: {  	[smem:$0x3FA5] =	sst s2  }
0xb: {  	[smem:$0x3FA6] =	sst s3  }
0xc: {  	[smem:$0x3FA7] =	sst s4  }
0xd: {  	[smem:$0x3FA8] =	sst s5  }
0xe: {  	[smem:$0x3FA9] =	sst s6  }
0xf: {  	[smem:$0x3FAA] =	sst s7  }
0x10: {  	[smem:$0x3FAB] =	sst s8  }
0x11: {  	[smem:$0x3FAC] =	sst s9;
	s0 =	simm.s32 @!p0 $0x0  }
0x12: {  	s1 =	sld [smem:$0x3F92];
	s0 =	simm.s32 @p0 $0x1  }
0x13: {  	[smem:$0x3FAD] =	sst s0;
	s0 =	simm.s32 @!p1 $0x0  }
0x14: {  	s2 =	sld [smem:$0x3F91];
	s0 =	simm.s32 @p1 $0x1  }
0x15: {  	[smem:$0x3FAE] =	sst s0;
	s0 =	simm.s32 @!p2 $0x0  }
0x16: {  	s3 =	sld [smem:$0x3FDB];
	s0 =	simm.s32 @p2 $0x1  }
0x17: {  	s4 =	simm.s32 $0x1BF5;
	[smem:$0x3FB0] =	sst s0  }
0x18: {  	s0 =	sld [smem:$0x3F93];
	_ =	swait.ge [sflag:s4], $0x0  }
0x19: {  	s7 =	sld [smem:$0x3F94]  }
0x1a: {  	s8 =	sadd.s32 $0xFFFFE003, lr  }
0x1b: {  	s9 =	sadd.s32 $0xFFFFFEF7, lr;
	s5 =	simm.s32 $0xFFFFFFFF;
	p2 =	slt.u32 s8, $0xFFFFF086  }
0x1c: {  	p1 =	slt.u32 s9, $0xF7A;
	s5 =	simm.s32 @!p2 $0x0  }
0x1d: {  	s5 =	simm.s32 @p1 $0x1;
	p0 =	seq.s32 s7, s2  }
0x1e: {  	s7 =	smul.u32 @!p0 $0xF7A, s2;
	p2 =	seq.s32 @!p0 s5, $0x0  }
0x1f: {  	s9 =	smul.u32 $0xF7A, s1;
	s8 =	simm.s32 @!p0 $0x1BF5;
	p2 =	por !p2, p0  }
0x20: {  	[sflag:s8] =	ssyncset.s32 @!p0 $0xFFFFF086;
	s6 =	sadd.s32 @!p0 s3, s7;
	s7 =	simm.s32 @!p0 $0x108  }
0x21: {  	s3 =	sadd.s32 s3, s9;
	s6 =	sadd.s32 @!p0 $0x88, s6;
	s7 =	simm.s32 @p2 $0x1082  }
0x22: {  	[simem:s7], [sflag:s8] =	dma.local @!p0 [hbm:s6], $0xF7A  }
0x23: {  	s9 =	sor.u32 $0xD0000000, s2;
	s6 =	simm.s32 $0x108;
	_ =	swait.ge @!p0 [sflag:s8], $0x0  }
0x24: {  	s3 =	sadd.s32 $0x88, s3;
	s6 =	simm.s32 @!p1 $0x1082;
	[sflag:s4] =	ssyncset.s32 $0xFFFFF086  }
0x25: {  	[simem:s6], [sflag:s4] =	dma.local [hbm:s3], $0xF7A  }
0x26: {  	[smem:$0x3F94] =	sst s1;
	(tag) =	ssettag s2;
	_ =	strace s9  }
0x27: {  	s1 =	sld [smem:$0x3FA4]  }
0x28: {  	s2 =	sld [smem:$0x3FA5]  }
0x29: {  	s4 =	sld [smem:$0x3FA7]  }
0x2a: {  	p0 =	seq.s32 s5, $0x0;
	s5 =	sld [smem:$0x3FA8]  }
0x2b: {  	s6 =	sld [smem:$0x3FA9]  }
0x2c: {  	s7 =	sld [smem:$0x3FAA]  }
0x2d: {  	s3 =	simm.s32 $0x108;
	s8 =	sld [smem:$0x3FAB]  }
0x2e: {  	s3 =	simm.s32 @!p0 $0x1082;
	s9 =	sld [smem:$0x3FAC]  }
0x2f: {  	lr =	sadd.s32 s0, s3;
	s0 =	sld [smem:$0x3FA3]  }
0x30: {  	s3 =	sld [smem:$0x3FA6]  }
0x31: {  	[smem:$0x3FAF] =	sst s10  }
0x32: {  	s10 =	sld [smem:$0x3FAD];
	_ =	sdelay $0x3  }
0x33: {  	p0 =	seq.s32 s10, $0x1;
	s10 =	sld [smem:$0x3FAF];
	_ =	sdelay $0x3  }
0x34: {  	[smem:$0x3FAF] =	sst s10  }
0x35: {  	s10 =	sld [smem:$0x3FAE];
	_ =	sdelay $0x3  }
0x36: {  	p1 =	seq.s32 s10, $0x1;
	s10 =	sld [smem:$0x3FAF];
	_ =	sdelay $0x3  }
0x37: {  	[smem:$0x3FAF] =	sst s10  }
0x38: {  	s10 =	sld [smem:$0x3FB0]  }
0x39: {  	_ = 	snop;
	(pc) =	sbr.ind lr, $3  }
0x3a: {  	_ = 	snop  }
0x3b: {  	_ = 	snop  }
0x3c: {  	p2 =	seq.s32 s10, $0x1;
	s10 =	sld [smem:$0x3FAF]  }
0x3d: {  	_ =	shalt  }
0x3e: {  	_ =	shalt  }
0x3f: {  	_ =	shalt  }
0x40: {  	_ =	shalt  }
0x41: {  	_ =	shalt  }
0x42: {  	_ =	shalt  }
0x43: {  	_ =	shalt  }
0x44: {  	_ =	shalt  }
0x45: {  	_ =	shalt  }
0x46: {  	_ =	shalt  }
0x47: {  	_ =	shalt  }
0x48: {  	_ =	shalt  }
0x49: {  	_ =	shalt  }
0x4a: {  	_ =	shalt  }
0x4b: {  	_ =	shalt  }
0x4c: {  	_ =	shalt  }
0x4d: {  	_ =	shalt  }
0x4e: {  	_ =	shalt  }
0x4f: {  	_ =	shalt  }
0x50: {  	_ =	shalt  }
0x51: {  	_ =	shalt  }
0x52: {  	_ =	shalt  }
0x53: {  	_ =	shalt  }
0x54: {  	_ =	shalt  }
0x55: {  	_ =	shalt  }
0x56: {  	_ =	shalt  }
0x57: {  	_ =	shalt  }
0x58: {  	_ =	shalt  }
0x59: {  	_ =	shalt  }
0x5a: {  	_ =	shalt  }
0x5b: {  	_ =	shalt  }
0x5c: {  	_ =	shalt  }
0x5d: {  	_ =	shalt  }
0x5e: {  	_ =	shalt  }
0x5f: {  	_ =	shalt  }
0x60: {  	_ =	shalt  }
0x61: {  	_ =	shalt  }
0x62: {  	_ =	shalt  }
0x63: {  	_ =	shalt  }
0x64: {  	_ =	shalt  }
0x65: {  	_ =	shalt  }
0x66: {  	_ =	shalt  }
0x67: {  	_ =	shalt  }
0x68: {  	_ =	shalt  }
0x69: {  	_ =	shalt  }
0x6a: {  	_ =	shalt  }
0x6b: {  	_ =	shalt  }
0x6c: {  	_ =	shalt  }
0x6d: {  	_ =	shalt  }
0x6e: {  	_ =	shalt  }
0x6f: {  	_ =	shalt  }
0x70: {  	_ =	shalt  }
0x71: {  	_ =	shalt  }
0x72: {  	_ =	shalt  }
0x73: {  	_ =	shalt  }
0x74: {  	_ =	shalt  }
0x75: {  	_ =	shalt  }
0x76: {  	_ =	shalt  }
0x77: {  	_ =	shalt  }
0x78: {  	_ =	shalt  }
0x79: {  	_ =	shalt  }
0x7a: {  	_ =	shalt  }
0x7b: {  	_ =	shalt  }
0x7c: {  	_ =	shalt  }
0x7d: {  	_ =	shalt  }
0x7e: {  	_ =	shalt  }
0x7f: {  	_ =	shalt  }
0x80: {  	_ =	shalt  }
0x81: {  	_ =	shalt  }
0x82: {  	_ =	shalt  }
0x83: {  	_ =	shalt  }
0x84: {  	_ =	shalt  }
0x85: {  	_ =	shalt  }
0x86: {  	_ =	shalt  }
0x87: {  	_ =	shalt  }
.Lfunc_end0:
.L_simem_size_0:
called_computation_lowered:
.L_overlay_start_0:
0x88: {  	s2 =	sld [smem:$0x3FD9]  }
0x89: {  	s3 =	sld [smem:$0x3FFE];
	_ =	sdelay $0x1  }
0x8a: {  	s1 =	srdreg.scid  }
0x8b: {  	s0 =	sand.u32 $0x1, s1  }
0x8c: {  	s17 =	sshll.u32 s0, $0xA;
	s2 =	sadd.s32 s3, s2  }
0x8d: {  	s2 =	sadd.s32 s2, s17  }
0x8e: {  	[smem:$0x3FBB] =	sst s2  }
0x8f: {  	_ = 	snop  }
0x90: {  	s2 =	sld [smem:$0x3FD0];
	(tm) =	ssettm $0x1  }
0x91: {  	s18 =	sld [smem:$0x3FFB];
	_ =	sdelay $0x3  }
0x92: {  	_ =	strace s18  }
0x93: {  	s3 =	sld [smem:$0x3FFC];
	_ =	sdelay $0x3  }
0x94: {  	_ =	strace s3  }
0x95: {  	s3 =	sld [smem:$0x3FFD];
	_ =	sdelay $0x3  }
0x96: {  	_ =	strace s3  }
0x97: {  	_ =	strace $0x8FFFFFFF  }
0x98: {  	s19 =	sld [smem:$0x3FDB];
	_ =	sdelay $0x1  }
0x99: {  	s4 =	simm.s32 $_scs_section_size  }
0x9a: {  	s5 =	simm.s32 $_size__tile_overlayer_lowered;
	s6 =	simm.s32 $_tile_overlayer_lowered  }
0x9b: {  	s22 =	simm.s32 $0x1BFF;
	s21 =	sshll.u32 s6, $0x1;
	s3 =	sadd.s32 s4, s19  }
0x9c: {  	s7 =	simm.s32 $0x0;
	s20 =	sshll.u32 s5, $0x1;
	s5 =	sadd.s32 s21, s3  }
0x9d: {  	[timem:s7], [sflag:s22] =	dma.local [hbm:s5], s20  }
0x9e: {  	_ =	swait.ge [sflag:s22], s20  }
0x9f: {  	s4 =	ssub.s32 $0x0, s20;
	[sflag:s22] =	ssyncset.done $0x0  }
0xa0: {  	[sflag:s22] =	ssyncadd.s32 s4;
	_ =	sdelay $0x1  }
0xa1: {  	s23 =	simm.s32 $0x1B8B  }
0xa2: {  	_ =	swait.ge [sflag:s23], $0x1  }
0xa3: {  	[sflag:s23] =	ssyncset.done $0x0  }
0xa4: {  	s25 =	simm.s32 $0x1B8E;
	s24 =	sld [smem:$0x3FFE];
	[sflag:s23] =	ssyncadd.s32 $0xFFFFFFFF  }
0xa5: {  	s26 =	simm.s32 $execute0_lowered;
	[smem:$0x3FD2] =	sst s25  }
0xa6: {  	s5 =	sshll.u32 s26, $0x1;
	_ =	strace $0x80000046;
	[dreg:$0x1] =	wrdreg $0xFFFFFFFF  }
0xa7: {  	s28 =	simm.s32 $_size_execute0_lowered;
	s3 =	sadd.s32 s3, s5;
	[dreg:$0x0] =	wrdreg $0x0  }
0xa8: {  	s5 =	sshll.u32 s28, $0x1;
	[dreg:$0x2] =	wrdreg s3  }
0xa9: {  	[dreg:$0x3] =	wrdreg s5  }
0xaa: {  	[dreg:$0x4] =	wrdreg $0xC0  }
0xab: {  	_ =	task [dreg:s7], $0x5FFFF  }
0xac: {  	[dreg:$0x1] =	wrdreg $0xFFFFFFFF  }
0xad: {  	[dreg:$0x0] =	wrdreg $0x60  }
0xae: {  	[dreg:$0x2] =	wrdreg s24  }
0xaf: {  	[dreg:$0x3] =	wrdreg s2  }
0xb0: {  	[dreg:$0x4] =	wrdreg $0x68000  }
0xb1: {  	[dreg:$0x5] =	wrdreg $0x9  }
0xb2: {  	_ =	task.clear_ibuf [dreg:s7], $0x6FFFF;
	_ =	strace $0x90000046  }
0xb3: {  	s29 =	simm.s32 $0x9;
	_ =	strace $0x80000048  }
0xb4: {  	_ =	swait.ge [sflag:s29], $0x1  }
0xb5: {  	[sflag:s29] =	ssyncadd.s32 $0xFFFFFFFF  }
0xb6: {  	_ =	strace $0x90000048  }
0xb7: {  	_ =	sfence  }
0xb8: {  	s30 =	sld [smem:$0x0];
	_ =	sdelay $0x2  }
0xb9: {  	s31 =	sshll.u32 s1, $0xD;
	s1 =	sshrl.u32 s1, $0x2  }
0xba: {  	s3 =	sand.u32 $0x4000, s31;
	s1 =	sadd.s32 s1, s30  }
0xbb: {  	s0 =	sor.u32 s3, s0;
	s1 =	sshll.u32 s1, $0x11  }
0xbc: {  	s0 =	sor.u32 s1, s0  }
0xbd: {  	s0 =	sadd.s32 $0x8F2B, s0  }
0xbe: {  	[sflag:s0] =	ssyncadd.remote.s32 $0x1  }
0xbf: {  	_ =	sfence.sel $0xFFFF  }
0xc0: {  	[dreg:$0x0] =	wrdreg $0xFFFFFFFF;
	(pc) =	sbr.abs _section_cstart, $3  }
0xc1: {  	[dreg:$0x1] =	wrdreg $0xFFFFFFFF  }
0xc2: {  	_ =	task.clear_ibuf [dreg:s7], $0x2FFFF;
	_ =	strace $0x9FFFFFFF  }
0xc3: {  	(tm) =	ssettm $0x7FFFFFFF  }
tec
execute0_lowered:
.L_overlay_start_1:
0x0: {  	(tag) =	ssettag $0x1  }
0x1: {  	s7 =	rddreg [dreg:$0x0]  }
0x2: {  	s8 =	rddreg [dreg:$0x1];
	s3 =	srdreg.scid  }
0x3: {  	s1 =	rddreg [dreg:$0x2];
	s5 =	sand.u32 $0x1, s3  }
0x4: {  	s3 =	stileid.u32;
	s6 =	smul.u32 $0x27100, s5  }
0x5: {  	s0 =	rddreg [dreg:$0x3];
	s2 =	simm.s32 $0x0;
	s10 =	smul.u32 $0x4E000, s3  }
0x6: {  	[smem:$0x7FF] =	sst s2;
	s4 =	sadd.s32 $0xC000, s7;
	s15 =	smul.u32 $0x2700, s3  }
0x7: {  	s13 =	sadd.s32 $0x138000, s1;
	_ =	strace $0x80000047;
	s12 =	smul.u32 $0x5000, s5  }
0x8: {  	s9 =	ssub.s32 $0x2, s5;
	s31 =	sshll.u32 s3, $0x6;
	s16 =	smul.u32 $0x500, s3  }
0x9: {  	p0 =	sne.s32 s3, $0xF;
	s29 =	sshrl.u32 s9, $0x1;
	s11 =	sadd.s32 s6, s7  }
0xa: {  	s9 =	ssub.s32 s9, s29;
	s30 =	sshrl.u32 s10, $0x2;
	s5 =	sadd.s32 s4, s15  }
0xb: {  	s6 =	sor.u32 $0x1C01, s31;
	s7 =	sadd.s32 $0x33000, s7;
	s14 =	sadd.s32 s8, s12  }
0xc: {  	s12 =	sshrl.u32 @!p0 s13, $0x3;
	s10 =	sadd.s32 s30, s1;
	s17 =	sadd.s32 $0x33200, s11  }
0xd: {  	s8 =	smax.u32 s9, $0x1;
	s11 =	simm.s32 $0x2800;
	s13 =	sadd.s32 s16, s14  }
0xe: {  	s14 =	simm.s32 $0x80;
	s9 =	sshrl.u32 s10, $0x3;
	s10 =	simm.s32 $0x1  }
0xf: {  	s15 =	sadd.s32 s15, s17;
	s16 =	sadd.s32 @!p0 $0x27000, s17;
	s17 =	simm.s32 $0x0  }
.LBB2_1:
0x10: {  	[spmem:s9], [sflag:s6] =	dma.local [hbm:s5], $0x2700  }
0x11: {  	_ =	swait.ge [sflag:s10], $0x2700  }
0x12: {  	[sflag:s10] =	ssyncset.done $0x0  }
0x13: {  	[sflag:s10] =	ssyncadd.s32 $0xFFFFD900  }
0x14: {  	[tilespmem:s11], [sflag:$0x1] =	stream.linear.gather [hbm4b:s4+s2], $0x4000, $0x38;
	[tilespmem:$0x1A0C0] =	vst v63  }
0x15: {  	_ =	swait.ge [sflag:s10], $0x4000  }
0x16: {  	[sflag:s10] =	ssyncset.done $0x0  }
0x17: {  	s18 =	simm.s32 @!p0 $0x1;
	[sflag:s10] =	ssyncadd.s32 $0xFFFFC000  }
0x18: {  	[spmem:s12], [sflag:s6] =	dma.local @!p0 [hbm:s7], $0x100  }
0x19: {  	_ =	swait.ge @!p0 [sflag:s18], $0x100  }
0x1a: {  	[sflag:s18] =	ssyncset.done @!p0 $0x0  }
0x1b: {  	[sflag:s18] =	ssyncadd.s32 @!p0 $0xFFFFFF00  }
0x1c: {  	[tilespmem:s2], [sflag:$0x1] =	stream.linear.gather [hbm4b:s13+s2], $0x2800, $0x38;
	[tilespmem:$0x1A0C0] =	vst v63  }
0x1d: {  	_ =	swait.ge [sflag:s10], $0x2800  }
0x1e: {  	[sflag:s10] =	ssyncset.done $0x0  }
0x1f: {  	[sflag:s10] =	ssyncadd.s32 $0xFFFFD800  }
0x20: {  	s31 =	simm.s32 $0x0;
	[bflag:$0x0] =	sbarrier.arrive $0xFFFF  }
0x21: {  	[spmem:s1] =	stream.indirect.scatter.add.f32 [tilespmem:s11], [sflag:$0x1], $0x80, s31, s14, $0xb8;
	[tilespmem:$0x1A0C0] =	vst v63  }
0x22: {  	_ =	swait.ge [sflag:s10], $0x4000  }
0x23: {  	s18 =	simm.s32 $0x200;
	[sflag:s10] =	ssyncset.done $0x0  }
.LBB2_2:
0x24: {  	s19 =	sshra.s32 s18, $0x2;
	[sflag:s10] =	ssyncadd.s32 $0xFFFFC000;
	p1 =	sne.s32 s18, $0x9E00  }
0x25: {  	[spmem:s1] =	stream.indirect.scatter.add.f32 [tilespmem:s11], [sflag:$0x1], $0x80, s19, s14, $0xb8;
	[tilespmem:$0x1A0C0] =	vst v63  }
.Ltmp0:
0x26: {  	_ = 	snop;
	(pc) =	sbr.rel @p1 .LBB2_2-.Ltmp0, $4  }
0x27: {  	_ = 	snop  }
0x28: {  	s18 =	sadd.s32 $0x200, s18  }
0x29: {  	_ =	swait.ge [sflag:s10], $0x4000  }
0x2a: {  	[sflag:s10] =	ssyncset.done $0x0  }
0x2b: {  	[sflag:s10] =	ssyncadd.s32 $0xFFFFC000  }
0x2c: {  	[bflag:$0x0] =	sbarrier.arrive $0xFFFF  }
0x2d: {  	[hbm:s15], [sflag:s6] =	dma.local [spmem:s9], $0x2700  }
0x2e: {  	s17 =	sadd.s32 $0x1, s17;
	_ =	swait.ge [sflag:s10], $0x2700  }
0x2f: {  	p1 =	sne.s32 s17, s8;
	[sflag:s10] =	ssyncset.done $0x0  }
.Ltmp1:
0x30: {  	s18 =	simm.s32 @!p0 $0x1;
	[sflag:s10] =	ssyncadd.s32 $0xFFFFD900;
	(pc) =	sbr.rel @p1 .LBB2_1-.Ltmp1, $4  }
0x31: {  	[hbm:s16], [sflag:s6] =	dma.local @!p0 [spmem:s12], $0x100  }
0x32: {  	_ =	swait.ge @!p0 [sflag:s18], $0x100  }
0x33: {  	[sflag:s18] =	ssyncset.done @!p0 $0x0  }
0x34: {  	[sflag:s18] =	ssyncadd.s32 @!p0 $0xFFFFFF00  }
0x35: {  	_ =	sfence.sel $0x180000  }
0x36: {  	[bflag:$0x0] =	sbarrier.arrive $0xFFFF  }
0x37: {  	p0 =	sne.s32 s3, $0x0;
	_ =	strace $0x90000047  }
0x38: {  	s0 =	sadd.s32 @!p0 $0x100000, s0;
	[bflag:$0x2] =	sbarrier.arrive $0xFFFF  }
0x39: {  	[sflag:s0] =	ssyncadd.tile.s32 @!p0 $0x1;
	_ =	shalt  }
.Lfunc_end2:
_tile_overlayer_lowered:
.L_overlay_start_2:
0x3a: {  	(tag) =	ssettag $0x2  }
0x3b: {  	s0 =	rddreg [dreg:$0x0];
	s2 =	stileid.u32  }
0x3c: {  	s1 =	rddreg [dreg:$0x1];
	p0 =	sne.s32 s2, $0x0  }
0x3d: {  	s3 =	rddreg [dreg:$0x2];
	[bflag:$0x3] =	sbarrier.arrive $0xFFFF;
	s2 =	simm.s32 @!p0 $0x1C01  }
0x3e: {  	[timem:s3], [sflag:s2] =	dma.local @!p0 [hbm:s0], s1  }
0x3f: {  	s0 =	simm.s32 @!p0 $0x1  }
0x40: {  	_ =	swait.ge @!p0 [sflag:s0], s1  }
0x41: {  	s1 =	ssub.s32 @!p0 $0x0, s1;
	[sflag:s0] =	ssyncset.done @!p0 $0x0  }
0x42: {  	[sflag:s0] =	ssyncadd.s32 @!p0 s1  }
0x43: {  	[bflag:$0x3] =	sbarrier.arrive $0xFFFF  }
0x44: {  	_ =	shalt  }

</sc_bundles>
